<compile_context>
chip_gen: v7x
topology: tpu7x:2x2x1
jax: 0.10.2.dev20260603
libtpu: 0.0.44.dev20260713+nightly
codegen_flags: <defaults>
</compile_context>

<pallas_src>
import functools

import jax
import jax.numpy as jnp
from jax import lax
from jax.experimental import pallas as pl
from jax.experimental.pallas import tpu as pltpu
from jax.experimental.pallas import tpu_sc as plsc

N = 10000
NH = 16
D = 256
NPAD = 10240
NPT = NPAD // 32
GSZ = 8
NG = NPT // GSZ
BLK = 400
NEG = -1e9


def _a_body(v_ref, wc_ref, wn_ref, wa_ref, ba_ref, e0_ref, e1_ref, wet_ref,
            zc_ref, zn_ref, sn_ref, sb_ref):
    v = v_ref[...]
    dn = (((1,), (1,)), ((), ()))
    zc = lax.dot_general(v, wc_ref[...], dn, preferred_element_type=jnp.float32)
    zn = lax.dot_general(v, wn_ref[...], dn, preferred_element_type=jnp.float32)
    zc_ref[...] = zc
    znbf = zn.astype(jnp.bfloat16)
    lo = lax.bitcast_convert_type(znbf[:, :D // 2], jnp.uint16).astype(jnp.uint32)
    hi = lax.bitcast_convert_type(znbf[:, D // 2:], jnp.uint16).astype(jnp.uint32)
    zn_ref[...] = lax.bitcast_convert_type(lo | (hi << 16), jnp.int32)
    wa = wa_ref[...]
    wac = wa[:, 0:D]
    wan = wa[:, D:2 * D]
    wae = wa[:, 2 * D:3 * D]
    sn_ref[...] = jnp.sum(zn * wan, axis=1, keepdims=True)
    scb = jnp.sum(zc * wac, axis=1, keepdims=True) + ba_ref[0]
    wet = wet_ref[...]
    ve0 = jnp.sum(wae * wet[0:1, :])
    ve1 = jnp.sum(wae * wet[1:2, :])
    sb_ref[...] = scb + e0_ref[...] * ve0 + e1_ref[...] * ve1


def _c_body(zc_ref, g_ref, w_ref, e0_ref, e1_ref, wet_ref, wo_ref, bo_ref,
            gamma_ref, beta_ref, out_ref):
    w = w_ref[...]
    ew0 = jnp.sum(w * e0_ref[...], axis=1, keepdims=True)
    ew1 = jnp.sum(w * e1_ref[...], axis=1, keepdims=True)
    wet = wet_ref[...]
    agg = g_ref[...] + ew0 * wet[0:1, :] + ew1 * wet[1:2, :]
    dn = (((1,), (1,)), ((), ()))
    out = zc_ref[...] + lax.dot_general(agg, wo_ref[...], dn,
                                        preferred_element_type=jnp.float32) + bo_ref[...]
    h = jnp.maximum(out, 0.0)
    mu = jnp.mean(h, axis=1, keepdims=True)
    var = jnp.mean((h - mu) ** 2, axis=1, keepdims=True)
    out_ref[...] = gamma_ref[...] * (h - mu) * lax.rsqrt(var + 1e-5) + beta_ref[...]


def _sc_body(zn_hbm, idx_hbm, sb_hbm, sn_hbm, g_out, w_out,
             idx_v, sb_v, sn_v, idxc0, idxc1, idxc2, idxc3,
             rows0, rows1, rows2, rows3, w_v,
             gbuf0, gbuf1, sem0, sem1, sem2, sem3, osem0, osem1):
    wid = lax.axis_index("s") * 2 + lax.axis_index("c")
    base = wid * NPT
    pltpu.sync_copy(idx_hbm.at[pl.ds(base * NH, NPT * NH)], idx_v)
    pltpu.sync_copy(sb_hbm.at[pl.ds(base * NH, NPT * NH)], sb_v)
    pltpu.sync_copy(sn_hbm, sn_v)
    idxc = (idxc0, idxc1, idxc2, idxc3)
    rows = (rows0, rows1, rows2, rows3)
    sems = (sem0, sem1, sem2, sem3)
    gbuf = (gbuf0, gbuf1)
    osem = (osem0, osem1)
    zero16 = jnp.zeros((16,), jnp.int32)

    def clamp_start(g, b):
        gi = g * (GSZ * NH)
        for jj in range(GSZ):
            iv = idx_v[pl.ds(gi + jj * 16, 16)]
            idxc[b][pl.ds(jj * 16, 16)] = jnp.maximum(iv, 0)
        pltpu.make_async_copy(zn_hbm.at[idxc[b]], rows[b], sems[b]).start()

    def compute(g, b, ob):
        gi = g * (GSZ * NH)
        rv = rows[b]
        gv = gbuf[ob]

        @pl.when(g >= 2)
        def _drain():
            pltpu.make_async_copy(gv, g_out.at[pl.ds(0, GSZ)],
                                  osem[ob]).wait()

        def node_body(n, _n):
            nb = gi + n * NH
            iv = idx_v[pl.ds(nb, 16)]
            mask = iv >= 0
            sng = plsc.load_gather(sn_v, [jnp.maximum(iv, 0)])
            s = jnp.where(mask, sb_v[pl.ds(nb, 16)] + sng, NEG)
            m = jnp.max(s)
            p = jnp.exp(s - m)
            w = jnp.where(mask, p / jnp.sum(p), 0.0)
            w_v[pl.ds(nb, 16)] = w
            basevec = zero16 + nb
            wb = [plsc.load_gather(w_v, [basevec + j]) for j in range(NH)]
            rbase = n * NH

            def chunk_body(cc, _c):
                for s in range(2):
                    col = s * 64 + cc * 16
                    te, to = [], []
                    for j in range(NH):
                        x = plsc.bitcast(rv[rbase + j, pl.ds(col, 16)],
                                         jnp.bfloat16)
                        ea, ob_ = plsc.unpack(
                            x, format=plsc.PackFormat.INTERLEAVED)
                        te.append(wb[j] * ea)
                        to.append(wb[j] * ob_)
                    while len(te) > 1:
                        te = [te[i] + te[i + 1] for i in range(0, len(te), 2)]
                        to = [to[i] + to[i + 1] for i in range(0, len(to), 2)]
                    gv[n, pl.ds(col, 16)] = te[0]
                    gv[n, pl.ds(col + D // 2, 16)] = to[0]
                return _c

            lax.fori_loop(0, 4, chunk_body, None)
            return _n

        lax.fori_loop(0, GSZ, node_body, None)
        pltpu.make_async_copy(
            gv, g_out.at[pl.ds(base + g * GSZ, GSZ)], osem[ob]).start()

    for b in range(3):
        clamp_start(b, b)

    def quad_body(gq, _):
        for b in range(4):
            g = gq * 4 + b
            pltpu.make_async_copy(zn_hbm.at[idxc[b]], rows[b], sems[b]).wait()
            nxt = g + 3

            @pl.when(nxt < NG)
            def _start():
                clamp_start(nxt, (b + 3) % 4)

            compute(g, b, b % 2)
        return _

    lax.fori_loop(0, NG // 4, quad_body, None)
    for b in range(2):
        pltpu.make_async_copy(gbuf[b], g_out.at[pl.ds(0, GSZ)],
                              osem[b]).wait()
    pltpu.sync_copy(w_v, w_out.at[pl.ds(base * NH, NPT * NH)])


def kernel(vertex, edge, nh_indices, Wc, Wn, We, Wa, ba, Wo, bo, gamma, beta):
    pad = NPAD - N
    pad_idx = jnp.arange(pad * NH, dtype=jnp.int32).reshape(pad, NH) % N
    idx = jnp.concatenate([nh_indices.astype(jnp.int32), pad_idx], axis=0)
    e0 = edge[:, :, 0]
    e1 = edge[:, :, 1]
    weT = We.T
    grid = N // BLK

    zc, zn, sn_col, sb = pl.pallas_call(
        _a_body,
        grid=(grid,),
        in_specs=[
            pl.BlockSpec((BLK, D), lambda i: (i, 0)),
            pl.BlockSpec((D, D), lambda i: (0, 0)),
            pl.BlockSpec((D, D), lambda i: (0, 0)),
            pl.BlockSpec((1, 3 * D), lambda i: (0, 0)),
            pl.BlockSpec(memory_space=pltpu.SMEM),
            pl.BlockSpec((BLK, NH), lambda i: (i, 0)),
            pl.BlockSpec((BLK, NH), lambda i: (i, 0)),
            pl.BlockSpec((2, D), lambda i: (0, 0)),
        ],
        out_specs=[
            pl.BlockSpec((BLK, D), lambda i: (i, 0)),
            pl.BlockSpec((BLK, D // 2), lambda i: (i, 0)),
            pl.BlockSpec((BLK, 1), lambda i: (i, 0)),
            pl.BlockSpec((BLK, NH), lambda i: (i, 0)),
        ],
        out_shape=[
            jax.ShapeDtypeStruct((N, D), jnp.float32),
            jax.ShapeDtypeStruct((N, D // 2), jnp.int32),
            jax.ShapeDtypeStruct((N, 1), jnp.float32),
            jax.ShapeDtypeStruct((N, NH), jnp.float32),
        ],
    )(vertex, Wc, Wn, Wa, ba, e0, e1, weT)
    sn = jnp.pad(sn_col[:, 0], (0, pad))
    sb = jnp.pad(sb, ((0, pad), (0, 0)))

    sc_call = pl.kernel(
        _sc_body,
        out_type=(
            jax.ShapeDtypeStruct((NPAD, D), jnp.float32),
            jax.ShapeDtypeStruct((NPAD * NH,), jnp.float32),
        ),
        mesh=plsc.VectorSubcoreMesh(core_axis_name="c", subcore_axis_name="s"),
        compiler_params=pltpu.CompilerParams(needs_layout_passes=False),
        scratch_types=[
            pltpu.VMEM((NPT * NH,), jnp.int32),
            pltpu.VMEM((NPT * NH,), jnp.float32),
            pltpu.VMEM((NPAD,), jnp.float32),
            pltpu.VMEM((GSZ * NH,), jnp.int32),
            pltpu.VMEM((GSZ * NH,), jnp.int32),
            pltpu.VMEM((GSZ * NH,), jnp.int32),
            pltpu.VMEM((GSZ * NH,), jnp.int32),
            pltpu.VMEM((GSZ * NH, D // 2), jnp.int32),
            pltpu.VMEM((GSZ * NH, D // 2), jnp.int32),
            pltpu.VMEM((GSZ * NH, D // 2), jnp.int32),
            pltpu.VMEM((GSZ * NH, D // 2), jnp.int32),
            pltpu.VMEM((NPT * NH,), jnp.float32),
            pltpu.VMEM((GSZ, D), jnp.float32),
            pltpu.VMEM((GSZ, D), jnp.float32),
            pltpu.SemaphoreType.DMA,
            pltpu.SemaphoreType.DMA,
            pltpu.SemaphoreType.DMA,
            pltpu.SemaphoreType.DMA,
            pltpu.SemaphoreType.DMA,
            pltpu.SemaphoreType.DMA,
        ],
    )
    G, w_flat = sc_call(zn, idx.reshape(NPAD * NH), sb.reshape(NPAD * NH), sn)
    w = w_flat.reshape(NPAD, NH)

    out = pl.pallas_call(
        _c_body,
        grid=(grid,),
        in_specs=[
            pl.BlockSpec((BLK, D), lambda i: (i, 0)),
            pl.BlockSpec((BLK, D), lambda i: (i, 0)),
            pl.BlockSpec((BLK, NH), lambda i: (i, 0)),
            pl.BlockSpec((BLK, NH), lambda i: (i, 0)),
            pl.BlockSpec((BLK, NH), lambda i: (i, 0)),
            pl.BlockSpec((2, D), lambda i: (0, 0)),
            pl.BlockSpec((D, D), lambda i: (0, 0)),
            pl.BlockSpec((1, D), lambda i: (0, 0)),
            pl.BlockSpec((1, D), lambda i: (0, 0)),
            pl.BlockSpec((1, D), lambda i: (0, 0)),
        ],
        out_specs=pl.BlockSpec((BLK, D), lambda i: (i, 0)),
        out_shape=jax.ShapeDtypeStruct((N, D), jnp.float32),
    )(zc, G, w, e0, e1, weT, Wo, bo.reshape(1, D), gamma.reshape(1, D),
      beta.reshape(1, D))

    return out

# --- scband reference (transcript-rebuilt; emitter-appended) ---
"""Pipeline reference for scband-node-edge-attention-layer-50852412784678 (READ-ONLY COPY).

The authoritative reference and input builder live on the scoring server;
editing this copy changes nothing except your own understanding.
"""

import jax, jax.numpy as jnp
import numpy as np

N = 10000
NH = 16
D_IN = 256
D_OUT = 256

def setup_inputs(seed: int = 0) -> dict:
    key = jax.random.key(seed)
    ks = jax.random.split(key, 12)
    vertex = jax.random.normal(ks[0], (N, D_IN), dtype=jnp.float32)
    edge = jax.random.normal(ks[1], (N, NH, 2), dtype=jnp.float32)
    nh_indices = jax.random.randint(ks[2], (N, NH), 0, N, dtype=jnp.int64)
    s_in = 1.0 / np.sqrt(D_IN)
    Wc = jax.random.uniform(ks[3], (D_OUT, D_IN), minval=-s_in, maxval=s_in, dtype=jnp.float32)
    Wn = jax.random.uniform(ks[4], (D_OUT, D_IN), minval=-s_in, maxval=s_in, dtype=jnp.float32)
    s_e = 1.0 / np.sqrt(2.0)
    We = jax.random.uniform(ks[5], (D_OUT, 2), minval=-s_e, maxval=s_e, dtype=jnp.float32)
    # attn initialized with xavier_uniform
    s_a = np.sqrt(6.0 / (D_OUT * 3 + 1))
    Wa = jax.random.uniform(ks[6], (1, D_OUT * 3), minval=-s_a, maxval=s_a, dtype=jnp.float32)
    ba = jax.random.uniform(ks[7], (1,), minval=-1.0/np.sqrt(D_OUT*3), maxval=1.0/np.sqrt(D_OUT*3), dtype=jnp.float32)
    s_o = 1.0 / np.sqrt(D_OUT)
    Wo = jax.random.uniform(ks[8], (D_OUT, D_OUT), minval=-s_o, maxval=s_o, dtype=jnp.float32)
    bo = jax.random.uniform(ks[9], (D_OUT,), minval=-s_o, maxval=s_o, dtype=jnp.float32)
    gamma = jnp.ones((D_OUT,), dtype=jnp.float32)
    beta = jnp.zeros((D_OUT,), dtype=jnp.float32)
    return {"vertex": vertex, "edge": edge, "nh_indices": nh_indices,
            "Wc": Wc, "Wn": Wn, "We": We, "Wa": Wa, "ba": ba,
            "Wo": Wo, "bo": bo, "gamma": gamma, "beta": beta}

def reference(vertex, edge, nh_indices, Wc, Wn, We, Wa, ba, Wo, bo, gamma, beta):
    n = vertex.shape[0]
    nh = edge.shape[1]
    zc = vertex @ Wc.T                      # [N, D]
    zn = vertex @ Wn.T                      # [N, D]
    mask = nh_indices != -1                 # [N, NH]
    idx_g = jnp.where(mask, nh_indices, 0)
    zn_nb = jnp.take(zn, idx_g, axis=0)     # gather: [N, NH, D]
    ze = edge @ We.T                        # [N, NH, D]
    mask_f = mask[:, :, None].astype(zn_nb.dtype)
    zn_nb = zn_nb * mask_f
    ze = ze * mask_f
    zc_exp = jnp.broadcast_to(zc[:, None, :], (n, nh, zc.shape[-1]))
    attn_in = jnp.concatenate([zc_exp, zn_nb, ze], axis=-1)  # [N, NH, 3D]
    scores = (attn_in @ Wa.T + ba)[..., 0]                    # [N, NH]
    scores = jnp.where(mask, scores, jnp.float32(-1e9))
    alpha = jax.nn.softmax(scores, axis=1)
    nei_message = zn_nb + ze
    agg = jnp.sum(alpha[:, :, None] * nei_message, axis=1)    # [N, D]
    out = zc + agg @ Wo.T + bo
    h = jax.nn.relu(out)
    mu = jnp.mean(h, axis=-1, keepdims=True)
    var = jnp.mean((h - mu) ** 2, axis=-1, keepdims=True)
    out = gamma * (h - mu) / jnp.sqrt(var + 1e-5) + beta
    # dropout_rate = 0.0 -> identity
    return out

if __name__ == "__main__":
    import jax
    _d = setup_inputs()
    print(jax.jit(kernel)(*tuple(_d.values())))

</pallas_src>

<mosaic_0001>
#map = affine_map<(d0, d1) -> (0, 0)>
#map1 = affine_map<(d0, d1) -> (0)>
module attributes {stable_mosaic.version = 14 : i64} {
  func.func @_sc_body(%arg0: i32, %arg1: i32, %arg2: memref<10000x128xi32, #tpu.memory_space<hbm>>, %arg3: memref<163840xi32, #tpu.memory_space<hbm>>, %arg4: memref<163840xf32, #tpu.memory_space<hbm>>, %arg5: memref<10240xf32, #tpu.memory_space<hbm>>, %arg6: memref<10240x256xf32, #tpu.memory_space<hbm>>, %arg7: memref<163840xf32, #tpu.memory_space<hbm>>, %arg8: memref<5120xi32, #tpu.memory_space<vmem>>, %arg9: memref<5120xf32, #tpu.memory_space<vmem>>, %arg10: memref<10240xf32, #tpu.memory_space<vmem>>, %arg11: memref<128xi32, #tpu.memory_space<vmem>>, %arg12: memref<128xi32, #tpu.memory_space<vmem>>, %arg13: memref<128xi32, #tpu.memory_space<vmem>>, %arg14: memref<128xi32, #tpu.memory_space<vmem>>, %arg15: memref<128x128xi32, #tpu.memory_space<vmem>>, %arg16: memref<128x128xi32, #tpu.memory_space<vmem>>, %arg17: memref<128x128xi32, #tpu.memory_space<vmem>>, %arg18: memref<128x128xi32, #tpu.memory_space<vmem>>, %arg19: memref<5120xf32, #tpu.memory_space<vmem>>, %arg20: memref<8x256xf32, #tpu.memory_space<vmem>>, %arg21: memref<8x256xf32, #tpu.memory_space<vmem>>, %arg22: memref<!tpu.dma_semaphore, #tpu.memory_space<semaphore_mem>>, %arg23: memref<!tpu.dma_semaphore, #tpu.memory_space<semaphore_mem>>, %arg24: memref<!tpu.dma_semaphore, #tpu.memory_space<semaphore_mem>>, %arg25: memref<!tpu.dma_semaphore, #tpu.memory_space<semaphore_mem>>, %arg26: memref<!tpu.dma_semaphore, #tpu.memory_space<semaphore_mem>>, %arg27: memref<!tpu.dma_semaphore, #tpu.memory_space<semaphore_mem>>) attributes {dimension_semantics = [#tpu.dimension_semantics<core_parallel>, #tpu.dimension_semantics<subcore_parallel>], iteration_bounds = array<i64: 2, 16>, scalar_prefetch = 0 : i64, scratch_operands = 20 : i64, tpu.core_type = #tpu.core_type<sc_vector_subcore>, window_params = [{transform_indices = #map}, {transform_indices = #map1}, {transform_indices = #map1}, {transform_indices = #map1}, {transform_indices = #map}, {transform_indices = #map1}]} {
    %mul3A = arith.constant 2 : i32
    %mul3A_0 = arith.muli %arg1, %mul3A : i32
    %add3A = arith.addi %mul3A_0, %arg0 : i32
    %mul3A_1 = arith.constant 320 : i32
    %mul3A_2 = arith.muli %add3A, %mul3A_1 : i32
    %mul3A_3 = arith.constant 16 : i32
    %mul3A_4 = arith.muli %mul3A_2, %mul3A_3 : i32
    "tpu.region"() ({
      %run_scoped3A = tpu.sem_alloc : memref<!tpu.dma_semaphore, #tpu.memory_space<semaphore_mem>>
      %dma_start3A_198 = tpu.memref_slice %arg3[%mul3A_4] : memref<163840xi32, #tpu.memory_space<hbm>> -> memref<5120xi32, #tpu.memory_space<hbm>>
      %dma_start3A_199 = tpu.memref_slice %arg3[%mul3A_4] : memref<163840xi32, #tpu.memory_space<hbm>> -> memref<5120xi32, #tpu.memory_space<hbm>>
      tpu.enqueue_dma source(%dma_start3A_199 : memref<5120xi32, #tpu.memory_space<hbm>>) target(%arg8 : memref<5120xi32, #tpu.memory_space<vmem>>) target_semaphore(%run_scoped3A : memref<!tpu.dma_semaphore, #tpu.memory_space<semaphore_mem>>)
      %dma_wait3A_200 = tpu.memref_slice %arg3[%mul3A_4] : memref<163840xi32, #tpu.memory_space<hbm>> -> memref<5120xi32, #tpu.memory_space<hbm>>
      %dma_wait3A_201 = tpu.memref_slice %arg3[%mul3A_4] : memref<163840xi32, #tpu.memory_space<hbm>> -> memref<5120xi32, #tpu.memory_space<hbm>>
      tpu.wait_dma2 semaphore(%run_scoped3A : memref<!tpu.dma_semaphore, #tpu.memory_space<semaphore_mem>>) src(%dma_wait3A_201 : memref<5120xi32, #tpu.memory_space<hbm>>) dst(%arg8 : memref<5120xi32, #tpu.memory_space<vmem>>)
      tpu.yield
    }) : () -> ()
    %mul3A_5 = arith.constant 16 : i32
    %mul3A_6 = arith.muli %mul3A_2, %mul3A_5 : i32
    "tpu.region"() ({
      %run_scoped3A = tpu.sem_alloc : memref<!tpu.dma_semaphore, #tpu.memory_space<semaphore_mem>>
      %dma_start3A_198 = tpu.memref_slice %arg4[%mul3A_6] : memref<163840xf32, #tpu.memory_space<hbm>> -> memref<5120xf32, #tpu.memory_space<hbm>>
      %dma_start3A_199 = tpu.memref_slice %arg4[%mul3A_6] : memref<163840xf32, #tpu.memory_space<hbm>> -> memref<5120xf32, #tpu.memory_space<hbm>>
      tpu.enqueue_dma source(%dma_start3A_199 : memref<5120xf32, #tpu.memory_space<hbm>>) target(%arg9 : memref<5120xf32, #tpu.memory_space<vmem>>) target_semaphore(%run_scoped3A : memref<!tpu.dma_semaphore, #tpu.memory_space<semaphore_mem>>)
      %dma_wait3A_200 = tpu.memref_slice %arg4[%mul3A_6] : memref<163840xf32, #tpu.memory_space<hbm>> -> memref<5120xf32, #tpu.memory_space<hbm>>
      %dma_wait3A_201 = tpu.memref_slice %arg4[%mul3A_6] : memref<163840xf32, #tpu.memory_space<hbm>> -> memref<5120xf32, #tpu.memory_space<hbm>>
      tpu.wait_dma2 semaphore(%run_scoped3A : memref<!tpu.dma_semaphore, #tpu.memory_space<semaphore_mem>>) src(%dma_wait3A_201 : memref<5120xf32, #tpu.memory_space<hbm>>) dst(%arg9 : memref<5120xf32, #tpu.memory_space<vmem>>)
      tpu.yield
    }) : () -> ()
    "tpu.region"() ({
      %run_scoped3A = tpu.sem_alloc : memref<!tpu.dma_semaphore, #tpu.memory_space<semaphore_mem>>
      tpu.enqueue_dma source(%arg5 : memref<10240xf32, #tpu.memory_space<hbm>>) target(%arg10 : memref<10240xf32, #tpu.memory_space<vmem>>) target_semaphore(%run_scoped3A : memref<!tpu.dma_semaphore, #tpu.memory_space<semaphore_mem>>)
      tpu.wait_dma2 semaphore(%run_scoped3A : memref<!tpu.dma_semaphore, #tpu.memory_space<semaphore_mem>>) src(%arg5 : memref<10240xf32, #tpu.memory_space<hbm>>) dst(%arg10 : memref<10240xf32, #tpu.memory_space<vmem>>)
      tpu.yield
    }) : () -> ()
    %broadcast_in_dim3A = arith.constant 0 : i32
    %broadcast_in_dim3A_7 = vector.broadcast %broadcast_in_dim3A : i32 to vector<16xi32>
    %get3A = arith.constant 0 : index
    %get3A_8 = tpu.vector_load %arg8[%get3A] {strides = array<i32>} : memref<5120xi32, #tpu.memory_space<vmem>>, vector<16xi32>,
    %max3A = arith.constant 0 : i32
    %max3A_9 = vector.broadcast %max3A : i32 to vector<16xi32>
    %max3A_10 = arith.maxsi %get3A_8, %max3A_9 : vector<16xi32>
    %swap3A = arith.constant 0 : index
    %swap3A_11 = tpu.vector_load %arg11[%swap3A] {strides = array<i32>} : memref<128xi32, #tpu.memory_space<vmem>>, vector<16xi32>,
    tpu.vector_store %arg11[%swap3A], %max3A_10 {strides = array<i32>} : memref<128xi32, #tpu.memory_space<vmem>>, vector<16xi32>,
    %get3A_12 = arith.constant 16 : index
    %get3A_13 = tpu.vector_load %arg8[%get3A_12] {strides = array<i32>} : memref<5120xi32, #tpu.memory_space<vmem>>, vector<16xi32>,
    %max3A_14 = arith.constant 0 : i32
    %max3A_15 = vector.broadcast %max3A_14 : i32 to vector<16xi32>
    %max3A_16 = arith.maxsi %get3A_13, %max3A_15 : vector<16xi32>
    %swap3A_17 = arith.constant 16 : index
    %swap3A_18 = tpu.vector_load %arg11[%swap3A_17] {strides = array<i32>} : memref<128xi32, #tpu.memory_space<vmem>>, vector<16xi32>,
    tpu.vector_store %arg11[%swap3A_17], %max3A_16 {strides = array<i32>} : memref<128xi32, #tpu.memory_space<vmem>>, vector<16xi32>,
    %get3A_19 = arith.constant 32 : index
    %get3A_20 = tpu.vector_load %arg8[%get3A_19] {strides = array<i32>} : memref<5120xi32, #tpu.memory_space<vmem>>, vector<16xi32>,
    %max3A_21 = arith.constant 0 : i32
    %max3A_22 = vector.broadcast %max3A_21 : i32 to vector<16xi32>
    %max3A_23 = arith.maxsi %get3A_20, %max3A_22 : vector<16xi32>
    %swap3A_24 = arith.constant 32 : index
    %swap3A_25 = tpu.vector_load %arg11[%swap3A_24] {strides = array<i32>} : memref<128xi32, #tpu.memory_space<vmem>>, vector<16xi32>,
    tpu.vector_store %arg11[%swap3A_24], %max3A_23 {strides = array<i32>} : memref<128xi32, #tpu.memory_space<vmem>>, vector<16xi32>,
    %get3A_26 = arith.constant 48 : index
    %get3A_27 = tpu.vector_load %arg8[%get3A_26] {strides = array<i32>} : memref<5120xi32, #tpu.memory_space<vmem>>, vector<16xi32>,
    %max3A_28 = arith.constant 0 : i32
    %max3A_29 = vector.broadcast %max3A_28 : i32 to vector<16xi32>
    %max3A_30 = arith.maxsi %get3A_27, %max3A_29 : vector<16xi32>
    %swap3A_31 = arith.constant 48 : index
    %swap3A_32 = tpu.vector_load %arg11[%swap3A_31] {strides = array<i32>} : memref<128xi32, #tpu.memory_space<vmem>>, vector<16xi32>,
    tpu.vector_store %arg11[%swap3A_31], %max3A_30 {strides = array<i32>} : memref<128xi32, #tpu.memory_space<vmem>>, vector<16xi32>,
    %get3A_33 = arith.constant 64 : index
    %get3A_34 = tpu.vector_load %arg8[%get3A_33] {strides = array<i32>} : memref<5120xi32, #tpu.memory_space<vmem>>, vector<16xi32>,
    %max3A_35 = arith.constant 0 : i32
    %max3A_36 = vector.broadcast %max3A_35 : i32 to vector<16xi32>
    %max3A_37 = arith.maxsi %get3A_34, %max3A_36 : vector<16xi32>
    %swap3A_38 = arith.constant 64 : index
    %swap3A_39 = tpu.vector_load %arg11[%swap3A_38] {strides = array<i32>} : memref<128xi32, #tpu.memory_space<vmem>>, vector<16xi32>,
    tpu.vector_store %arg11[%swap3A_38], %max3A_37 {strides = array<i32>} : memref<128xi32, #tpu.memory_space<vmem>>, vector<16xi32>,
    %get3A_40 = arith.constant 80 : index
    %get3A_41 = tpu.vector_load %arg8[%get3A_40] {strides = array<i32>} : memref<5120xi32, #tpu.memory_space<vmem>>, vector<16xi32>,
    %max3A_42 = arith.constant 0 : i32
    %max3A_43 = vector.broadcast %max3A_42 : i32 to vector<16xi32>
    %max3A_44 = arith.maxsi %get3A_41, %max3A_43 : vector<16xi32>
    %swap3A_45 = arith.constant 80 : index
    %swap3A_46 = tpu.vector_load %arg11[%swap3A_45] {strides = array<i32>} : memref<128xi32, #tpu.memory_space<vmem>>, vector<16xi32>,
    tpu.vector_store %arg11[%swap3A_45], %max3A_44 {strides = array<i32>} : memref<128xi32, #tpu.memory_space<vmem>>, vector<16xi32>,
    %get3A_47 = arith.constant 96 : index
    %get3A_48 = tpu.vector_load %arg8[%get3A_47] {strides = array<i32>} : memref<5120xi32, #tpu.memory_space<vmem>>, vector<16xi32>,
    %max3A_49 = arith.constant 0 : i32
    %max3A_50 = vector.broadcast %max3A_49 : i32 to vector<16xi32>
    %max3A_51 = arith.maxsi %get3A_48, %max3A_50 : vector<16xi32>
    %swap3A_52 = arith.constant 96 : index
    %swap3A_53 = tpu.vector_load %arg11[%swap3A_52] {strides = array<i32>} : memref<128xi32, #tpu.memory_space<vmem>>, vector<16xi32>,
    tpu.vector_store %arg11[%swap3A_52], %max3A_51 {strides = array<i32>} : memref<128xi32, #tpu.memory_space<vmem>>, vector<16xi32>,
    %get3A_54 = arith.constant 112 : index
    %get3A_55 = tpu.vector_load %arg8[%get3A_54] {strides = array<i32>} : memref<5120xi32, #tpu.memory_space<vmem>>, vector<16xi32>,
    %max3A_56 = arith.constant 0 : i32
    %max3A_57 = vector.broadcast %max3A_56 : i32 to vector<16xi32>
    %max3A_58 = arith.maxsi %get3A_55, %max3A_57 : vector<16xi32>
    %swap3A_59 = arith.constant 112 : index
    %swap3A_60 = tpu.vector_load %arg11[%swap3A_59] {strides = array<i32>} : memref<128xi32, #tpu.memory_space<vmem>>, vector<16xi32>,
    tpu.vector_store %arg11[%swap3A_59], %max3A_58 {strides = array<i32>} : memref<128xi32, #tpu.memory_space<vmem>>, vector<16xi32>,
    %dma_start3A = arith.constant 0 : i32
    %dma_start3A_61 = arith.constant 0 : i32
    %dma_start3A_62 = tpu.memref_slice %arg2[%dma_start3A, %dma_start3A_61] : memref<10000x128xi32, #tpu.memory_space<hbm>> -> memref<10000x128xi32, #tpu.memory_space<hbm>>
    tpu.enqueue_indirect_dma source(%dma_start3A_62 : memref<10000x128xi32, #tpu.memory_space<hbm>>) target(%arg15 : memref<128x128xi32, #tpu.memory_space<vmem>>) offsets(%arg11 : memref<128xi32, #tpu.memory_space<vmem>>) semaphore(%arg22 : memref<!tpu.dma_semaphore, #tpu.memory_space<semaphore_mem>>)
    %get3A_63 = arith.constant 128 : index
    %get3A_64 = tpu.vector_load %arg8[%get3A_63] {strides = array<i32>} : memref<5120xi32, #tpu.memory_space<vmem>>, vector<16xi32>,
    %max3A_65 = arith.constant 0 : i32
    %max3A_66 = vector.broadcast %max3A_65 : i32 to vector<16xi32>
    %max3A_67 = arith.maxsi %get3A_64, %max3A_66 : vector<16xi32>
    %swap3A_68 = arith.constant 0 : index
    %swap3A_69 = tpu.vector_load %arg12[%swap3A_68] {strides = array<i32>} : memref<128xi32, #tpu.memory_space<vmem>>, vector<16xi32>,
    tpu.vector_store %arg12[%swap3A_68], %max3A_67 {strides = array<i32>} : memref<128xi32, #tpu.memory_space<vmem>>, vector<16xi32>,
    %get3A_70 = arith.constant 144 : index
    %get3A_71 = tpu.vector_load %arg8[%get3A_70] {strides = array<i32>} : memref<5120xi32, #tpu.memory_space<vmem>>, vector<16xi32>,
    %max3A_72 = arith.constant 0 : i32
    %max3A_73 = vector.broadcast %max3A_72 : i32 to vector<16xi32>
    %max3A_74 = arith.maxsi %get3A_71, %max3A_73 : vector<16xi32>
    %swap3A_75 = arith.constant 16 : index
    %swap3A_76 = tpu.vector_load %arg12[%swap3A_75] {strides = array<i32>} : memref<128xi32, #tpu.memory_space<vmem>>, vector<16xi32>,
    tpu.vector_store %arg12[%swap3A_75], %max3A_74 {strides = array<i32>} : memref<128xi32, #tpu.memory_space<vmem>>, vector<16xi32>,
    %get3A_77 = arith.constant 160 : index
    %get3A_78 = tpu.vector_load %arg8[%get3A_77] {strides = array<i32>} : memref<5120xi32, #tpu.memory_space<vmem>>, vector<16xi32>,
    %max3A_79 = arith.constant 0 : i32
    %max3A_80 = vector.broadcast %max3A_79 : i32 to vector<16xi32>
    %max3A_81 = arith.maxsi %get3A_78, %max3A_80 : vector<16xi32>
    %swap3A_82 = arith.constant 32 : index
    %swap3A_83 = tpu.vector_load %arg12[%swap3A_82] {strides = array<i32>} : memref<128xi32, #tpu.memory_space<vmem>>, vector<16xi32>,
    tpu.vector_store %arg12[%swap3A_82], %max3A_81 {strides = array<i32>} : memref<128xi32, #tpu.memory_space<vmem>>, vector<16xi32>,
    %get3A_84 = arith.constant 176 : index
    %get3A_85 = tpu.vector_load %arg8[%get3A_84] {strides = array<i32>} : memref<5120xi32, #tpu.memory_space<vmem>>, vector<16xi32>,
    %max3A_86 = arith.constant 0 : i32
    %max3A_87 = vector.broadcast %max3A_86 : i32 to vector<16xi32>
    %max3A_88 = arith.maxsi %get3A_85, %max3A_87 : vector<16xi32>
    %swap3A_89 = arith.constant 48 : index
    %swap3A_90 = tpu.vector_load %arg12[%swap3A_89] {strides = array<i32>} : memref<128xi32, #tpu.memory_space<vmem>>, vector<16xi32>,
    tpu.vector_store %arg12[%swap3A_89], %max3A_88 {strides = array<i32>} : memref<128xi32, #tpu.memory_space<vmem>>, vector<16xi32>,
    %get3A_91 = arith.constant 192 : index
    %get3A_92 = tpu.vector_load %arg8[%get3A_91] {strides = array<i32>} : memref<5120xi32, #tpu.memory_space<vmem>>, vector<16xi32>,
    %max3A_93 = arith.constant 0 : i32
    %max3A_94 = vector.broadcast %max3A_93 : i32 to vector<16xi32>
    %max3A_95 = arith.maxsi %get3A_92, %max3A_94 : vector<16xi32>
    %swap3A_96 = arith.constant 64 : index
    %swap3A_97 = tpu.vector_load %arg12[%swap3A_96] {strides = array<i32>} : memref<128xi32, #tpu.memory_space<vmem>>, vector<16xi32>,
    tpu.vector_store %arg12[%swap3A_96], %max3A_95 {strides = array<i32>} : memref<128xi32, #tpu.memory_space<vmem>>, vector<16xi32>,
    %get3A_98 = arith.constant 208 : index
    %get3A_99 = tpu.vector_load %arg8[%get3A_98] {strides = array<i32>} : memref<5120xi32, #tpu.memory_space<vmem>>, vector<16xi32>,
    %max3A_100 = arith.constant 0 : i32
    %max3A_101 = vector.broadcast %max3A_100 : i32 to vector<16xi32>
    %max3A_102 = arith.maxsi %get3A_99, %max3A_101 : vector<16xi32>
    %swap3A_103 = arith.constant 80 : index
    %swap3A_104 = tpu.vector_load %arg12[%swap3A_103] {strides = array<i32>} : memref<128xi32, #tpu.memory_space<vmem>>, vector<16xi32>,
    tpu.vector_store %arg12[%swap3A_103], %max3A_102 {strides = array<i32>} : memref<128xi32, #tpu.memory_space<vmem>>, vector<16xi32>,
    %get3A_105 = arith.constant 224 : index
    %get3A_106 = tpu.vector_load %arg8[%get3A_105] {strides = array<i32>} : memref<5120xi32, #tpu.memory_space<vmem>>, vector<16xi32>,
    %max3A_107 = arith.constant 0 : i32
    %max3A_108 = vector.broadcast %max3A_107 : i32 to vector<16xi32>
    %max3A_109 = arith.maxsi %get3A_106, %max3A_108 : vector<16xi32>
    %swap3A_110 = arith.constant 96 : index
    %swap3A_111 = tpu.vector_load %arg12[%swap3A_110] {strides = array<i32>} : memref<128xi32, #tpu.memory_space<vmem>>, vector<16xi32>,
    tpu.vector_store %arg12[%swap3A_110], %max3A_109 {strides = array<i32>} : memref<128xi32, #tpu.memory_space<vmem>>, vector<16xi32>,
    %get3A_112 = arith.constant 240 : index
    %get3A_113 = tpu.vector_load %arg8[%get3A_112] {strides = array<i32>} : memref<5120xi32, #tpu.memory_space<vmem>>, vector<16xi32>,
    %max3A_114 = arith.constant 0 : i32
    %max3A_115 = vector.broadcast %max3A_114 : i32 to vector<16xi32>
    %max3A_116 = arith.maxsi %get3A_113, %max3A_115 : vector<16xi32>
    %swap3A_117 = arith.constant 112 : index
    %swap3A_118 = tpu.vector_load %arg12[%swap3A_117] {strides = array<i32>} : memref<128xi32, #tpu.memory_space<vmem>>, vector<16xi32>,
    tpu.vector_store %arg12[%swap3A_117], %max3A_116 {strides = array<i32>} : memref<128xi32, #tpu.memory_space<vmem>>, vector<16xi32>,
    %dma_start3A_119 = arith.constant 0 : i32
    %dma_start3A_120 = arith.constant 0 : i32
    %dma_start3A_121 = tpu.memref_slice %arg2[%dma_start3A_119, %dma_start3A_120] : memref<10000x128xi32, #tpu.memory_space<hbm>> -> memref<10000x128xi32, #tpu.memory_space<hbm>>
    tpu.enqueue_indirect_dma source(%dma_start3A_121 : memref<10000x128xi32, #tpu.memory_space<hbm>>) target(%arg16 : memref<128x128xi32, #tpu.memory_space<vmem>>) offsets(%arg12 : memref<128xi32, #tpu.memory_space<vmem>>) semaphore(%arg23 : memref<!tpu.dma_semaphore, #tpu.memory_space<semaphore_mem>>)
    %get3A_122 = arith.constant 256 : index
    %get3A_123 = tpu.vector_load %arg8[%get3A_122] {strides = array<i32>} : memref<5120xi32, #tpu.memory_space<vmem>>, vector<16xi32>,
    %max3A_124 = arith.constant 0 : i32
    %max3A_125 = vector.broadcast %max3A_124 : i32 to vector<16xi32>
    %max3A_126 = arith.maxsi %get3A_123, %max3A_125 : vector<16xi32>
    %swap3A_127 = arith.constant 0 : index
    %swap3A_128 = tpu.vector_load %arg13[%swap3A_127] {strides = array<i32>} : memref<128xi32, #tpu.memory_space<vmem>>, vector<16xi32>,
    tpu.vector_store %arg13[%swap3A_127], %max3A_126 {strides = array<i32>} : memref<128xi32, #tpu.memory_space<vmem>>, vector<16xi32>,
    %get3A_129 = arith.constant 272 : index
    %get3A_130 = tpu.vector_load %arg8[%get3A_129] {strides = array<i32>} : memref<5120xi32, #tpu.memory_space<vmem>>, vector<16xi32>,
    %max3A_131 = arith.constant 0 : i32
    %max3A_132 = vector.broadcast %max3A_131 : i32 to vector<16xi32>
    %max3A_133 = arith.maxsi %get3A_130, %max3A_132 : vector<16xi32>
    %swap3A_134 = arith.constant 16 : index
    %swap3A_135 = tpu.vector_load %arg13[%swap3A_134] {strides = array<i32>} : memref<128xi32, #tpu.memory_space<vmem>>, vector<16xi32>,
    tpu.vector_store %arg13[%swap3A_134], %max3A_133 {strides = array<i32>} : memref<128xi32, #tpu.memory_space<vmem>>, vector<16xi32>,
    %get3A_136 = arith.constant 288 : index
    %get3A_137 = tpu.vector_load %arg8[%get3A_136] {strides = array<i32>} : memref<5120xi32, #tpu.memory_space<vmem>>, vector<16xi32>,
    %max3A_138 = arith.constant 0 : i32
    %max3A_139 = vector.broadcast %max3A_138 : i32 to vector<16xi32>
    %max3A_140 = arith.maxsi %get3A_137, %max3A_139 : vector<16xi32>
    %swap3A_141 = arith.constant 32 : index
    %swap3A_142 = tpu.vector_load %arg13[%swap3A_141] {strides = array<i32>} : memref<128xi32, #tpu.memory_space<vmem>>, vector<16xi32>,
    tpu.vector_store %arg13[%swap3A_141], %max3A_140 {strides = array<i32>} : memref<128xi32, #tpu.memory_space<vmem>>, vector<16xi32>,
    %get3A_143 = arith.constant 304 : index
    %get3A_144 = tpu.vector_load %arg8[%get3A_143] {strides = array<i32>} : memref<5120xi32, #tpu.memory_space<vmem>>, vector<16xi32>,
    %max3A_145 = arith.constant 0 : i32
    %max3A_146 = vector.broadcast %max3A_145 : i32 to vector<16xi32>
    %max3A_147 = arith.maxsi %get3A_144, %max3A_146 : vector<16xi32>
    %swap3A_148 = arith.constant 48 : index
    %swap3A_149 = tpu.vector_load %arg13[%swap3A_148] {strides = array<i32>} : memref<128xi32, #tpu.memory_space<vmem>>, vector<16xi32>,
    tpu.vector_store %arg13[%swap3A_148], %max3A_147 {strides = array<i32>} : memref<128xi32, #tpu.memory_space<vmem>>, vector<16xi32>,
    %get3A_150 = arith.constant 320 : index
    %get3A_151 = tpu.vector_load %arg8[%get3A_150] {strides = array<i32>} : memref<5120xi32, #tpu.memory_space<vmem>>, vector<16xi32>,
    %max3A_152 = arith.constant 0 : i32
    %max3A_153 = vector.broadcast %max3A_152 : i32 to vector<16xi32>
    %max3A_154 = arith.maxsi %get3A_151, %max3A_153 : vector<16xi32>
    %swap3A_155 = arith.constant 64 : index
    %swap3A_156 = tpu.vector_load %arg13[%swap3A_155] {strides = array<i32>} : memref<128xi32, #tpu.memory_space<vmem>>, vector<16xi32>,
    tpu.vector_store %arg13[%swap3A_155], %max3A_154 {strides = array<i32>} : memref<128xi32, #tpu.memory_space<vmem>>, vector<16xi32>,
    %get3A_157 = arith.constant 336 : index
    %get3A_158 = tpu.vector_load %arg8[%get3A_157] {strides = array<i32>} : memref<5120xi32, #tpu.memory_space<vmem>>, vector<16xi32>,
    %max3A_159 = arith.constant 0 : i32
    %max3A_160 = vector.broadcast %max3A_159 : i32 to vector<16xi32>
    %max3A_161 = arith.maxsi %get3A_158, %max3A_160 : vector<16xi32>
    %swap3A_162 = arith.constant 80 : index
    %swap3A_163 = tpu.vector_load %arg13[%swap3A_162] {strides = array<i32>} : memref<128xi32, #tpu.memory_space<vmem>>, vector<16xi32>,
    tpu.vector_store %arg13[%swap3A_162], %max3A_161 {strides = array<i32>} : memref<128xi32, #tpu.memory_space<vmem>>, vector<16xi32>,
    %get3A_164 = arith.constant 352 : index
    %get3A_165 = tpu.vector_load %arg8[%get3A_164] {strides = array<i32>} : memref<5120xi32, #tpu.memory_space<vmem>>, vector<16xi32>,
    %max3A_166 = arith.constant 0 : i32
    %max3A_167 = vector.broadcast %max3A_166 : i32 to vector<16xi32>
    %max3A_168 = arith.maxsi %get3A_165, %max3A_167 : vector<16xi32>
    %swap3A_169 = arith.constant 96 : index
    %swap3A_170 = tpu.vector_load %arg13[%swap3A_169] {strides = array<i32>} : memref<128xi32, #tpu.memory_space<vmem>>, vector<16xi32>,
    tpu.vector_store %arg13[%swap3A_169], %max3A_168 {strides = array<i32>} : memref<128xi32, #tpu.memory_space<vmem>>, vector<16xi32>,
    %get3A_171 = arith.constant 368 : index
    %get3A_172 = tpu.vector_load %arg8[%get3A_171] {strides = array<i32>} : memref<5120xi32, #tpu.memory_space<vmem>>, vector<16xi32>,
    %max3A_173 = arith.constant 0 : i32
    %max3A_174 = vector.broadcast %max3A_173 : i32 to vector<16xi32>
    %max3A_175 = arith.maxsi %get3A_172, %max3A_174 : vector<16xi32>
    %swap3A_176 = arith.constant 112 : index
    %swap3A_177 = tpu.vector_load %arg13[%swap3A_176] {strides = array<i32>} : memref<128xi32, #tpu.memory_space<vmem>>, vector<16xi32>,
    tpu.vector_store %arg13[%swap3A_176], %max3A_175 {strides = array<i32>} : memref<128xi32, #tpu.memory_space<vmem>>, vector<16xi32>,
    %dma_start3A_178 = arith.constant 0 : i32
    %dma_start3A_179 = arith.constant 0 : i32
    %dma_start3A_180 = tpu.memref_slice %arg2[%dma_start3A_178, %dma_start3A_179] : memref<10000x128xi32, #tpu.memory_space<hbm>> -> memref<10000x128xi32, #tpu.memory_space<hbm>>
    tpu.enqueue_indirect_dma source(%dma_start3A_180 : memref<10000x128xi32, #tpu.memory_space<hbm>>) target(%arg17 : memref<128x128xi32, #tpu.memory_space<vmem>>) offsets(%arg13 : memref<128xi32, #tpu.memory_space<vmem>>) semaphore(%arg24 : memref<!tpu.dma_semaphore, #tpu.memory_space<semaphore_mem>>)
    %scan3A = arith.constant 0 : i32
    %scan3A_181 = arith.constant 10 : i32
    %scan3A_182 = arith.addi %scan3A, %scan3A_181 : i32
    %scan3A_183 = arith.constant 1 : i32
    scf.for %scan3A_198 = %scan3A to %scan3A_182 step %scan3A_183  : i32 {
      %mul3A_199 = arith.constant 4 : i32
      %mul3A_200 = arith.muli %scan3A_198, %mul3A_199 : i32
      %add3A_201 = arith.constant 0 : i32
      %add3A_202 = arith.addi %mul3A_200, %add3A_201 : i32
      %dma_wait3A_203 = arith.constant 0 : i32
      %dma_wait3A_204 = arith.constant 0 : i32
      %dma_wait3A_205 = tpu.memref_slice %arg2[%dma_wait3A_203, %dma_wait3A_204] : memref<10000x128xi32, #tpu.memory_space<hbm>> -> memref<10000x128xi32, #tpu.memory_space<hbm>>
      tpu.wait_indirect_dma semaphore(%arg22 : memref<!tpu.dma_semaphore, #tpu.memory_space<semaphore_mem>>) src(%dma_wait3A_205 : memref<10000x128xi32, #tpu.memory_space<hbm>>) dst(%arg15 : memref<128x128xi32, #tpu.memory_space<vmem>>)
      %add3A_206 = arith.constant 3 : i32
      %add3A_207 = arith.addi %add3A_202, %add3A_206 : i32
      %lt3A = arith.constant 40 : i32
      %lt3A_208 = arith.cmpi slt, %add3A_207, %lt3A : i32
      %convert_element_type3A = arith.extui %lt3A_208 : i1 to i32
      %cond3A = arith.constant 0 : i32
      %cond3A_209 = arith.cmpi ne, %convert_element_type3A, %cond3A : i32
      scf.if %cond3A_209 {
        %mul3A_327 = arith.constant 128 : i32
        %mul3A_328 = arith.muli %add3A_207, %mul3A_327 : i32
        %add3A_329 = arith.constant 0 : i32
        %add3A_330 = arith.addi %mul3A_328, %add3A_329 : i32
        %get3A_331 = arith.index_cast %add3A_330 : i32 to index
        %get3A_332 = tpu.vector_load %arg8[%get3A_331] {strides = array<i32>} : memref<5120xi32, #tpu.memory_space<vmem>>, vector<16xi32>,
        %max3A_333 = arith.constant 0 : i32
        %max3A_334 = vector.broadcast %max3A_333 : i32 to vector<16xi32>
        %max3A_335 = arith.maxsi %get3A_332, %max3A_334 : vector<16xi32>
        %swap3A_336 = arith.constant 0 : index
        %swap3A_337 = tpu.vector_load %arg14[%swap3A_336] {strides = array<i32>} : memref<128xi32, #tpu.memory_space<vmem>>, vector<16xi32>,
        tpu.vector_store %arg14[%swap3A_336], %max3A_335 {strides = array<i32>} : memref<128xi32, #tpu.memory_space<vmem>>, vector<16xi32>,
        %add3A_338 = arith.constant 16 : i32
        %add3A_339 = arith.addi %mul3A_328, %add3A_338 : i32
        %get3A_340 = arith.index_cast %add3A_339 : i32 to index
        %get3A_341 = tpu.vector_load %arg8[%get3A_340] {strides = array<i32>} : memref<5120xi32, #tpu.memory_space<vmem>>, vector<16xi32>,
        %max3A_342 = arith.constant 0 : i32
        %max3A_343 = vector.broadcast %max3A_342 : i32 to vector<16xi32>
        %max3A_344 = arith.maxsi %get3A_341, %max3A_343 : vector<16xi32>
        %swap3A_345 = arith.constant 16 : index
        %swap3A_346 = tpu.vector_load %arg14[%swap3A_345] {strides = array<i32>} : memref<128xi32, #tpu.memory_space<vmem>>, vector<16xi32>,
        tpu.vector_store %arg14[%swap3A_345], %max3A_344 {strides = array<i32>} : memref<128xi32, #tpu.memory_space<vmem>>, vector<16xi32>,
        %add3A_347 = arith.constant 32 : i32
        %add3A_348 = arith.addi %mul3A_328, %add3A_347 : i32
        %get3A_349 = arith.index_cast %add3A_348 : i32 to index
        %get3A_350 = tpu.vector_load %arg8[%get3A_349] {strides = array<i32>} : memref<5120xi32, #tpu.memory_space<vmem>>, vector<16xi32>,
        %max3A_351 = arith.constant 0 : i32
        %max3A_352 = vector.broadcast %max3A_351 : i32 to vector<16xi32>
        %max3A_353 = arith.maxsi %get3A_350, %max3A_352 : vector<16xi32>
        %swap3A_354 = arith.constant 32 : index
        %swap3A_355 = tpu.vector_load %arg14[%swap3A_354] {strides = array<i32>} : memref<128xi32, #tpu.memory_space<vmem>>, vector<16xi32>,
        tpu.vector_store %arg14[%swap3A_354], %max3A_353 {strides = array<i32>} : memref<128xi32, #tpu.memory_space<vmem>>, vector<16xi32>,
        %add3A_356 = arith.constant 48 : i32
        %add3A_357 = arith.addi %mul3A_328, %add3A_356 : i32
        %get3A_358 = arith.index_cast %add3A_357 : i32 to index
        %get3A_359 = tpu.vector_load %arg8[%get3A_358] {strides = array<i32>} : memref<5120xi32, #tpu.memory_space<vmem>>, vector<16xi32>,
        %max3A_360 = arith.constant 0 : i32
        %max3A_361 = vector.broadcast %max3A_360 : i32 to vector<16xi32>
        %max3A_362 = arith.maxsi %get3A_359, %max3A_361 : vector<16xi32>
        %swap3A_363 = arith.constant 48 : index
        %swap3A_364 = tpu.vector_load %arg14[%swap3A_363] {strides = array<i32>} : memref<128xi32, #tpu.memory_space<vmem>>, vector<16xi32>,
        tpu.vector_store %arg14[%swap3A_363], %max3A_362 {strides = array<i32>} : memref<128xi32, #tpu.memory_space<vmem>>, vector<16xi32>,
        %add3A_365 = arith.constant 64 : i32
        %add3A_366 = arith.addi %mul3A_328, %add3A_365 : i32
        %get3A_367 = arith.index_cast %add3A_366 : i32 to index
        %get3A_368 = tpu.vector_load %arg8[%get3A_367] {strides = array<i32>} : memref<5120xi32, #tpu.memory_space<vmem>>, vector<16xi32>,
        %max3A_369 = arith.constant 0 : i32
        %max3A_370 = vector.broadcast %max3A_369 : i32 to vector<16xi32>
        %max3A_371 = arith.maxsi %get3A_368, %max3A_370 : vector<16xi32>
        %swap3A_372 = arith.constant 64 : index
        %swap3A_373 = tpu.vector_load %arg14[%swap3A_372] {strides = array<i32>} : memref<128xi32, #tpu.memory_space<vmem>>, vector<16xi32>,
        tpu.vector_store %arg14[%swap3A_372], %max3A_371 {strides = array<i32>} : memref<128xi32, #tpu.memory_space<vmem>>, vector<16xi32>,
        %add3A_374 = arith.constant 80 : i32
        %add3A_375 = arith.addi %mul3A_328, %add3A_374 : i32
        %get3A_376 = arith.index_cast %add3A_375 : i32 to index
        %get3A_377 = tpu.vector_load %arg8[%get3A_376] {strides = array<i32>} : memref<5120xi32, #tpu.memory_space<vmem>>, vector<16xi32>,
        %max3A_378 = arith.constant 0 : i32
        %max3A_379 = vector.broadcast %max3A_378 : i32 to vector<16xi32>
        %max3A_380 = arith.maxsi %get3A_377, %max3A_379 : vector<16xi32>
        %swap3A_381 = arith.constant 80 : index
        %swap3A_382 = tpu.vector_load %arg14[%swap3A_381] {strides = array<i32>} : memref<128xi32, #tpu.memory_space<vmem>>, vector<16xi32>,
        tpu.vector_store %arg14[%swap3A_381], %max3A_380 {strides = array<i32>} : memref<128xi32, #tpu.memory_space<vmem>>, vector<16xi32>,
        %add3A_383 = arith.constant 96 : i32
        %add3A_384 = arith.addi %mul3A_328, %add3A_383 : i32
        %get3A_385 = arith.index_cast %add3A_384 : i32 to index
        %get3A_386 = tpu.vector_load %arg8[%get3A_385] {strides = array<i32>} : memref<5120xi32, #tpu.memory_space<vmem>>, vector<16xi32>,
        %max3A_387 = arith.constant 0 : i32
        %max3A_388 = vector.broadcast %max3A_387 : i32 to vector<16xi32>
        %max3A_389 = arith.maxsi %get3A_386, %max3A_388 : vector<16xi32>
        %swap3A_390 = arith.constant 96 : index
        %swap3A_391 = tpu.vector_load %arg14[%swap3A_390] {strides = array<i32>} : memref<128xi32, #tpu.memory_space<vmem>>, vector<16xi32>,
        tpu.vector_store %arg14[%swap3A_390], %max3A_389 {strides = array<i32>} : memref<128xi32, #tpu.memory_space<vmem>>, vector<16xi32>,
        %add3A_392 = arith.constant 112 : i32
        %add3A_393 = arith.addi %mul3A_328, %add3A_392 : i32
        %get3A_394 = arith.index_cast %add3A_393 : i32 to index
        %get3A_395 = tpu.vector_load %arg8[%get3A_394] {strides = array<i32>} : memref<5120xi32, #tpu.memory_space<vmem>>, vector<16xi32>,
        %max3A_396 = arith.constant 0 : i32
        %max3A_397 = vector.broadcast %max3A_396 : i32 to vector<16xi32>
        %max3A_398 = arith.maxsi %get3A_395, %max3A_397 : vector<16xi32>
        %swap3A_399 = arith.constant 112 : index
        %swap3A_400 = tpu.vector_load %arg14[%swap3A_399] {strides = array<i32>} : memref<128xi32, #tpu.memory_space<vmem>>, vector<16xi32>,
        tpu.vector_store %arg14[%swap3A_399], %max3A_398 {strides = array<i32>} : memref<128xi32, #tpu.memory_space<vmem>>, vector<16xi32>,
        %dma_start3A_401 = arith.constant 0 : i32
        %dma_start3A_402 = arith.constant 0 : i32
        %dma_start3A_403 = tpu.memref_slice %arg2[%dma_start3A_401, %dma_start3A_402] : memref<10000x128xi32, #tpu.memory_space<hbm>> -> memref<10000x128xi32, #tpu.memory_space<hbm>>
        tpu.enqueue_indirect_dma source(%dma_start3A_403 : memref<10000x128xi32, #tpu.memory_space<hbm>>) target(%arg18 : memref<128x128xi32, #tpu.memory_space<vmem>>) offsets(%arg14 : memref<128xi32, #tpu.memory_space<vmem>>) semaphore(%arg25 : memref<!tpu.dma_semaphore, #tpu.memory_space<semaphore_mem>>)
      } else {
      }
      %mul3A_210 = arith.constant 128 : i32
      %mul3A_211 = arith.muli %add3A_202, %mul3A_210 : i32
      %ge3A = arith.constant 2 : i32
      %ge3A_212 = arith.cmpi sge, %add3A_202, %ge3A : i32
      %convert_element_type3A_213 = arith.extui %ge3A_212 : i1 to i32
      %cond3A_214 = arith.constant 0 : i32
      %cond3A_215 = arith.cmpi ne, %convert_element_type3A_213, %cond3A_214 : i32
      scf.if %cond3A_215 {
        %dma_wait3A_327 = arith.constant 0 : i32
        %dma_wait3A_328 = arith.constant 0 : i32
        %dma_wait3A_329 = tpu.memref_slice %arg6[%dma_wait3A_327, %dma_wait3A_328] : memref<10240x256xf32, #tpu.memory_space<hbm>> -> memref<8x256xf32, #tpu.memory_space<hbm>>
        %dma_wait3A_330 = arith.constant 0 : i32
        %dma_wait3A_331 = arith.constant 0 : i32
        %dma_wait3A_332 = tpu.memref_slice %arg6[%dma_wait3A_330, %dma_wait3A_331] : memref<10240x256xf32, #tpu.memory_space<hbm>> -> memref<8x256xf32, #tpu.memory_space<hbm>>
        tpu.wait_dma2 semaphore(%arg26 : memref<!tpu.dma_semaphore, #tpu.memory_space<semaphore_mem>>) src(%arg20 : memref<8x256xf32, #tpu.memory_space<vmem>>) dst(%dma_wait3A_332 : memref<8x256xf32, #tpu.memory_space<hbm>>)
      } else {
      }
      %scan3A_216 = arith.constant 0 : i32
      %scan3A_217 = arith.constant 8 : i32
      %scan3A_218 = arith.addi %scan3A_216, %scan3A_217 : i32
      %scan3A_219 = arith.constant 1 : i32
      scf.for %scan3A_327 = %scan3A_216 to %scan3A_218 step %scan3A_219  : i32 {
        %mul3A_328 = arith.constant 16 : i32
        %mul3A_329 = arith.muli %scan3A_327, %mul3A_328 : i32
        %add3A_330 = arith.addi %mul3A_211, %mul3A_329 : i32
        %get3A_331 = arith.index_cast %add3A_330 : i32 to index
        %get3A_332 = tpu.vector_load %arg8[%get3A_331] {strides = array<i32>} : memref<5120xi32, #tpu.memory_space<vmem>>, vector<16xi32>,
        %ge3A_333 = arith.constant 0 : i32
        %ge3A_334 = vector.broadcast %ge3A_333 : i32 to vector<16xi32>
        %ge3A_335 = arith.cmpi sge, %get3A_332, %ge3A_334 : vector<16xi32>
        %max3A_336 = arith.constant 0 : i32
        %max3A_337 = vector.broadcast %max3A_336 : i32 to vector<16xi32>
        %max3A_338 = arith.maxsi %get3A_332, %max3A_337 : vector<16xi32>
        %gather3A = tpu.vector_load_idx %arg10[%max3A_338] : memref<10240xf32, #tpu.memory_space<vmem>>[vector<16xi32>], vector<16xf32>,
        %get3A_339 = arith.index_cast %add3A_330 : i32 to index
        %get3A_340 = tpu.vector_load %arg9[%get3A_339] {strides = array<i32>} : memref<5120xf32, #tpu.memory_space<vmem>>, vector<16xf32>,
        %add3A_341 = arith.addf %get3A_340, %gather3A : vector<16xf32>
        %jit3A = arith.constant -1.000000e+09 : f32
        %broadcast_in_dim3A_342 = vector.broadcast %jit3A : f32 to vector<16xf32>
        %select_n3A = arith.select %ge3A_335, %add3A_341, %broadcast_in_dim3A_342 : vector<16xi1>, vector<16xf32>
        %reduce_max3A = arith.constant true
        %reduce_max3A_343 = vector.broadcast %reduce_max3A : i1 to vector<16xi1>
        %reduce_max3A_344 = tpu.scan <max>, %select_n3A masked %reduce_max3A_343 : vector<16xf32>, vector<16xi1> -> vector<16xf32>
        %reduce_max3A_345 = vector.extract %reduce_max3A_344[15] : f32 from vector<16xf32>
        %sub3A = vector.broadcast %reduce_max3A_345 : f32 to vector<16xf32>
        %sub3A_346 = arith.subf %select_n3A, %sub3A : vector<16xf32>
        %exp3A = math.exp %sub3A_346 : vector<16xf32>
        %reduce_sum3A = arith.constant true
        %reduce_sum3A_347 = vector.broadcast %reduce_sum3A : i1 to vector<16xi1>
        %reduce_sum3A_348 = tpu.scan <sum>, %exp3A masked %reduce_sum3A_347 : vector<16xf32>, vector<16xi1> -> vector<16xf32>
        %reduce_sum3A_349 = vector.extract %reduce_sum3A_348[15] : f32 from vector<16xf32>
        %div3A = vector.broadcast %reduce_sum3A_349 : f32 to vector<16xf32>
        %div3A_350 = arith.divf %exp3A, %div3A : vector<16xf32>
        %jit3A_351 = arith.constant 0.000000e+00 : f32
        %broadcast_in_dim3A_352 = vector.broadcast %jit3A_351 : f32 to vector<16xf32>
        %select_n3A_353 = arith.select %ge3A_335, %div3A_350, %broadcast_in_dim3A_352 : vector<16xi1>, vector<16xf32>
        %swap3A_354 = arith.index_cast %add3A_330 : i32 to index
        %swap3A_355 = tpu.vector_load %arg19[%swap3A_354] {strides = array<i32>} : memref<5120xf32, #tpu.memory_space<vmem>>, vector<16xf32>,
        tpu.vector_store %arg19[%swap3A_354], %select_n3A_353 {strides = array<i32>} : memref<5120xf32, #tpu.memory_space<vmem>>, vector<16xf32>,
        %add3A_356 = vector.broadcast %add3A_330 : i32 to vector<16xi32>
        %add3A_357 = arith.addi %broadcast_in_dim3A_7, %add3A_356 : vector<16xi32>
        %add3A_358 = arith.constant 0 : i32
        %add3A_359 = vector.broadcast %add3A_358 : i32 to vector<16xi32>
        %add3A_360 = arith.addi %add3A_357, %add3A_359 : vector<16xi32>
        %gather3A_361 = tpu.vector_load_idx %arg19[%add3A_360] : memref<5120xf32, #tpu.memory_space<vmem>>[vector<16xi32>], vector<16xf32>,
        %add3A_362 = arith.constant 1 : i32
        %add3A_363 = vector.broadcast %add3A_362 : i32 to vector<16xi32>
        %add3A_364 = arith.addi %add3A_357, %add3A_363 : vector<16xi32>
        %gather3A_365 = tpu.vector_load_idx %arg19[%add3A_364] : memref<5120xf32, #tpu.memory_space<vmem>>[vector<16xi32>], vector<16xf32>,
        %add3A_366 = arith.constant 2 : i32
        %add3A_367 = vector.broadcast %add3A_366 : i32 to vector<16xi32>
        %add3A_368 = arith.addi %add3A_357, %add3A_367 : vector<16xi32>
        %gather3A_369 = tpu.vector_load_idx %arg19[%add3A_368] : memref<5120xf32, #tpu.memory_space<vmem>>[vector<16xi32>], vector<16xf32>,
        %add3A_370 = arith.constant 3 : i32
        %add3A_371 = vector.broadcast %add3A_370 : i32 to vector<16xi32>
        %add3A_372 = arith.addi %add3A_357, %add3A_371 : vector<16xi32>
        %gather3A_373 = tpu.vector_load_idx %arg19[%add3A_372] : memref<5120xf32, #tpu.memory_space<vmem>>[vector<16xi32>], vector<16xf32>,
        %add3A_374 = arith.constant 4 : i32
        %add3A_375 = vector.broadcast %add3A_374 : i32 to vector<16xi32>
        %add3A_376 = arith.addi %add3A_357, %add3A_375 : vector<16xi32>
        %gather3A_377 = tpu.vector_load_idx %arg19[%add3A_376] : memref<5120xf32, #tpu.memory_space<vmem>>[vector<16xi32>], vector<16xf32>,
        %add3A_378 = arith.constant 5 : i32
        %add3A_379 = vector.broadcast %add3A_378 : i32 to vector<16xi32>
        %add3A_380 = arith.addi %add3A_357, %add3A_379 : vector<16xi32>
        %gather3A_381 = tpu.vector_load_idx %arg19[%add3A_380] : memref<5120xf32, #tpu.memory_space<vmem>>[vector<16xi32>], vector<16xf32>,
        %add3A_382 = arith.constant 6 : i32
        %add3A_383 = vector.broadcast %add3A_382 : i32 to vector<16xi32>
        %add3A_384 = arith.addi %add3A_357, %add3A_383 : vector<16xi32>
        %gather3A_385 = tpu.vector_load_idx %arg19[%add3A_384] : memref<5120xf32, #tpu.memory_space<vmem>>[vector<16xi32>], vector<16xf32>,
        %add3A_386 = arith.constant 7 : i32
        %add3A_387 = vector.broadcast %add3A_386 : i32 to vector<16xi32>
        %add3A_388 = arith.addi %add3A_357, %add3A_387 : vector<16xi32>
        %gather3A_389 = tpu.vector_load_idx %arg19[%add3A_388] : memref<5120xf32, #tpu.memory_space<vmem>>[vector<16xi32>], vector<16xf32>,
        %add3A_390 = arith.constant 8 : i32
        %add3A_391 = vector.broadcast %add3A_390 : i32 to vector<16xi32>
        %add3A_392 = arith.addi %add3A_357, %add3A_391 : vector<16xi32>
        %gather3A_393 = tpu.vector_load_idx %arg19[%add3A_392] : memref<5120xf32, #tpu.memory_space<vmem>>[vector<16xi32>], vector<16xf32>,
        %add3A_394 = arith.constant 9 : i32
        %add3A_395 = vector.broadcast %add3A_394 : i32 to vector<16xi32>
        %add3A_396 = arith.addi %add3A_357, %add3A_395 : vector<16xi32>
        %gather3A_397 = tpu.vector_load_idx %arg19[%add3A_396] : memref<5120xf32, #tpu.memory_space<vmem>>[vector<16xi32>], vector<16xf32>,
        %add3A_398 = arith.constant 10 : i32
        %add3A_399 = vector.broadcast %add3A_398 : i32 to vector<16xi32>
        %add3A_400 = arith.addi %add3A_357, %add3A_399 : vector<16xi32>
        %gather3A_401 = tpu.vector_load_idx %arg19[%add3A_400] : memref<5120xf32, #tpu.memory_space<vmem>>[vector<16xi32>], vector<16xf32>,
        %add3A_402 = arith.constant 11 : i32
        %add3A_403 = vector.broadcast %add3A_402 : i32 to vector<16xi32>
        %add3A_404 = arith.addi %add3A_357, %add3A_403 : vector<16xi32>
        %gather3A_405 = tpu.vector_load_idx %arg19[%add3A_404] : memref<5120xf32, #tpu.memory_space<vmem>>[vector<16xi32>], vector<16xf32>,
        %add3A_406 = arith.constant 12 : i32
        %add3A_407 = vector.broadcast %add3A_406 : i32 to vector<16xi32>
        %add3A_408 = arith.addi %add3A_357, %add3A_407 : vector<16xi32>
        %gather3A_409 = tpu.vector_load_idx %arg19[%add3A_408] : memref<5120xf32, #tpu.memory_space<vmem>>[vector<16xi32>], vector<16xf32>,
        %add3A_410 = arith.constant 13 : i32
        %add3A_411 = vector.broadcast %add3A_410 : i32 to vector<16xi32>
        %add3A_412 = arith.addi %add3A_357, %add3A_411 : vector<16xi32>
        %gather3A_413 = tpu.vector_load_idx %arg19[%add3A_412] : memref<5120xf32, #tpu.memory_space<vmem>>[vector<16xi32>], vector<16xf32>,
        %add3A_414 = arith.constant 14 : i32
        %add3A_415 = vector.broadcast %add3A_414 : i32 to vector<16xi32>
        %add3A_416 = arith.addi %add3A_357, %add3A_415 : vector<16xi32>
        %gather3A_417 = tpu.vector_load_idx %arg19[%add3A_416] : memref<5120xf32, #tpu.memory_space<vmem>>[vector<16xi32>], vector<16xf32>,
        %add3A_418 = arith.constant 15 : i32
        %add3A_419 = vector.broadcast %add3A_418 : i32 to vector<16xi32>
        %add3A_420 = arith.addi %add3A_357, %add3A_419 : vector<16xi32>
        %gather3A_421 = tpu.vector_load_idx %arg19[%add3A_420] : memref<5120xf32, #tpu.memory_space<vmem>>[vector<16xi32>], vector<16xf32>,
        %mul3A_422 = arith.constant 16 : i32
        %mul3A_423 = arith.muli %scan3A_327, %mul3A_422 : i32
        %scan3A_424 = arith.constant 0 : i32
        %scan3A_425 = arith.constant 4 : i32
        %scan3A_426 = arith.addi %scan3A_424, %scan3A_425 : i32
        %scan3A_427 = arith.constant 1 : i32
        scf.for %scan3A_429 = %scan3A_424 to %scan3A_426 step %scan3A_427  : i32 {
          %mul3A_430 = arith.constant 16 : i32
          %mul3A_431 = arith.muli %scan3A_429, %mul3A_430 : i32
          %add3A_432 = arith.constant 0 : i32
          %add3A_433 = arith.addi %add3A_432, %mul3A_431 : i32
          %add3A_434 = arith.constant 0 : i32
          %add3A_435 = arith.addi %mul3A_423, %add3A_434 : i32
          %get3A_436 = arith.index_cast %add3A_435 : i32 to index
          %get3A_437 = arith.index_cast %add3A_433 : i32 to index
          %get3A_438 = tpu.vector_load %arg15[%get3A_436, %get3A_437] {strides = array<i32>} : memref<128x128xi32, #tpu.memory_space<vmem>>, vector<16xi32>,
          %bitcast3A = vector.bitcast %get3A_438 : vector<16xi32> to vector<32xbf16>
          %unpack3A = tpu.unpack_subelements %bitcast3A, 0 {pack_format = #tpu.pack_format<interleaved>} : vector<32xbf16> -> vector<16xf32>
          %unpack3A_439 = tpu.unpack_subelements %bitcast3A, 1 {pack_format = #tpu.pack_format<interleaved>} : vector<32xbf16> -> vector<16xf32>
          %mul3A_440 = arith.mulf %gather3A_361, %unpack3A : vector<16xf32>
          %mul3A_441 = arith.mulf %gather3A_361, %unpack3A_439 : vector<16xf32>
          %add3A_442 = arith.constant 1 : i32
          %add3A_443 = arith.addi %mul3A_423, %add3A_442 : i32
          %get3A_444 = arith.index_cast %add3A_443 : i32 to index
          %get3A_445 = arith.index_cast %add3A_433 : i32 to index
          %get3A_446 = tpu.vector_load %arg15[%get3A_444, %get3A_445] {strides = array<i32>} : memref<128x128xi32, #tpu.memory_space<vmem>>, vector<16xi32>,
          %bitcast3A_447 = vector.bitcast %get3A_446 : vector<16xi32> to vector<32xbf16>
          %unpack3A_448 = tpu.unpack_subelements %bitcast3A_447, 0 {pack_format = #tpu.pack_format<interleaved>} : vector<32xbf16> -> vector<16xf32>
          %unpack3A_449 = tpu.unpack_subelements %bitcast3A_447, 1 {pack_format = #tpu.pack_format<interleaved>} : vector<32xbf16> -> vector<16xf32>
          %mul3A_450 = arith.mulf %gather3A_365, %unpack3A_448 : vector<16xf32>
          %mul3A_451 = arith.mulf %gather3A_365, %unpack3A_449 : vector<16xf32>
          %add3A_452 = arith.constant 2 : i32
          %add3A_453 = arith.addi %mul3A_423, %add3A_452 : i32
          %get3A_454 = arith.index_cast %add3A_453 : i32 to index
          %get3A_455 = arith.index_cast %add3A_433 : i32 to index
          %get3A_456 = tpu.vector_load %arg15[%get3A_454, %get3A_455] {strides = array<i32>} : memref<128x128xi32, #tpu.memory_space<vmem>>, vector<16xi32>,
          %bitcast3A_457 = vector.bitcast %get3A_456 : vector<16xi32> to vector<32xbf16>
          %unpack3A_458 = tpu.unpack_subelements %bitcast3A_457, 0 {pack_format = #tpu.pack_format<interleaved>} : vector<32xbf16> -> vector<16xf32>
          %unpack3A_459 = tpu.unpack_subelements %bitcast3A_457, 1 {pack_format = #tpu.pack_format<interleaved>} : vector<32xbf16> -> vector<16xf32>
          %mul3A_460 = arith.mulf %gather3A_369, %unpack3A_458 : vector<16xf32>
          %mul3A_461 = arith.mulf %gather3A_369, %unpack3A_459 : vector<16xf32>
          %add3A_462 = arith.constant 3 : i32
          %add3A_463 = arith.addi %mul3A_423, %add3A_462 : i32
          %get3A_464 = arith.index_cast %add3A_463 : i32 to index
          %get3A_465 = arith.index_cast %add3A_433 : i32 to index
          %get3A_466 = tpu.vector_load %arg15[%get3A_464, %get3A_465] {strides = array<i32>} : memref<128x128xi32, #tpu.memory_space<vmem>>, vector<16xi32>,
          %bitcast3A_467 = vector.bitcast %get3A_466 : vector<16xi32> to vector<32xbf16>
          %unpack3A_468 = tpu.unpack_subelements %bitcast3A_467, 0 {pack_format = #tpu.pack_format<interleaved>} : vector<32xbf16> -> vector<16xf32>
          %unpack3A_469 = tpu.unpack_subelements %bitcast3A_467, 1 {pack_format = #tpu.pack_format<interleaved>} : vector<32xbf16> -> vector<16xf32>
          %mul3A_470 = arith.mulf %gather3A_373, %unpack3A_468 : vector<16xf32>
          %mul3A_471 = arith.mulf %gather3A_373, %unpack3A_469 : vector<16xf32>
          %add3A_472 = arith.constant 4 : i32
          %add3A_473 = arith.addi %mul3A_423, %add3A_472 : i32
          %get3A_474 = arith.index_cast %add3A_473 : i32 to index
          %get3A_475 = arith.index_cast %add3A_433 : i32 to index
          %get3A_476 = tpu.vector_load %arg15[%get3A_474, %get3A_475] {strides = array<i32>} : memref<128x128xi32, #tpu.memory_space<vmem>>, vector<16xi32>,
          %bitcast3A_477 = vector.bitcast %get3A_476 : vector<16xi32> to vector<32xbf16>
          %unpack3A_478 = tpu.unpack_subelements %bitcast3A_477, 0 {pack_format = #tpu.pack_format<interleaved>} : vector<32xbf16> -> vector<16xf32>
          %unpack3A_479 = tpu.unpack_subelements %bitcast3A_477, 1 {pack_format = #tpu.pack_format<interleaved>} : vector<32xbf16> -> vector<16xf32>
          %mul3A_480 = arith.mulf %gather3A_377, %unpack3A_478 : vector<16xf32>
          %mul3A_481 = arith.mulf %gather3A_377, %unpack3A_479 : vector<16xf32>
          %add3A_482 = arith.constant 5 : i32
          %add3A_483 = arith.addi %mul3A_423, %add3A_482 : i32
          %get3A_484 = arith.index_cast %add3A_483 : i32 to index
          %get3A_485 = arith.index_cast %add3A_433 : i32 to index
          %get3A_486 = tpu.vector_load %arg15[%get3A_484, %get3A_485] {strides = array<i32>} : memref<128x128xi32, #tpu.memory_space<vmem>>, vector<16xi32>,
          %bitcast3A_487 = vector.bitcast %get3A_486 : vector<16xi32> to vector<32xbf16>
          %unpack3A_488 = tpu.unpack_subelements %bitcast3A_487, 0 {pack_format = #tpu.pack_format<interleaved>} : vector<32xbf16> -> vector<16xf32>
          %unpack3A_489 = tpu.unpack_subelements %bitcast3A_487, 1 {pack_format = #tpu.pack_format<interleaved>} : vector<32xbf16> -> vector<16xf32>
          %mul3A_490 = arith.mulf %gather3A_381, %unpack3A_488 : vector<16xf32>
          %mul3A_491 = arith.mulf %gather3A_381, %unpack3A_489 : vector<16xf32>
          %add3A_492 = arith.constant 6 : i32
          %add3A_493 = arith.addi %mul3A_423, %add3A_492 : i32
          %get3A_494 = arith.index_cast %add3A_493 : i32 to index
          %get3A_495 = arith.index_cast %add3A_433 : i32 to index
          %get3A_496 = tpu.vector_load %arg15[%get3A_494, %get3A_495] {strides = array<i32>} : memref<128x128xi32, #tpu.memory_space<vmem>>, vector<16xi32>,
          %bitcast3A_497 = vector.bitcast %get3A_496 : vector<16xi32> to vector<32xbf16>
          %unpack3A_498 = tpu.unpack_subelements %bitcast3A_497, 0 {pack_format = #tpu.pack_format<interleaved>} : vector<32xbf16> -> vector<16xf32>
          %unpack3A_499 = tpu.unpack_subelements %bitcast3A_497, 1 {pack_format = #tpu.pack_format<interleaved>} : vector<32xbf16> -> vector<16xf32>
          %mul3A_500 = arith.mulf %gather3A_385, %unpack3A_498 : vector<16xf32>
          %mul3A_501 = arith.mulf %gather3A_385, %unpack3A_499 : vector<16xf32>
          %add3A_502 = arith.constant 7 : i32
          %add3A_503 = arith.addi %mul3A_423, %add3A_502 : i32
          %get3A_504 = arith.index_cast %add3A_503 : i32 to index
          %get3A_505 = arith.index_cast %add3A_433 : i32 to index
          %get3A_506 = tpu.vector_load %arg15[%get3A_504, %get3A_505] {strides = array<i32>} : memref<128x128xi32, #tpu.memory_space<vmem>>, vector<16xi32>,
          %bitcast3A_507 = vector.bitcast %get3A_506 : vector<16xi32> to vector<32xbf16>
          %unpack3A_508 = tpu.unpack_subelements %bitcast3A_507, 0 {pack_format = #tpu.pack_format<interleaved>} : vector<32xbf16> -> vector<16xf32>
          %unpack3A_509 = tpu.unpack_subelements %bitcast3A_507, 1 {pack_format = #tpu.pack_format<interleaved>} : vector<32xbf16> -> vector<16xf32>
          %mul3A_510 = arith.mulf %gather3A_389, %unpack3A_508 : vector<16xf32>
          %mul3A_511 = arith.mulf %gather3A_389, %unpack3A_509 : vector<16xf32>
          %add3A_512 = arith.constant 8 : i32
          %add3A_513 = arith.addi %mul3A_423, %add3A_512 : i32
          %get3A_514 = arith.index_cast %add3A_513 : i32 to index
          %get3A_515 = arith.index_cast %add3A_433 : i32 to index
          %get3A_516 = tpu.vector_load %arg15[%get3A_514, %get3A_515] {strides = array<i32>} : memref<128x128xi32, #tpu.memory_space<vmem>>, vector<16xi32>,
          %bitcast3A_517 = vector.bitcast %get3A_516 : vector<16xi32> to vector<32xbf16>
          %unpack3A_518 = tpu.unpack_subelements %bitcast3A_517, 0 {pack_format = #tpu.pack_format<interleaved>} : vector<32xbf16> -> vector<16xf32>
          %unpack3A_519 = tpu.unpack_subelements %bitcast3A_517, 1 {pack_format = #tpu.pack_format<interleaved>} : vector<32xbf16> -> vector<16xf32>
          %mul3A_520 = arith.mulf %gather3A_393, %unpack3A_518 : vector<16xf32>
          %mul3A_521 = arith.mulf %gather3A_393, %unpack3A_519 : vector<16xf32>
          %add3A_522 = arith.constant 9 : i32
          %add3A_523 = arith.addi %mul3A_423, %add3A_522 : i32
          %get3A_524 = arith.index_cast %add3A_523 : i32 to index
          %get3A_525 = arith.index_cast %add3A_433 : i32 to index
          %get3A_526 = tpu.vector_load %arg15[%get3A_524, %get3A_525] {strides = array<i32>} : memref<128x128xi32, #tpu.memory_space<vmem>>, vector<16xi32>,
          %bitcast3A_527 = vector.bitcast %get3A_526 : vector<16xi32> to vector<32xbf16>
          %unpack3A_528 = tpu.unpack_subelements %bitcast3A_527, 0 {pack_format = #tpu.pack_format<interleaved>} : vector<32xbf16> -> vector<16xf32>
          %unpack3A_529 = tpu.unpack_subelements %bitcast3A_527, 1 {pack_format = #tpu.pack_format<interleaved>} : vector<32xbf16> -> vector<16xf32>
          %mul3A_530 = arith.mulf %gather3A_397, %unpack3A_528 : vector<16xf32>
          %mul3A_531 = arith.mulf %gather3A_397, %unpack3A_529 : vector<16xf32>
          %add3A_532 = arith.constant 10 : i32
          %add3A_533 = arith.addi %mul3A_423, %add3A_532 : i32
          %get3A_534 = arith.index_cast %add3A_533 : i32 to index
          %get3A_535 = arith.index_cast %add3A_433 : i32 to index
          %get3A_536 = tpu.vector_load %arg15[%get3A_534, %get3A_535] {strides = array<i32>} : memref<128x128xi32, #tpu.memory_space<vmem>>, vector<16xi32>,
          %bitcast3A_537 = vector.bitcast %get3A_536 : vector<16xi32> to vector<32xbf16>
          %unpack3A_538 = tpu.unpack_subelements %bitcast3A_537, 0 {pack_format = #tpu.pack_format<interleaved>} : vector<32xbf16> -> vector<16xf32>
          %unpack3A_539 = tpu.unpack_subelements %bitcast3A_537, 1 {pack_format = #tpu.pack_format<interleaved>} : vector<32xbf16> -> vector<16xf32>
          %mul3A_540 = arith.mulf %gather3A_401, %unpack3A_538 : vector<16xf32>
          %mul3A_541 = arith.mulf %gather3A_401, %unpack3A_539 : vector<16xf32>
          %add3A_542 = arith.constant 11 : i32
          %add3A_543 = arith.addi %mul3A_423, %add3A_542 : i32
          %get3A_544 = arith.index_cast %add3A_543 : i32 to index
          %get3A_545 = arith.index_cast %add3A_433 : i32 to index
          %get3A_546 = tpu.vector_load %arg15[%get3A_544, %get3A_545] {strides = array<i32>} : memref<128x128xi32, #tpu.memory_space<vmem>>, vector<16xi32>,
          %bitcast3A_547 = vector.bitcast %get3A_546 : vector<16xi32> to vector<32xbf16>
          %unpack3A_548 = tpu.unpack_subelements %bitcast3A_547, 0 {pack_format = #tpu.pack_format<interleaved>} : vector<32xbf16> -> vector<16xf32>
          %unpack3A_549 = tpu.unpack_subelements %bitcast3A_547, 1 {pack_format = #tpu.pack_format<interleaved>} : vector<32xbf16> -> vector<16xf32>
          %mul3A_550 = arith.mulf %gather3A_405, %unpack3A_548 : vector<16xf32>
          %mul3A_551 = arith.mulf %gather3A_405, %unpack3A_549 : vector<16xf32>
          %add3A_552 = arith.constant 12 : i32
          %add3A_553 = arith.addi %mul3A_423, %add3A_552 : i32
          %get3A_554 = arith.index_cast %add3A_553 : i32 to index
          %get3A_555 = arith.index_cast %add3A_433 : i32 to index
          %get3A_556 = tpu.vector_load %arg15[%get3A_554, %get3A_555] {strides = array<i32>} : memref<128x128xi32, #tpu.memory_space<vmem>>, vector<16xi32>,
          %bitcast3A_557 = vector.bitcast %get3A_556 : vector<16xi32> to vector<32xbf16>
          %unpack3A_558 = tpu.unpack_subelements %bitcast3A_557, 0 {pack_format = #tpu.pack_format<interleaved>} : vector<32xbf16> -> vector<16xf32>
          %unpack3A_559 = tpu.unpack_subelements %bitcast3A_557, 1 {pack_format = #tpu.pack_format<interleaved>} : vector<32xbf16> -> vector<16xf32>
          %mul3A_560 = arith.mulf %gather3A_409, %unpack3A_558 : vector<16xf32>
          %mul3A_561 = arith.mulf %gather3A_409, %unpack3A_559 : vector<16xf32>
          %add3A_562 = arith.constant 13 : i32
          %add3A_563 = arith.addi %mul3A_423, %add3A_562 : i32
          %get3A_564 = arith.index_cast %add3A_563 : i32 to index
          %get3A_565 = arith.index_cast %add3A_433 : i32 to index
          %get3A_566 = tpu.vector_load %arg15[%get3A_564, %get3A_565] {strides = array<i32>} : memref<128x128xi32, #tpu.memory_space<vmem>>, vector<16xi32>,
          %bitcast3A_567 = vector.bitcast %get3A_566 : vector<16xi32> to vector<32xbf16>
          %unpack3A_568 = tpu.unpack_subelements %bitcast3A_567, 0 {pack_format = #tpu.pack_format<interleaved>} : vector<32xbf16> -> vector<16xf32>
          %unpack3A_569 = tpu.unpack_subelements %bitcast3A_567, 1 {pack_format = #tpu.pack_format<interleaved>} : vector<32xbf16> -> vector<16xf32>
          %mul3A_570 = arith.mulf %gather3A_413, %unpack3A_568 : vector<16xf32>
          %mul3A_571 = arith.mulf %gather3A_413, %unpack3A_569 : vector<16xf32>
          %add3A_572 = arith.constant 14 : i32
          %add3A_573 = arith.addi %mul3A_423, %add3A_572 : i32
          %get3A_574 = arith.index_cast %add3A_573 : i32 to index
          %get3A_575 = arith.index_cast %add3A_433 : i32 to index
          %get3A_576 = tpu.vector_load %arg15[%get3A_574, %get3A_575] {strides = array<i32>} : memref<128x128xi32, #tpu.memory_space<vmem>>, vector<16xi32>,
          %bitcast3A_577 = vector.bitcast %get3A_576 : vector<16xi32> to vector<32xbf16>
          %unpack3A_578 = tpu.unpack_subelements %bitcast3A_577, 0 {pack_format = #tpu.pack_format<interleaved>} : vector<32xbf16> -> vector<16xf32>
          %unpack3A_579 = tpu.unpack_subelements %bitcast3A_577, 1 {pack_format = #tpu.pack_format<interleaved>} : vector<32xbf16> -> vector<16xf32>
          %mul3A_580 = arith.mulf %gather3A_417, %unpack3A_578 : vector<16xf32>
          %mul3A_581 = arith.mulf %gather3A_417, %unpack3A_579 : vector<16xf32>
          %add3A_582 = arith.constant 15 : i32
          %add3A_583 = arith.addi %mul3A_423, %add3A_582 : i32
          %get3A_584 = arith.index_cast %add3A_583 : i32 to index
          %get3A_585 = arith.index_cast %add3A_433 : i32 to index
          %get3A_586 = tpu.vector_load %arg15[%get3A_584, %get3A_585] {strides = array<i32>} : memref<128x128xi32, #tpu.memory_space<vmem>>, vector<16xi32>,
          %bitcast3A_587 = vector.bitcast %get3A_586 : vector<16xi32> to vector<32xbf16>
          %unpack3A_588 = tpu.unpack_subelements %bitcast3A_587, 0 {pack_format = #tpu.pack_format<interleaved>} : vector<32xbf16> -> vector<16xf32>
          %unpack3A_589 = tpu.unpack_subelements %bitcast3A_587, 1 {pack_format = #tpu.pack_format<interleaved>} : vector<32xbf16> -> vector<16xf32>
          %mul3A_590 = arith.mulf %gather3A_421, %unpack3A_588 : vector<16xf32>
          %mul3A_591 = arith.mulf %gather3A_421, %unpack3A_589 : vector<16xf32>
          %add3A_592 = arith.addf %mul3A_440, %mul3A_450 : vector<16xf32>
          %add3A_593 = arith.addf %mul3A_460, %mul3A_470 : vector<16xf32>
          %add3A_594 = arith.addf %mul3A_480, %mul3A_490 : vector<16xf32>
          %add3A_595 = arith.addf %mul3A_500, %mul3A_510 : vector<16xf32>
          %add3A_596 = arith.addf %mul3A_520, %mul3A_530 : vector<16xf32>
          %add3A_597 = arith.addf %mul3A_540, %mul3A_550 : vector<16xf32>
          %add3A_598 = arith.addf %mul3A_560, %mul3A_570 : vector<16xf32>
          %add3A_599 = arith.addf %mul3A_580, %mul3A_590 : vector<16xf32>
          %add3A_600 = arith.addf %mul3A_441, %mul3A_451 : vector<16xf32>
          %add3A_601 = arith.addf %mul3A_461, %mul3A_471 : vector<16xf32>
          %add3A_602 = arith.addf %mul3A_481, %mul3A_491 : vector<16xf32>
          %add3A_603 = arith.addf %mul3A_501, %mul3A_511 : vector<16xf32>
          %add3A_604 = arith.addf %mul3A_521, %mul3A_531 : vector<16xf32>
          %add3A_605 = arith.addf %mul3A_541, %mul3A_551 : vector<16xf32>
          %add3A_606 = arith.addf %mul3A_561, %mul3A_571 : vector<16xf32>
          %add3A_607 = arith.addf %mul3A_581, %mul3A_591 : vector<16xf32>
          %add3A_608 = arith.addf %add3A_592, %add3A_593 : vector<16xf32>
          %add3A_609 = arith.addf %add3A_594, %add3A_595 : vector<16xf32>
          %add3A_610 = arith.addf %add3A_596, %add3A_597 : vector<16xf32>
          %add3A_611 = arith.addf %add3A_598, %add3A_599 : vector<16xf32>
          %add3A_612 = arith.addf %add3A_600, %add3A_601 : vector<16xf32>
          %add3A_613 = arith.addf %add3A_602, %add3A_603 : vector<16xf32>
          %add3A_614 = arith.addf %add3A_604, %add3A_605 : vector<16xf32>
          %add3A_615 = arith.addf %add3A_606, %add3A_607 : vector<16xf32>
          %add3A_616 = arith.addf %add3A_608, %add3A_609 : vector<16xf32>
          %add3A_617 = arith.addf %add3A_610, %add3A_611 : vector<16xf32>
          %add3A_618 = arith.addf %add3A_612, %add3A_613 : vector<16xf32>
          %add3A_619 = arith.addf %add3A_614, %add3A_615 : vector<16xf32>
          %add3A_620 = arith.addf %add3A_616, %add3A_617 : vector<16xf32>
          %add3A_621 = arith.addf %add3A_618, %add3A_619 : vector<16xf32>
          %swap3A_622 = arith.index_cast %scan3A_327 : i32 to index
          %swap3A_623 = arith.index_cast %add3A_433 : i32 to index
          %swap3A_624 = tpu.vector_load %arg20[%swap3A_622, %swap3A_623] {strides = array<i32>} : memref<8x256xf32, #tpu.memory_space<vmem>>, vector<16xf32>,
          tpu.vector_store %arg20[%swap3A_622, %swap3A_623], %add3A_620 {strides = array<i32>} : memref<8x256xf32, #tpu.memory_space<vmem>>, vector<16xf32>,
          %add3A_625 = arith.constant 128 : i32
          %add3A_626 = arith.addi %add3A_433, %add3A_625 : i32
          %swap3A_627 = arith.index_cast %scan3A_327 : i32 to index
          %swap3A_628 = arith.index_cast %add3A_626 : i32 to index
          %swap3A_629 = tpu.vector_load %arg20[%swap3A_627, %swap3A_628] {strides = array<i32>} : memref<8x256xf32, #tpu.memory_space<vmem>>, vector<16xf32>,
          tpu.vector_store %arg20[%swap3A_627, %swap3A_628], %add3A_621 {strides = array<i32>} : memref<8x256xf32, #tpu.memory_space<vmem>>, vector<16xf32>,
          %mul3A_630 = arith.constant 16 : i32
          %mul3A_631 = arith.muli %scan3A_429, %mul3A_630 : i32
          %add3A_632 = arith.constant 64 : i32
          %add3A_633 = arith.addi %add3A_632, %mul3A_631 : i32
          %add3A_634 = arith.constant 0 : i32
          %add3A_635 = arith.addi %mul3A_423, %add3A_634 : i32
          %get3A_636 = arith.index_cast %add3A_635 : i32 to index
          %get3A_637 = arith.index_cast %add3A_633 : i32 to index
          %get3A_638 = tpu.vector_load %arg15[%get3A_636, %get3A_637] {strides = array<i32>} : memref<128x128xi32, #tpu.memory_space<vmem>>, vector<16xi32>,
          %bitcast3A_639 = vector.bitcast %get3A_638 : vector<16xi32> to vector<32xbf16>
          %unpack3A_640 = tpu.unpack_subelements %bitcast3A_639, 0 {pack_format = #tpu.pack_format<interleaved>} : vector<32xbf16> -> vector<16xf32>
          %unpack3A_641 = tpu.unpack_subelements %bitcast3A_639, 1 {pack_format = #tpu.pack_format<interleaved>} : vector<32xbf16> -> vector<16xf32>
          %mul3A_642 = arith.mulf %gather3A_361, %unpack3A_640 : vector<16xf32>
          %mul3A_643 = arith.mulf %gather3A_361, %unpack3A_641 : vector<16xf32>
          %add3A_644 = arith.constant 1 : i32
          %add3A_645 = arith.addi %mul3A_423, %add3A_644 : i32
          %get3A_646 = arith.index_cast %add3A_645 : i32 to index
          %get3A_647 = arith.index_cast %add3A_633 : i32 to index
          %get3A_648 = tpu.vector_load %arg15[%get3A_646, %get3A_647] {strides = array<i32>} : memref<128x128xi32, #tpu.memory_space<vmem>>, vector<16xi32>,
          %bitcast3A_649 = vector.bitcast %get3A_648 : vector<16xi32> to vector<32xbf16>
          %unpack3A_650 = tpu.unpack_subelements %bitcast3A_649, 0 {pack_format = #tpu.pack_format<interleaved>} : vector<32xbf16> -> vector<16xf32>
          %unpack3A_651 = tpu.unpack_subelements %bitcast3A_649, 1 {pack_format = #tpu.pack_format<interleaved>} : vector<32xbf16> -> vector<16xf32>
          %mul3A_652 = arith.mulf %gather3A_365, %unpack3A_650 : vector<16xf32>
          %mul3A_653 = arith.mulf %gather3A_365, %unpack3A_651 : vector<16xf32>
          %add3A_654 = arith.constant 2 : i32
          %add3A_655 = arith.addi %mul3A_423, %add3A_654 : i32
          %get3A_656 = arith.index_cast %add3A_655 : i32 to index
          %get3A_657 = arith.index_cast %add3A_633 : i32 to index
          %get3A_658 = tpu.vector_load %arg15[%get3A_656, %get3A_657] {strides = array<i32>} : memref<128x128xi32, #tpu.memory_space<vmem>>, vector<16xi32>,
          %bitcast3A_659 = vector.bitcast %get3A_658 : vector<16xi32> to vector<32xbf16>
          %unpack3A_660 = tpu.unpack_subelements %bitcast3A_659, 0 {pack_format = #tpu.pack_format<interleaved>} : vector<32xbf16> -> vector<16xf32>
          %unpack3A_661 = tpu.unpack_subelements %bitcast3A_659, 1 {pack_format = #tpu.pack_format<interleaved>} : vector<32xbf16> -> vector<16xf32>
          %mul3A_662 = arith.mulf %gather3A_369, %unpack3A_660 : vector<16xf32>
          %mul3A_663 = arith.mulf %gather3A_369, %unpack3A_661 : vector<16xf32>
          %add3A_664 = arith.constant 3 : i32
          %add3A_665 = arith.addi %mul3A_423, %add3A_664 : i32
          %get3A_666 = arith.index_cast %add3A_665 : i32 to index
          %get3A_667 = arith.index_cast %add3A_633 : i32 to index
          %get3A_668 = tpu.vector_load %arg15[%get3A_666, %get3A_667] {strides = array<i32>} : memref<128x128xi32, #tpu.memory_space<vmem>>, vector<16xi32>,
          %bitcast3A_669 = vector.bitcast %get3A_668 : vector<16xi32> to vector<32xbf16>
          %unpack3A_670 = tpu.unpack_subelements %bitcast3A_669, 0 {pack_format = #tpu.pack_format<interleaved>} : vector<32xbf16> -> vector<16xf32>
          %unpack3A_671 = tpu.unpack_subelements %bitcast3A_669, 1 {pack_format = #tpu.pack_format<interleaved>} : vector<32xbf16> -> vector<16xf32>
          %mul3A_672 = arith.mulf %gather3A_373, %unpack3A_670 : vector<16xf32>
          %mul3A_673 = arith.mulf %gather3A_373, %unpack3A_671 : vector<16xf32>
          %add3A_674 = arith.constant 4 : i32
          %add3A_675 = arith.addi %mul3A_423, %add3A_674 : i32
          %get3A_676 = arith.index_cast %add3A_675 : i32 to index
          %get3A_677 = arith.index_cast %add3A_633 : i32 to index
          %get3A_678 = tpu.vector_load %arg15[%get3A_676, %get3A_677] {strides = array<i32>} : memref<128x128xi32, #tpu.memory_space<vmem>>, vector<16xi32>,
          %bitcast3A_679 = vector.bitcast %get3A_678 : vector<16xi32> to vector<32xbf16>
          %unpack3A_680 = tpu.unpack_subelements %bitcast3A_679, 0 {pack_format = #tpu.pack_format<interleaved>} : vector<32xbf16> -> vector<16xf32>
          %unpack3A_681 = tpu.unpack_subelements %bitcast3A_679, 1 {pack_format = #tpu.pack_format<interleaved>} : vector<32xbf16> -> vector<16xf32>
          %mul3A_682 = arith.mulf %gather3A_377, %unpack3A_680 : vector<16xf32>
          %mul3A_683 = arith.mulf %gather3A_377, %unpack3A_681 : vector<16xf32>
          %add3A_684 = arith.constant 5 : i32
          %add3A_685 = arith.addi %mul3A_423, %add3A_684 : i32
          %get3A_686 = arith.index_cast %add3A_685 : i32 to index
          %get3A_687 = arith.index_cast %add3A_633 : i32 to index
          %get3A_688 = tpu.vector_load %arg15[%get3A_686, %get3A_687] {strides = array<i32>} : memref<128x128xi32, #tpu.memory_space<vmem>>, vector<16xi32>,
          %bitcast3A_689 = vector.bitcast %get3A_688 : vector<16xi32> to vector<32xbf16>
          %unpack3A_690 = tpu.unpack_subelements %bitcast3A_689, 0 {pack_format = #tpu.pack_format<interleaved>} : vector<32xbf16> -> vector<16xf32>
          %unpack3A_691 = tpu.unpack_subelements %bitcast3A_689, 1 {pack_format = #tpu.pack_format<interleaved>} : vector<32xbf16> -> vector<16xf32>
          %mul3A_692 = arith.mulf %gather3A_381, %unpack3A_690 : vector<16xf32>
          %mul3A_693 = arith.mulf %gather3A_381, %unpack3A_691 : vector<16xf32>
          %add3A_694 = arith.constant 6 : i32
          %add3A_695 = arith.addi %mul3A_423, %add3A_694 : i32
          %get3A_696 = arith.index_cast %add3A_695 : i32 to index
          %get3A_697 = arith.index_cast %add3A_633 : i32 to index
          %get3A_698 = tpu.vector_load %arg15[%get3A_696, %get3A_697] {strides = array<i32>} : memref<128x128xi32, #tpu.memory_space<vmem>>, vector<16xi32>,
          %bitcast3A_699 = vector.bitcast %get3A_698 : vector<16xi32> to vector<32xbf16>
          %unpack3A_700 = tpu.unpack_subelements %bitcast3A_699, 0 {pack_format = #tpu.pack_format<interleaved>} : vector<32xbf16> -> vector<16xf32>
          %unpack3A_701 = tpu.unpack_subelements %bitcast3A_699, 1 {pack_format = #tpu.pack_format<interleaved>} : vector<32xbf16> -> vector<16xf32>
          %mul3A_702 = arith.mulf %gather3A_385, %unpack3A_700 : vector<16xf32>
          %mul3A_703 = arith.mulf %gather3A_385, %unpack3A_701 : vector<16xf32>
          %add3A_704 = arith.constant 7 : i32
          %add3A_705 = arith.addi %mul3A_423, %add3A_704 : i32
          %get3A_706 = arith.index_cast %add3A_705 : i32 to index
          %get3A_707 = arith.index_cast %add3A_633 : i32 to index
          %get3A_708 = tpu.vector_load %arg15[%get3A_706, %get3A_707] {strides = array<i32>} : memref<128x128xi32, #tpu.memory_space<vmem>>, vector<16xi32>,
          %bitcast3A_709 = vector.bitcast %get3A_708 : vector<16xi32> to vector<32xbf16>
          %unpack3A_710 = tpu.unpack_subelements %bitcast3A_709, 0 {pack_format = #tpu.pack_format<interleaved>} : vector<32xbf16> -> vector<16xf32>
          %unpack3A_711 = tpu.unpack_subelements %bitcast3A_709, 1 {pack_format = #tpu.pack_format<interleaved>} : vector<32xbf16> -> vector<16xf32>
          %mul3A_712 = arith.mulf %gather3A_389, %unpack3A_710 : vector<16xf32>
          %mul3A_713 = arith.mulf %gather3A_389, %unpack3A_711 : vector<16xf32>
          %add3A_714 = arith.constant 8 : i32
          %add3A_715 = arith.addi %mul3A_423, %add3A_714 : i32
          %get3A_716 = arith.index_cast %add3A_715 : i32 to index
          %get3A_717 = arith.index_cast %add3A_633 : i32 to index
          %get3A_718 = tpu.vector_load %arg15[%get3A_716, %get3A_717] {strides = array<i32>} : memref<128x128xi32, #tpu.memory_space<vmem>>, vector<16xi32>,
          %bitcast3A_719 = vector.bitcast %get3A_718 : vector<16xi32> to vector<32xbf16>
          %unpack3A_720 = tpu.unpack_subelements %bitcast3A_719, 0 {pack_format = #tpu.pack_format<interleaved>} : vector<32xbf16> -> vector<16xf32>
          %unpack3A_721 = tpu.unpack_subelements %bitcast3A_719, 1 {pack_format = #tpu.pack_format<interleaved>} : vector<32xbf16> -> vector<16xf32>
          %mul3A_722 = arith.mulf %gather3A_393, %unpack3A_720 : vector<16xf32>
          %mul3A_723 = arith.mulf %gather3A_393, %unpack3A_721 : vector<16xf32>
          %add3A_724 = arith.constant 9 : i32
          %add3A_725 = arith.addi %mul3A_423, %add3A_724 : i32
          %get3A_726 = arith.index_cast %add3A_725 : i32 to index
          %get3A_727 = arith.index_cast %add3A_633 : i32 to index
          %get3A_728 = tpu.vector_load %arg15[%get3A_726, %get3A_727] {strides = array<i32>} : memref<128x128xi32, #tpu.memory_space<vmem>>, vector<16xi32>,
          %bitcast3A_729 = vector.bitcast %get3A_728 : vector<16xi32> to vector<32xbf16>
          %unpack3A_730 = tpu.unpack_subelements %bitcast3A_729, 0 {pack_format = #tpu.pack_format<interleaved>} : vector<32xbf16> -> vector<16xf32>
          %unpack3A_731 = tpu.unpack_subelements %bitcast3A_729, 1 {pack_format = #tpu.pack_format<interleaved>} : vector<32xbf16> -> vector<16xf32>
          %mul3A_732 = arith.mulf %gather3A_397, %unpack3A_730 : vector<16xf32>
          %mul3A_733 = arith.mulf %gather3A_397, %unpack3A_731 : vector<16xf32>
          %add3A_734 = arith.constant 10 : i32
          %add3A_735 = arith.addi %mul3A_423, %add3A_734 : i32
          %get3A_736 = arith.index_cast %add3A_735 : i32 to index
          %get3A_737 = arith.index_cast %add3A_633 : i32 to index
          %get3A_738 = tpu.vector_load %arg15[%get3A_736, %get3A_737] {strides = array<i32>} : memref<128x128xi32, #tpu.memory_space<vmem>>, vector<16xi32>,
          %bitcast3A_739 = vector.bitcast %get3A_738 : vector<16xi32> to vector<32xbf16>
          %unpack3A_740 = tpu.unpack_subelements %bitcast3A_739, 0 {pack_format = #tpu.pack_format<interleaved>} : vector<32xbf16> -> vector<16xf32>
          %unpack3A_741 = tpu.unpack_subelements %bitcast3A_739, 1 {pack_format = #tpu.pack_format<interleaved>} : vector<32xbf16> -> vector<16xf32>
          %mul3A_742 = arith.mulf %gather3A_401, %unpack3A_740 : vector<16xf32>
          %mul3A_743 = arith.mulf %gather3A_401, %unpack3A_741 : vector<16xf32>
          %add3A_744 = arith.constant 11 : i32
          %add3A_745 = arith.addi %mul3A_423, %add3A_744 : i32
          %get3A_746 = arith.index_cast %add3A_745 : i32 to index
          %get3A_747 = arith.index_cast %add3A_633 : i32 to index
          %get3A_748 = tpu.vector_load %arg15[%get3A_746, %get3A_747] {strides = array<i32>} : memref<128x128xi32, #tpu.memory_space<vmem>>, vector<16xi32>,
          %bitcast3A_749 = vector.bitcast %get3A_748 : vector<16xi32> to vector<32xbf16>
          %unpack3A_750 = tpu.unpack_subelements %bitcast3A_749, 0 {pack_format = #tpu.pack_format<interleaved>} : vector<32xbf16> -> vector<16xf32>
          %unpack3A_751 = tpu.unpack_subelements %bitcast3A_749, 1 {pack_format = #tpu.pack_format<interleaved>} : vector<32xbf16> -> vector<16xf32>
          %mul3A_752 = arith.mulf %gather3A_405, %unpack3A_750 : vector<16xf32>
          %mul3A_753 = arith.mulf %gather3A_405, %unpack3A_751 : vector<16xf32>
          %add3A_754 = arith.constant 12 : i32
          %add3A_755 = arith.addi %mul3A_423, %add3A_754 : i32
          %get3A_756 = arith.index_cast %add3A_755 : i32 to index
          %get3A_757 = arith.index_cast %add3A_633 : i32 to index
          %get3A_758 = tpu.vector_load %arg15[%get3A_756, %get3A_757] {strides = array<i32>} : memref<128x128xi32, #tpu.memory_space<vmem>>, vector<16xi32>,
          %bitcast3A_759 = vector.bitcast %get3A_758 : vector<16xi32> to vector<32xbf16>
          %unpack3A_760 = tpu.unpack_subelements %bitcast3A_759, 0 {pack_format = #tpu.pack_format<interleaved>} : vector<32xbf16> -> vector<16xf32>
          %unpack3A_761 = tpu.unpack_subelements %bitcast3A_759, 1 {pack_format = #tpu.pack_format<interleaved>} : vector<32xbf16> -> vector<16xf32>
          %mul3A_762 = arith.mulf %gather3A_409, %unpack3A_760 : vector<16xf32>
          %mul3A_763 = arith.mulf %gather3A_409, %unpack3A_761 : vector<16xf32>
          %add3A_764 = arith.constant 13 : i32
          %add3A_765 = arith.addi %mul3A_423, %add3A_764 : i32
          %get3A_766 = arith.index_cast %add3A_765 : i32 to index
          %get3A_767 = arith.index_cast %add3A_633 : i32 to index
          %get3A_768 = tpu.vector_load %arg15[%get3A_766, %get3A_767] {strides = array<i32>} : memref<128x128xi32, #tpu.memory_space<vmem>>, vector<16xi32>,
          %bitcast3A_769 = vector.bitcast %get3A_768 : vector<16xi32> to vector<32xbf16>
          %unpack3A_770 = tpu.unpack_subelements %bitcast3A_769, 0 {pack_format = #tpu.pack_format<interleaved>} : vector<32xbf16> -> vector<16xf32>
          %unpack3A_771 = tpu.unpack_subelements %bitcast3A_769, 1 {pack_format = #tpu.pack_format<interleaved>} : vector<32xbf16> -> vector<16xf32>
          %mul3A_772 = arith.mulf %gather3A_413, %unpack3A_770 : vector<16xf32>
          %mul3A_773 = arith.mulf %gather3A_413, %unpack3A_771 : vector<16xf32>
          %add3A_774 = arith.constant 14 : i32
          %add3A_775 = arith.addi %mul3A_423, %add3A_774 : i32
          %get3A_776 = arith.index_cast %add3A_775 : i32 to index
          %get3A_777 = arith.index_cast %add3A_633 : i32 to index
          %get3A_778 = tpu.vector_load %arg15[%get3A_776, %get3A_777] {strides = array<i32>} : memref<128x128xi32, #tpu.memory_space<vmem>>, vector<16xi32>,
          %bitcast3A_779 = vector.bitcast %get3A_778 : vector<16xi32> to vector<32xbf16>
          %unpack3A_780 = tpu.unpack_subelements %bitcast3A_779, 0 {pack_format = #tpu.pack_format<interleaved>} : vector<32xbf16> -> vector<16xf32>
          %unpack3A_781 = tpu.unpack_subelements %bitcast3A_779, 1 {pack_format = #tpu.pack_format<interleaved>} : vector<32xbf16> -> vector<16xf32>
          %mul3A_782 = arith.mulf %gather3A_417, %unpack3A_780 : vector<16xf32>
          %mul3A_783 = arith.mulf %gather3A_417, %unpack3A_781 : vector<16xf32>
          %add3A_784 = arith.constant 15 : i32
          %add3A_785 = arith.addi %mul3A_423, %add3A_784 : i32
          %get3A_786 = arith.index_cast %add3A_785 : i32 to index
          %get3A_787 = arith.index_cast %add3A_633 : i32 to index
          %get3A_788 = tpu.vector_load %arg15[%get3A_786, %get3A_787] {strides = array<i32>} : memref<128x128xi32, #tpu.memory_space<vmem>>, vector<16xi32>,
          %bitcast3A_789 = vector.bitcast %get3A_788 : vector<16xi32> to vector<32xbf16>
          %unpack3A_790 = tpu.unpack_subelements %bitcast3A_789, 0 {pack_format = #tpu.pack_format<interleaved>} : vector<32xbf16> -> vector<16xf32>
          %unpack3A_791 = tpu.unpack_subelements %bitcast3A_789, 1 {pack_format = #tpu.pack_format<interleaved>} : vector<32xbf16> -> vector<16xf32>
          %mul3A_792 = arith.mulf %gather3A_421, %unpack3A_790 : vector<16xf32>
          %mul3A_793 = arith.mulf %gather3A_421, %unpack3A_791 : vector<16xf32>
          %add3A_794 = arith.addf %mul3A_642, %mul3A_652 : vector<16xf32>
          %add3A_795 = arith.addf %mul3A_662, %mul3A_672 : vector<16xf32>
          %add3A_796 = arith.addf %mul3A_682, %mul3A_692 : vector<16xf32>
          %add3A_797 = arith.addf %mul3A_702, %mul3A_712 : vector<16xf32>
          %add3A_798 = arith.addf %mul3A_722, %mul3A_732 : vector<16xf32>
          %add3A_799 = arith.addf %mul3A_742, %mul3A_752 : vector<16xf32>
          %add3A_800 = arith.addf %mul3A_762, %mul3A_772 : vector<16xf32>
          %add3A_801 = arith.addf %mul3A_782, %mul3A_792 : vector<16xf32>
          %add3A_802 = arith.addf %mul3A_643, %mul3A_653 : vector<16xf32>
          %add3A_803 = arith.addf %mul3A_663, %mul3A_673 : vector<16xf32>
          %add3A_804 = arith.addf %mul3A_683, %mul3A_693 : vector<16xf32>
          %add3A_805 = arith.addf %mul3A_703, %mul3A_713 : vector<16xf32>
          %add3A_806 = arith.addf %mul3A_723, %mul3A_733 : vector<16xf32>
          %add3A_807 = arith.addf %mul3A_743, %mul3A_753 : vector<16xf32>
          %add3A_808 = arith.addf %mul3A_763, %mul3A_773 : vector<16xf32>
          %add3A_809 = arith.addf %mul3A_783, %mul3A_793 : vector<16xf32>
          %add3A_810 = arith.addf %add3A_794, %add3A_795 : vector<16xf32>
          %add3A_811 = arith.addf %add3A_796, %add3A_797 : vector<16xf32>
          %add3A_812 = arith.addf %add3A_798, %add3A_799 : vector<16xf32>
          %add3A_813 = arith.addf %add3A_800, %add3A_801 : vector<16xf32>
          %add3A_814 = arith.addf %add3A_802, %add3A_803 : vector<16xf32>
          %add3A_815 = arith.addf %add3A_804, %add3A_805 : vector<16xf32>
          %add3A_816 = arith.addf %add3A_806, %add3A_807 : vector<16xf32>
          %add3A_817 = arith.addf %add3A_808, %add3A_809 : vector<16xf32>
          %add3A_818 = arith.addf %add3A_810, %add3A_811 : vector<16xf32>
          %add3A_819 = arith.addf %add3A_812, %add3A_813 : vector<16xf32>
          %add3A_820 = arith.addf %add3A_814, %add3A_815 : vector<16xf32>
          %add3A_821 = arith.addf %add3A_816, %add3A_817 : vector<16xf32>
          %add3A_822 = arith.addf %add3A_818, %add3A_819 : vector<16xf32>
          %add3A_823 = arith.addf %add3A_820, %add3A_821 : vector<16xf32>
          %swap3A_824 = arith.index_cast %scan3A_327 : i32 to index
          %swap3A_825 = arith.index_cast %add3A_633 : i32 to index
          %swap3A_826 = tpu.vector_load %arg20[%swap3A_824, %swap3A_825] {strides = array<i32>} : memref<8x256xf32, #tpu.memory_space<vmem>>, vector<16xf32>,
          tpu.vector_store %arg20[%swap3A_824, %swap3A_825], %add3A_822 {strides = array<i32>} : memref<8x256xf32, #tpu.memory_space<vmem>>, vector<16xf32>,
          %add3A_827 = arith.constant 128 : i32
          %add3A_828 = arith.addi %add3A_633, %add3A_827 : i32
          %swap3A_829 = arith.index_cast %scan3A_327 : i32 to index
          %swap3A_830 = arith.index_cast %add3A_828 : i32 to index
          %swap3A_831 = tpu.vector_load %arg20[%swap3A_829, %swap3A_830] {strides = array<i32>} : memref<8x256xf32, #tpu.memory_space<vmem>>, vector<16xf32>,
          tpu.vector_store %arg20[%swap3A_829, %swap3A_830], %add3A_823 {strides = array<i32>} : memref<8x256xf32, #tpu.memory_space<vmem>>, vector<16xf32>,
        }
        %scan3A_428 = arith.constant 4 : i32
      }
      %scan3A_220 = arith.constant 8 : i32
      %mul3A_221 = arith.constant 8 : i32
      %mul3A_222 = arith.muli %add3A_202, %mul3A_221 : i32
      %add3A_223 = arith.addi %mul3A_2, %mul3A_222 : i32
      %dma_start3A_224 = arith.constant 0 : i32
      %dma_start3A_225 = tpu.memref_slice %arg6[%add3A_223, %dma_start3A_224] : memref<10240x256xf32, #tpu.memory_space<hbm>> -> memref<8x256xf32, #tpu.memory_space<hbm>>
      %dma_start3A_226 = arith.constant 0 : i32
      %dma_start3A_227 = tpu.memref_slice %arg6[%add3A_223, %dma_start3A_226] : memref<10240x256xf32, #tpu.memory_space<hbm>> -> memref<8x256xf32, #tpu.memory_space<hbm>>
      tpu.enqueue_dma source(%arg20 : memref<8x256xf32, #tpu.memory_space<vmem>>) target(%dma_start3A_227 : memref<8x256xf32, #tpu.memory_space<hbm>>) target_semaphore(%arg26 : memref<!tpu.dma_semaphore, #tpu.memory_space<semaphore_mem>>)
      %mul3A_228 = arith.constant 4 : i32
      %mul3A_229 = arith.muli %scan3A_198, %mul3A_228 : i32
      %add3A_230 = arith.constant 1 : i32
      %add3A_231 = arith.addi %mul3A_229, %add3A_230 : i32
      %dma_wait3A_232 = arith.constant 0 : i32
      %dma_wait3A_233 = arith.constant 0 : i32
      %dma_wait3A_234 = tpu.memref_slice %arg2[%dma_wait3A_232, %dma_wait3A_233] : memref<10000x128xi32, #tpu.memory_space<hbm>> -> memref<10000x128xi32, #tpu.memory_space<hbm>>
      tpu.wait_indirect_dma semaphore(%arg23 : memref<!tpu.dma_semaphore, #tpu.memory_space<semaphore_mem>>) src(%dma_wait3A_234 : memref<10000x128xi32, #tpu.memory_space<hbm>>) dst(%arg16 : memref<128x128xi32, #tpu.memory_space<vmem>>)
      %add3A_235 = arith.constant 3 : i32
      %add3A_236 = arith.addi %add3A_231, %add3A_235 : i32
      %lt3A_237 = arith.constant 40 : i32
      %lt3A_238 = arith.cmpi slt, %add3A_236, %lt3A_237 : i32
      %convert_element_type3A_239 = arith.extui %lt3A_238 : i1 to i32
      %cond3A_240 = arith.constant 0 : i32
      %cond3A_241 = arith.cmpi ne, %convert_element_type3A_239, %cond3A_240 : i32
      scf.if %cond3A_241 {
        %mul3A_327 = arith.constant 128 : i32
        %mul3A_328 = arith.muli %add3A_236, %mul3A_327 : i32
        %add3A_329 = arith.constant 0 : i32
        %add3A_330 = arith.addi %mul3A_328, %add3A_329 : i32
        %get3A_331 = arith.index_cast %add3A_330 : i32 to index
        %get3A_332 = tpu.vector_load %arg8[%get3A_331] {strides = array<i32>} : memref<5120xi32, #tpu.memory_space<vmem>>, vector<16xi32>,
        %max3A_333 = arith.constant 0 : i32
        %max3A_334 = vector.broadcast %max3A_333 : i32 to vector<16xi32>
        %max3A_335 = arith.maxsi %get3A_332, %max3A_334 : vector<16xi32>
        %swap3A_336 = arith.constant 0 : index
        %swap3A_337 = tpu.vector_load %arg11[%swap3A_336] {strides = array<i32>} : memref<128xi32, #tpu.memory_space<vmem>>, vector<16xi32>,
        tpu.vector_store %arg11[%swap3A_336], %max3A_335 {strides = array<i32>} : memref<128xi32, #tpu.memory_space<vmem>>, vector<16xi32>,
        %add3A_338 = arith.constant 16 : i32
        %add3A_339 = arith.addi %mul3A_328, %add3A_338 : i32
        %get3A_340 = arith.index_cast %add3A_339 : i32 to index
        %get3A_341 = tpu.vector_load %arg8[%get3A_340] {strides = array<i32>} : memref<5120xi32, #tpu.memory_space<vmem>>, vector<16xi32>,
        %max3A_342 = arith.constant 0 : i32
        %max3A_343 = vector.broadcast %max3A_342 : i32 to vector<16xi32>
        %max3A_344 = arith.maxsi %get3A_341, %max3A_343 : vector<16xi32>
        %swap3A_345 = arith.constant 16 : index
        %swap3A_346 = tpu.vector_load %arg11[%swap3A_345] {strides = array<i32>} : memref<128xi32, #tpu.memory_space<vmem>>, vector<16xi32>,
        tpu.vector_store %arg11[%swap3A_345], %max3A_344 {strides = array<i32>} : memref<128xi32, #tpu.memory_space<vmem>>, vector<16xi32>,
        %add3A_347 = arith.constant 32 : i32
        %add3A_348 = arith.addi %mul3A_328, %add3A_347 : i32
        %get3A_349 = arith.index_cast %add3A_348 : i32 to index
        %get3A_350 = tpu.vector_load %arg8[%get3A_349] {strides = array<i32>} : memref<5120xi32, #tpu.memory_space<vmem>>, vector<16xi32>,
        %max3A_351 = arith.constant 0 : i32
        %max3A_352 = vector.broadcast %max3A_351 : i32 to vector<16xi32>
        %max3A_353 = arith.maxsi %get3A_350, %max3A_352 : vector<16xi32>
        %swap3A_354 = arith.constant 32 : index
        %swap3A_355 = tpu.vector_load %arg11[%swap3A_354] {strides = array<i32>} : memref<128xi32, #tpu.memory_space<vmem>>, vector<16xi32>,
        tpu.vector_store %arg11[%swap3A_354], %max3A_353 {strides = array<i32>} : memref<128xi32, #tpu.memory_space<vmem>>, vector<16xi32>,
        %add3A_356 = arith.constant 48 : i32
        %add3A_357 = arith.addi %mul3A_328, %add3A_356 : i32
        %get3A_358 = arith.index_cast %add3A_357 : i32 to index
        %get3A_359 = tpu.vector_load %arg8[%get3A_358] {strides = array<i32>} : memref<5120xi32, #tpu.memory_space<vmem>>, vector<16xi32>,
        %max3A_360 = arith.constant 0 : i32
        %max3A_361 = vector.broadcast %max3A_360 : i32 to vector<16xi32>
        %max3A_362 = arith.maxsi %get3A_359, %max3A_361 : vector<16xi32>
        %swap3A_363 = arith.constant 48 : index
        %swap3A_364 = tpu.vector_load %arg11[%swap3A_363] {strides = array<i32>} : memref<128xi32, #tpu.memory_space<vmem>>, vector<16xi32>,
        tpu.vector_store %arg11[%swap3A_363], %max3A_362 {strides = array<i32>} : memref<128xi32, #tpu.memory_space<vmem>>, vector<16xi32>,
        %add3A_365 = arith.constant 64 : i32
        %add3A_366 = arith.addi %mul3A_328, %add3A_365 : i32
        %get3A_367 = arith.index_cast %add3A_366 : i32 to index
        %get3A_368 = tpu.vector_load %arg8[%get3A_367] {strides = array<i32>} : memref<5120xi32, #tpu.memory_space<vmem>>, vector<16xi32>,
        %max3A_369 = arith.constant 0 : i32
        %max3A_370 = vector.broadcast %max3A_369 : i32 to vector<16xi32>
        %max3A_371 = arith.maxsi %get3A_368, %max3A_370 : vector<16xi32>
        %swap3A_372 = arith.constant 64 : index
        %swap3A_373 = tpu.vector_load %arg11[%swap3A_372] {strides = array<i32>} : memref<128xi32, #tpu.memory_space<vmem>>, vector<16xi32>,
        tpu.vector_store %arg11[%swap3A_372], %max3A_371 {strides = array<i32>} : memref<128xi32, #tpu.memory_space<vmem>>, vector<16xi32>,
        %add3A_374 = arith.constant 80 : i32
        %add3A_375 = arith.addi %mul3A_328, %add3A_374 : i32
        %get3A_376 = arith.index_cast %add3A_375 : i32 to index
        %get3A_377 = tpu.vector_load %arg8[%get3A_376] {strides = array<i32>} : memref<5120xi32, #tpu.memory_space<vmem>>, vector<16xi32>,
        %max3A_378 = arith.constant 0 : i32
        %max3A_379 = vector.broadcast %max3A_378 : i32 to vector<16xi32>
        %max3A_380 = arith.maxsi %get3A_377, %max3A_379 : vector<16xi32>
        %swap3A_381 = arith.constant 80 : index
        %swap3A_382 = tpu.vector_load %arg11[%swap3A_381] {strides = array<i32>} : memref<128xi32, #tpu.memory_space<vmem>>, vector<16xi32>,
        tpu.vector_store %arg11[%swap3A_381], %max3A_380 {strides = array<i32>} : memref<128xi32, #tpu.memory_space<vmem>>, vector<16xi32>,
        %add3A_383 = arith.constant 96 : i32
        %add3A_384 = arith.addi %mul3A_328, %add3A_383 : i32
        %get3A_385 = arith.index_cast %add3A_384 : i32 to index
        %get3A_386 = tpu.vector_load %arg8[%get3A_385] {strides = array<i32>} : memref<5120xi32, #tpu.memory_space<vmem>>, vector<16xi32>,
        %max3A_387 = arith.constant 0 : i32
        %max3A_388 = vector.broadcast %max3A_387 : i32 to vector<16xi32>
        %max3A_389 = arith.maxsi %get3A_386, %max3A_388 : vector<16xi32>
        %swap3A_390 = arith.constant 96 : index
        %swap3A_391 = tpu.vector_load %arg11[%swap3A_390] {strides = array<i32>} : memref<128xi32, #tpu.memory_space<vmem>>, vector<16xi32>,
        tpu.vector_store %arg11[%swap3A_390], %max3A_389 {strides = array<i32>} : memref<128xi32, #tpu.memory_space<vmem>>, vector<16xi32>,
        %add3A_392 = arith.constant 112 : i32
        %add3A_393 = arith.addi %mul3A_328, %add3A_392 : i32
        %get3A_394 = arith.index_cast %add3A_393 : i32 to index
        %get3A_395 = tpu.vector_load %arg8[%get3A_394] {strides = array<i32>} : memref<5120xi32, #tpu.memory_space<vmem>>, vector<16xi32>,
        %max3A_396 = arith.constant 0 : i32
        %max3A_397 = vector.broadcast %max3A_396 : i32 to vector<16xi32>
        %max3A_398 = arith.maxsi %get3A_395, %max3A_397 : vector<16xi32>
        %swap3A_399 = arith.constant 112 : index
        %swap3A_400 = tpu.vector_load %arg11[%swap3A_399] {strides = array<i32>} : memref<128xi32, #tpu.memory_space<vmem>>, vector<16xi32>,
        tpu.vector_store %arg11[%swap3A_399], %max3A_398 {strides = array<i32>} : memref<128xi32, #tpu.memory_space<vmem>>, vector<16xi32>,
        %dma_start3A_401 = arith.constant 0 : i32
        %dma_start3A_402 = arith.constant 0 : i32
        %dma_start3A_403 = tpu.memref_slice %arg2[%dma_start3A_401, %dma_start3A_402] : memref<10000x128xi32, #tpu.memory_space<hbm>> -> memref<10000x128xi32, #tpu.memory_space<hbm>>
        tpu.enqueue_indirect_dma source(%dma_start3A_403 : memref<10000x128xi32, #tpu.memory_space<hbm>>) target(%arg15 : memref<128x128xi32, #tpu.memory_space<vmem>>) offsets(%arg11 : memref<128xi32, #tpu.memory_space<vmem>>) semaphore(%arg22 : memref<!tpu.dma_semaphore, #tpu.memory_space<semaphore_mem>>)
      } else {
      }
      %mul3A_242 = arith.constant 128 : i32
      %mul3A_243 = arith.muli %add3A_231, %mul3A_242 : i32
      %ge3A_244 = arith.constant 2 : i32
      %ge3A_245 = arith.cmpi sge, %add3A_231, %ge3A_244 : i32
      %convert_element_type3A_246 = arith.extui %ge3A_245 : i1 to i32
      %cond3A_247 = arith.constant 0 : i32
      %cond3A_248 = arith.cmpi ne, %convert_element_type3A_246, %cond3A_247 : i32
      scf.if %cond3A_248 {
        %dma_wait3A_327 = arith.constant 0 : i32
        %dma_wait3A_328 = arith.constant 0 : i32
        %dma_wait3A_329 = tpu.memref_slice %arg6[%dma_wait3A_327, %dma_wait3A_328] : memref<10240x256xf32, #tpu.memory_space<hbm>> -> memref<8x256xf32, #tpu.memory_space<hbm>>
        %dma_wait3A_330 = arith.constant 0 : i32
        %dma_wait3A_331 = arith.constant 0 : i32
        %dma_wait3A_332 = tpu.memref_slice %arg6[%dma_wait3A_330, %dma_wait3A_331] : memref<10240x256xf32, #tpu.memory_space<hbm>> -> memref<8x256xf32, #tpu.memory_space<hbm>>
        tpu.wait_dma2 semaphore(%arg27 : memref<!tpu.dma_semaphore, #tpu.memory_space<semaphore_mem>>) src(%arg21 : memref<8x256xf32, #tpu.memory_space<vmem>>) dst(%dma_wait3A_332 : memref<8x256xf32, #tpu.memory_space<hbm>>)
      } else {
      }
      %scan3A_249 = arith.constant 0 : i32
      %scan3A_250 = arith.constant 8 : i32
      %scan3A_251 = arith.addi %scan3A_249, %scan3A_250 : i32
      %scan3A_252 = arith.constant 1 : i32
      scf.for %scan3A_327 = %scan3A_249 to %scan3A_251 step %scan3A_252  : i32 {
        %mul3A_328 = arith.constant 16 : i32
        %mul3A_329 = arith.muli %scan3A_327, %mul3A_328 : i32
        %add3A_330 = arith.addi %mul3A_243, %mul3A_329 : i32
        %get3A_331 = arith.index_cast %add3A_330 : i32 to index
        %get3A_332 = tpu.vector_load %arg8[%get3A_331] {strides = array<i32>} : memref<5120xi32, #tpu.memory_space<vmem>>, vector<16xi32>,
        %ge3A_333 = arith.constant 0 : i32
        %ge3A_334 = vector.broadcast %ge3A_333 : i32 to vector<16xi32>
        %ge3A_335 = arith.cmpi sge, %get3A_332, %ge3A_334 : vector<16xi32>
        %max3A_336 = arith.constant 0 : i32
        %max3A_337 = vector.broadcast %max3A_336 : i32 to vector<16xi32>
        %max3A_338 = arith.maxsi %get3A_332, %max3A_337 : vector<16xi32>
        %gather3A = tpu.vector_load_idx %arg10[%max3A_338] : memref<10240xf32, #tpu.memory_space<vmem>>[vector<16xi32>], vector<16xf32>,
        %get3A_339 = arith.index_cast %add3A_330 : i32 to index
        %get3A_340 = tpu.vector_load %arg9[%get3A_339] {strides = array<i32>} : memref<5120xf32, #tpu.memory_space<vmem>>, vector<16xf32>,
        %add3A_341 = arith.addf %get3A_340, %gather3A : vector<16xf32>
        %jit3A = arith.constant -1.000000e+09 : f32
        %broadcast_in_dim3A_342 = vector.broadcast %jit3A : f32 to vector<16xf32>
        %select_n3A = arith.select %ge3A_335, %add3A_341, %broadcast_in_dim3A_342 : vector<16xi1>, vector<16xf32>
        %reduce_max3A = arith.constant true
        %reduce_max3A_343 = vector.broadcast %reduce_max3A : i1 to vector<16xi1>
        %reduce_max3A_344 = tpu.scan <max>, %select_n3A masked %reduce_max3A_343 : vector<16xf32>, vector<16xi1> -> vector<16xf32>
        %reduce_max3A_345 = vector.extract %reduce_max3A_344[15] : f32 from vector<16xf32>
        %sub3A = vector.broadcast %reduce_max3A_345 : f32 to vector<16xf32>
        %sub3A_346 = arith.subf %select_n3A, %sub3A : vector<16xf32>
        %exp3A = math.exp %sub3A_346 : vector<16xf32>
        %reduce_sum3A = arith.constant true
        %reduce_sum3A_347 = vector.broadcast %reduce_sum3A : i1 to vector<16xi1>
        %reduce_sum3A_348 = tpu.scan <sum>, %exp3A masked %reduce_sum3A_347 : vector<16xf32>, vector<16xi1> -> vector<16xf32>
        %reduce_sum3A_349 = vector.extract %reduce_sum3A_348[15] : f32 from vector<16xf32>
        %div3A = vector.broadcast %reduce_sum3A_349 : f32 to vector<16xf32>
        %div3A_350 = arith.divf %exp3A, %div3A : vector<16xf32>
        %jit3A_351 = arith.constant 0.000000e+00 : f32
        %broadcast_in_dim3A_352 = vector.broadcast %jit3A_351 : f32 to vector<16xf32>
        %select_n3A_353 = arith.select %ge3A_335, %div3A_350, %broadcast_in_dim3A_352 : vector<16xi1>, vector<16xf32>
        %swap3A_354 = arith.index_cast %add3A_330 : i32 to index
        %swap3A_355 = tpu.vector_load %arg19[%swap3A_354] {strides = array<i32>} : memref<5120xf32, #tpu.memory_space<vmem>>, vector<16xf32>,
        tpu.vector_store %arg19[%swap3A_354], %select_n3A_353 {strides = array<i32>} : memref<5120xf32, #tpu.memory_space<vmem>>, vector<16xf32>,
        %add3A_356 = vector.broadcast %add3A_330 : i32 to vector<16xi32>
        %add3A_357 = arith.addi %broadcast_in_dim3A_7, %add3A_356 : vector<16xi32>
        %add3A_358 = arith.constant 0 : i32
        %add3A_359 = vector.broadcast %add3A_358 : i32 to vector<16xi32>
        %add3A_360 = arith.addi %add3A_357, %add3A_359 : vector<16xi32>
        %gather3A_361 = tpu.vector_load_idx %arg19[%add3A_360] : memref<5120xf32, #tpu.memory_space<vmem>>[vector<16xi32>], vector<16xf32>,
        %add3A_362 = arith.constant 1 : i32
        %add3A_363 = vector.broadcast %add3A_362 : i32 to vector<16xi32>
        %add3A_364 = arith.addi %add3A_357, %add3A_363 : vector<16xi32>
        %gather3A_365 = tpu.vector_load_idx %arg19[%add3A_364] : memref<5120xf32, #tpu.memory_space<vmem>>[vector<16xi32>], vector<16xf32>,
        %add3A_366 = arith.constant 2 : i32
        %add3A_367 = vector.broadcast %add3A_366 : i32 to vector<16xi32>
        %add3A_368 = arith.addi %add3A_357, %add3A_367 : vector<16xi32>
        %gather3A_369 = tpu.vector_load_idx %arg19[%add3A_368] : memref<5120xf32, #tpu.memory_space<vmem>>[vector<16xi32>], vector<16xf32>,
        %add3A_370 = arith.constant 3 : i32
        %add3A_371 = vector.broadcast %add3A_370 : i32 to vector<16xi32>
        %add3A_372 = arith.addi %add3A_357, %add3A_371 : vector<16xi32>
        %gather3A_373 = tpu.vector_load_idx %arg19[%add3A_372] : memref<5120xf32, #tpu.memory_space<vmem>>[vector<16xi32>], vector<16xf32>,
        %add3A_374 = arith.constant 4 : i32
        %add3A_375 = vector.broadcast %add3A_374 : i32 to vector<16xi32>
        %add3A_376 = arith.addi %add3A_357, %add3A_375 : vector<16xi32>
        %gather3A_377 = tpu.vector_load_idx %arg19[%add3A_376] : memref<5120xf32, #tpu.memory_space<vmem>>[vector<16xi32>], vector<16xf32>,
        %add3A_378 = arith.constant 5 : i32
        %add3A_379 = vector.broadcast %add3A_378 : i32 to vector<16xi32>
        %add3A_380 = arith.addi %add3A_357, %add3A_379 : vector<16xi32>
        %gather3A_381 = tpu.vector_load_idx %arg19[%add3A_380] : memref<5120xf32, #tpu.memory_space<vmem>>[vector<16xi32>], vector<16xf32>,
        %add3A_382 = arith.constant 6 : i32
        %add3A_383 = vector.broadcast %add3A_382 : i32 to vector<16xi32>
        %add3A_384 = arith.addi %add3A_357, %add3A_383 : vector<16xi32>
        %gather3A_385 = tpu.vector_load_idx %arg19[%add3A_384] : memref<5120xf32, #tpu.memory_space<vmem>>[vector<16xi32>], vector<16xf32>,
        %add3A_386 = arith.constant 7 : i32
        %add3A_387 = vector.broadcast %add3A_386 : i32 to vector<16xi32>
        %add3A_388 = arith.addi %add3A_357, %add3A_387 : vector<16xi32>
        %gather3A_389 = tpu.vector_load_idx %arg19[%add3A_388] : memref<5120xf32, #tpu.memory_space<vmem>>[vector<16xi32>], vector<16xf32>,
        %add3A_390 = arith.constant 8 : i32
        %add3A_391 = vector.broadcast %add3A_390 : i32 to vector<16xi32>
        %add3A_392 = arith.addi %add3A_357, %add3A_391 : vector<16xi32>
        %gather3A_393 = tpu.vector_load_idx %arg19[%add3A_392] : memref<5120xf32, #tpu.memory_space<vmem>>[vector<16xi32>], vector<16xf32>,
        %add3A_394 = arith.constant 9 : i32
        %add3A_395 = vector.broadcast %add3A_394 : i32 to vector<16xi32>
        %add3A_396 = arith.addi %add3A_357, %add3A_395 : vector<16xi32>
        %gather3A_397 = tpu.vector_load_idx %arg19[%add3A_396] : memref<5120xf32, #tpu.memory_space<vmem>>[vector<16xi32>], vector<16xf32>,
        %add3A_398 = arith.constant 10 : i32
        %add3A_399 = vector.broadcast %add3A_398 : i32 to vector<16xi32>
        %add3A_400 = arith.addi %add3A_357, %add3A_399 : vector<16xi32>
        %gather3A_401 = tpu.vector_load_idx %arg19[%add3A_400] : memref<5120xf32, #tpu.memory_space<vmem>>[vector<16xi32>], vector<16xf32>,
        %add3A_402 = arith.constant 11 : i32
        %add3A_403 = vector.broadcast %add3A_402 : i32 to vector<16xi32>
        %add3A_404 = arith.addi %add3A_357, %add3A_403 : vector<16xi32>
        %gather3A_405 = tpu.vector_load_idx %arg19[%add3A_404] : memref<5120xf32, #tpu.memory_space<vmem>>[vector<16xi32>], vector<16xf32>,
        %add3A_406 = arith.constant 12 : i32
        %add3A_407 = vector.broadcast %add3A_406 : i32 to vector<16xi32>
        %add3A_408 = arith.addi %add3A_357, %add3A_407 : vector<16xi32>
        %gather3A_409 = tpu.vector_load_idx %arg19[%add3A_408] : memref<5120xf32, #tpu.memory_space<vmem>>[vector<16xi32>], vector<16xf32>,
        %add3A_410 = arith.constant 13 : i32
        %add3A_411 = vector.broadcast %add3A_410 : i32 to vector<16xi32>
        %add3A_412 = arith.addi %add3A_357, %add3A_411 : vector<16xi32>
        %gather3A_413 = tpu.vector_load_idx %arg19[%add3A_412] : memref<5120xf32, #tpu.memory_space<vmem>>[vector<16xi32>], vector<16xf32>,
        %add3A_414 = arith.constant 14 : i32
        %add3A_415 = vector.broadcast %add3A_414 : i32 to vector<16xi32>
        %add3A_416 = arith.addi %add3A_357, %add3A_415 : vector<16xi32>
        %gather3A_417 = tpu.vector_load_idx %arg19[%add3A_416] : memref<5120xf32, #tpu.memory_space<vmem>>[vector<16xi32>], vector<16xf32>,
        %add3A_418 = arith.constant 15 : i32
        %add3A_419 = vector.broadcast %add3A_418 : i32 to vector<16xi32>
        %add3A_420 = arith.addi %add3A_357, %add3A_419 : vector<16xi32>
        %gather3A_421 = tpu.vector_load_idx %arg19[%add3A_420] : memref<5120xf32, #tpu.memory_space<vmem>>[vector<16xi32>], vector<16xf32>,
        %mul3A_422 = arith.constant 16 : i32
        %mul3A_423 = arith.muli %scan3A_327, %mul3A_422 : i32
        %scan3A_424 = arith.constant 0 : i32
        %scan3A_425 = arith.constant 4 : i32
        %scan3A_426 = arith.addi %scan3A_424, %scan3A_425 : i32
        %scan3A_427 = arith.constant 1 : i32
        scf.for %scan3A_429 = %scan3A_424 to %scan3A_426 step %scan3A_427  : i32 {
          %mul3A_430 = arith.constant 16 : i32
          %mul3A_431 = arith.muli %scan3A_429, %mul3A_430 : i32
          %add3A_432 = arith.constant 0 : i32
          %add3A_433 = arith.addi %add3A_432, %mul3A_431 : i32
          %add3A_434 = arith.constant 0 : i32
          %add3A_435 = arith.addi %mul3A_423, %add3A_434 : i32
          %get3A_436 = arith.index_cast %add3A_435 : i32 to index
          %get3A_437 = arith.index_cast %add3A_433 : i32 to index
          %get3A_438 = tpu.vector_load %arg16[%get3A_436, %get3A_437] {strides = array<i32>} : memref<128x128xi32, #tpu.memory_space<vmem>>, vector<16xi32>,
          %bitcast3A = vector.bitcast %get3A_438 : vector<16xi32> to vector<32xbf16>
          %unpack3A = tpu.unpack_subelements %bitcast3A, 0 {pack_format = #tpu.pack_format<interleaved>} : vector<32xbf16> -> vector<16xf32>
          %unpack3A_439 = tpu.unpack_subelements %bitcast3A, 1 {pack_format = #tpu.pack_format<interleaved>} : vector<32xbf16> -> vector<16xf32>
          %mul3A_440 = arith.mulf %gather3A_361, %unpack3A : vector<16xf32>
          %mul3A_441 = arith.mulf %gather3A_361, %unpack3A_439 : vector<16xf32>
          %add3A_442 = arith.constant 1 : i32
          %add3A_443 = arith.addi %mul3A_423, %add3A_442 : i32
          %get3A_444 = arith.index_cast %add3A_443 : i32 to index
          %get3A_445 = arith.index_cast %add3A_433 : i32 to index
          %get3A_446 = tpu.vector_load %arg16[%get3A_444, %get3A_445] {strides = array<i32>} : memref<128x128xi32, #tpu.memory_space<vmem>>, vector<16xi32>,
          %bitcast3A_447 = vector.bitcast %get3A_446 : vector<16xi32> to vector<32xbf16>
          %unpack3A_448 = tpu.unpack_subelements %bitcast3A_447, 0 {pack_format = #tpu.pack_format<interleaved>} : vector<32xbf16> -> vector<16xf32>
          %unpack3A_449 = tpu.unpack_subelements %bitcast3A_447, 1 {pack_format = #tpu.pack_format<interleaved>} : vector<32xbf16> -> vector<16xf32>
          %mul3A_450 = arith.mulf %gather3A_365, %unpack3A_448 : vector<16xf32>
          %mul3A_451 = arith.mulf %gather3A_365, %unpack3A_449 : vector<16xf32>
          %add3A_452 = arith.constant 2 : i32
          %add3A_453 = arith.addi %mul3A_423, %add3A_452 : i32
          %get3A_454 = arith.index_cast %add3A_453 : i32 to index
          %get3A_455 = arith.index_cast %add3A_433 : i32 to index
          %get3A_456 = tpu.vector_load %arg16[%get3A_454, %get3A_455] {strides = array<i32>} : memref<128x128xi32, #tpu.memory_space<vmem>>, vector<16xi32>,
          %bitcast3A_457 = vector.bitcast %get3A_456 : vector<16xi32> to vector<32xbf16>
          %unpack3A_458 = tpu.unpack_subelements %bitcast3A_457, 0 {pack_format = #tpu.pack_format<interleaved>} : vector<32xbf16> -> vector<16xf32>
          %unpack3A_459 = tpu.unpack_subelements %bitcast3A_457, 1 {pack_format = #tpu.pack_format<interleaved>} : vector<32xbf16> -> vector<16xf32>
          %mul3A_460 = arith.mulf %gather3A_369, %unpack3A_458 : vector<16xf32>
          %mul3A_461 = arith.mulf %gather3A_369, %unpack3A_459 : vector<16xf32>
          %add3A_462 = arith.constant 3 : i32
          %add3A_463 = arith.addi %mul3A_423, %add3A_462 : i32
          %get3A_464 = arith.index_cast %add3A_463 : i32 to index
          %get3A_465 = arith.index_cast %add3A_433 : i32 to index
          %get3A_466 = tpu.vector_load %arg16[%get3A_464, %get3A_465] {strides = array<i32>} : memref<128x128xi32, #tpu.memory_space<vmem>>, vector<16xi32>,
          %bitcast3A_467 = vector.bitcast %get3A_466 : vector<16xi32> to vector<32xbf16>
          %unpack3A_468 = tpu.unpack_subelements %bitcast3A_467, 0 {pack_format = #tpu.pack_format<interleaved>} : vector<32xbf16> -> vector<16xf32>
          %unpack3A_469 = tpu.unpack_subelements %bitcast3A_467, 1 {pack_format = #tpu.pack_format<interleaved>} : vector<32xbf16> -> vector<16xf32>
          %mul3A_470 = arith.mulf %gather3A_373, %unpack3A_468 : vector<16xf32>
          %mul3A_471 = arith.mulf %gather3A_373, %unpack3A_469 : vector<16xf32>
          %add3A_472 = arith.constant 4 : i32
          %add3A_473 = arith.addi %mul3A_423, %add3A_472 : i32
          %get3A_474 = arith.index_cast %add3A_473 : i32 to index
          %get3A_475 = arith.index_cast %add3A_433 : i32 to index
          %get3A_476 = tpu.vector_load %arg16[%get3A_474, %get3A_475] {strides = array<i32>} : memref<128x128xi32, #tpu.memory_space<vmem>>, vector<16xi32>,
          %bitcast3A_477 = vector.bitcast %get3A_476 : vector<16xi32> to vector<32xbf16>
          %unpack3A_478 = tpu.unpack_subelements %bitcast3A_477, 0 {pack_format = #tpu.pack_format<interleaved>} : vector<32xbf16> -> vector<16xf32>
          %unpack3A_479 = tpu.unpack_subelements %bitcast3A_477, 1 {pack_format = #tpu.pack_format<interleaved>} : vector<32xbf16> -> vector<16xf32>
          %mul3A_480 = arith.mulf %gather3A_377, %unpack3A_478 : vector<16xf32>
          %mul3A_481 = arith.mulf %gather3A_377, %unpack3A_479 : vector<16xf32>
          %add3A_482 = arith.constant 5 : i32
          %add3A_483 = arith.addi %mul3A_423, %add3A_482 : i32
          %get3A_484 = arith.index_cast %add3A_483 : i32 to index
          %get3A_485 = arith.index_cast %add3A_433 : i32 to index
          %get3A_486 = tpu.vector_load %arg16[%get3A_484, %get3A_485] {strides = array<i32>} : memref<128x128xi32, #tpu.memory_space<vmem>>, vector<16xi32>,
          %bitcast3A_487 = vector.bitcast %get3A_486 : vector<16xi32> to vector<32xbf16>
          %unpack3A_488 = tpu.unpack_subelements %bitcast3A_487, 0 {pack_format = #tpu.pack_format<interleaved>} : vector<32xbf16> -> vector<16xf32>
          %unpack3A_489 = tpu.unpack_subelements %bitcast3A_487, 1 {pack_format = #tpu.pack_format<interleaved>} : vector<32xbf16> -> vector<16xf32>
          %mul3A_490 = arith.mulf %gather3A_381, %unpack3A_488 : vector<16xf32>
          %mul3A_491 = arith.mulf %gather3A_381, %unpack3A_489 : vector<16xf32>
          %add3A_492 = arith.constant 6 : i32
          %add3A_493 = arith.addi %mul3A_423, %add3A_492 : i32
          %get3A_494 = arith.index_cast %add3A_493 : i32 to index
          %get3A_495 = arith.index_cast %add3A_433 : i32 to index
          %get3A_496 = tpu.vector_load %arg16[%get3A_494, %get3A_495] {strides = array<i32>} : memref<128x128xi32, #tpu.memory_space<vmem>>, vector<16xi32>,
          %bitcast3A_497 = vector.bitcast %get3A_496 : vector<16xi32> to vector<32xbf16>
          %unpack3A_498 = tpu.unpack_subelements %bitcast3A_497, 0 {pack_format = #tpu.pack_format<interleaved>} : vector<32xbf16> -> vector<16xf32>
          %unpack3A_499 = tpu.unpack_subelements %bitcast3A_497, 1 {pack_format = #tpu.pack_format<interleaved>} : vector<32xbf16> -> vector<16xf32>
          %mul3A_500 = arith.mulf %gather3A_385, %unpack3A_498 : vector<16xf32>
          %mul3A_501 = arith.mulf %gather3A_385, %unpack3A_499 : vector<16xf32>
          %add3A_502 = arith.constant 7 : i32
          %add3A_503 = arith.addi %mul3A_423, %add3A_502 : i32
          %get3A_504 = arith.index_cast %add3A_503 : i32 to index
          %get3A_505 = arith.index_cast %add3A_433 : i32 to index
          %get3A_506 = tpu.vector_load %arg16[%get3A_504, %get3A_505] {strides = array<i32>} : memref<128x128xi32, #tpu.memory_space<vmem>>, vector<16xi32>,
          %bitcast3A_507 = vector.bitcast %get3A_506 : vector<16xi32> to vector<32xbf16>
          %unpack3A_508 = tpu.unpack_subelements %bitcast3A_507, 0 {pack_format = #tpu.pack_format<interleaved>} : vector<32xbf16> -> vector<16xf32>
          %unpack3A_509 = tpu.unpack_subelements %bitcast3A_507, 1 {pack_format = #tpu.pack_format<interleaved>} : vector<32xbf16> -> vector<16xf32>
          %mul3A_510 = arith.mulf %gather3A_389, %unpack3A_508 : vector<16xf32>
          %mul3A_511 = arith.mulf %gather3A_389, %unpack3A_509 : vector<16xf32>
          %add3A_512 = arith.constant 8 : i32
          %add3A_513 = arith.addi %mul3A_423, %add3A_512 : i32
          %get3A_514 = arith.index_cast %add3A_513 : i32 to index
          %get3A_515 = arith.index_cast %add3A_433 : i32 to index
          %get3A_516 = tpu.vector_load %arg16[%get3A_514, %get3A_515] {strides = array<i32>} : memref<128x128xi32, #tpu.memory_space<vmem>>, vector<16xi32>,
          %bitcast3A_517 = vector.bitcast %get3A_516 : vector<16xi32> to vector<32xbf16>
          %unpack3A_518 = tpu.unpack_subelements %bitcast3A_517, 0 {pack_format = #tpu.pack_format<interleaved>} : vector<32xbf16> -> vector<16xf32>
          %unpack3A_519 = tpu.unpack_subelements %bitcast3A_517, 1 {pack_format = #tpu.pack_format<interleaved>} : vector<32xbf16> -> vector<16xf32>
          %mul3A_520 = arith.mulf %gather3A_393, %unpack3A_518 : vector<16xf32>
          %mul3A_521 = arith.mulf %gather3A_393, %unpack3A_519 : vector<16xf32>
          %add3A_522 = arith.constant 9 : i32
          %add3A_523 = arith.addi %mul3A_423, %add3A_522 : i32
          %get3A_524 = arith.index_cast %add3A_523 : i32 to index
          %get3A_525 = arith.index_cast %add3A_433 : i32 to index
          %get3A_526 = tpu.vector_load %arg16[%get3A_524, %get3A_525] {strides = array<i32>} : memref<128x128xi32, #tpu.memory_space<vmem>>, vector<16xi32>,
          %bitcast3A_527 = vector.bitcast %get3A_526 : vector<16xi32> to vector<32xbf16>
          %unpack3A_528 = tpu.unpack_subelements %bitcast3A_527, 0 {pack_format = #tpu.pack_format<interleaved>} : vector<32xbf16> -> vector<16xf32>
          %unpack3A_529 = tpu.unpack_subelements %bitcast3A_527, 1 {pack_format = #tpu.pack_format<interleaved>} : vector<32xbf16> -> vector<16xf32>
          %mul3A_530 = arith.mulf %gather3A_397, %unpack3A_528 : vector<16xf32>
          %mul3A_531 = arith.mulf %gather3A_397, %unpack3A_529 : vector<16xf32>
          %add3A_532 = arith.constant 10 : i32
          %add3A_533 = arith.addi %mul3A_423, %add3A_532 : i32
          %get3A_534 = arith.index_cast %add3A_533 : i32 to index
          %get3A_535 = arith.index_cast %add3A_433 : i32 to index
          %get3A_536 = tpu.vector_load %arg16[%get3A_534, %get3A_535] {strides = array<i32>} : memref<128x128xi32, #tpu.memory_space<vmem>>, vector<16xi32>,
          %bitcast3A_537 = vector.bitcast %get3A_536 : vector<16xi32> to vector<32xbf16>
          %unpack3A_538 = tpu.unpack_subelements %bitcast3A_537, 0 {pack_format = #tpu.pack_format<interleaved>} : vector<32xbf16> -> vector<16xf32>
          %unpack3A_539 = tpu.unpack_subelements %bitcast3A_537, 1 {pack_format = #tpu.pack_format<interleaved>} : vector<32xbf16> -> vector<16xf32>
          %mul3A_540 = arith.mulf %gather3A_401, %unpack3A_538 : vector<16xf32>
          %mul3A_541 = arith.mulf %gather3A_401, %unpack3A_539 : vector<16xf32>
          %add3A_542 = arith.constant 11 : i32
          %add3A_543 = arith.addi %mul3A_423, %add3A_542 : i32
          %get3A_544 = arith.index_cast %add3A_543 : i32 to index
          %get3A_545 = arith.index_cast %add3A_433 : i32 to index
          %get3A_546 = tpu.vector_load %arg16[%get3A_544, %get3A_545] {strides = array<i32>} : memref<128x128xi32, #tpu.memory_space<vmem>>, vector<16xi32>,
          %bitcast3A_547 = vector.bitcast %get3A_546 : vector<16xi32> to vector<32xbf16>
          %unpack3A_548 = tpu.unpack_subelements %bitcast3A_547, 0 {pack_format = #tpu.pack_format<interleaved>} : vector<32xbf16> -> vector<16xf32>
          %unpack3A_549 = tpu.unpack_subelements %bitcast3A_547, 1 {pack_format = #tpu.pack_format<interleaved>} : vector<32xbf16> -> vector<16xf32>
          %mul3A_550 = arith.mulf %gather3A_405, %unpack3A_548 : vector<16xf32>
          %mul3A_551 = arith.mulf %gather3A_405, %unpack3A_549 : vector<16xf32>
          %add3A_552 = arith.constant 12 : i32
          %add3A_553 = arith.addi %mul3A_423, %add3A_552 : i32
          %get3A_554 = arith.index_cast %add3A_553 : i32 to index
          %get3A_555 = arith.index_cast %add3A_433 : i32 to index
          %get3A_556 = tpu.vector_load %arg16[%get3A_554, %get3A_555] {strides = array<i32>} : memref<128x128xi32, #tpu.memory_space<vmem>>, vector<16xi32>,
          %bitcast3A_557 = vector.bitcast %get3A_556 : vector<16xi32> to vector<32xbf16>
          %unpack3A_558 = tpu.unpack_subelements %bitcast3A_557, 0 {pack_format = #tpu.pack_format<interleaved>} : vector<32xbf16> -> vector<16xf32>
          %unpack3A_559 = tpu.unpack_subelements %bitcast3A_557, 1 {pack_format = #tpu.pack_format<interleaved>} : vector<32xbf16> -> vector<16xf32>
          %mul3A_560 = arith.mulf %gather3A_409, %unpack3A_558 : vector<16xf32>
          %mul3A_561 = arith.mulf %gather3A_409, %unpack3A_559 : vector<16xf32>
          %add3A_562 = arith.constant 13 : i32
          %add3A_563 = arith.addi %mul3A_423, %add3A_562 : i32
          %get3A_564 = arith.index_cast %add3A_563 : i32 to index
          %get3A_565 = arith.index_cast %add3A_433 : i32 to index
          %get3A_566 = tpu.vector_load %arg16[%get3A_564, %get3A_565] {strides = array<i32>} : memref<128x128xi32, #tpu.memory_space<vmem>>, vector<16xi32>,
          %bitcast3A_567 = vector.bitcast %get3A_566 : vector<16xi32> to vector<32xbf16>
          %unpack3A_568 = tpu.unpack_subelements %bitcast3A_567, 0 {pack_format = #tpu.pack_format<interleaved>} : vector<32xbf16> -> vector<16xf32>
          %unpack3A_569 = tpu.unpack_subelements %bitcast3A_567, 1 {pack_format = #tpu.pack_format<interleaved>} : vector<32xbf16> -> vector<16xf32>
          %mul3A_570 = arith.mulf %gather3A_413, %unpack3A_568 : vector<16xf32>
          %mul3A_571 = arith.mulf %gather3A_413, %unpack3A_569 : vector<16xf32>
          %add3A_572 = arith.constant 14 : i32
          %add3A_573 = arith.addi %mul3A_423, %add3A_572 : i32
          %get3A_574 = arith.index_cast %add3A_573 : i32 to index
          %get3A_575 = arith.index_cast %add3A_433 : i32 to index
          %get3A_576 = tpu.vector_load %arg16[%get3A_574, %get3A_575] {strides = array<i32>} : memref<128x128xi32, #tpu.memory_space<vmem>>, vector<16xi32>,
          %bitcast3A_577 = vector.bitcast %get3A_576 : vector<16xi32> to vector<32xbf16>
          %unpack3A_578 = tpu.unpack_subelements %bitcast3A_577, 0 {pack_format = #tpu.pack_format<interleaved>} : vector<32xbf16> -> vector<16xf32>
          %unpack3A_579 = tpu.unpack_subelements %bitcast3A_577, 1 {pack_format = #tpu.pack_format<interleaved>} : vector<32xbf16> -> vector<16xf32>
          %mul3A_580 = arith.mulf %gather3A_417, %unpack3A_578 : vector<16xf32>
          %mul3A_581 = arith.mulf %gather3A_417, %unpack3A_579 : vector<16xf32>
          %add3A_582 = arith.constant 15 : i32
          %add3A_583 = arith.addi %mul3A_423, %add3A_582 : i32
          %get3A_584 = arith.index_cast %add3A_583 : i32 to index
          %get3A_585 = arith.index_cast %add3A_433 : i32 to index
          %get3A_586 = tpu.vector_load %arg16[%get3A_584, %get3A_585] {strides = array<i32>} : memref<128x128xi32, #tpu.memory_space<vmem>>, vector<16xi32>,
          %bitcast3A_587 = vector.bitcast %get3A_586 : vector<16xi32> to vector<32xbf16>
          %unpack3A_588 = tpu.unpack_subelements %bitcast3A_587, 0 {pack_format = #tpu.pack_format<interleaved>} : vector<32xbf16> -> vector<16xf32>
          %unpack3A_589 = tpu.unpack_subelements %bitcast3A_587, 1 {pack_format = #tpu.pack_format<interleaved>} : vector<32xbf16> -> vector<16xf32>
          %mul3A_590 = arith.mulf %gather3A_421, %unpack3A_588 : vector<16xf32>
          %mul3A_591 = arith.mulf %gather3A_421, %unpack3A_589 : vector<16xf32>
          %add3A_592 = arith.addf %mul3A_440, %mul3A_450 : vector<16xf32>
          %add3A_593 = arith.addf %mul3A_460, %mul3A_470 : vector<16xf32>
          %add3A_594 = arith.addf %mul3A_480, %mul3A_490 : vector<16xf32>
          %add3A_595 = arith.addf %mul3A_500, %mul3A_510 : vector<16xf32>
          %add3A_596 = arith.addf %mul3A_520, %mul3A_530 : vector<16xf32>
          %add3A_597 = arith.addf %mul3A_540, %mul3A_550 : vector<16xf32>
          %add3A_598 = arith.addf %mul3A_560, %mul3A_570 : vector<16xf32>
          %add3A_599 = arith.addf %mul3A_580, %mul3A_590 : vector<16xf32>
          %add3A_600 = arith.addf %mul3A_441, %mul3A_451 : vector<16xf32>
          %add3A_601 = arith.addf %mul3A_461, %mul3A_471 : vector<16xf32>
          %add3A_602 = arith.addf %mul3A_481, %mul3A_491 : vector<16xf32>
          %add3A_603 = arith.addf %mul3A_501, %mul3A_511 : vector<16xf32>
          %add3A_604 = arith.addf %mul3A_521, %mul3A_531 : vector<16xf32>
          %add3A_605 = arith.addf %mul3A_541, %mul3A_551 : vector<16xf32>
          %add3A_606 = arith.addf %mul3A_561, %mul3A_571 : vector<16xf32>
          %add3A_607 = arith.addf %mul3A_581, %mul3A_591 : vector<16xf32>
          %add3A_608 = arith.addf %add3A_592, %add3A_593 : vector<16xf32>
          %add3A_609 = arith.addf %add3A_594, %add3A_595 : vector<16xf32>
          %add3A_610 = arith.addf %add3A_596, %add3A_597 : vector<16xf32>
          %add3A_611 = arith.addf %add3A_598, %add3A_599 : vector<16xf32>
          %add3A_612 = arith.addf %add3A_600, %add3A_601 : vector<16xf32>
          %add3A_613 = arith.addf %add3A_602, %add3A_603 : vector<16xf32>
          %add3A_614 = arith.addf %add3A_604, %add3A_605 : vector<16xf32>
          %add3A_615 = arith.addf %add3A_606, %add3A_607 : vector<16xf32>
          %add3A_616 = arith.addf %add3A_608, %add3A_609 : vector<16xf32>
          %add3A_617 = arith.addf %add3A_610, %add3A_611 : vector<16xf32>
          %add3A_618 = arith.addf %add3A_612, %add3A_613 : vector<16xf32>
          %add3A_619 = arith.addf %add3A_614, %add3A_615 : vector<16xf32>
          %add3A_620 = arith.addf %add3A_616, %add3A_617 : vector<16xf32>
          %add3A_621 = arith.addf %add3A_618, %add3A_619 : vector<16xf32>
          %swap3A_622 = arith.index_cast %scan3A_327 : i32 to index
          %swap3A_623 = arith.index_cast %add3A_433 : i32 to index
          %swap3A_624 = tpu.vector_load %arg21[%swap3A_622, %swap3A_623] {strides = array<i32>} : memref<8x256xf32, #tpu.memory_space<vmem>>, vector<16xf32>,
          tpu.vector_store %arg21[%swap3A_622, %swap3A_623], %add3A_620 {strides = array<i32>} : memref<8x256xf32, #tpu.memory_space<vmem>>, vector<16xf32>,
          %add3A_625 = arith.constant 128 : i32
          %add3A_626 = arith.addi %add3A_433, %add3A_625 : i32
          %swap3A_627 = arith.index_cast %scan3A_327 : i32 to index
          %swap3A_628 = arith.index_cast %add3A_626 : i32 to index
          %swap3A_629 = tpu.vector_load %arg21[%swap3A_627, %swap3A_628] {strides = array<i32>} : memref<8x256xf32, #tpu.memory_space<vmem>>, vector<16xf32>,
          tpu.vector_store %arg21[%swap3A_627, %swap3A_628], %add3A_621 {strides = array<i32>} : memref<8x256xf32, #tpu.memory_space<vmem>>, vector<16xf32>,
          %mul3A_630 = arith.constant 16 : i32
          %mul3A_631 = arith.muli %scan3A_429, %mul3A_630 : i32
          %add3A_632 = arith.constant 64 : i32
          %add3A_633 = arith.addi %add3A_632, %mul3A_631 : i32
          %add3A_634 = arith.constant 0 : i32
          %add3A_635 = arith.addi %mul3A_423, %add3A_634 : i32
          %get3A_636 = arith.index_cast %add3A_635 : i32 to index
          %get3A_637 = arith.index_cast %add3A_633 : i32 to index
          %get3A_638 = tpu.vector_load %arg16[%get3A_636, %get3A_637] {strides = array<i32>} : memref<128x128xi32, #tpu.memory_space<vmem>>, vector<16xi32>,
          %bitcast3A_639 = vector.bitcast %get3A_638 : vector<16xi32> to vector<32xbf16>
          %unpack3A_640 = tpu.unpack_subelements %bitcast3A_639, 0 {pack_format = #tpu.pack_format<interleaved>} : vector<32xbf16> -> vector<16xf32>
          %unpack3A_641 = tpu.unpack_subelements %bitcast3A_639, 1 {pack_format = #tpu.pack_format<interleaved>} : vector<32xbf16> -> vector<16xf32>
          %mul3A_642 = arith.mulf %gather3A_361, %unpack3A_640 : vector<16xf32>
          %mul3A_643 = arith.mulf %gather3A_361, %unpack3A_641 : vector<16xf32>
          %add3A_644 = arith.constant 1 : i32
          %add3A_645 = arith.addi %mul3A_423, %add3A_644 : i32
          %get3A_646 = arith.index_cast %add3A_645 : i32 to index
          %get3A_647 = arith.index_cast %add3A_633 : i32 to index
          %get3A_648 = tpu.vector_load %arg16[%get3A_646, %get3A_647] {strides = array<i32>} : memref<128x128xi32, #tpu.memory_space<vmem>>, vector<16xi32>,
          %bitcast3A_649 = vector.bitcast %get3A_648 : vector<16xi32> to vector<32xbf16>
          %unpack3A_650 = tpu.unpack_subelements %bitcast3A_649, 0 {pack_format = #tpu.pack_format<interleaved>} : vector<32xbf16> -> vector<16xf32>
          %unpack3A_651 = tpu.unpack_subelements %bitcast3A_649, 1 {pack_format = #tpu.pack_format<interleaved>} : vector<32xbf16> -> vector<16xf32>
          %mul3A_652 = arith.mulf %gather3A_365, %unpack3A_650 : vector<16xf32>
          %mul3A_653 = arith.mulf %gather3A_365, %unpack3A_651 : vector<16xf32>
          %add3A_654 = arith.constant 2 : i32
          %add3A_655 = arith.addi %mul3A_423, %add3A_654 : i32
          %get3A_656 = arith.index_cast %add3A_655 : i32 to index
          %get3A_657 = arith.index_cast %add3A_633 : i32 to index
          %get3A_658 = tpu.vector_load %arg16[%get3A_656, %get3A_657] {strides = array<i32>} : memref<128x128xi32, #tpu.memory_space<vmem>>, vector<16xi32>,
          %bitcast3A_659 = vector.bitcast %get3A_658 : vector<16xi32> to vector<32xbf16>
          %unpack3A_660 = tpu.unpack_subelements %bitcast3A_659, 0 {pack_format = #tpu.pack_format<interleaved>} : vector<32xbf16> -> vector<16xf32>
          %unpack3A_661 = tpu.unpack_subelements %bitcast3A_659, 1 {pack_format = #tpu.pack_format<interleaved>} : vector<32xbf16> -> vector<16xf32>
          %mul3A_662 = arith.mulf %gather3A_369, %unpack3A_660 : vector<16xf32>
          %mul3A_663 = arith.mulf %gather3A_369, %unpack3A_661 : vector<16xf32>
          %add3A_664 = arith.constant 3 : i32
          %add3A_665 = arith.addi %mul3A_423, %add3A_664 : i32
          %get3A_666 = arith.index_cast %add3A_665 : i32 to index
          %get3A_667 = arith.index_cast %add3A_633 : i32 to index
          %get3A_668 = tpu.vector_load %arg16[%get3A_666, %get3A_667] {strides = array<i32>} : memref<128x128xi32, #tpu.memory_space<vmem>>, vector<16xi32>,
          %bitcast3A_669 = vector.bitcast %get3A_668 : vector<16xi32> to vector<32xbf16>
          %unpack3A_670 = tpu.unpack_subelements %bitcast3A_669, 0 {pack_format = #tpu.pack_format<interleaved>} : vector<32xbf16> -> vector<16xf32>
          %unpack3A_671 = tpu.unpack_subelements %bitcast3A_669, 1 {pack_format = #tpu.pack_format<interleaved>} : vector<32xbf16> -> vector<16xf32>
          %mul3A_672 = arith.mulf %gather3A_373, %unpack3A_670 : vector<16xf32>
          %mul3A_673 = arith.mulf %gather3A_373, %unpack3A_671 : vector<16xf32>
          %add3A_674 = arith.constant 4 : i32
          %add3A_675 = arith.addi %mul3A_423, %add3A_674 : i32
          %get3A_676 = arith.index_cast %add3A_675 : i32 to index
          %get3A_677 = arith.index_cast %add3A_633 : i32 to index
          %get3A_678 = tpu.vector_load %arg16[%get3A_676, %get3A_677] {strides = array<i32>} : memref<128x128xi32, #tpu.memory_space<vmem>>, vector<16xi32>,
          %bitcast3A_679 = vector.bitcast %get3A_678 : vector<16xi32> to vector<32xbf16>
          %unpack3A_680 = tpu.unpack_subelements %bitcast3A_679, 0 {pack_format = #tpu.pack_format<interleaved>} : vector<32xbf16> -> vector<16xf32>
          %unpack3A_681 = tpu.unpack_subelements %bitcast3A_679, 1 {pack_format = #tpu.pack_format<interleaved>} : vector<32xbf16> -> vector<16xf32>
          %mul3A_682 = arith.mulf %gather3A_377, %unpack3A_680 : vector<16xf32>
          %mul3A_683 = arith.mulf %gather3A_377, %unpack3A_681 : vector<16xf32>
          %add3A_684 = arith.constant 5 : i32
          %add3A_685 = arith.addi %mul3A_423, %add3A_684 : i32
          %get3A_686 = arith.index_cast %add3A_685 : i32 to index
          %get3A_687 = arith.index_cast %add3A_633 : i32 to index
          %get3A_688 = tpu.vector_load %arg16[%get3A_686, %get3A_687] {strides = array<i32>} : memref<128x128xi32, #tpu.memory_space<vmem>>, vector<16xi32>,
          %bitcast3A_689 = vector.bitcast %get3A_688 : vector<16xi32> to vector<32xbf16>
          %unpack3A_690 = tpu.unpack_subelements %bitcast3A_689, 0 {pack_format = #tpu.pack_format<interleaved>} : vector<32xbf16> -> vector<16xf32>
          %unpack3A_691 = tpu.unpack_subelements %bitcast3A_689, 1 {pack_format = #tpu.pack_format<interleaved>} : vector<32xbf16> -> vector<16xf32>
          %mul3A_692 = arith.mulf %gather3A_381, %unpack3A_690 : vector<16xf32>
          %mul3A_693 = arith.mulf %gather3A_381, %unpack3A_691 : vector<16xf32>
          %add3A_694 = arith.constant 6 : i32
          %add3A_695 = arith.addi %mul3A_423, %add3A_694 : i32
          %get3A_696 = arith.index_cast %add3A_695 : i32 to index
          %get3A_697 = arith.index_cast %add3A_633 : i32 to index
          %get3A_698 = tpu.vector_load %arg16[%get3A_696, %get3A_697] {strides = array<i32>} : memref<128x128xi32, #tpu.memory_space<vmem>>, vector<16xi32>,
          %bitcast3A_699 = vector.bitcast %get3A_698 : vector<16xi32> to vector<32xbf16>
          %unpack3A_700 = tpu.unpack_subelements %bitcast3A_699, 0 {pack_format = #tpu.pack_format<interleaved>} : vector<32xbf16> -> vector<16xf32>
          %unpack3A_701 = tpu.unpack_subelements %bitcast3A_699, 1 {pack_format = #tpu.pack_format<interleaved>} : vector<32xbf16> -> vector<16xf32>
          %mul3A_702 = arith.mulf %gather3A_385, %unpack3A_700 : vector<16xf32>
          %mul3A_703 = arith.mulf %gather3A_385, %unpack3A_701 : vector<16xf32>
          %add3A_704 = arith.constant 7 : i32
          %add3A_705 = arith.addi %mul3A_423, %add3A_704 : i32
          %get3A_706 = arith.index_cast %add3A_705 : i32 to index
          %get3A_707 = arith.index_cast %add3A_633 : i32 to index
          %get3A_708 = tpu.vector_load %arg16[%get3A_706, %get3A_707] {strides = array<i32>} : memref<128x128xi32, #tpu.memory_space<vmem>>, vector<16xi32>,
          %bitcast3A_709 = vector.bitcast %get3A_708 : vector<16xi32> to vector<32xbf16>
          %unpack3A_710 = tpu.unpack_subelements %bitcast3A_709, 0 {pack_format = #tpu.pack_format<interleaved>} : vector<32xbf16> -> vector<16xf32>
          %unpack3A_711 = tpu.unpack_subelements %bitcast3A_709, 1 {pack_format = #tpu.pack_format<interleaved>} : vector<32xbf16> -> vector<16xf32>
          %mul3A_712 = arith.mulf %gather3A_389, %unpack3A_710 : vector<16xf32>
          %mul3A_713 = arith.mulf %gather3A_389, %unpack3A_711 : vector<16xf32>
          %add3A_714 = arith.constant 8 : i32
          %add3A_715 = arith.addi %mul3A_423, %add3A_714 : i32
          %get3A_716 = arith.index_cast %add3A_715 : i32 to index
          %get3A_717 = arith.index_cast %add3A_633 : i32 to index
          %get3A_718 = tpu.vector_load %arg16[%get3A_716, %get3A_717] {strides = array<i32>} : memref<128x128xi32, #tpu.memory_space<vmem>>, vector<16xi32>,
          %bitcast3A_719 = vector.bitcast %get3A_718 : vector<16xi32> to vector<32xbf16>
          %unpack3A_720 = tpu.unpack_subelements %bitcast3A_719, 0 {pack_format = #tpu.pack_format<interleaved>} : vector<32xbf16> -> vector<16xf32>
          %unpack3A_721 = tpu.unpack_subelements %bitcast3A_719, 1 {pack_format = #tpu.pack_format<interleaved>} : vector<32xbf16> -> vector<16xf32>
          %mul3A_722 = arith.mulf %gather3A_393, %unpack3A_720 : vector<16xf32>
          %mul3A_723 = arith.mulf %gather3A_393, %unpack3A_721 : vector<16xf32>
          %add3A_724 = arith.constant 9 : i32
          %add3A_725 = arith.addi %mul3A_423, %add3A_724 : i32
          %get3A_726 = arith.index_cast %add3A_725 : i32 to index
          %get3A_727 = arith.index_cast %add3A_633 : i32 to index
          %get3A_728 = tpu.vector_load %arg16[%get3A_726, %get3A_727] {strides = array<i32>} : memref<128x128xi32, #tpu.memory_space<vmem>>, vector<16xi32>,
          %bitcast3A_729 = vector.bitcast %get3A_728 : vector<16xi32> to vector<32xbf16>
          %unpack3A_730 = tpu.unpack_subelements %bitcast3A_729, 0 {pack_format = #tpu.pack_format<interleaved>} : vector<32xbf16> -> vector<16xf32>
          %unpack3A_731 = tpu.unpack_subelements %bitcast3A_729, 1 {pack_format = #tpu.pack_format<interleaved>} : vector<32xbf16> -> vector<16xf32>
          %mul3A_732 = arith.mulf %gather3A_397, %unpack3A_730 : vector<16xf32>
          %mul3A_733 = arith.mulf %gather3A_397, %unpack3A_731 : vector<16xf32>
          %add3A_734 = arith.constant 10 : i32
          %add3A_735 = arith.addi %mul3A_423, %add3A_734 : i32
          %get3A_736 = arith.index_cast %add3A_735 : i32 to index
          %get3A_737 = arith.index_cast %add3A_633 : i32 to index
          %get3A_738 = tpu.vector_load %arg16[%get3A_736, %get3A_737] {strides = array<i32>} : memref<128x128xi32, #tpu.memory_space<vmem>>, vector<16xi32>,
          %bitcast3A_739 = vector.bitcast %get3A_738 : vector<16xi32> to vector<32xbf16>
          %unpack3A_740 = tpu.unpack_subelements %bitcast3A_739, 0 {pack_format = #tpu.pack_format<interleaved>} : vector<32xbf16> -> vector<16xf32>
          %unpack3A_741 = tpu.unpack_subelements %bitcast3A_739, 1 {pack_format = #tpu.pack_format<interleaved>} : vector<32xbf16> -> vector<16xf32>
          %mul3A_742 = arith.mulf %gather3A_401, %unpack3A_740 : vector<16xf32>
          %mul3A_743 = arith.mulf %gather3A_401, %unpack3A_741 : vector<16xf32>
          %add3A_744 = arith.constant 11 : i32
          %add3A_745 = arith.addi %mul3A_423, %add3A_744 : i32
          %get3A_746 = arith.index_cast %add3A_745 : i32 to index
          %get3A_747 = arith.index_cast %add3A_633 : i32 to index
          %get3A_748 = tpu.vector_load %arg16[%get3A_746, %get3A_747] {strides = array<i32>} : memref<128x128xi32, #tpu.memory_space<vmem>>, vector<16xi32>,
          %bitcast3A_749 = vector.bitcast %get3A_748 : vector<16xi32> to vector<32xbf16>
          %unpack3A_750 = tpu.unpack_subelements %bitcast3A_749, 0 {pack_format = #tpu.pack_format<interleaved>} : vector<32xbf16> -> vector<16xf32>
          %unpack3A_751 = tpu.unpack_subelements %bitcast3A_749, 1 {pack_format = #tpu.pack_format<interleaved>} : vector<32xbf16> -> vector<16xf32>
          %mul3A_752 = arith.mulf %gather3A_405, %unpack3A_750 : vector<16xf32>
          %mul3A_753 = arith.mulf %gather3A_405, %unpack3A_751 : vector<16xf32>
          %add3A_754 = arith.constant 12 : i32
          %add3A_755 = arith.addi %mul3A_423, %add3A_754 : i32
          %get3A_756 = arith.index_cast %add3A_755 : i32 to index
          %get3A_757 = arith.index_cast %add3A_633 : i32 to index
          %get3A_758 = tpu.vector_load %arg16[%get3A_756, %get3A_757] {strides = array<i32>} : memref<128x128xi32, #tpu.memory_space<vmem>>, vector<16xi32>,
          %bitcast3A_759 = vector.bitcast %get3A_758 : vector<16xi32> to vector<32xbf16>
          %unpack3A_760 = tpu.unpack_subelements %bitcast3A_759, 0 {pack_format = #tpu.pack_format<interleaved>} : vector<32xbf16> -> vector<16xf32>
          %unpack3A_761 = tpu.unpack_subelements %bitcast3A_759, 1 {pack_format = #tpu.pack_format<interleaved>} : vector<32xbf16> -> vector<16xf32>
          %mul3A_762 = arith.mulf %gather3A_409, %unpack3A_760 : vector<16xf32>
          %mul3A_763 = arith.mulf %gather3A_409, %unpack3A_761 : vector<16xf32>
          %add3A_764 = arith.constant 13 : i32
          %add3A_765 = arith.addi %mul3A_423, %add3A_764 : i32
          %get3A_766 = arith.index_cast %add3A_765 : i32 to index
          %get3A_767 = arith.index_cast %add3A_633 : i32 to index
          %get3A_768 = tpu.vector_load %arg16[%get3A_766, %get3A_767] {strides = array<i32>} : memref<128x128xi32, #tpu.memory_space<vmem>>, vector<16xi32>,
          %bitcast3A_769 = vector.bitcast %get3A_768 : vector<16xi32> to vector<32xbf16>
          %unpack3A_770 = tpu.unpack_subelements %bitcast3A_769, 0 {pack_format = #tpu.pack_format<interleaved>} : vector<32xbf16> -> vector<16xf32>
          %unpack3A_771 = tpu.unpack_subelements %bitcast3A_769, 1 {pack_format = #tpu.pack_format<interleaved>} : vector<32xbf16> -> vector<16xf32>
          %mul3A_772 = arith.mulf %gather3A_413, %unpack3A_770 : vector<16xf32>
          %mul3A_773 = arith.mulf %gather3A_413, %unpack3A_771 : vector<16xf32>
          %add3A_774 = arith.constant 14 : i32
          %add3A_775 = arith.addi %mul3A_423, %add3A_774 : i32
          %get3A_776 = arith.index_cast %add3A_775 : i32 to index
          %get3A_777 = arith.index_cast %add3A_633 : i32 to index
          %get3A_778 = tpu.vector_load %arg16[%get3A_776, %get3A_777] {strides = array<i32>} : memref<128x128xi32, #tpu.memory_space<vmem>>, vector<16xi32>,
          %bitcast3A_779 = vector.bitcast %get3A_778 : vector<16xi32> to vector<32xbf16>
          %unpack3A_780 = tpu.unpack_subelements %bitcast3A_779, 0 {pack_format = #tpu.pack_format<interleaved>} : vector<32xbf16> -> vector<16xf32>
          %unpack3A_781 = tpu.unpack_subelements %bitcast3A_779, 1 {pack_format = #tpu.pack_format<interleaved>} : vector<32xbf16> -> vector<16xf32>
          %mul3A_782 = arith.mulf %gather3A_417, %unpack3A_780 : vector<16xf32>
          %mul3A_783 = arith.mulf %gather3A_417, %unpack3A_781 : vector<16xf32>
          %add3A_784 = arith.constant 15 : i32
          %add3A_785 = arith.addi %mul3A_423, %add3A_784 : i32
          %get3A_786 = arith.index_cast %add3A_785 : i32 to index
          %get3A_787 = arith.index_cast %add3A_633 : i32 to index
          %get3A_788 = tpu.vector_load %arg16[%get3A_786, %get3A_787] {strides = array<i32>} : memref<128x128xi32, #tpu.memory_space<vmem>>, vector<16xi32>,
          %bitcast3A_789 = vector.bitcast %get3A_788 : vector<16xi32> to vector<32xbf16>
          %unpack3A_790 = tpu.unpack_subelements %bitcast3A_789, 0 {pack_format = #tpu.pack_format<interleaved>} : vector<32xbf16> -> vector<16xf32>
          %unpack3A_791 = tpu.unpack_subelements %bitcast3A_789, 1 {pack_format = #tpu.pack_format<interleaved>} : vector<32xbf16> -> vector<16xf32>
          %mul3A_792 = arith.mulf %gather3A_421, %unpack3A_790 : vector<16xf32>
          %mul3A_793 = arith.mulf %gather3A_421, %unpack3A_791 : vector<16xf32>
          %add3A_794 = arith.addf %mul3A_642, %mul3A_652 : vector<16xf32>
          %add3A_795 = arith.addf %mul3A_662, %mul3A_672 : vector<16xf32>
          %add3A_796 = arith.addf %mul3A_682, %mul3A_692 : vector<16xf32>
          %add3A_797 = arith.addf %mul3A_702, %mul3A_712 : vector<16xf32>
          %add3A_798 = arith.addf %mul3A_722, %mul3A_732 : vector<16xf32>
          %add3A_799 = arith.addf %mul3A_742, %mul3A_752 : vector<16xf32>
          %add3A_800 = arith.addf %mul3A_762, %mul3A_772 : vector<16xf32>
          %add3A_801 = arith.addf %mul3A_782, %mul3A_792 : vector<16xf32>
          %add3A_802 = arith.addf %mul3A_643, %mul3A_653 : vector<16xf32>
          %add3A_803 = arith.addf %mul3A_663, %mul3A_673 : vector<16xf32>
          %add3A_804 = arith.addf %mul3A_683, %mul3A_693 : vector<16xf32>
          %add3A_805 = arith.addf %mul3A_703, %mul3A_713 : vector<16xf32>
          %add3A_806 = arith.addf %mul3A_723, %mul3A_733 : vector<16xf32>
          %add3A_807 = arith.addf %mul3A_743, %mul3A_753 : vector<16xf32>
          %add3A_808 = arith.addf %mul3A_763, %mul3A_773 : vector<16xf32>
          %add3A_809 = arith.addf %mul3A_783, %mul3A_793 : vector<16xf32>
          %add3A_810 = arith.addf %add3A_794, %add3A_795 : vector<16xf32>
          %add3A_811 = arith.addf %add3A_796, %add3A_797 : vector<16xf32>
          %add3A_812 = arith.addf %add3A_798, %add3A_799 : vector<16xf32>
          %add3A_813 = arith.addf %add3A_800, %add3A_801 : vector<16xf32>
          %add3A_814 = arith.addf %add3A_802, %add3A_803 : vector<16xf32>
          %add3A_815 = arith.addf %add3A_804, %add3A_805 : vector<16xf32>
          %add3A_816 = arith.addf %add3A_806, %add3A_807 : vector<16xf32>
          %add3A_817 = arith.addf %add3A_808, %add3A_809 : vector<16xf32>
          %add3A_818 = arith.addf %add3A_810, %add3A_811 : vector<16xf32>
          %add3A_819 = arith.addf %add3A_812, %add3A_813 : vector<16xf32>
          %add3A_820 = arith.addf %add3A_814, %add3A_815 : vector<16xf32>
          %add3A_821 = arith.addf %add3A_816, %add3A_817 : vector<16xf32>
          %add3A_822 = arith.addf %add3A_818, %add3A_819 : vector<16xf32>
          %add3A_823 = arith.addf %add3A_820, %add3A_821 : vector<16xf32>
          %swap3A_824 = arith.index_cast %scan3A_327 : i32 to index
          %swap3A_825 = arith.index_cast %add3A_633 : i32 to index
          %swap3A_826 = tpu.vector_load %arg21[%swap3A_824, %swap3A_825] {strides = array<i32>} : memref<8x256xf32, #tpu.memory_space<vmem>>, vector<16xf32>,
          tpu.vector_store %arg21[%swap3A_824, %swap3A_825], %add3A_822 {strides = array<i32>} : memref<8x256xf32, #tpu.memory_space<vmem>>, vector<16xf32>,
          %add3A_827 = arith.constant 128 : i32
          %add3A_828 = arith.addi %add3A_633, %add3A_827 : i32
          %swap3A_829 = arith.index_cast %scan3A_327 : i32 to index
          %swap3A_830 = arith.index_cast %add3A_828 : i32 to index
          %swap3A_831 = tpu.vector_load %arg21[%swap3A_829, %swap3A_830] {strides = array<i32>} : memref<8x256xf32, #tpu.memory_space<vmem>>, vector<16xf32>,
          tpu.vector_store %arg21[%swap3A_829, %swap3A_830], %add3A_823 {strides = array<i32>} : memref<8x256xf32, #tpu.memory_space<vmem>>, vector<16xf32>,
        }
        %scan3A_428 = arith.constant 4 : i32
      }
      %scan3A_253 = arith.constant 8 : i32
      %mul3A_254 = arith.constant 8 : i32
      %mul3A_255 = arith.muli %add3A_231, %mul3A_254 : i32
      %add3A_256 = arith.addi %mul3A_2, %mul3A_255 : i32
      %dma_start3A_257 = arith.constant 0 : i32
      %dma_start3A_258 = tpu.memref_slice %arg6[%add3A_256, %dma_start3A_257] : memref<10240x256xf32, #tpu.memory_space<hbm>> -> memref<8x256xf32, #tpu.memory_space<hbm>>
      %dma_start3A_259 = arith.constant 0 : i32
      %dma_start3A_260 = tpu.memref_slice %arg6[%add3A_256, %dma_start3A_259] : memref<10240x256xf32, #tpu.memory_space<hbm>> -> memref<8x256xf32, #tpu.memory_space<hbm>>
      tpu.enqueue_dma source(%arg21 : memref<8x256xf32, #tpu.memory_space<vmem>>) target(%dma_start3A_260 : memref<8x256xf32, #tpu.memory_space<hbm>>) target_semaphore(%arg27 : memref<!tpu.dma_semaphore, #tpu.memory_space<semaphore_mem>>)
      %mul3A_261 = arith.constant 4 : i32
      %mul3A_262 = arith.muli %scan3A_198, %mul3A_261 : i32
      %add3A_263 = arith.constant 2 : i32
      %add3A_264 = arith.addi %mul3A_262, %add3A_263 : i32
      %dma_wait3A_265 = arith.constant 0 : i32
      %dma_wait3A_266 = arith.constant 0 : i32
      %dma_wait3A_267 = tpu.memref_slice %arg2[%dma_wait3A_265, %dma_wait3A_266] : memref<10000x128xi32, #tpu.memory_space<hbm>> -> memref<10000x128xi32, #tpu.memory_space<hbm>>
      tpu.wait_indirect_dma semaphore(%arg24 : memref<!tpu.dma_semaphore, #tpu.memory_space<semaphore_mem>>) src(%dma_wait3A_267 : memref<10000x128xi32, #tpu.memory_space<hbm>>) dst(%arg17 : memref<128x128xi32, #tpu.memory_space<vmem>>)
      %add3A_268 = arith.constant 3 : i32
      %add3A_269 = arith.addi %add3A_264, %add3A_268 : i32
      %lt3A_270 = arith.constant 40 : i32
      %lt3A_271 = arith.cmpi slt, %add3A_269, %lt3A_270 : i32
      %convert_element_type3A_272 = arith.extui %lt3A_271 : i1 to i32
      %cond3A_273 = arith.constant 0 : i32
      %cond3A_274 = arith.cmpi ne, %convert_element_type3A_272, %cond3A_273 : i32
      scf.if %cond3A_274 {
        %mul3A_327 = arith.constant 128 : i32
        %mul3A_328 = arith.muli %add3A_269, %mul3A_327 : i32
        %add3A_329 = arith.constant 0 : i32
        %add3A_330 = arith.addi %mul3A_328, %add3A_329 : i32
        %get3A_331 = arith.index_cast %add3A_330 : i32 to index
        %get3A_332 = tpu.vector_load %arg8[%get3A_331] {strides = array<i32>} : memref<5120xi32, #tpu.memory_space<vmem>>, vector<16xi32>,
        %max3A_333 = arith.constant 0 : i32
        %max3A_334 = vector.broadcast %max3A_333 : i32 to vector<16xi32>
        %max3A_335 = arith.maxsi %get3A_332, %max3A_334 : vector<16xi32>
        %swap3A_336 = arith.constant 0 : index
        %swap3A_337 = tpu.vector_load %arg12[%swap3A_336] {strides = array<i32>} : memref<128xi32, #tpu.memory_space<vmem>>, vector<16xi32>,
        tpu.vector_store %arg12[%swap3A_336], %max3A_335 {strides = array<i32>} : memref<128xi32, #tpu.memory_space<vmem>>, vector<16xi32>,
        %add3A_338 = arith.constant 16 : i32
        %add3A_339 = arith.addi %mul3A_328, %add3A_338 : i32
        %get3A_340 = arith.index_cast %add3A_339 : i32 to index
        %get3A_341 = tpu.vector_load %arg8[%get3A_340] {strides = array<i32>} : memref<5120xi32, #tpu.memory_space<vmem>>, vector<16xi32>,
        %max3A_342 = arith.constant 0 : i32
        %max3A_343 = vector.broadcast %max3A_342 : i32 to vector<16xi32>
        %max3A_344 = arith.maxsi %get3A_341, %max3A_343 : vector<16xi32>
        %swap3A_345 = arith.constant 16 : index
        %swap3A_346 = tpu.vector_load %arg12[%swap3A_345] {strides = array<i32>} : memref<128xi32, #tpu.memory_space<vmem>>, vector<16xi32>,
        tpu.vector_store %arg12[%swap3A_345], %max3A_344 {strides = array<i32>} : memref<128xi32, #tpu.memory_space<vmem>>, vector<16xi32>,
        %add3A_347 = arith.constant 32 : i32
        %add3A_348 = arith.addi %mul3A_328, %add3A_347 : i32
        %get3A_349 = arith.index_cast %add3A_348 : i32 to index
        %get3A_350 = tpu.vector_load %arg8[%get3A_349] {strides = array<i32>} : memref<5120xi32, #tpu.memory_space<vmem>>, vector<16xi32>,
        %max3A_351 = arith.constant 0 : i32
        %max3A_352 = vector.broadcast %max3A_351 : i32 to vector<16xi32>
        %max3A_353 = arith.maxsi %get3A_350, %max3A_352 : vector<16xi32>
        %swap3A_354 = arith.constant 32 : index
        %swap3A_355 = tpu.vector_load %arg12[%swap3A_354] {strides = array<i32>} : memref<128xi32, #tpu.memory_space<vmem>>, vector<16xi32>,
        tpu.vector_store %arg12[%swap3A_354], %max3A_353 {strides = array<i32>} : memref<128xi32, #tpu.memory_space<vmem>>, vector<16xi32>,
        %add3A_356 = arith.constant 48 : i32
        %add3A_357 = arith.addi %mul3A_328, %add3A_356 : i32
        %get3A_358 = arith.index_cast %add3A_357 : i32 to index
        %get3A_359 = tpu.vector_load %arg8[%get3A_358] {strides = array<i32>} : memref<5120xi32, #tpu.memory_space<vmem>>, vector<16xi32>,
        %max3A_360 = arith.constant 0 : i32
        %max3A_361 = vector.broadcast %max3A_360 : i32 to vector<16xi32>
        %max3A_362 = arith.maxsi %get3A_359, %max3A_361 : vector<16xi32>
        %swap3A_363 = arith.constant 48 : index
        %swap3A_364 = tpu.vector_load %arg12[%swap3A_363] {strides = array<i32>} : memref<128xi32, #tpu.memory_space<vmem>>, vector<16xi32>,
        tpu.vector_store %arg12[%swap3A_363], %max3A_362 {strides = array<i32>} : memref<128xi32, #tpu.memory_space<vmem>>, vector<16xi32>,
        %add3A_365 = arith.constant 64 : i32
        %add3A_366 = arith.addi %mul3A_328, %add3A_365 : i32
        %get3A_367 = arith.index_cast %add3A_366 : i32 to index
        %get3A_368 = tpu.vector_load %arg8[%get3A_367] {strides = array<i32>} : memref<5120xi32, #tpu.memory_space<vmem>>, vector<16xi32>,
        %max3A_369 = arith.constant 0 : i32
        %max3A_370 = vector.broadcast %max3A_369 : i32 to vector<16xi32>
        %max3A_371 = arith.maxsi %get3A_368, %max3A_370 : vector<16xi32>
        %swap3A_372 = arith.constant 64 : index
        %swap3A_373 = tpu.vector_load %arg12[%swap3A_372] {strides = array<i32>} : memref<128xi32, #tpu.memory_space<vmem>>, vector<16xi32>,
        tpu.vector_store %arg12[%swap3A_372], %max3A_371 {strides = array<i32>} : memref<128xi32, #tpu.memory_space<vmem>>, vector<16xi32>,
        %add3A_374 = arith.constant 80 : i32
        %add3A_375 = arith.addi %mul3A_328, %add3A_374 : i32
        %get3A_376 = arith.index_cast %add3A_375 : i32 to index
        %get3A_377 = tpu.vector_load %arg8[%get3A_376] {strides = array<i32>} : memref<5120xi32, #tpu.memory_space<vmem>>, vector<16xi32>,
        %max3A_378 = arith.constant 0 : i32
        %max3A_379 = vector.broadcast %max3A_378 : i32 to vector<16xi32>
        %max3A_380 = arith.maxsi %get3A_377, %max3A_379 : vector<16xi32>
        %swap3A_381 = arith.constant 80 : index
        %swap3A_382 = tpu.vector_load %arg12[%swap3A_381] {strides = array<i32>} : memref<128xi32, #tpu.memory_space<vmem>>, vector<16xi32>,
        tpu.vector_store %arg12[%swap3A_381], %max3A_380 {strides = array<i32>} : memref<128xi32, #tpu.memory_space<vmem>>, vector<16xi32>,
        %add3A_383 = arith.constant 96 : i32
        %add3A_384 = arith.addi %mul3A_328, %add3A_383 : i32
        %get3A_385 = arith.index_cast %add3A_384 : i32 to index
        %get3A_386 = tpu.vector_load %arg8[%get3A_385] {strides = array<i32>} : memref<5120xi32, #tpu.memory_space<vmem>>, vector<16xi32>,
        %max3A_387 = arith.constant 0 : i32
        %max3A_388 = vector.broadcast %max3A_387 : i32 to vector<16xi32>
        %max3A_389 = arith.maxsi %get3A_386, %max3A_388 : vector<16xi32>
        %swap3A_390 = arith.constant 96 : index
        %swap3A_391 = tpu.vector_load %arg12[%swap3A_390] {strides = array<i32>} : memref<128xi32, #tpu.memory_space<vmem>>, vector<16xi32>,
        tpu.vector_store %arg12[%swap3A_390], %max3A_389 {strides = array<i32>} : memref<128xi32, #tpu.memory_space<vmem>>, vector<16xi32>,
        %add3A_392 = arith.constant 112 : i32
        %add3A_393 = arith.addi %mul3A_328, %add3A_392 : i32
        %get3A_394 = arith.index_cast %add3A_393 : i32 to index
        %get3A_395 = tpu.vector_load %arg8[%get3A_394] {strides = array<i32>} : memref<5120xi32, #tpu.memory_space<vmem>>, vector<16xi32>,
        %max3A_396 = arith.constant 0 : i32
        %max3A_397 = vector.broadcast %max3A_396 : i32 to vector<16xi32>
        %max3A_398 = arith.maxsi %get3A_395, %max3A_397 : vector<16xi32>
        %swap3A_399 = arith.constant 112 : index
        %swap3A_400 = tpu.vector_load %arg12[%swap3A_399] {strides = array<i32>} : memref<128xi32, #tpu.memory_space<vmem>>, vector<16xi32>,
        tpu.vector_store %arg12[%swap3A_399], %max3A_398 {strides = array<i32>} : memref<128xi32, #tpu.memory_space<vmem>>, vector<16xi32>,
        %dma_start3A_401 = arith.constant 0 : i32
        %dma_start3A_402 = arith.constant 0 : i32
        %dma_start3A_403 = tpu.memref_slice %arg2[%dma_start3A_401, %dma_start3A_402] : memref<10000x128xi32, #tpu.memory_space<hbm>> -> memref<10000x128xi32, #tpu.memory_space<hbm>>
        tpu.enqueue_indirect_dma source(%dma_start3A_403 : memref<10000x128xi32, #tpu.memory_space<hbm>>) target(%arg16 : memref<128x128xi32, #tpu.memory_space<vmem>>) offsets(%arg12 : memref<128xi32, #tpu.memory_space<vmem>>) semaphore(%arg23 : memref<!tpu.dma_semaphore, #tpu.memory_space<semaphore_mem>>)
      } else {
      }
      %mul3A_275 = arith.constant 128 : i32
      %mul3A_276 = arith.muli %add3A_264, %mul3A_275 : i32
      %ge3A_277 = arith.constant 2 : i32
      %ge3A_278 = arith.cmpi sge, %add3A_264, %ge3A_277 : i32
      %convert_element_type3A_279 = arith.extui %ge3A_278 : i1 to i32
      %cond3A_280 = arith.constant 0 : i32
      %cond3A_281 = arith.cmpi ne, %convert_element_type3A_279, %cond3A_280 : i32
      scf.if %cond3A_281 {
        %dma_wait3A_327 = arith.constant 0 : i32
        %dma_wait3A_328 = arith.constant 0 : i32
        %dma_wait3A_329 = tpu.memref_slice %arg6[%dma_wait3A_327, %dma_wait3A_328] : memref<10240x256xf32, #tpu.memory_space<hbm>> -> memref<8x256xf32, #tpu.memory_space<hbm>>
        %dma_wait3A_330 = arith.constant 0 : i32
        %dma_wait3A_331 = arith.constant 0 : i32
        %dma_wait3A_332 = tpu.memref_slice %arg6[%dma_wait3A_330, %dma_wait3A_331] : memref<10240x256xf32, #tpu.memory_space<hbm>> -> memref<8x256xf32, #tpu.memory_space<hbm>>
        tpu.wait_dma2 semaphore(%arg26 : memref<!tpu.dma_semaphore, #tpu.memory_space<semaphore_mem>>) src(%arg20 : memref<8x256xf32, #tpu.memory_space<vmem>>) dst(%dma_wait3A_332 : memref<8x256xf32, #tpu.memory_space<hbm>>)
      } else {
      }
      %scan3A_282 = arith.constant 0 : i32
      %scan3A_283 = arith.constant 8 : i32
      %scan3A_284 = arith.addi %scan3A_282, %scan3A_283 : i32
      %scan3A_285 = arith.constant 1 : i32
      scf.for %scan3A_327 = %scan3A_282 to %scan3A_284 step %scan3A_285  : i32 {
        %mul3A_328 = arith.constant 16 : i32
        %mul3A_329 = arith.muli %scan3A_327, %mul3A_328 : i32
        %add3A_330 = arith.addi %mul3A_276, %mul3A_329 : i32
        %get3A_331 = arith.index_cast %add3A_330 : i32 to index
        %get3A_332 = tpu.vector_load %arg8[%get3A_331] {strides = array<i32>} : memref<5120xi32, #tpu.memory_space<vmem>>, vector<16xi32>,
        %ge3A_333 = arith.constant 0 : i32
        %ge3A_334 = vector.broadcast %ge3A_333 : i32 to vector<16xi32>
        %ge3A_335 = arith.cmpi sge, %get3A_332, %ge3A_334 : vector<16xi32>
        %max3A_336 = arith.constant 0 : i32
        %max3A_337 = vector.broadcast %max3A_336 : i32 to vector<16xi32>
        %max3A_338 = arith.maxsi %get3A_332, %max3A_337 : vector<16xi32>
        %gather3A = tpu.vector_load_idx %arg10[%max3A_338] : memref<10240xf32, #tpu.memory_space<vmem>>[vector<16xi32>], vector<16xf32>,
        %get3A_339 = arith.index_cast %add3A_330 : i32 to index
        %get3A_340 = tpu.vector_load %arg9[%get3A_339] {strides = array<i32>} : memref<5120xf32, #tpu.memory_space<vmem>>, vector<16xf32>,
        %add3A_341 = arith.addf %get3A_340, %gather3A : vector<16xf32>
        %jit3A = arith.constant -1.000000e+09 : f32
        %broadcast_in_dim3A_342 = vector.broadcast %jit3A : f32 to vector<16xf32>
        %select_n3A = arith.select %ge3A_335, %add3A_341, %broadcast_in_dim3A_342 : vector<16xi1>, vector<16xf32>
        %reduce_max3A = arith.constant true
        %reduce_max3A_343 = vector.broadcast %reduce_max3A : i1 to vector<16xi1>
        %reduce_max3A_344 = tpu.scan <max>, %select_n3A masked %reduce_max3A_343 : vector<16xf32>, vector<16xi1> -> vector<16xf32>
        %reduce_max3A_345 = vector.extract %reduce_max3A_344[15] : f32 from vector<16xf32>
        %sub3A = vector.broadcast %reduce_max3A_345 : f32 to vector<16xf32>
        %sub3A_346 = arith.subf %select_n3A, %sub3A : vector<16xf32>
        %exp3A = math.exp %sub3A_346 : vector<16xf32>
        %reduce_sum3A = arith.constant true
        %reduce_sum3A_347 = vector.broadcast %reduce_sum3A : i1 to vector<16xi1>
        %reduce_sum3A_348 = tpu.scan <sum>, %exp3A masked %reduce_sum3A_347 : vector<16xf32>, vector<16xi1> -> vector<16xf32>
        %reduce_sum3A_349 = vector.extract %reduce_sum3A_348[15] : f32 from vector<16xf32>
        %div3A = vector.broadcast %reduce_sum3A_349 : f32 to vector<16xf32>
        %div3A_350 = arith.divf %exp3A, %div3A : vector<16xf32>
        %jit3A_351 = arith.constant 0.000000e+00 : f32
        %broadcast_in_dim3A_352 = vector.broadcast %jit3A_351 : f32 to vector<16xf32>
        %select_n3A_353 = arith.select %ge3A_335, %div3A_350, %broadcast_in_dim3A_352 : vector<16xi1>, vector<16xf32>
        %swap3A_354 = arith.index_cast %add3A_330 : i32 to index
        %swap3A_355 = tpu.vector_load %arg19[%swap3A_354] {strides = array<i32>} : memref<5120xf32, #tpu.memory_space<vmem>>, vector<16xf32>,
        tpu.vector_store %arg19[%swap3A_354], %select_n3A_353 {strides = array<i32>} : memref<5120xf32, #tpu.memory_space<vmem>>, vector<16xf32>,
        %add3A_356 = vector.broadcast %add3A_330 : i32 to vector<16xi32>
        %add3A_357 = arith.addi %broadcast_in_dim3A_7, %add3A_356 : vector<16xi32>
        %add3A_358 = arith.constant 0 : i32
        %add3A_359 = vector.broadcast %add3A_358 : i32 to vector<16xi32>
        %add3A_360 = arith.addi %add3A_357, %add3A_359 : vector<16xi32>
        %gather3A_361 = tpu.vector_load_idx %arg19[%add3A_360] : memref<5120xf32, #tpu.memory_space<vmem>>[vector<16xi32>], vector<16xf32>,
        %add3A_362 = arith.constant 1 : i32
        %add3A_363 = vector.broadcast %add3A_362 : i32 to vector<16xi32>
        %add3A_364 = arith.addi %add3A_357, %add3A_363 : vector<16xi32>
        %gather3A_365 = tpu.vector_load_idx %arg19[%add3A_364] : memref<5120xf32, #tpu.memory_space<vmem>>[vector<16xi32>], vector<16xf32>,
        %add3A_366 = arith.constant 2 : i32
        %add3A_367 = vector.broadcast %add3A_366 : i32 to vector<16xi32>
        %add3A_368 = arith.addi %add3A_357, %add3A_367 : vector<16xi32>
        %gather3A_369 = tpu.vector_load_idx %arg19[%add3A_368] : memref<5120xf32, #tpu.memory_space<vmem>>[vector<16xi32>], vector<16xf32>,
        %add3A_370 = arith.constant 3 : i32
        %add3A_371 = vector.broadcast %add3A_370 : i32 to vector<16xi32>
        %add3A_372 = arith.addi %add3A_357, %add3A_371 : vector<16xi32>
        %gather3A_373 = tpu.vector_load_idx %arg19[%add3A_372] : memref<5120xf32, #tpu.memory_space<vmem>>[vector<16xi32>], vector<16xf32>,
        %add3A_374 = arith.constant 4 : i32
        %add3A_375 = vector.broadcast %add3A_374 : i32 to vector<16xi32>
        %add3A_376 = arith.addi %add3A_357, %add3A_375 : vector<16xi32>
        %gather3A_377 = tpu.vector_load_idx %arg19[%add3A_376] : memref<5120xf32, #tpu.memory_space<vmem>>[vector<16xi32>], vector<16xf32>,
        %add3A_378 = arith.constant 5 : i32
        %add3A_379 = vector.broadcast %add3A_378 : i32 to vector<16xi32>
        %add3A_380 = arith.addi %add3A_357, %add3A_379 : vector<16xi32>
        %gather3A_381 = tpu.vector_load_idx %arg19[%add3A_380] : memref<5120xf32, #tpu.memory_space<vmem>>[vector<16xi32>], vector<16xf32>,
        %add3A_382 = arith.constant 6 : i32
        %add3A_383 = vector.broadcast %add3A_382 : i32 to vector<16xi32>
        %add3A_384 = arith.addi %add3A_357, %add3A_383 : vector<16xi32>
        %gather3A_385 = tpu.vector_load_idx %arg19[%add3A_384] : memref<5120xf32, #tpu.memory_space<vmem>>[vector<16xi32>], vector<16xf32>,
        %add3A_386 = arith.constant 7 : i32
        %add3A_387 = vector.broadcast %add3A_386 : i32 to vector<16xi32>
        %add3A_388 = arith.addi %add3A_357, %add3A_387 : vector<16xi32>
        %gather3A_389 = tpu.vector_load_idx %arg19[%add3A_388] : memref<5120xf32, #tpu.memory_space<vmem>>[vector<16xi32>], vector<16xf32>,
        %add3A_390 = arith.constant 8 : i32
        %add3A_391 = vector.broadcast %add3A_390 : i32 to vector<16xi32>
        %add3A_392 = arith.addi %add3A_357, %add3A_391 : vector<16xi32>
        %gather3A_393 = tpu.vector_load_idx %arg19[%add3A_392] : memref<5120xf32, #tpu.memory_space<vmem>>[vector<16xi32>], vector<16xf32>,
        %add3A_394 = arith.constant 9 : i32
        %add3A_395 = vector.broadcast %add3A_394 : i32 to vector<16xi32>
        %add3A_396 = arith.addi %add3A_357, %add3A_395 : vector<16xi32>
        %gather3A_397 = tpu.vector_load_idx %arg19[%add3A_396] : memref<5120xf32, #tpu.memory_space<vmem>>[vector<16xi32>], vector<16xf32>,
        %add3A_398 = arith.constant 10 : i32
        %add3A_399 = vector.broadcast %add3A_398 : i32 to vector<16xi32>
        %add3A_400 = arith.addi %add3A_357, %add3A_399 : vector<16xi32>
        %gather3A_401 = tpu.vector_load_idx %arg19[%add3A_400] : memref<5120xf32, #tpu.memory_space<vmem>>[vector<16xi32>], vector<16xf32>,
        %add3A_402 = arith.constant 11 : i32
        %add3A_403 = vector.broadcast %add3A_402 : i32 to vector<16xi32>
        %add3A_404 = arith.addi %add3A_357, %add3A_403 : vector<16xi32>
        %gather3A_405 = tpu.vector_load_idx %arg19[%add3A_404] : memref<5120xf32, #tpu.memory_space<vmem>>[vector<16xi32>], vector<16xf32>,
        %add3A_406 = arith.constant 12 : i32
        %add3A_407 = vector.broadcast %add3A_406 : i32 to vector<16xi32>
        %add3A_408 = arith.addi %add3A_357, %add3A_407 : vector<16xi32>
        %gather3A_409 = tpu.vector_load_idx %arg19[%add3A_408] : memref<5120xf32, #tpu.memory_space<vmem>>[vector<16xi32>], vector<16xf32>,
        %add3A_410 = arith.constant 13 : i32
        %add3A_411 = vector.broadcast %add3A_410 : i32 to vector<16xi32>
        %add3A_412 = arith.addi %add3A_357, %add3A_411 : vector<16xi32>
        %gather3A_413 = tpu.vector_load_idx %arg19[%add3A_412] : memref<5120xf32, #tpu.memory_space<vmem>>[vector<16xi32>], vector<16xf32>,
        %add3A_414 = arith.constant 14 : i32
        %add3A_415 = vector.broadcast %add3A_414 : i32 to vector<16xi32>
        %add3A_416 = arith.addi %add3A_357, %add3A_415 : vector<16xi32>
        %gather3A_417 = tpu.vector_load_idx %arg19[%add3A_416] : memref<5120xf32, #tpu.memory_space<vmem>>[vector<16xi32>], vector<16xf32>,
        %add3A_418 = arith.constant 15 : i32
        %add3A_419 = vector.broadcast %add3A_418 : i32 to vector<16xi32>
        %add3A_420 = arith.addi %add3A_357, %add3A_419 : vector<16xi32>
        %gather3A_421 = tpu.vector_load_idx %arg19[%add3A_420] : memref<5120xf32, #tpu.memory_space<vmem>>[vector<16xi32>], vector<16xf32>,
        %mul3A_422 = arith.constant 16 : i32
        %mul3A_423 = arith.muli %scan3A_327, %mul3A_422 : i32
        %scan3A_424 = arith.constant 0 : i32
        %scan3A_425 = arith.constant 4 : i32
        %scan3A_426 = arith.addi %scan3A_424, %scan3A_425 : i32
        %scan3A_427 = arith.constant 1 : i32
        scf.for %scan3A_429 = %scan3A_424 to %scan3A_426 step %scan3A_427  : i32 {
          %mul3A_430 = arith.constant 16 : i32
          %mul3A_431 = arith.muli %scan3A_429, %mul3A_430 : i32
          %add3A_432 = arith.constant 0 : i32
          %add3A_433 = arith.addi %add3A_432, %mul3A_431 : i32
          %add3A_434 = arith.constant 0 : i32
          %add3A_435 = arith.addi %mul3A_423, %add3A_434 : i32
          %get3A_436 = arith.index_cast %add3A_435 : i32 to index
          %get3A_437 = arith.index_cast %add3A_433 : i32 to index
          %get3A_438 = tpu.vector_load %arg17[%get3A_436, %get3A_437] {strides = array<i32>} : memref<128x128xi32, #tpu.memory_space<vmem>>, vector<16xi32>,
          %bitcast3A = vector.bitcast %get3A_438 : vector<16xi32> to vector<32xbf16>
          %unpack3A = tpu.unpack_subelements %bitcast3A, 0 {pack_format = #tpu.pack_format<interleaved>} : vector<32xbf16> -> vector<16xf32>
          %unpack3A_439 = tpu.unpack_subelements %bitcast3A, 1 {pack_format = #tpu.pack_format<interleaved>} : vector<32xbf16> -> vector<16xf32>
          %mul3A_440 = arith.mulf %gather3A_361, %unpack3A : vector<16xf32>
          %mul3A_441 = arith.mulf %gather3A_361, %unpack3A_439 : vector<16xf32>
          %add3A_442 = arith.constant 1 : i32
          %add3A_443 = arith.addi %mul3A_423, %add3A_442 : i32
          %get3A_444 = arith.index_cast %add3A_443 : i32 to index
          %get3A_445 = arith.index_cast %add3A_433 : i32 to index
          %get3A_446 = tpu.vector_load %arg17[%get3A_444, %get3A_445] {strides = array<i32>} : memref<128x128xi32, #tpu.memory_space<vmem>>, vector<16xi32>,
          %bitcast3A_447 = vector.bitcast %get3A_446 : vector<16xi32> to vector<32xbf16>
          %unpack3A_448 = tpu.unpack_subelements %bitcast3A_447, 0 {pack_format = #tpu.pack_format<interleaved>} : vector<32xbf16> -> vector<16xf32>
          %unpack3A_449 = tpu.unpack_subelements %bitcast3A_447, 1 {pack_format = #tpu.pack_format<interleaved>} : vector<32xbf16> -> vector<16xf32>
          %mul3A_450 = arith.mulf %gather3A_365, %unpack3A_448 : vector<16xf32>
          %mul3A_451 = arith.mulf %gather3A_365, %unpack3A_449 : vector<16xf32>
          %add3A_452 = arith.constant 2 : i32
          %add3A_453 = arith.addi %mul3A_423, %add3A_452 : i32
          %get3A_454 = arith.index_cast %add3A_453 : i32 to index
          %get3A_455 = arith.index_cast %add3A_433 : i32 to index
          %get3A_456 = tpu.vector_load %arg17[%get3A_454, %get3A_455] {strides = array<i32>} : memref<128x128xi32, #tpu.memory_space<vmem>>, vector<16xi32>,
          %bitcast3A_457 = vector.bitcast %get3A_456 : vector<16xi32> to vector<32xbf16>
          %unpack3A_458 = tpu.unpack_subelements %bitcast3A_457, 0 {pack_format = #tpu.pack_format<interleaved>} : vector<32xbf16> -> vector<16xf32>
          %unpack3A_459 = tpu.unpack_subelements %bitcast3A_457, 1 {pack_format = #tpu.pack_format<interleaved>} : vector<32xbf16> -> vector<16xf32>
          %mul3A_460 = arith.mulf %gather3A_369, %unpack3A_458 : vector<16xf32>
          %mul3A_461 = arith.mulf %gather3A_369, %unpack3A_459 : vector<16xf32>
          %add3A_462 = arith.constant 3 : i32
          %add3A_463 = arith.addi %mul3A_423, %add3A_462 : i32
          %get3A_464 = arith.index_cast %add3A_463 : i32 to index
          %get3A_465 = arith.index_cast %add3A_433 : i32 to index
          %get3A_466 = tpu.vector_load %arg17[%get3A_464, %get3A_465] {strides = array<i32>} : memref<128x128xi32, #tpu.memory_space<vmem>>, vector<16xi32>,
          %bitcast3A_467 = vector.bitcast %get3A_466 : vector<16xi32> to vector<32xbf16>
          %unpack3A_468 = tpu.unpack_subelements %bitcast3A_467, 0 {pack_format = #tpu.pack_format<interleaved>} : vector<32xbf16> -> vector<16xf32>
          %unpack3A_469 = tpu.unpack_subelements %bitcast3A_467, 1 {pack_format = #tpu.pack_format<interleaved>} : vector<32xbf16> -> vector<16xf32>
          %mul3A_470 = arith.mulf %gather3A_373, %unpack3A_468 : vector<16xf32>
          %mul3A_471 = arith.mulf %gather3A_373, %unpack3A_469 : vector<16xf32>
          %add3A_472 = arith.constant 4 : i32
          %add3A_473 = arith.addi %mul3A_423, %add3A_472 : i32
          %get3A_474 = arith.index_cast %add3A_473 : i32 to index
          %get3A_475 = arith.index_cast %add3A_433 : i32 to index
          %get3A_476 = tpu.vector_load %arg17[%get3A_474, %get3A_475] {strides = array<i32>} : memref<128x128xi32, #tpu.memory_space<vmem>>, vector<16xi32>,
          %bitcast3A_477 = vector.bitcast %get3A_476 : vector<16xi32> to vector<32xbf16>
          %unpack3A_478 = tpu.unpack_subelements %bitcast3A_477, 0 {pack_format = #tpu.pack_format<interleaved>} : vector<32xbf16> -> vector<16xf32>
          %unpack3A_479 = tpu.unpack_subelements %bitcast3A_477, 1 {pack_format = #tpu.pack_format<interleaved>} : vector<32xbf16> -> vector<16xf32>
          %mul3A_480 = arith.mulf %gather3A_377, %unpack3A_478 : vector<16xf32>
          %mul3A_481 = arith.mulf %gather3A_377, %unpack3A_479 : vector<16xf32>
          %add3A_482 = arith.constant 5 : i32
          %add3A_483 = arith.addi %mul3A_423, %add3A_482 : i32
          %get3A_484 = arith.index_cast %add3A_483 : i32 to index
          %get3A_485 = arith.index_cast %add3A_433 : i32 to index
          %get3A_486 = tpu.vector_load %arg17[%get3A_484, %get3A_485] {strides = array<i32>} : memref<128x128xi32, #tpu.memory_space<vmem>>, vector<16xi32>,
          %bitcast3A_487 = vector.bitcast %get3A_486 : vector<16xi32> to vector<32xbf16>
          %unpack3A_488 = tpu.unpack_subelements %bitcast3A_487, 0 {pack_format = #tpu.pack_format<interleaved>} : vector<32xbf16> -> vector<16xf32>
          %unpack3A_489 = tpu.unpack_subelements %bitcast3A_487, 1 {pack_format = #tpu.pack_format<interleaved>} : vector<32xbf16> -> vector<16xf32>
          %mul3A_490 = arith.mulf %gather3A_381, %unpack3A_488 : vector<16xf32>
          %mul3A_491 = arith.mulf %gather3A_381, %unpack3A_489 : vector<16xf32>
          %add3A_492 = arith.constant 6 : i32
          %add3A_493 = arith.addi %mul3A_423, %add3A_492 : i32
          %get3A_494 = arith.index_cast %add3A_493 : i32 to index
          %get3A_495 = arith.index_cast %add3A_433 : i32 to index
          %get3A_496 = tpu.vector_load %arg17[%get3A_494, %get3A_495] {strides = array<i32>} : memref<128x128xi32, #tpu.memory_space<vmem>>, vector<16xi32>,
          %bitcast3A_497 = vector.bitcast %get3A_496 : vector<16xi32> to vector<32xbf16>
          %unpack3A_498 = tpu.unpack_subelements %bitcast3A_497, 0 {pack_format = #tpu.pack_format<interleaved>} : vector<32xbf16> -> vector<16xf32>
          %unpack3A_499 = tpu.unpack_subelements %bitcast3A_497, 1 {pack_format = #tpu.pack_format<interleaved>} : vector<32xbf16> -> vector<16xf32>
          %mul3A_500 = arith.mulf %gather3A_385, %unpack3A_498 : vector<16xf32>
          %mul3A_501 = arith.mulf %gather3A_385, %unpack3A_499 : vector<16xf32>
          %add3A_502 = arith.constant 7 : i32
          %add3A_503 = arith.addi %mul3A_423, %add3A_502 : i32
          %get3A_504 = arith.index_cast %add3A_503 : i32 to index
          %get3A_505 = arith.index_cast %add3A_433 : i32 to index
          %get3A_506 = tpu.vector_load %arg17[%get3A_504, %get3A_505] {strides = array<i32>} : memref<128x128xi32, #tpu.memory_space<vmem>>, vector<16xi32>,
          %bitcast3A_507 = vector.bitcast %get3A_506 : vector<16xi32> to vector<32xbf16>
          %unpack3A_508 = tpu.unpack_subelements %bitcast3A_507, 0 {pack_format = #tpu.pack_format<interleaved>} : vector<32xbf16> -> vector<16xf32>
          %unpack3A_509 = tpu.unpack_subelements %bitcast3A_507, 1 {pack_format = #tpu.pack_format<interleaved>} : vector<32xbf16> -> vector<16xf32>
          %mul3A_510 = arith.mulf %gather3A_389, %unpack3A_508 : vector<16xf32>
          %mul3A_511 = arith.mulf %gather3A_389, %unpack3A_509 : vector<16xf32>
          %add3A_512 = arith.constant 8 : i32
          %add3A_513 = arith.addi %mul3A_423, %add3A_512 : i32
          %get3A_514 = arith.index_cast %add3A_513 : i32 to index
          %get3A_515 = arith.index_cast %add3A_433 : i32 to index
          %get3A_516 = tpu.vector_load %arg17[%get3A_514, %get3A_515] {strides = array<i32>} : memref<128x128xi32, #tpu.memory_space<vmem>>, vector<16xi32>,
          %bitcast3A_517 = vector.bitcast %get3A_516 : vector<16xi32> to vector<32xbf16>
          %unpack3A_518 = tpu.unpack_subelements %bitcast3A_517, 0 {pack_format = #tpu.pack_format<interleaved>} : vector<32xbf16> -> vector<16xf32>
          %unpack3A_519 = tpu.unpack_subelements %bitcast3A_517, 1 {pack_format = #tpu.pack_format<interleaved>} : vector<32xbf16> -> vector<16xf32>
          %mul3A_520 = arith.mulf %gather3A_393, %unpack3A_518 : vector<16xf32>
          %mul3A_521 = arith.mulf %gather3A_393, %unpack3A_519 : vector<16xf32>
          %add3A_522 = arith.constant 9 : i32
          %add3A_523 = arith.addi %mul3A_423, %add3A_522 : i32
          %get3A_524 = arith.index_cast %add3A_523 : i32 to index
          %get3A_525 = arith.index_cast %add3A_433 : i32 to index
          %get3A_526 = tpu.vector_load %arg17[%get3A_524, %get3A_525] {strides = array<i32>} : memref<128x128xi32, #tpu.memory_space<vmem>>, vector<16xi32>,
          %bitcast3A_527 = vector.bitcast %get3A_526 : vector<16xi32> to vector<32xbf16>
          %unpack3A_528 = tpu.unpack_subelements %bitcast3A_527, 0 {pack_format = #tpu.pack_format<interleaved>} : vector<32xbf16> -> vector<16xf32>
          %unpack3A_529 = tpu.unpack_subelements %bitcast3A_527, 1 {pack_format = #tpu.pack_format<interleaved>} : vector<32xbf16> -> vector<16xf32>
          %mul3A_530 = arith.mulf %gather3A_397, %unpack3A_528 : vector<16xf32>
          %mul3A_531 = arith.mulf %gather3A_397, %unpack3A_529 : vector<16xf32>
          %add3A_532 = arith.constant 10 : i32
          %add3A_533 = arith.addi %mul3A_423, %add3A_532 : i32
          %get3A_534 = arith.index_cast %add3A_533 : i32 to index
          %get3A_535 = arith.index_cast %add3A_433 : i32 to index
          %get3A_536 = tpu.vector_load %arg17[%get3A_534, %get3A_535] {strides = array<i32>} : memref<128x128xi32, #tpu.memory_space<vmem>>, vector<16xi32>,
          %bitcast3A_537 = vector.bitcast %get3A_536 : vector<16xi32> to vector<32xbf16>
          %unpack3A_538 = tpu.unpack_subelements %bitcast3A_537, 0 {pack_format = #tpu.pack_format<interleaved>} : vector<32xbf16> -> vector<16xf32>
          %unpack3A_539 = tpu.unpack_subelements %bitcast3A_537, 1 {pack_format = #tpu.pack_format<interleaved>} : vector<32xbf16> -> vector<16xf32>
          %mul3A_540 = arith.mulf %gather3A_401, %unpack3A_538 : vector<16xf32>
          %mul3A_541 = arith.mulf %gather3A_401, %unpack3A_539 : vector<16xf32>
          %add3A_542 = arith.constant 11 : i32
          %add3A_543 = arith.addi %mul3A_423, %add3A_542 : i32
          %get3A_544 = arith.index_cast %add3A_543 : i32 to index
          %get3A_545 = arith.index_cast %add3A_433 : i32 to index
          %get3A_546 = tpu.vector_load %arg17[%get3A_544, %get3A_545] {strides = array<i32>} : memref<128x128xi32, #tpu.memory_space<vmem>>, vector<16xi32>,
          %bitcast3A_547 = vector.bitcast %get3A_546 : vector<16xi32> to vector<32xbf16>
          %unpack3A_548 = tpu.unpack_subelements %bitcast3A_547, 0 {pack_format = #tpu.pack_format<interleaved>} : vector<32xbf16> -> vector<16xf32>
          %unpack3A_549 = tpu.unpack_subelements %bitcast3A_547, 1 {pack_format = #tpu.pack_format<interleaved>} : vector<32xbf16> -> vector<16xf32>
          %mul3A_550 = arith.mulf %gather3A_405, %unpack3A_548 : vector<16xf32>
          %mul3A_551 = arith.mulf %gather3A_405, %unpack3A_549 : vector<16xf32>
          %add3A_552 = arith.constant 12 : i32
          %add3A_553 = arith.addi %mul3A_423, %add3A_552 : i32
          %get3A_554 = arith.index_cast %add3A_553 : i32 to index
          %get3A_555 = arith.index_cast %add3A_433 : i32 to index
          %get3A_556 = tpu.vector_load %arg17[%get3A_554, %get3A_555] {strides = array<i32>} : memref<128x128xi32, #tpu.memory_space<vmem>>, vector<16xi32>,
          %bitcast3A_557 = vector.bitcast %get3A_556 : vector<16xi32> to vector<32xbf16>
          %unpack3A_558 = tpu.unpack_subelements %bitcast3A_557, 0 {pack_format = #tpu.pack_format<interleaved>} : vector<32xbf16> -> vector<16xf32>
          %unpack3A_559 = tpu.unpack_subelements %bitcast3A_557, 1 {pack_format = #tpu.pack_format<interleaved>} : vector<32xbf16> -> vector<16xf32>
          %mul3A_560 = arith.mulf %gather3A_409, %unpack3A_558 : vector<16xf32>
          %mul3A_561 = arith.mulf %gather3A_409, %unpack3A_559 : vector<16xf32>
          %add3A_562 = arith.constant 13 : i32
          %add3A_563 = arith.addi %mul3A_423, %add3A_562 : i32
          %get3A_564 = arith.index_cast %add3A_563 : i32 to index
          %get3A_565 = arith.index_cast %add3A_433 : i32 to index
          %get3A_566 = tpu.vector_load %arg17[%get3A_564, %get3A_565] {strides = array<i32>} : memref<128x128xi32, #tpu.memory_space<vmem>>, vector<16xi32>,
          %bitcast3A_567 = vector.bitcast %get3A_566 : vector<16xi32> to vector<32xbf16>
          %unpack3A_568 = tpu.unpack_subelements %bitcast3A_567, 0 {pack_format = #tpu.pack_format<interleaved>} : vector<32xbf16> -> vector<16xf32>
          %unpack3A_569 = tpu.unpack_subelements %bitcast3A_567, 1 {pack_format = #tpu.pack_format<interleaved>} : vector<32xbf16> -> vector<16xf32>
          %mul3A_570 = arith.mulf %gather3A_413, %unpack3A_568 : vector<16xf32>
          %mul3A_571 = arith.mulf %gather3A_413, %unpack3A_569 : vector<16xf32>
          %add3A_572 = arith.constant 14 : i32
          %add3A_573 = arith.addi %mul3A_423, %add3A_572 : i32
          %get3A_574 = arith.index_cast %add3A_573 : i32 to index
          %get3A_575 = arith.index_cast %add3A_433 : i32 to index
          %get3A_576 = tpu.vector_load %arg17[%get3A_574, %get3A_575] {strides = array<i32>} : memref<128x128xi32, #tpu.memory_space<vmem>>, vector<16xi32>,
          %bitcast3A_577 = vector.bitcast %get3A_576 : vector<16xi32> to vector<32xbf16>
          %unpack3A_578 = tpu.unpack_subelements %bitcast3A_577, 0 {pack_format = #tpu.pack_format<interleaved>} : vector<32xbf16> -> vector<16xf32>
          %unpack3A_579 = tpu.unpack_subelements %bitcast3A_577, 1 {pack_format = #tpu.pack_format<interleaved>} : vector<32xbf16> -> vector<16xf32>
          %mul3A_580 = arith.mulf %gather3A_417, %unpack3A_578 : vector<16xf32>
          %mul3A_581 = arith.mulf %gather3A_417, %unpack3A_579 : vector<16xf32>
          %add3A_582 = arith.constant 15 : i32
          %add3A_583 = arith.addi %mul3A_423, %add3A_582 : i32
          %get3A_584 = arith.index_cast %add3A_583 : i32 to index
          %get3A_585 = arith.index_cast %add3A_433 : i32 to index
          %get3A_586 = tpu.vector_load %arg17[%get3A_584, %get3A_585] {strides = array<i32>} : memref<128x128xi32, #tpu.memory_space<vmem>>, vector<16xi32>,
          %bitcast3A_587 = vector.bitcast %get3A_586 : vector<16xi32> to vector<32xbf16>
          %unpack3A_588 = tpu.unpack_subelements %bitcast3A_587, 0 {pack_format = #tpu.pack_format<interleaved>} : vector<32xbf16> -> vector<16xf32>
          %unpack3A_589 = tpu.unpack_subelements %bitcast3A_587, 1 {pack_format = #tpu.pack_format<interleaved>} : vector<32xbf16> -> vector<16xf32>
          %mul3A_590 = arith.mulf %gather3A_421, %unpack3A_588 : vector<16xf32>
          %mul3A_591 = arith.mulf %gather3A_421, %unpack3A_589 : vector<16xf32>
          %add3A_592 = arith.addf %mul3A_440, %mul3A_450 : vector<16xf32>
          %add3A_593 = arith.addf %mul3A_460, %mul3A_470 : vector<16xf32>
          %add3A_594 = arith.addf %mul3A_480, %mul3A_490 : vector<16xf32>
          %add3A_595 = arith.addf %mul3A_500, %mul3A_510 : vector<16xf32>
          %add3A_596 = arith.addf %mul3A_520, %mul3A_530 : vector<16xf32>
          %add3A_597 = arith.addf %mul3A_540, %mul3A_550 : vector<16xf32>
          %add3A_598 = arith.addf %mul3A_560, %mul3A_570 : vector<16xf32>
          %add3A_599 = arith.addf %mul3A_580, %mul3A_590 : vector<16xf32>
          %add3A_600 = arith.addf %mul3A_441, %mul3A_451 : vector<16xf32>
          %add3A_601 = arith.addf %mul3A_461, %mul3A_471 : vector<16xf32>
          %add3A_602 = arith.addf %mul3A_481, %mul3A_491 : vector<16xf32>
          %add3A_603 = arith.addf %mul3A_501, %mul3A_511 : vector<16xf32>
          %add3A_604 = arith.addf %mul3A_521, %mul3A_531 : vector<16xf32>
          %add3A_605 = arith.addf %mul3A_541, %mul3A_551 : vector<16xf32>
          %add3A_606 = arith.addf %mul3A_561, %mul3A_571 : vector<16xf32>
          %add3A_607 = arith.addf %mul3A_581, %mul3A_591 : vector<16xf32>
          %add3A_608 = arith.addf %add3A_592, %add3A_593 : vector<16xf32>
          %add3A_609 = arith.addf %add3A_594, %add3A_595 : vector<16xf32>
          %add3A_610 = arith.addf %add3A_596, %add3A_597 : vector<16xf32>
          %add3A_611 = arith.addf %add3A_598, %add3A_599 : vector<16xf32>
          %add3A_612 = arith.addf %add3A_600, %add3A_601 : vector<16xf32>
          %add3A_613 = arith.addf %add3A_602, %add3A_603 : vector<16xf32>
          %add3A_614 = arith.addf %add3A_604, %add3A_605 : vector<16xf32>
          %add3A_615 = arith.addf %add3A_606, %add3A_607 : vector<16xf32>
          %add3A_616 = arith.addf %add3A_608, %add3A_609 : vector<16xf32>
          %add3A_617 = arith.addf %add3A_610, %add3A_611 : vector<16xf32>
          %add3A_618 = arith.addf %add3A_612, %add3A_613 : vector<16xf32>
          %add3A_619 = arith.addf %add3A_614, %add3A_615 : vector<16xf32>
          %add3A_620 = arith.addf %add3A_616, %add3A_617 : vector<16xf32>
          %add3A_621 = arith.addf %add3A_618, %add3A_619 : vector<16xf32>
          %swap3A_622 = arith.index_cast %scan3A_327 : i32 to index
          %swap3A_623 = arith.index_cast %add3A_433 : i32 to index
          %swap3A_624 = tpu.vector_load %arg20[%swap3A_622, %swap3A_623] {strides = array<i32>} : memref<8x256xf32, #tpu.memory_space<vmem>>, vector<16xf32>,
          tpu.vector_store %arg20[%swap3A_622, %swap3A_623], %add3A_620 {strides = array<i32>} : memref<8x256xf32, #tpu.memory_space<vmem>>, vector<16xf32>,
          %add3A_625 = arith.constant 128 : i32
          %add3A_626 = arith.addi %add3A_433, %add3A_625 : i32
          %swap3A_627 = arith.index_cast %scan3A_327 : i32 to index
          %swap3A_628 = arith.index_cast %add3A_626 : i32 to index
          %swap3A_629 = tpu.vector_load %arg20[%swap3A_627, %swap3A_628] {strides = array<i32>} : memref<8x256xf32, #tpu.memory_space<vmem>>, vector<16xf32>,
          tpu.vector_store %arg20[%swap3A_627, %swap3A_628], %add3A_621 {strides = array<i32>} : memref<8x256xf32, #tpu.memory_space<vmem>>, vector<16xf32>,
          %mul3A_630 = arith.constant 16 : i32
          %mul3A_631 = arith.muli %scan3A_429, %mul3A_630 : i32
          %add3A_632 = arith.constant 64 : i32
          %add3A_633 = arith.addi %add3A_632, %mul3A_631 : i32
          %add3A_634 = arith.constant 0 : i32
          %add3A_635 = arith.addi %mul3A_423, %add3A_634 : i32
          %get3A_636 = arith.index_cast %add3A_635 : i32 to index
          %get3A_637 = arith.index_cast %add3A_633 : i32 to index
          %get3A_638 = tpu.vector_load %arg17[%get3A_636, %get3A_637] {strides = array<i32>} : memref<128x128xi32, #tpu.memory_space<vmem>>, vector<16xi32>,
          %bitcast3A_639 = vector.bitcast %get3A_638 : vector<16xi32> to vector<32xbf16>
          %unpack3A_640 = tpu.unpack_subelements %bitcast3A_639, 0 {pack_format = #tpu.pack_format<interleaved>} : vector<32xbf16> -> vector<16xf32>
          %unpack3A_641 = tpu.unpack_subelements %bitcast3A_639, 1 {pack_format = #tpu.pack_format<interleaved>} : vector<32xbf16> -> vector<16xf32>
          %mul3A_642 = arith.mulf %gather3A_361, %unpack3A_640 : vector<16xf32>
          %mul3A_643 = arith.mulf %gather3A_361, %unpack3A_641 : vector<16xf32>
          %add3A_644 = arith.constant 1 : i32
          %add3A_645 = arith.addi %mul3A_423, %add3A_644 : i32
          %get3A_646 = arith.index_cast %add3A_645 : i32 to index
          %get3A_647 = arith.index_cast %add3A_633 : i32 to index
          %get3A_648 = tpu.vector_load %arg17[%get3A_646, %get3A_647] {strides = array<i32>} : memref<128x128xi32, #tpu.memory_space<vmem>>, vector<16xi32>,
          %bitcast3A_649 = vector.bitcast %get3A_648 : vector<16xi32> to vector<32xbf16>
          %unpack3A_650 = tpu.unpack_subelements %bitcast3A_649, 0 {pack_format = #tpu.pack_format<interleaved>} : vector<32xbf16> -> vector<16xf32>
          %unpack3A_651 = tpu.unpack_subelements %bitcast3A_649, 1 {pack_format = #tpu.pack_format<interleaved>} : vector<32xbf16> -> vector<16xf32>
          %mul3A_652 = arith.mulf %gather3A_365, %unpack3A_650 : vector<16xf32>
          %mul3A_653 = arith.mulf %gather3A_365, %unpack3A_651 : vector<16xf32>
          %add3A_654 = arith.constant 2 : i32
          %add3A_655 = arith.addi %mul3A_423, %add3A_654 : i32
          %get3A_656 = arith.index_cast %add3A_655 : i32 to index
          %get3A_657 = arith.index_cast %add3A_633 : i32 to index
          %get3A_658 = tpu.vector_load %arg17[%get3A_656, %get3A_657] {strides = array<i32>} : memref<128x128xi32, #tpu.memory_space<vmem>>, vector<16xi32>,
          %bitcast3A_659 = vector.bitcast %get3A_658 : vector<16xi32> to vector<32xbf16>
          %unpack3A_660 = tpu.unpack_subelements %bitcast3A_659, 0 {pack_format = #tpu.pack_format<interleaved>} : vector<32xbf16> -> vector<16xf32>
          %unpack3A_661 = tpu.unpack_subelements %bitcast3A_659, 1 {pack_format = #tpu.pack_format<interleaved>} : vector<32xbf16> -> vector<16xf32>
          %mul3A_662 = arith.mulf %gather3A_369, %unpack3A_660 : vector<16xf32>
          %mul3A_663 = arith.mulf %gather3A_369, %unpack3A_661 : vector<16xf32>
          %add3A_664 = arith.constant 3 : i32
          %add3A_665 = arith.addi %mul3A_423, %add3A_664 : i32
          %get3A_666 = arith.index_cast %add3A_665 : i32 to index
          %get3A_667 = arith.index_cast %add3A_633 : i32 to index
          %get3A_668 = tpu.vector_load %arg17[%get3A_666, %get3A_667] {strides = array<i32>} : memref<128x128xi32, #tpu.memory_space<vmem>>, vector<16xi32>,
          %bitcast3A_669 = vector.bitcast %get3A_668 : vector<16xi32> to vector<32xbf16>
          %unpack3A_670 = tpu.unpack_subelements %bitcast3A_669, 0 {pack_format = #tpu.pack_format<interleaved>} : vector<32xbf16> -> vector<16xf32>
          %unpack3A_671 = tpu.unpack_subelements %bitcast3A_669, 1 {pack_format = #tpu.pack_format<interleaved>} : vector<32xbf16> -> vector<16xf32>
          %mul3A_672 = arith.mulf %gather3A_373, %unpack3A_670 : vector<16xf32>
          %mul3A_673 = arith.mulf %gather3A_373, %unpack3A_671 : vector<16xf32>
          %add3A_674 = arith.constant 4 : i32
          %add3A_675 = arith.addi %mul3A_423, %add3A_674 : i32
          %get3A_676 = arith.index_cast %add3A_675 : i32 to index
          %get3A_677 = arith.index_cast %add3A_633 : i32 to index
          %get3A_678 = tpu.vector_load %arg17[%get3A_676, %get3A_677] {strides = array<i32>} : memref<128x128xi32, #tpu.memory_space<vmem>>, vector<16xi32>,
          %bitcast3A_679 = vector.bitcast %get3A_678 : vector<16xi32> to vector<32xbf16>
          %unpack3A_680 = tpu.unpack_subelements %bitcast3A_679, 0 {pack_format = #tpu.pack_format<interleaved>} : vector<32xbf16> -> vector<16xf32>
          %unpack3A_681 = tpu.unpack_subelements %bitcast3A_679, 1 {pack_format = #tpu.pack_format<interleaved>} : vector<32xbf16> -> vector<16xf32>
          %mul3A_682 = arith.mulf %gather3A_377, %unpack3A_680 : vector<16xf32>
          %mul3A_683 = arith.mulf %gather3A_377, %unpack3A_681 : vector<16xf32>
          %add3A_684 = arith.constant 5 : i32
          %add3A_685 = arith.addi %mul3A_423, %add3A_684 : i32
          %get3A_686 = arith.index_cast %add3A_685 : i32 to index
          %get3A_687 = arith.index_cast %add3A_633 : i32 to index
          %get3A_688 = tpu.vector_load %arg17[%get3A_686, %get3A_687] {strides = array<i32>} : memref<128x128xi32, #tpu.memory_space<vmem>>, vector<16xi32>,
          %bitcast3A_689 = vector.bitcast %get3A_688 : vector<16xi32> to vector<32xbf16>
          %unpack3A_690 = tpu.unpack_subelements %bitcast3A_689, 0 {pack_format = #tpu.pack_format<interleaved>} : vector<32xbf16> -> vector<16xf32>
          %unpack3A_691 = tpu.unpack_subelements %bitcast3A_689, 1 {pack_format = #tpu.pack_format<interleaved>} : vector<32xbf16> -> vector<16xf32>
          %mul3A_692 = arith.mulf %gather3A_381, %unpack3A_690 : vector<16xf32>
          %mul3A_693 = arith.mulf %gather3A_381, %unpack3A_691 : vector<16xf32>
          %add3A_694 = arith.constant 6 : i32
          %add3A_695 = arith.addi %mul3A_423, %add3A_694 : i32
          %get3A_696 = arith.index_cast %add3A_695 : i32 to index
          %get3A_697 = arith.index_cast %add3A_633 : i32 to index
          %get3A_698 = tpu.vector_load %arg17[%get3A_696, %get3A_697] {strides = array<i32>} : memref<128x128xi32, #tpu.memory_space<vmem>>, vector<16xi32>,
          %bitcast3A_699 = vector.bitcast %get3A_698 : vector<16xi32> to vector<32xbf16>
          %unpack3A_700 = tpu.unpack_subelements %bitcast3A_699, 0 {pack_format = #tpu.pack_format<interleaved>} : vector<32xbf16> -> vector<16xf32>
          %unpack3A_701 = tpu.unpack_subelements %bitcast3A_699, 1 {pack_format = #tpu.pack_format<interleaved>} : vector<32xbf16> -> vector<16xf32>
          %mul3A_702 = arith.mulf %gather3A_385, %unpack3A_700 : vector<16xf32>
          %mul3A_703 = arith.mulf %gather3A_385, %unpack3A_701 : vector<16xf32>
          %add3A_704 = arith.constant 7 : i32
          %add3A_705 = arith.addi %mul3A_423, %add3A_704 : i32
          %get3A_706 = arith.index_cast %add3A_705 : i32 to index
          %get3A_707 = arith.index_cast %add3A_633 : i32 to index
          %get3A_708 = tpu.vector_load %arg17[%get3A_706, %get3A_707] {strides = array<i32>} : memref<128x128xi32, #tpu.memory_space<vmem>>, vector<16xi32>,
          %bitcast3A_709 = vector.bitcast %get3A_708 : vector<16xi32> to vector<32xbf16>
          %unpack3A_710 = tpu.unpack_subelements %bitcast3A_709, 0 {pack_format = #tpu.pack_format<interleaved>} : vector<32xbf16> -> vector<16xf32>
          %unpack3A_711 = tpu.unpack_subelements %bitcast3A_709, 1 {pack_format = #tpu.pack_format<interleaved>} : vector<32xbf16> -> vector<16xf32>
          %mul3A_712 = arith.mulf %gather3A_389, %unpack3A_710 : vector<16xf32>
          %mul3A_713 = arith.mulf %gather3A_389, %unpack3A_711 : vector<16xf32>
          %add3A_714 = arith.constant 8 : i32
          %add3A_715 = arith.addi %mul3A_423, %add3A_714 : i32
          %get3A_716 = arith.index_cast %add3A_715 : i32 to index
          %get3A_717 = arith.index_cast %add3A_633 : i32 to index
          %get3A_718 = tpu.vector_load %arg17[%get3A_716, %get3A_717] {strides = array<i32>} : memref<128x128xi32, #tpu.memory_space<vmem>>, vector<16xi32>,
          %bitcast3A_719 = vector.bitcast %get3A_718 : vector<16xi32> to vector<32xbf16>
          %unpack3A_720 = tpu.unpack_subelements %bitcast3A_719, 0 {pack_format = #tpu.pack_format<interleaved>} : vector<32xbf16> -> vector<16xf32>
          %unpack3A_721 = tpu.unpack_subelements %bitcast3A_719, 1 {pack_format = #tpu.pack_format<interleaved>} : vector<32xbf16> -> vector<16xf32>
          %mul3A_722 = arith.mulf %gather3A_393, %unpack3A_720 : vector<16xf32>
          %mul3A_723 = arith.mulf %gather3A_393, %unpack3A_721 : vector<16xf32>
          %add3A_724 = arith.constant 9 : i32
          %add3A_725 = arith.addi %mul3A_423, %add3A_724 : i32
          %get3A_726 = arith.index_cast %add3A_725 : i32 to index
          %get3A_727 = arith.index_cast %add3A_633 : i32 to index
          %get3A_728 = tpu.vector_load %arg17[%get3A_726, %get3A_727] {strides = array<i32>} : memref<128x128xi32, #tpu.memory_space<vmem>>, vector<16xi32>,
          %bitcast3A_729 = vector.bitcast %get3A_728 : vector<16xi32> to vector<32xbf16>
          %unpack3A_730 = tpu.unpack_subelements %bitcast3A_729, 0 {pack_format = #tpu.pack_format<interleaved>} : vector<32xbf16> -> vector<16xf32>
          %unpack3A_731 = tpu.unpack_subelements %bitcast3A_729, 1 {pack_format = #tpu.pack_format<interleaved>} : vector<32xbf16> -> vector<16xf32>
          %mul3A_732 = arith.mulf %gather3A_397, %unpack3A_730 : vector<16xf32>
          %mul3A_733 = arith.mulf %gather3A_397, %unpack3A_731 : vector<16xf32>
          %add3A_734 = arith.constant 10 : i32
          %add3A_735 = arith.addi %mul3A_423, %add3A_734 : i32
          %get3A_736 = arith.index_cast %add3A_735 : i32 to index
          %get3A_737 = arith.index_cast %add3A_633 : i32 to index
          %get3A_738 = tpu.vector_load %arg17[%get3A_736, %get3A_737] {strides = array<i32>} : memref<128x128xi32, #tpu.memory_space<vmem>>, vector<16xi32>,
          %bitcast3A_739 = vector.bitcast %get3A_738 : vector<16xi32> to vector<32xbf16>
          %unpack3A_740 = tpu.unpack_subelements %bitcast3A_739, 0 {pack_format = #tpu.pack_format<interleaved>} : vector<32xbf16> -> vector<16xf32>
          %unpack3A_741 = tpu.unpack_subelements %bitcast3A_739, 1 {pack_format = #tpu.pack_format<interleaved>} : vector<32xbf16> -> vector<16xf32>
          %mul3A_742 = arith.mulf %gather3A_401, %unpack3A_740 : vector<16xf32>
          %mul3A_743 = arith.mulf %gather3A_401, %unpack3A_741 : vector<16xf32>
          %add3A_744 = arith.constant 11 : i32
          %add3A_745 = arith.addi %mul3A_423, %add3A_744 : i32
          %get3A_746 = arith.index_cast %add3A_745 : i32 to index
          %get3A_747 = arith.index_cast %add3A_633 : i32 to index
          %get3A_748 = tpu.vector_load %arg17[%get3A_746, %get3A_747] {strides = array<i32>} : memref<128x128xi32, #tpu.memory_space<vmem>>, vector<16xi32>,
          %bitcast3A_749 = vector.bitcast %get3A_748 : vector<16xi32> to vector<32xbf16>
          %unpack3A_750 = tpu.unpack_subelements %bitcast3A_749, 0 {pack_format = #tpu.pack_format<interleaved>} : vector<32xbf16> -> vector<16xf32>
          %unpack3A_751 = tpu.unpack_subelements %bitcast3A_749, 1 {pack_format = #tpu.pack_format<interleaved>} : vector<32xbf16> -> vector<16xf32>
          %mul3A_752 = arith.mulf %gather3A_405, %unpack3A_750 : vector<16xf32>
          %mul3A_753 = arith.mulf %gather3A_405, %unpack3A_751 : vector<16xf32>
          %add3A_754 = arith.constant 12 : i32
          %add3A_755 = arith.addi %mul3A_423, %add3A_754 : i32
          %get3A_756 = arith.index_cast %add3A_755 : i32 to index
          %get3A_757 = arith.index_cast %add3A_633 : i32 to index
          %get3A_758 = tpu.vector_load %arg17[%get3A_756, %get3A_757] {strides = array<i32>} : memref<128x128xi32, #tpu.memory_space<vmem>>, vector<16xi32>,
          %bitcast3A_759 = vector.bitcast %get3A_758 : vector<16xi32> to vector<32xbf16>
          %unpack3A_760 = tpu.unpack_subelements %bitcast3A_759, 0 {pack_format = #tpu.pack_format<interleaved>} : vector<32xbf16> -> vector<16xf32>
          %unpack3A_761 = tpu.unpack_subelements %bitcast3A_759, 1 {pack_format = #tpu.pack_format<interleaved>} : vector<32xbf16> -> vector<16xf32>
          %mul3A_762 = arith.mulf %gather3A_409, %unpack3A_760 : vector<16xf32>
          %mul3A_763 = arith.mulf %gather3A_409, %unpack3A_761 : vector<16xf32>
          %add3A_764 = arith.constant 13 : i32
          %add3A_765 = arith.addi %mul3A_423, %add3A_764 : i32
          %get3A_766 = arith.index_cast %add3A_765 : i32 to index
          %get3A_767 = arith.index_cast %add3A_633 : i32 to index
          %get3A_768 = tpu.vector_load %arg17[%get3A_766, %get3A_767] {strides = array<i32>} : memref<128x128xi32, #tpu.memory_space<vmem>>, vector<16xi32>,
          %bitcast3A_769 = vector.bitcast %get3A_768 : vector<16xi32> to vector<32xbf16>
          %unpack3A_770 = tpu.unpack_subelements %bitcast3A_769, 0 {pack_format = #tpu.pack_format<interleaved>} : vector<32xbf16> -> vector<16xf32>
          %unpack3A_771 = tpu.unpack_subelements %bitcast3A_769, 1 {pack_format = #tpu.pack_format<interleaved>} : vector<32xbf16> -> vector<16xf32>
          %mul3A_772 = arith.mulf %gather3A_413, %unpack3A_770 : vector<16xf32>
          %mul3A_773 = arith.mulf %gather3A_413, %unpack3A_771 : vector<16xf32>
          %add3A_774 = arith.constant 14 : i32
          %add3A_775 = arith.addi %mul3A_423, %add3A_774 : i32
          %get3A_776 = arith.index_cast %add3A_775 : i32 to index
          %get3A_777 = arith.index_cast %add3A_633 : i32 to index
          %get3A_778 = tpu.vector_load %arg17[%get3A_776, %get3A_777] {strides = array<i32>} : memref<128x128xi32, #tpu.memory_space<vmem>>, vector<16xi32>,
          %bitcast3A_779 = vector.bitcast %get3A_778 : vector<16xi32> to vector<32xbf16>
          %unpack3A_780 = tpu.unpack_subelements %bitcast3A_779, 0 {pack_format = #tpu.pack_format<interleaved>} : vector<32xbf16> -> vector<16xf32>
          %unpack3A_781 = tpu.unpack_subelements %bitcast3A_779, 1 {pack_format = #tpu.pack_format<interleaved>} : vector<32xbf16> -> vector<16xf32>
          %mul3A_782 = arith.mulf %gather3A_417, %unpack3A_780 : vector<16xf32>
          %mul3A_783 = arith.mulf %gather3A_417, %unpack3A_781 : vector<16xf32>
          %add3A_784 = arith.constant 15 : i32
          %add3A_785 = arith.addi %mul3A_423, %add3A_784 : i32
          %get3A_786 = arith.index_cast %add3A_785 : i32 to index
          %get3A_787 = arith.index_cast %add3A_633 : i32 to index
          %get3A_788 = tpu.vector_load %arg17[%get3A_786, %get3A_787] {strides = array<i32>} : memref<128x128xi32, #tpu.memory_space<vmem>>, vector<16xi32>,
          %bitcast3A_789 = vector.bitcast %get3A_788 : vector<16xi32> to vector<32xbf16>
          %unpack3A_790 = tpu.unpack_subelements %bitcast3A_789, 0 {pack_format = #tpu.pack_format<interleaved>} : vector<32xbf16> -> vector<16xf32>
          %unpack3A_791 = tpu.unpack_subelements %bitcast3A_789, 1 {pack_format = #tpu.pack_format<interleaved>} : vector<32xbf16> -> vector<16xf32>
          %mul3A_792 = arith.mulf %gather3A_421, %unpack3A_790 : vector<16xf32>
          %mul3A_793 = arith.mulf %gather3A_421, %unpack3A_791 : vector<16xf32>
          %add3A_794 = arith.addf %mul3A_642, %mul3A_652 : vector<16xf32>
          %add3A_795 = arith.addf %mul3A_662, %mul3A_672 : vector<16xf32>
          %add3A_796 = arith.addf %mul3A_682, %mul3A_692 : vector<16xf32>
          %add3A_797 = arith.addf %mul3A_702, %mul3A_712 : vector<16xf32>
          %add3A_798 = arith.addf %mul3A_722, %mul3A_732 : vector<16xf32>
          %add3A_799 = arith.addf %mul3A_742, %mul3A_752 : vector<16xf32>
          %add3A_800 = arith.addf %mul3A_762, %mul3A_772 : vector<16xf32>
          %add3A_801 = arith.addf %mul3A_782, %mul3A_792 : vector<16xf32>
          %add3A_802 = arith.addf %mul3A_643, %mul3A_653 : vector<16xf32>
          %add3A_803 = arith.addf %mul3A_663, %mul3A_673 : vector<16xf32>
          %add3A_804 = arith.addf %mul3A_683, %mul3A_693 : vector<16xf32>
          %add3A_805 = arith.addf %mul3A_703, %mul3A_713 : vector<16xf32>
          %add3A_806 = arith.addf %mul3A_723, %mul3A_733 : vector<16xf32>
          %add3A_807 = arith.addf %mul3A_743, %mul3A_753 : vector<16xf32>
          %add3A_808 = arith.addf %mul3A_763, %mul3A_773 : vector<16xf32>
          %add3A_809 = arith.addf %mul3A_783, %mul3A_793 : vector<16xf32>
          %add3A_810 = arith.addf %add3A_794, %add3A_795 : vector<16xf32>
          %add3A_811 = arith.addf %add3A_796, %add3A_797 : vector<16xf32>
          %add3A_812 = arith.addf %add3A_798, %add3A_799 : vector<16xf32>
          %add3A_813 = arith.addf %add3A_800, %add3A_801 : vector<16xf32>
          %add3A_814 = arith.addf %add3A_802, %add3A_803 : vector<16xf32>
          %add3A_815 = arith.addf %add3A_804, %add3A_805 : vector<16xf32>
          %add3A_816 = arith.addf %add3A_806, %add3A_807 : vector<16xf32>
          %add3A_817 = arith.addf %add3A_808, %add3A_809 : vector<16xf32>
          %add3A_818 = arith.addf %add3A_810, %add3A_811 : vector<16xf32>
          %add3A_819 = arith.addf %add3A_812, %add3A_813 : vector<16xf32>
          %add3A_820 = arith.addf %add3A_814, %add3A_815 : vector<16xf32>
          %add3A_821 = arith.addf %add3A_816, %add3A_817 : vector<16xf32>
          %add3A_822 = arith.addf %add3A_818, %add3A_819 : vector<16xf32>
          %add3A_823 = arith.addf %add3A_820, %add3A_821 : vector<16xf32>
          %swap3A_824 = arith.index_cast %scan3A_327 : i32 to index
          %swap3A_825 = arith.index_cast %add3A_633 : i32 to index
          %swap3A_826 = tpu.vector_load %arg20[%swap3A_824, %swap3A_825] {strides = array<i32>} : memref<8x256xf32, #tpu.memory_space<vmem>>, vector<16xf32>,
          tpu.vector_store %arg20[%swap3A_824, %swap3A_825], %add3A_822 {strides = array<i32>} : memref<8x256xf32, #tpu.memory_space<vmem>>, vector<16xf32>,
          %add3A_827 = arith.constant 128 : i32
          %add3A_828 = arith.addi %add3A_633, %add3A_827 : i32
          %swap3A_829 = arith.index_cast %scan3A_327 : i32 to index
          %swap3A_830 = arith.index_cast %add3A_828 : i32 to index
          %swap3A_831 = tpu.vector_load %arg20[%swap3A_829, %swap3A_830] {strides = array<i32>} : memref<8x256xf32, #tpu.memory_space<vmem>>, vector<16xf32>,
          tpu.vector_store %arg20[%swap3A_829, %swap3A_830], %add3A_823 {strides = array<i32>} : memref<8x256xf32, #tpu.memory_space<vmem>>, vector<16xf32>,
        }
        %scan3A_428 = arith.constant 4 : i32
      }
      %scan3A_286 = arith.constant 8 : i32
      %mul3A_287 = arith.constant 8 : i32
      %mul3A_288 = arith.muli %add3A_264, %mul3A_287 : i32
      %add3A_289 = arith.addi %mul3A_2, %mul3A_288 : i32
      %dma_start3A_290 = arith.constant 0 : i32
      %dma_start3A_291 = tpu.memref_slice %arg6[%add3A_289, %dma_start3A_290] : memref<10240x256xf32, #tpu.memory_space<hbm>> -> memref<8x256xf32, #tpu.memory_space<hbm>>
      %dma_start3A_292 = arith.constant 0 : i32
      %dma_start3A_293 = tpu.memref_slice %arg6[%add3A_289, %dma_start3A_292] : memref<10240x256xf32, #tpu.memory_space<hbm>> -> memref<8x256xf32, #tpu.memory_space<hbm>>
      tpu.enqueue_dma source(%arg20 : memref<8x256xf32, #tpu.memory_space<vmem>>) target(%dma_start3A_293 : memref<8x256xf32, #tpu.memory_space<hbm>>) target_semaphore(%arg26 : memref<!tpu.dma_semaphore, #tpu.memory_space<semaphore_mem>>)
      %mul3A_294 = arith.constant 4 : i32
      %mul3A_295 = arith.muli %scan3A_198, %mul3A_294 : i32
      %add3A_296 = arith.constant 3 : i32
      %add3A_297 = arith.addi %mul3A_295, %add3A_296 : i32
      %dma_wait3A_298 = arith.constant 0 : i32
      %dma_wait3A_299 = arith.constant 0 : i32
      %dma_wait3A_300 = tpu.memref_slice %arg2[%dma_wait3A_298, %dma_wait3A_299] : memref<10000x128xi32, #tpu.memory_space<hbm>> -> memref<10000x128xi32, #tpu.memory_space<hbm>>
      tpu.wait_indirect_dma semaphore(%arg25 : memref<!tpu.dma_semaphore, #tpu.memory_space<semaphore_mem>>) src(%dma_wait3A_300 : memref<10000x128xi32, #tpu.memory_space<hbm>>) dst(%arg18 : memref<128x128xi32, #tpu.memory_space<vmem>>)
      %add3A_301 = arith.constant 3 : i32
      %add3A_302 = arith.addi %add3A_297, %add3A_301 : i32
      %lt3A_303 = arith.constant 40 : i32
      %lt3A_304 = arith.cmpi slt, %add3A_302, %lt3A_303 : i32
      %convert_element_type3A_305 = arith.extui %lt3A_304 : i1 to i32
      %cond3A_306 = arith.constant 0 : i32
      %cond3A_307 = arith.cmpi ne, %convert_element_type3A_305, %cond3A_306 : i32
      scf.if %cond3A_307 {
        %mul3A_327 = arith.constant 128 : i32
        %mul3A_328 = arith.muli %add3A_302, %mul3A_327 : i32
        %add3A_329 = arith.constant 0 : i32
        %add3A_330 = arith.addi %mul3A_328, %add3A_329 : i32
        %get3A_331 = arith.index_cast %add3A_330 : i32 to index
        %get3A_332 = tpu.vector_load %arg8[%get3A_331] {strides = array<i32>} : memref<5120xi32, #tpu.memory_space<vmem>>, vector<16xi32>,
        %max3A_333 = arith.constant 0 : i32
        %max3A_334 = vector.broadcast %max3A_333 : i32 to vector<16xi32>
        %max3A_335 = arith.maxsi %get3A_332, %max3A_334 : vector<16xi32>
        %swap3A_336 = arith.constant 0 : index
        %swap3A_337 = tpu.vector_load %arg13[%swap3A_336] {strides = array<i32>} : memref<128xi32, #tpu.memory_space<vmem>>, vector<16xi32>,
        tpu.vector_store %arg13[%swap3A_336], %max3A_335 {strides = array<i32>} : memref<128xi32, #tpu.memory_space<vmem>>, vector<16xi32>,
        %add3A_338 = arith.constant 16 : i32
        %add3A_339 = arith.addi %mul3A_328, %add3A_338 : i32
        %get3A_340 = arith.index_cast %add3A_339 : i32 to index
        %get3A_341 = tpu.vector_load %arg8[%get3A_340] {strides = array<i32>} : memref<5120xi32, #tpu.memory_space<vmem>>, vector<16xi32>,
        %max3A_342 = arith.constant 0 : i32
        %max3A_343 = vector.broadcast %max3A_342 : i32 to vector<16xi32>
        %max3A_344 = arith.maxsi %get3A_341, %max3A_343 : vector<16xi32>
        %swap3A_345 = arith.constant 16 : index
        %swap3A_346 = tpu.vector_load %arg13[%swap3A_345] {strides = array<i32>} : memref<128xi32, #tpu.memory_space<vmem>>, vector<16xi32>,
        tpu.vector_store %arg13[%swap3A_345], %max3A_344 {strides = array<i32>} : memref<128xi32, #tpu.memory_space<vmem>>, vector<16xi32>,
        %add3A_347 = arith.constant 32 : i32
        %add3A_348 = arith.addi %mul3A_328, %add3A_347 : i32
        %get3A_349 = arith.index_cast %add3A_348 : i32 to index
        %get3A_350 = tpu.vector_load %arg8[%get3A_349] {strides = array<i32>} : memref<5120xi32, #tpu.memory_space<vmem>>, vector<16xi32>,
        %max3A_351 = arith.constant 0 : i32
        %max3A_352 = vector.broadcast %max3A_351 : i32 to vector<16xi32>
        %max3A_353 = arith.maxsi %get3A_350, %max3A_352 : vector<16xi32>
        %swap3A_354 = arith.constant 32 : index
        %swap3A_355 = tpu.vector_load %arg13[%swap3A_354] {strides = array<i32>} : memref<128xi32, #tpu.memory_space<vmem>>, vector<16xi32>,
        tpu.vector_store %arg13[%swap3A_354], %max3A_353 {strides = array<i32>} : memref<128xi32, #tpu.memory_space<vmem>>, vector<16xi32>,
        %add3A_356 = arith.constant 48 : i32
        %add3A_357 = arith.addi %mul3A_328, %add3A_356 : i32
        %get3A_358 = arith.index_cast %add3A_357 : i32 to index
        %get3A_359 = tpu.vector_load %arg8[%get3A_358] {strides = array<i32>} : memref<5120xi32, #tpu.memory_space<vmem>>, vector<16xi32>,
        %max3A_360 = arith.constant 0 : i32
        %max3A_361 = vector.broadcast %max3A_360 : i32 to vector<16xi32>
        %max3A_362 = arith.maxsi %get3A_359, %max3A_361 : vector<16xi32>
        %swap3A_363 = arith.constant 48 : index
        %swap3A_364 = tpu.vector_load %arg13[%swap3A_363] {strides = array<i32>} : memref<128xi32, #tpu.memory_space<vmem>>, vector<16xi32>,
        tpu.vector_store %arg13[%swap3A_363], %max3A_362 {strides = array<i32>} : memref<128xi32, #tpu.memory_space<vmem>>, vector<16xi32>,
        %add3A_365 = arith.constant 64 : i32
        %add3A_366 = arith.addi %mul3A_328, %add3A_365 : i32
        %get3A_367 = arith.index_cast %add3A_366 : i32 to index
        %get3A_368 = tpu.vector_load %arg8[%get3A_367] {strides = array<i32>} : memref<5120xi32, #tpu.memory_space<vmem>>, vector<16xi32>,
        %max3A_369 = arith.constant 0 : i32
        %max3A_370 = vector.broadcast %max3A_369 : i32 to vector<16xi32>
        %max3A_371 = arith.maxsi %get3A_368, %max3A_370 : vector<16xi32>
        %swap3A_372 = arith.constant 64 : index
        %swap3A_373 = tpu.vector_load %arg13[%swap3A_372] {strides = array<i32>} : memref<128xi32, #tpu.memory_space<vmem>>, vector<16xi32>,
        tpu.vector_store %arg13[%swap3A_372], %max3A_371 {strides = array<i32>} : memref<128xi32, #tpu.memory_space<vmem>>, vector<16xi32>,
        %add3A_374 = arith.constant 80 : i32
        %add3A_375 = arith.addi %mul3A_328, %add3A_374 : i32
        %get3A_376 = arith.index_cast %add3A_375 : i32 to index
        %get3A_377 = tpu.vector_load %arg8[%get3A_376] {strides = array<i32>} : memref<5120xi32, #tpu.memory_space<vmem>>, vector<16xi32>,
        %max3A_378 = arith.constant 0 : i32
        %max3A_379 = vector.broadcast %max3A_378 : i32 to vector<16xi32>
        %max3A_380 = arith.maxsi %get3A_377, %max3A_379 : vector<16xi32>
        %swap3A_381 = arith.constant 80 : index
        %swap3A_382 = tpu.vector_load %arg13[%swap3A_381] {strides = array<i32>} : memref<128xi32, #tpu.memory_space<vmem>>, vector<16xi32>,
        tpu.vector_store %arg13[%swap3A_381], %max3A_380 {strides = array<i32>} : memref<128xi32, #tpu.memory_space<vmem>>, vector<16xi32>,
        %add3A_383 = arith.constant 96 : i32
        %add3A_384 = arith.addi %mul3A_328, %add3A_383 : i32
        %get3A_385 = arith.index_cast %add3A_384 : i32 to index
        %get3A_386 = tpu.vector_load %arg8[%get3A_385] {strides = array<i32>} : memref<5120xi32, #tpu.memory_space<vmem>>, vector<16xi32>,
        %max3A_387 = arith.constant 0 : i32
        %max3A_388 = vector.broadcast %max3A_387 : i32 to vector<16xi32>
        %max3A_389 = arith.maxsi %get3A_386, %max3A_388 : vector<16xi32>
        %swap3A_390 = arith.constant 96 : index
        %swap3A_391 = tpu.vector_load %arg13[%swap3A_390] {strides = array<i32>} : memref<128xi32, #tpu.memory_space<vmem>>, vector<16xi32>,
        tpu.vector_store %arg13[%swap3A_390], %max3A_389 {strides = array<i32>} : memref<128xi32, #tpu.memory_space<vmem>>, vector<16xi32>,
        %add3A_392 = arith.constant 112 : i32
        %add3A_393 = arith.addi %mul3A_328, %add3A_392 : i32
        %get3A_394 = arith.index_cast %add3A_393 : i32 to index
        %get3A_395 = tpu.vector_load %arg8[%get3A_394] {strides = array<i32>} : memref<5120xi32, #tpu.memory_space<vmem>>, vector<16xi32>,
        %max3A_396 = arith.constant 0 : i32
        %max3A_397 = vector.broadcast %max3A_396 : i32 to vector<16xi32>
        %max3A_398 = arith.maxsi %get3A_395, %max3A_397 : vector<16xi32>
        %swap3A_399 = arith.constant 112 : index
        %swap3A_400 = tpu.vector_load %arg13[%swap3A_399] {strides = array<i32>} : memref<128xi32, #tpu.memory_space<vmem>>, vector<16xi32>,
        tpu.vector_store %arg13[%swap3A_399], %max3A_398 {strides = array<i32>} : memref<128xi32, #tpu.memory_space<vmem>>, vector<16xi32>,
        %dma_start3A_401 = arith.constant 0 : i32
        %dma_start3A_402 = arith.constant 0 : i32
        %dma_start3A_403 = tpu.memref_slice %arg2[%dma_start3A_401, %dma_start3A_402] : memref<10000x128xi32, #tpu.memory_space<hbm>> -> memref<10000x128xi32, #tpu.memory_space<hbm>>
        tpu.enqueue_indirect_dma source(%dma_start3A_403 : memref<10000x128xi32, #tpu.memory_space<hbm>>) target(%arg17 : memref<128x128xi32, #tpu.memory_space<vmem>>) offsets(%arg13 : memref<128xi32, #tpu.memory_space<vmem>>) semaphore(%arg24 : memref<!tpu.dma_semaphore, #tpu.memory_space<semaphore_mem>>)
      } else {
      }
      %mul3A_308 = arith.constant 128 : i32
      %mul3A_309 = arith.muli %add3A_297, %mul3A_308 : i32
      %ge3A_310 = arith.constant 2 : i32
      %ge3A_311 = arith.cmpi sge, %add3A_297, %ge3A_310 : i32
      %convert_element_type3A_312 = arith.extui %ge3A_311 : i1 to i32
      %cond3A_313 = arith.constant 0 : i32
      %cond3A_314 = arith.cmpi ne, %convert_element_type3A_312, %cond3A_313 : i32
      scf.if %cond3A_314 {
        %dma_wait3A_327 = arith.constant 0 : i32
        %dma_wait3A_328 = arith.constant 0 : i32
        %dma_wait3A_329 = tpu.memref_slice %arg6[%dma_wait3A_327, %dma_wait3A_328] : memref<10240x256xf32, #tpu.memory_space<hbm>> -> memref<8x256xf32, #tpu.memory_space<hbm>>
        %dma_wait3A_330 = arith.constant 0 : i32
        %dma_wait3A_331 = arith.constant 0 : i32
        %dma_wait3A_332 = tpu.memref_slice %arg6[%dma_wait3A_330, %dma_wait3A_331] : memref<10240x256xf32, #tpu.memory_space<hbm>> -> memref<8x256xf32, #tpu.memory_space<hbm>>
        tpu.wait_dma2 semaphore(%arg27 : memref<!tpu.dma_semaphore, #tpu.memory_space<semaphore_mem>>) src(%arg21 : memref<8x256xf32, #tpu.memory_space<vmem>>) dst(%dma_wait3A_332 : memref<8x256xf32, #tpu.memory_space<hbm>>)
      } else {
      }
      %scan3A_315 = arith.constant 0 : i32
      %scan3A_316 = arith.constant 8 : i32
      %scan3A_317 = arith.addi %scan3A_315, %scan3A_316 : i32
      %scan3A_318 = arith.constant 1 : i32
      scf.for %scan3A_327 = %scan3A_315 to %scan3A_317 step %scan3A_318  : i32 {
        %mul3A_328 = arith.constant 16 : i32
        %mul3A_329 = arith.muli %scan3A_327, %mul3A_328 : i32
        %add3A_330 = arith.addi %mul3A_309, %mul3A_329 : i32
        %get3A_331 = arith.index_cast %add3A_330 : i32 to index
        %get3A_332 = tpu.vector_load %arg8[%get3A_331] {strides = array<i32>} : memref<5120xi32, #tpu.memory_space<vmem>>, vector<16xi32>,
        %ge3A_333 = arith.constant 0 : i32
        %ge3A_334 = vector.broadcast %ge3A_333 : i32 to vector<16xi32>
        %ge3A_335 = arith.cmpi sge, %get3A_332, %ge3A_334 : vector<16xi32>
        %max3A_336 = arith.constant 0 : i32
        %max3A_337 = vector.broadcast %max3A_336 : i32 to vector<16xi32>
        %max3A_338 = arith.maxsi %get3A_332, %max3A_337 : vector<16xi32>
        %gather3A = tpu.vector_load_idx %arg10[%max3A_338] : memref<10240xf32, #tpu.memory_space<vmem>>[vector<16xi32>], vector<16xf32>,
        %get3A_339 = arith.index_cast %add3A_330 : i32 to index
        %get3A_340 = tpu.vector_load %arg9[%get3A_339] {strides = array<i32>} : memref<5120xf32, #tpu.memory_space<vmem>>, vector<16xf32>,
        %add3A_341 = arith.addf %get3A_340, %gather3A : vector<16xf32>
        %jit3A = arith.constant -1.000000e+09 : f32
        %broadcast_in_dim3A_342 = vector.broadcast %jit3A : f32 to vector<16xf32>
        %select_n3A = arith.select %ge3A_335, %add3A_341, %broadcast_in_dim3A_342 : vector<16xi1>, vector<16xf32>
        %reduce_max3A = arith.constant true
        %reduce_max3A_343 = vector.broadcast %reduce_max3A : i1 to vector<16xi1>
        %reduce_max3A_344 = tpu.scan <max>, %select_n3A masked %reduce_max3A_343 : vector<16xf32>, vector<16xi1> -> vector<16xf32>
        %reduce_max3A_345 = vector.extract %reduce_max3A_344[15] : f32 from vector<16xf32>
        %sub3A = vector.broadcast %reduce_max3A_345 : f32 to vector<16xf32>
        %sub3A_346 = arith.subf %select_n3A, %sub3A : vector<16xf32>
        %exp3A = math.exp %sub3A_346 : vector<16xf32>
        %reduce_sum3A = arith.constant true
        %reduce_sum3A_347 = vector.broadcast %reduce_sum3A : i1 to vector<16xi1>
        %reduce_sum3A_348 = tpu.scan <sum>, %exp3A masked %reduce_sum3A_347 : vector<16xf32>, vector<16xi1> -> vector<16xf32>
        %reduce_sum3A_349 = vector.extract %reduce_sum3A_348[15] : f32 from vector<16xf32>
        %div3A = vector.broadcast %reduce_sum3A_349 : f32 to vector<16xf32>
        %div3A_350 = arith.divf %exp3A, %div3A : vector<16xf32>
        %jit3A_351 = arith.constant 0.000000e+00 : f32
        %broadcast_in_dim3A_352 = vector.broadcast %jit3A_351 : f32 to vector<16xf32>
        %select_n3A_353 = arith.select %ge3A_335, %div3A_350, %broadcast_in_dim3A_352 : vector<16xi1>, vector<16xf32>
        %swap3A_354 = arith.index_cast %add3A_330 : i32 to index
        %swap3A_355 = tpu.vector_load %arg19[%swap3A_354] {strides = array<i32>} : memref<5120xf32, #tpu.memory_space<vmem>>, vector<16xf32>,
        tpu.vector_store %arg19[%swap3A_354], %select_n3A_353 {strides = array<i32>} : memref<5120xf32, #tpu.memory_space<vmem>>, vector<16xf32>,
        %add3A_356 = vector.broadcast %add3A_330 : i32 to vector<16xi32>
        %add3A_357 = arith.addi %broadcast_in_dim3A_7, %add3A_356 : vector<16xi32>
        %add3A_358 = arith.constant 0 : i32
        %add3A_359 = vector.broadcast %add3A_358 : i32 to vector<16xi32>
        %add3A_360 = arith.addi %add3A_357, %add3A_359 : vector<16xi32>
        %gather3A_361 = tpu.vector_load_idx %arg19[%add3A_360] : memref<5120xf32, #tpu.memory_space<vmem>>[vector<16xi32>], vector<16xf32>,
        %add3A_362 = arith.constant 1 : i32
        %add3A_363 = vector.broadcast %add3A_362 : i32 to vector<16xi32>
        %add3A_364 = arith.addi %add3A_357, %add3A_363 : vector<16xi32>
        %gather3A_365 = tpu.vector_load_idx %arg19[%add3A_364] : memref<5120xf32, #tpu.memory_space<vmem>>[vector<16xi32>], vector<16xf32>,
        %add3A_366 = arith.constant 2 : i32
        %add3A_367 = vector.broadcast %add3A_366 : i32 to vector<16xi32>
        %add3A_368 = arith.addi %add3A_357, %add3A_367 : vector<16xi32>
        %gather3A_369 = tpu.vector_load_idx %arg19[%add3A_368] : memref<5120xf32, #tpu.memory_space<vmem>>[vector<16xi32>], vector<16xf32>,
        %add3A_370 = arith.constant 3 : i32
        %add3A_371 = vector.broadcast %add3A_370 : i32 to vector<16xi32>
        %add3A_372 = arith.addi %add3A_357, %add3A_371 : vector<16xi32>
        %gather3A_373 = tpu.vector_load_idx %arg19[%add3A_372] : memref<5120xf32, #tpu.memory_space<vmem>>[vector<16xi32>], vector<16xf32>,
        %add3A_374 = arith.constant 4 : i32
        %add3A_375 = vector.broadcast %add3A_374 : i32 to vector<16xi32>
        %add3A_376 = arith.addi %add3A_357, %add3A_375 : vector<16xi32>
        %gather3A_377 = tpu.vector_load_idx %arg19[%add3A_376] : memref<5120xf32, #tpu.memory_space<vmem>>[vector<16xi32>], vector<16xf32>,
        %add3A_378 = arith.constant 5 : i32
        %add3A_379 = vector.broadcast %add3A_378 : i32 to vector<16xi32>
        %add3A_380 = arith.addi %add3A_357, %add3A_379 : vector<16xi32>
        %gather3A_381 = tpu.vector_load_idx %arg19[%add3A_380] : memref<5120xf32, #tpu.memory_space<vmem>>[vector<16xi32>], vector<16xf32>,
        %add3A_382 = arith.constant 6 : i32
        %add3A_383 = vector.broadcast %add3A_382 : i32 to vector<16xi32>
        %add3A_384 = arith.addi %add3A_357, %add3A_383 : vector<16xi32>
        %gather3A_385 = tpu.vector_load_idx %arg19[%add3A_384] : memref<5120xf32, #tpu.memory_space<vmem>>[vector<16xi32>], vector<16xf32>,
        %add3A_386 = arith.constant 7 : i32
        %add3A_387 = vector.broadcast %add3A_386 : i32 to vector<16xi32>
        %add3A_388 = arith.addi %add3A_357, %add3A_387 : vector<16xi32>
        %gather3A_389 = tpu.vector_load_idx %arg19[%add3A_388] : memref<5120xf32, #tpu.memory_space<vmem>>[vector<16xi32>], vector<16xf32>,
        %add3A_390 = arith.constant 8 : i32
        %add3A_391 = vector.broadcast %add3A_390 : i32 to vector<16xi32>
        %add3A_392 = arith.addi %add3A_357, %add3A_391 : vector<16xi32>
        %gather3A_393 = tpu.vector_load_idx %arg19[%add3A_392] : memref<5120xf32, #tpu.memory_space<vmem>>[vector<16xi32>], vector<16xf32>,
        %add3A_394 = arith.constant 9 : i32
        %add3A_395 = vector.broadcast %add3A_394 : i32 to vector<16xi32>
        %add3A_396 = arith.addi %add3A_357, %add3A_395 : vector<16xi32>
        %gather3A_397 = tpu.vector_load_idx %arg19[%add3A_396] : memref<5120xf32, #tpu.memory_space<vmem>>[vector<16xi32>], vector<16xf32>,
        %add3A_398 = arith.constant 10 : i32
        %add3A_399 = vector.broadcast %add3A_398 : i32 to vector<16xi32>
        %add3A_400 = arith.addi %add3A_357, %add3A_399 : vector<16xi32>
        %gather3A_401 = tpu.vector_load_idx %arg19[%add3A_400] : memref<5120xf32, #tpu.memory_space<vmem>>[vector<16xi32>], vector<16xf32>,
        %add3A_402 = arith.constant 11 : i32
        %add3A_403 = vector.broadcast %add3A_402 : i32 to vector<16xi32>
        %add3A_404 = arith.addi %add3A_357, %add3A_403 : vector<16xi32>
        %gather3A_405 = tpu.vector_load_idx %arg19[%add3A_404] : memref<5120xf32, #tpu.memory_space<vmem>>[vector<16xi32>], vector<16xf32>,
        %add3A_406 = arith.constant 12 : i32
        %add3A_407 = vector.broadcast %add3A_406 : i32 to vector<16xi32>
        %add3A_408 = arith.addi %add3A_357, %add3A_407 : vector<16xi32>
        %gather3A_409 = tpu.vector_load_idx %arg19[%add3A_408] : memref<5120xf32, #tpu.memory_space<vmem>>[vector<16xi32>], vector<16xf32>,
        %add3A_410 = arith.constant 13 : i32
        %add3A_411 = vector.broadcast %add3A_410 : i32 to vector<16xi32>
        %add3A_412 = arith.addi %add3A_357, %add3A_411 : vector<16xi32>
        %gather3A_413 = tpu.vector_load_idx %arg19[%add3A_412] : memref<5120xf32, #tpu.memory_space<vmem>>[vector<16xi32>], vector<16xf32>,
        %add3A_414 = arith.constant 14 : i32
        %add3A_415 = vector.broadcast %add3A_414 : i32 to vector<16xi32>
        %add3A_416 = arith.addi %add3A_357, %add3A_415 : vector<16xi32>
        %gather3A_417 = tpu.vector_load_idx %arg19[%add3A_416] : memref<5120xf32, #tpu.memory_space<vmem>>[vector<16xi32>], vector<16xf32>,
        %add3A_418 = arith.constant 15 : i32
        %add3A_419 = vector.broadcast %add3A_418 : i32 to vector<16xi32>
        %add3A_420 = arith.addi %add3A_357, %add3A_419 : vector<16xi32>
        %gather3A_421 = tpu.vector_load_idx %arg19[%add3A_420] : memref<5120xf32, #tpu.memory_space<vmem>>[vector<16xi32>], vector<16xf32>,
        %mul3A_422 = arith.constant 16 : i32
        %mul3A_423 = arith.muli %scan3A_327, %mul3A_422 : i32
        %scan3A_424 = arith.constant 0 : i32
        %scan3A_425 = arith.constant 4 : i32
        %scan3A_426 = arith.addi %scan3A_424, %scan3A_425 : i32
        %scan3A_427 = arith.constant 1 : i32
        scf.for %scan3A_429 = %scan3A_424 to %scan3A_426 step %scan3A_427  : i32 {
          %mul3A_430 = arith.constant 16 : i32
          %mul3A_431 = arith.muli %scan3A_429, %mul3A_430 : i32
          %add3A_432 = arith.constant 0 : i32
          %add3A_433 = arith.addi %add3A_432, %mul3A_431 : i32
          %add3A_434 = arith.constant 0 : i32
          %add3A_435 = arith.addi %mul3A_423, %add3A_434 : i32
          %get3A_436 = arith.index_cast %add3A_435 : i32 to index
          %get3A_437 = arith.index_cast %add3A_433 : i32 to index
          %get3A_438 = tpu.vector_load %arg18[%get3A_436, %get3A_437] {strides = array<i32>} : memref<128x128xi32, #tpu.memory_space<vmem>>, vector<16xi32>,
          %bitcast3A = vector.bitcast %get3A_438 : vector<16xi32> to vector<32xbf16>
          %unpack3A = tpu.unpack_subelements %bitcast3A, 0 {pack_format = #tpu.pack_format<interleaved>} : vector<32xbf16> -> vector<16xf32>
          %unpack3A_439 = tpu.unpack_subelements %bitcast3A, 1 {pack_format = #tpu.pack_format<interleaved>} : vector<32xbf16> -> vector<16xf32>
          %mul3A_440 = arith.mulf %gather3A_361, %unpack3A : vector<16xf32>
          %mul3A_441 = arith.mulf %gather3A_361, %unpack3A_439 : vector<16xf32>
          %add3A_442 = arith.constant 1 : i32
          %add3A_443 = arith.addi %mul3A_423, %add3A_442 : i32
          %get3A_444 = arith.index_cast %add3A_443 : i32 to index
          %get3A_445 = arith.index_cast %add3A_433 : i32 to index
          %get3A_446 = tpu.vector_load %arg18[%get3A_444, %get3A_445] {strides = array<i32>} : memref<128x128xi32, #tpu.memory_space<vmem>>, vector<16xi32>,
          %bitcast3A_447 = vector.bitcast %get3A_446 : vector<16xi32> to vector<32xbf16>
          %unpack3A_448 = tpu.unpack_subelements %bitcast3A_447, 0 {pack_format = #tpu.pack_format<interleaved>} : vector<32xbf16> -> vector<16xf32>
          %unpack3A_449 = tpu.unpack_subelements %bitcast3A_447, 1 {pack_format = #tpu.pack_format<interleaved>} : vector<32xbf16> -> vector<16xf32>
          %mul3A_450 = arith.mulf %gather3A_365, %unpack3A_448 : vector<16xf32>
          %mul3A_451 = arith.mulf %gather3A_365, %unpack3A_449 : vector<16xf32>
          %add3A_452 = arith.constant 2 : i32
          %add3A_453 = arith.addi %mul3A_423, %add3A_452 : i32
          %get3A_454 = arith.index_cast %add3A_453 : i32 to index
          %get3A_455 = arith.index_cast %add3A_433 : i32 to index
          %get3A_456 = tpu.vector_load %arg18[%get3A_454, %get3A_455] {strides = array<i32>} : memref<128x128xi32, #tpu.memory_space<vmem>>, vector<16xi32>,
          %bitcast3A_457 = vector.bitcast %get3A_456 : vector<16xi32> to vector<32xbf16>
          %unpack3A_458 = tpu.unpack_subelements %bitcast3A_457, 0 {pack_format = #tpu.pack_format<interleaved>} : vector<32xbf16> -> vector<16xf32>
          %unpack3A_459 = tpu.unpack_subelements %bitcast3A_457, 1 {pack_format = #tpu.pack_format<interleaved>} : vector<32xbf16> -> vector<16xf32>
          %mul3A_460 = arith.mulf %gather3A_369, %unpack3A_458 : vector<16xf32>
          %mul3A_461 = arith.mulf %gather3A_369, %unpack3A_459 : vector<16xf32>
          %add3A_462 = arith.constant 3 : i32
          %add3A_463 = arith.addi %mul3A_423, %add3A_462 : i32
          %get3A_464 = arith.index_cast %add3A_463 : i32 to index
          %get3A_465 = arith.index_cast %add3A_433 : i32 to index
          %get3A_466 = tpu.vector_load %arg18[%get3A_464, %get3A_465] {strides = array<i32>} : memref<128x128xi32, #tpu.memory_space<vmem>>, vector<16xi32>,
          %bitcast3A_467 = vector.bitcast %get3A_466 : vector<16xi32> to vector<32xbf16>
          %unpack3A_468 = tpu.unpack_subelements %bitcast3A_467, 0 {pack_format = #tpu.pack_format<interleaved>} : vector<32xbf16> -> vector<16xf32>
          %unpack3A_469 = tpu.unpack_subelements %bitcast3A_467, 1 {pack_format = #tpu.pack_format<interleaved>} : vector<32xbf16> -> vector<16xf32>
          %mul3A_470 = arith.mulf %gather3A_373, %unpack3A_468 : vector<16xf32>
          %mul3A_471 = arith.mulf %gather3A_373, %unpack3A_469 : vector<16xf32>
          %add3A_472 = arith.constant 4 : i32
          %add3A_473 = arith.addi %mul3A_423, %add3A_472 : i32
          %get3A_474 = arith.index_cast %add3A_473 : i32 to index
          %get3A_475 = arith.index_cast %add3A_433 : i32 to index
          %get3A_476 = tpu.vector_load %arg18[%get3A_474, %get3A_475] {strides = array<i32>} : memref<128x128xi32, #tpu.memory_space<vmem>>, vector<16xi32>,
          %bitcast3A_477 = vector.bitcast %get3A_476 : vector<16xi32> to vector<32xbf16>
          %unpack3A_478 = tpu.unpack_subelements %bitcast3A_477, 0 {pack_format = #tpu.pack_format<interleaved>} : vector<32xbf16> -> vector<16xf32>
          %unpack3A_479 = tpu.unpack_subelements %bitcast3A_477, 1 {pack_format = #tpu.pack_format<interleaved>} : vector<32xbf16> -> vector<16xf32>
          %mul3A_480 = arith.mulf %gather3A_377, %unpack3A_478 : vector<16xf32>
          %mul3A_481 = arith.mulf %gather3A_377, %unpack3A_479 : vector<16xf32>
          %add3A_482 = arith.constant 5 : i32
          %add3A_483 = arith.addi %mul3A_423, %add3A_482 : i32
          %get3A_484 = arith.index_cast %add3A_483 : i32 to index
          %get3A_485 = arith.index_cast %add3A_433 : i32 to index
          %get3A_486 = tpu.vector_load %arg18[%get3A_484, %get3A_485] {strides = array<i32>} : memref<128x128xi32, #tpu.memory_space<vmem>>, vector<16xi32>,
          %bitcast3A_487 = vector.bitcast %get3A_486 : vector<16xi32> to vector<32xbf16>
          %unpack3A_488 = tpu.unpack_subelements %bitcast3A_487, 0 {pack_format = #tpu.pack_format<interleaved>} : vector<32xbf16> -> vector<16xf32>
          %unpack3A_489 = tpu.unpack_subelements %bitcast3A_487, 1 {pack_format = #tpu.pack_format<interleaved>} : vector<32xbf16> -> vector<16xf32>
          %mul3A_490 = arith.mulf %gather3A_381, %unpack3A_488 : vector<16xf32>
          %mul3A_491 = arith.mulf %gather3A_381, %unpack3A_489 : vector<16xf32>
          %add3A_492 = arith.constant 6 : i32
          %add3A_493 = arith.addi %mul3A_423, %add3A_492 : i32
          %get3A_494 = arith.index_cast %add3A_493 : i32 to index
          %get3A_495 = arith.index_cast %add3A_433 : i32 to index
          %get3A_496 = tpu.vector_load %arg18[%get3A_494, %get3A_495] {strides = array<i32>} : memref<128x128xi32, #tpu.memory_space<vmem>>, vector<16xi32>,
          %bitcast3A_497 = vector.bitcast %get3A_496 : vector<16xi32> to vector<32xbf16>
          %unpack3A_498 = tpu.unpack_subelements %bitcast3A_497, 0 {pack_format = #tpu.pack_format<interleaved>} : vector<32xbf16> -> vector<16xf32>
          %unpack3A_499 = tpu.unpack_subelements %bitcast3A_497, 1 {pack_format = #tpu.pack_format<interleaved>} : vector<32xbf16> -> vector<16xf32>
          %mul3A_500 = arith.mulf %gather3A_385, %unpack3A_498 : vector<16xf32>
          %mul3A_501 = arith.mulf %gather3A_385, %unpack3A_499 : vector<16xf32>
          %add3A_502 = arith.constant 7 : i32
          %add3A_503 = arith.addi %mul3A_423, %add3A_502 : i32
          %get3A_504 = arith.index_cast %add3A_503 : i32 to index
          %get3A_505 = arith.index_cast %add3A_433 : i32 to index
          %get3A_506 = tpu.vector_load %arg18[%get3A_504, %get3A_505] {strides = array<i32>} : memref<128x128xi32, #tpu.memory_space<vmem>>, vector<16xi32>,
          %bitcast3A_507 = vector.bitcast %get3A_506 : vector<16xi32> to vector<32xbf16>
          %unpack3A_508 = tpu.unpack_subelements %bitcast3A_507, 0 {pack_format = #tpu.pack_format<interleaved>} : vector<32xbf16> -> vector<16xf32>
          %unpack3A_509 = tpu.unpack_subelements %bitcast3A_507, 1 {pack_format = #tpu.pack_format<interleaved>} : vector<32xbf16> -> vector<16xf32>
          %mul3A_510 = arith.mulf %gather3A_389, %unpack3A_508 : vector<16xf32>
          %mul3A_511 = arith.mulf %gather3A_389, %unpack3A_509 : vector<16xf32>
          %add3A_512 = arith.constant 8 : i32
          %add3A_513 = arith.addi %mul3A_423, %add3A_512 : i32
          %get3A_514 = arith.index_cast %add3A_513 : i32 to index
          %get3A_515 = arith.index_cast %add3A_433 : i32 to index
          %get3A_516 = tpu.vector_load %arg18[%get3A_514, %get3A_515] {strides = array<i32>} : memref<128x128xi32, #tpu.memory_space<vmem>>, vector<16xi32>,
          %bitcast3A_517 = vector.bitcast %get3A_516 : vector<16xi32> to vector<32xbf16>
          %unpack3A_518 = tpu.unpack_subelements %bitcast3A_517, 0 {pack_format = #tpu.pack_format<interleaved>} : vector<32xbf16> -> vector<16xf32>
          %unpack3A_519 = tpu.unpack_subelements %bitcast3A_517, 1 {pack_format = #tpu.pack_format<interleaved>} : vector<32xbf16> -> vector<16xf32>
          %mul3A_520 = arith.mulf %gather3A_393, %unpack3A_518 : vector<16xf32>
          %mul3A_521 = arith.mulf %gather3A_393, %unpack3A_519 : vector<16xf32>
          %add3A_522 = arith.constant 9 : i32
          %add3A_523 = arith.addi %mul3A_423, %add3A_522 : i32
          %get3A_524 = arith.index_cast %add3A_523 : i32 to index
          %get3A_525 = arith.index_cast %add3A_433 : i32 to index
          %get3A_526 = tpu.vector_load %arg18[%get3A_524, %get3A_525] {strides = array<i32>} : memref<128x128xi32, #tpu.memory_space<vmem>>, vector<16xi32>,
          %bitcast3A_527 = vector.bitcast %get3A_526 : vector<16xi32> to vector<32xbf16>
          %unpack3A_528 = tpu.unpack_subelements %bitcast3A_527, 0 {pack_format = #tpu.pack_format<interleaved>} : vector<32xbf16> -> vector<16xf32>
          %unpack3A_529 = tpu.unpack_subelements %bitcast3A_527, 1 {pack_format = #tpu.pack_format<interleaved>} : vector<32xbf16> -> vector<16xf32>
          %mul3A_530 = arith.mulf %gather3A_397, %unpack3A_528 : vector<16xf32>
          %mul3A_531 = arith.mulf %gather3A_397, %unpack3A_529 : vector<16xf32>
          %add3A_532 = arith.constant 10 : i32
          %add3A_533 = arith.addi %mul3A_423, %add3A_532 : i32
          %get3A_534 = arith.index_cast %add3A_533 : i32 to index
          %get3A_535 = arith.index_cast %add3A_433 : i32 to index
          %get3A_536 = tpu.vector_load %arg18[%get3A_534, %get3A_535] {strides = array<i32>} : memref<128x128xi32, #tpu.memory_space<vmem>>, vector<16xi32>,
          %bitcast3A_537 = vector.bitcast %get3A_536 : vector<16xi32> to vector<32xbf16>
          %unpack3A_538 = tpu.unpack_subelements %bitcast3A_537, 0 {pack_format = #tpu.pack_format<interleaved>} : vector<32xbf16> -> vector<16xf32>
          %unpack3A_539 = tpu.unpack_subelements %bitcast3A_537, 1 {pack_format = #tpu.pack_format<interleaved>} : vector<32xbf16> -> vector<16xf32>
          %mul3A_540 = arith.mulf %gather3A_401, %unpack3A_538 : vector<16xf32>
          %mul3A_541 = arith.mulf %gather3A_401, %unpack3A_539 : vector<16xf32>
          %add3A_542 = arith.constant 11 : i32
          %add3A_543 = arith.addi %mul3A_423, %add3A_542 : i32
          %get3A_544 = arith.index_cast %add3A_543 : i32 to index
          %get3A_545 = arith.index_cast %add3A_433 : i32 to index
          %get3A_546 = tpu.vector_load %arg18[%get3A_544, %get3A_545] {strides = array<i32>} : memref<128x128xi32, #tpu.memory_space<vmem>>, vector<16xi32>,
          %bitcast3A_547 = vector.bitcast %get3A_546 : vector<16xi32> to vector<32xbf16>
          %unpack3A_548 = tpu.unpack_subelements %bitcast3A_547, 0 {pack_format = #tpu.pack_format<interleaved>} : vector<32xbf16> -> vector<16xf32>
          %unpack3A_549 = tpu.unpack_subelements %bitcast3A_547, 1 {pack_format = #tpu.pack_format<interleaved>} : vector<32xbf16> -> vector<16xf32>
          %mul3A_550 = arith.mulf %gather3A_405, %unpack3A_548 : vector<16xf32>
          %mul3A_551 = arith.mulf %gather3A_405, %unpack3A_549 : vector<16xf32>
          %add3A_552 = arith.constant 12 : i32
          %add3A_553 = arith.addi %mul3A_423, %add3A_552 : i32
          %get3A_554 = arith.index_cast %add3A_553 : i32 to index
          %get3A_555 = arith.index_cast %add3A_433 : i32 to index
          %get3A_556 = tpu.vector_load %arg18[%get3A_554, %get3A_555] {strides = array<i32>} : memref<128x128xi32, #tpu.memory_space<vmem>>, vector<16xi32>,
          %bitcast3A_557 = vector.bitcast %get3A_556 : vector<16xi32> to vector<32xbf16>
          %unpack3A_558 = tpu.unpack_subelements %bitcast3A_557, 0 {pack_format = #tpu.pack_format<interleaved>} : vector<32xbf16> -> vector<16xf32>
          %unpack3A_559 = tpu.unpack_subelements %bitcast3A_557, 1 {pack_format = #tpu.pack_format<interleaved>} : vector<32xbf16> -> vector<16xf32>
          %mul3A_560 = arith.mulf %gather3A_409, %unpack3A_558 : vector<16xf32>
          %mul3A_561 = arith.mulf %gather3A_409, %unpack3A_559 : vector<16xf32>
          %add3A_562 = arith.constant 13 : i32
          %add3A_563 = arith.addi %mul3A_423, %add3A_562 : i32
          %get3A_564 = arith.index_cast %add3A_563 : i32 to index
          %get3A_565 = arith.index_cast %add3A_433 : i32 to index
          %get3A_566 = tpu.vector_load %arg18[%get3A_564, %get3A_565] {strides = array<i32>} : memref<128x128xi32, #tpu.memory_space<vmem>>, vector<16xi32>,
          %bitcast3A_567 = vector.bitcast %get3A_566 : vector<16xi32> to vector<32xbf16>
          %unpack3A_568 = tpu.unpack_subelements %bitcast3A_567, 0 {pack_format = #tpu.pack_format<interleaved>} : vector<32xbf16> -> vector<16xf32>
          %unpack3A_569 = tpu.unpack_subelements %bitcast3A_567, 1 {pack_format = #tpu.pack_format<interleaved>} : vector<32xbf16> -> vector<16xf32>
          %mul3A_570 = arith.mulf %gather3A_413, %unpack3A_568 : vector<16xf32>
          %mul3A_571 = arith.mulf %gather3A_413, %unpack3A_569 : vector<16xf32>
          %add3A_572 = arith.constant 14 : i32
          %add3A_573 = arith.addi %mul3A_423, %add3A_572 : i32
          %get3A_574 = arith.index_cast %add3A_573 : i32 to index
          %get3A_575 = arith.index_cast %add3A_433 : i32 to index
          %get3A_576 = tpu.vector_load %arg18[%get3A_574, %get3A_575] {strides = array<i32>} : memref<128x128xi32, #tpu.memory_space<vmem>>, vector<16xi32>,
          %bitcast3A_577 = vector.bitcast %get3A_576 : vector<16xi32> to vector<32xbf16>
          %unpack3A_578 = tpu.unpack_subelements %bitcast3A_577, 0 {pack_format = #tpu.pack_format<interleaved>} : vector<32xbf16> -> vector<16xf32>
          %unpack3A_579 = tpu.unpack_subelements %bitcast3A_577, 1 {pack_format = #tpu.pack_format<interleaved>} : vector<32xbf16> -> vector<16xf32>
          %mul3A_580 = arith.mulf %gather3A_417, %unpack3A_578 : vector<16xf32>
          %mul3A_581 = arith.mulf %gather3A_417, %unpack3A_579 : vector<16xf32>
          %add3A_582 = arith.constant 15 : i32
          %add3A_583 = arith.addi %mul3A_423, %add3A_582 : i32
          %get3A_584 = arith.index_cast %add3A_583 : i32 to index
          %get3A_585 = arith.index_cast %add3A_433 : i32 to index
          %get3A_586 = tpu.vector_load %arg18[%get3A_584, %get3A_585] {strides = array<i32>} : memref<128x128xi32, #tpu.memory_space<vmem>>, vector<16xi32>,
          %bitcast3A_587 = vector.bitcast %get3A_586 : vector<16xi32> to vector<32xbf16>
          %unpack3A_588 = tpu.unpack_subelements %bitcast3A_587, 0 {pack_format = #tpu.pack_format<interleaved>} : vector<32xbf16> -> vector<16xf32>
          %unpack3A_589 = tpu.unpack_subelements %bitcast3A_587, 1 {pack_format = #tpu.pack_format<interleaved>} : vector<32xbf16> -> vector<16xf32>
          %mul3A_590 = arith.mulf %gather3A_421, %unpack3A_588 : vector<16xf32>
          %mul3A_591 = arith.mulf %gather3A_421, %unpack3A_589 : vector<16xf32>
          %add3A_592 = arith.addf %mul3A_440, %mul3A_450 : vector<16xf32>
          %add3A_593 = arith.addf %mul3A_460, %mul3A_470 : vector<16xf32>
          %add3A_594 = arith.addf %mul3A_480, %mul3A_490 : vector<16xf32>
          %add3A_595 = arith.addf %mul3A_500, %mul3A_510 : vector<16xf32>
          %add3A_596 = arith.addf %mul3A_520, %mul3A_530 : vector<16xf32>
          %add3A_597 = arith.addf %mul3A_540, %mul3A_550 : vector<16xf32>
          %add3A_598 = arith.addf %mul3A_560, %mul3A_570 : vector<16xf32>
          %add3A_599 = arith.addf %mul3A_580, %mul3A_590 : vector<16xf32>
          %add3A_600 = arith.addf %mul3A_441, %mul3A_451 : vector<16xf32>
          %add3A_601 = arith.addf %mul3A_461, %mul3A_471 : vector<16xf32>
          %add3A_602 = arith.addf %mul3A_481, %mul3A_491 : vector<16xf32>
          %add3A_603 = arith.addf %mul3A_501, %mul3A_511 : vector<16xf32>
          %add3A_604 = arith.addf %mul3A_521, %mul3A_531 : vector<16xf32>
          %add3A_605 = arith.addf %mul3A_541, %mul3A_551 : vector<16xf32>
          %add3A_606 = arith.addf %mul3A_561, %mul3A_571 : vector<16xf32>
          %add3A_607 = arith.addf %mul3A_581, %mul3A_591 : vector<16xf32>
          %add3A_608 = arith.addf %add3A_592, %add3A_593 : vector<16xf32>
          %add3A_609 = arith.addf %add3A_594, %add3A_595 : vector<16xf32>
          %add3A_610 = arith.addf %add3A_596, %add3A_597 : vector<16xf32>
          %add3A_611 = arith.addf %add3A_598, %add3A_599 : vector<16xf32>
          %add3A_612 = arith.addf %add3A_600, %add3A_601 : vector<16xf32>
          %add3A_613 = arith.addf %add3A_602, %add3A_603 : vector<16xf32>
          %add3A_614 = arith.addf %add3A_604, %add3A_605 : vector<16xf32>
          %add3A_615 = arith.addf %add3A_606, %add3A_607 : vector<16xf32>
          %add3A_616 = arith.addf %add3A_608, %add3A_609 : vector<16xf32>
          %add3A_617 = arith.addf %add3A_610, %add3A_611 : vector<16xf32>
          %add3A_618 = arith.addf %add3A_612, %add3A_613 : vector<16xf32>
          %add3A_619 = arith.addf %add3A_614, %add3A_615 : vector<16xf32>
          %add3A_620 = arith.addf %add3A_616, %add3A_617 : vector<16xf32>
          %add3A_621 = arith.addf %add3A_618, %add3A_619 : vector<16xf32>
          %swap3A_622 = arith.index_cast %scan3A_327 : i32 to index
          %swap3A_623 = arith.index_cast %add3A_433 : i32 to index
          %swap3A_624 = tpu.vector_load %arg21[%swap3A_622, %swap3A_623] {strides = array<i32>} : memref<8x256xf32, #tpu.memory_space<vmem>>, vector<16xf32>,
          tpu.vector_store %arg21[%swap3A_622, %swap3A_623], %add3A_620 {strides = array<i32>} : memref<8x256xf32, #tpu.memory_space<vmem>>, vector<16xf32>,
          %add3A_625 = arith.constant 128 : i32
          %add3A_626 = arith.addi %add3A_433, %add3A_625 : i32
          %swap3A_627 = arith.index_cast %scan3A_327 : i32 to index
          %swap3A_628 = arith.index_cast %add3A_626 : i32 to index
          %swap3A_629 = tpu.vector_load %arg21[%swap3A_627, %swap3A_628] {strides = array<i32>} : memref<8x256xf32, #tpu.memory_space<vmem>>, vector<16xf32>,
          tpu.vector_store %arg21[%swap3A_627, %swap3A_628], %add3A_621 {strides = array<i32>} : memref<8x256xf32, #tpu.memory_space<vmem>>, vector<16xf32>,
          %mul3A_630 = arith.constant 16 : i32
          %mul3A_631 = arith.muli %scan3A_429, %mul3A_630 : i32
          %add3A_632 = arith.constant 64 : i32
          %add3A_633 = arith.addi %add3A_632, %mul3A_631 : i32
          %add3A_634 = arith.constant 0 : i32
          %add3A_635 = arith.addi %mul3A_423, %add3A_634 : i32
          %get3A_636 = arith.index_cast %add3A_635 : i32 to index
          %get3A_637 = arith.index_cast %add3A_633 : i32 to index
          %get3A_638 = tpu.vector_load %arg18[%get3A_636, %get3A_637] {strides = array<i32>} : memref<128x128xi32, #tpu.memory_space<vmem>>, vector<16xi32>,
          %bitcast3A_639 = vector.bitcast %get3A_638 : vector<16xi32> to vector<32xbf16>
          %unpack3A_640 = tpu.unpack_subelements %bitcast3A_639, 0 {pack_format = #tpu.pack_format<interleaved>} : vector<32xbf16> -> vector<16xf32>
          %unpack3A_641 = tpu.unpack_subelements %bitcast3A_639, 1 {pack_format = #tpu.pack_format<interleaved>} : vector<32xbf16> -> vector<16xf32>
          %mul3A_642 = arith.mulf %gather3A_361, %unpack3A_640 : vector<16xf32>
          %mul3A_643 = arith.mulf %gather3A_361, %unpack3A_641 : vector<16xf32>
          %add3A_644 = arith.constant 1 : i32
          %add3A_645 = arith.addi %mul3A_423, %add3A_644 : i32
          %get3A_646 = arith.index_cast %add3A_645 : i32 to index
          %get3A_647 = arith.index_cast %add3A_633 : i32 to index
          %get3A_648 = tpu.vector_load %arg18[%get3A_646, %get3A_647] {strides = array<i32>} : memref<128x128xi32, #tpu.memory_space<vmem>>, vector<16xi32>,
          %bitcast3A_649 = vector.bitcast %get3A_648 : vector<16xi32> to vector<32xbf16>
          %unpack3A_650 = tpu.unpack_subelements %bitcast3A_649, 0 {pack_format = #tpu.pack_format<interleaved>} : vector<32xbf16> -> vector<16xf32>
          %unpack3A_651 = tpu.unpack_subelements %bitcast3A_649, 1 {pack_format = #tpu.pack_format<interleaved>} : vector<32xbf16> -> vector<16xf32>
          %mul3A_652 = arith.mulf %gather3A_365, %unpack3A_650 : vector<16xf32>
          %mul3A_653 = arith.mulf %gather3A_365, %unpack3A_651 : vector<16xf32>
          %add3A_654 = arith.constant 2 : i32
          %add3A_655 = arith.addi %mul3A_423, %add3A_654 : i32
          %get3A_656 = arith.index_cast %add3A_655 : i32 to index
          %get3A_657 = arith.index_cast %add3A_633 : i32 to index
          %get3A_658 = tpu.vector_load %arg18[%get3A_656, %get3A_657] {strides = array<i32>} : memref<128x128xi32, #tpu.memory_space<vmem>>, vector<16xi32>,
          %bitcast3A_659 = vector.bitcast %get3A_658 : vector<16xi32> to vector<32xbf16>
          %unpack3A_660 = tpu.unpack_subelements %bitcast3A_659, 0 {pack_format = #tpu.pack_format<interleaved>} : vector<32xbf16> -> vector<16xf32>
          %unpack3A_661 = tpu.unpack_subelements %bitcast3A_659, 1 {pack_format = #tpu.pack_format<interleaved>} : vector<32xbf16> -> vector<16xf32>
          %mul3A_662 = arith.mulf %gather3A_369, %unpack3A_660 : vector<16xf32>
          %mul3A_663 = arith.mulf %gather3A_369, %unpack3A_661 : vector<16xf32>
          %add3A_664 = arith.constant 3 : i32
          %add3A_665 = arith.addi %mul3A_423, %add3A_664 : i32
          %get3A_666 = arith.index_cast %add3A_665 : i32 to index
          %get3A_667 = arith.index_cast %add3A_633 : i32 to index
          %get3A_668 = tpu.vector_load %arg18[%get3A_666, %get3A_667] {strides = array<i32>} : memref<128x128xi32, #tpu.memory_space<vmem>>, vector<16xi32>,
          %bitcast3A_669 = vector.bitcast %get3A_668 : vector<16xi32> to vector<32xbf16>
          %unpack3A_670 = tpu.unpack_subelements %bitcast3A_669, 0 {pack_format = #tpu.pack_format<interleaved>} : vector<32xbf16> -> vector<16xf32>
          %unpack3A_671 = tpu.unpack_subelements %bitcast3A_669, 1 {pack_format = #tpu.pack_format<interleaved>} : vector<32xbf16> -> vector<16xf32>
          %mul3A_672 = arith.mulf %gather3A_373, %unpack3A_670 : vector<16xf32>
          %mul3A_673 = arith.mulf %gather3A_373, %unpack3A_671 : vector<16xf32>
          %add3A_674 = arith.constant 4 : i32
          %add3A_675 = arith.addi %mul3A_423, %add3A_674 : i32
          %get3A_676 = arith.index_cast %add3A_675 : i32 to index
          %get3A_677 = arith.index_cast %add3A_633 : i32 to index
          %get3A_678 = tpu.vector_load %arg18[%get3A_676, %get3A_677] {strides = array<i32>} : memref<128x128xi32, #tpu.memory_space<vmem>>, vector<16xi32>,
          %bitcast3A_679 = vector.bitcast %get3A_678 : vector<16xi32> to vector<32xbf16>
          %unpack3A_680 = tpu.unpack_subelements %bitcast3A_679, 0 {pack_format = #tpu.pack_format<interleaved>} : vector<32xbf16> -> vector<16xf32>
          %unpack3A_681 = tpu.unpack_subelements %bitcast3A_679, 1 {pack_format = #tpu.pack_format<interleaved>} : vector<32xbf16> -> vector<16xf32>
          %mul3A_682 = arith.mulf %gather3A_377, %unpack3A_680 : vector<16xf32>
          %mul3A_683 = arith.mulf %gather3A_377, %unpack3A_681 : vector<16xf32>
          %add3A_684 = arith.constant 5 : i32
          %add3A_685 = arith.addi %mul3A_423, %add3A_684 : i32
          %get3A_686 = arith.index_cast %add3A_685 : i32 to index
          %get3A_687 = arith.index_cast %add3A_633 : i32 to index
          %get3A_688 = tpu.vector_load %arg18[%get3A_686, %get3A_687] {strides = array<i32>} : memref<128x128xi32, #tpu.memory_space<vmem>>, vector<16xi32>,
          %bitcast3A_689 = vector.bitcast %get3A_688 : vector<16xi32> to vector<32xbf16>
          %unpack3A_690 = tpu.unpack_subelements %bitcast3A_689, 0 {pack_format = #tpu.pack_format<interleaved>} : vector<32xbf16> -> vector<16xf32>
          %unpack3A_691 = tpu.unpack_subelements %bitcast3A_689, 1 {pack_format = #tpu.pack_format<interleaved>} : vector<32xbf16> -> vector<16xf32>
          %mul3A_692 = arith.mulf %gather3A_381, %unpack3A_690 : vector<16xf32>
          %mul3A_693 = arith.mulf %gather3A_381, %unpack3A_691 : vector<16xf32>
          %add3A_694 = arith.constant 6 : i32
          %add3A_695 = arith.addi %mul3A_423, %add3A_694 : i32
          %get3A_696 = arith.index_cast %add3A_695 : i32 to index
          %get3A_697 = arith.index_cast %add3A_633 : i32 to index
          %get3A_698 = tpu.vector_load %arg18[%get3A_696, %get3A_697] {strides = array<i32>} : memref<128x128xi32, #tpu.memory_space<vmem>>, vector<16xi32>,
          %bitcast3A_699 = vector.bitcast %get3A_698 : vector<16xi32> to vector<32xbf16>
          %unpack3A_700 = tpu.unpack_subelements %bitcast3A_699, 0 {pack_format = #tpu.pack_format<interleaved>} : vector<32xbf16> -> vector<16xf32>
          %unpack3A_701 = tpu.unpack_subelements %bitcast3A_699, 1 {pack_format = #tpu.pack_format<interleaved>} : vector<32xbf16> -> vector<16xf32>
          %mul3A_702 = arith.mulf %gather3A_385, %unpack3A_700 : vector<16xf32>
          %mul3A_703 = arith.mulf %gather3A_385, %unpack3A_701 : vector<16xf32>
          %add3A_704 = arith.constant 7 : i32
          %add3A_705 = arith.addi %mul3A_423, %add3A_704 : i32
          %get3A_706 = arith.index_cast %add3A_705 : i32 to index
          %get3A_707 = arith.index_cast %add3A_633 : i32 to index
          %get3A_708 = tpu.vector_load %arg18[%get3A_706, %get3A_707] {strides = array<i32>} : memref<128x128xi32, #tpu.memory_space<vmem>>, vector<16xi32>,
          %bitcast3A_709 = vector.bitcast %get3A_708 : vector<16xi32> to vector<32xbf16>
          %unpack3A_710 = tpu.unpack_subelements %bitcast3A_709, 0 {pack_format = #tpu.pack_format<interleaved>} : vector<32xbf16> -> vector<16xf32>
          %unpack3A_711 = tpu.unpack_subelements %bitcast3A_709, 1 {pack_format = #tpu.pack_format<interleaved>} : vector<32xbf16> -> vector<16xf32>
          %mul3A_712 = arith.mulf %gather3A_389, %unpack3A_710 : vector<16xf32>
          %mul3A_713 = arith.mulf %gather3A_389, %unpack3A_711 : vector<16xf32>
          %add3A_714 = arith.constant 8 : i32
          %add3A_715 = arith.addi %mul3A_423, %add3A_714 : i32
          %get3A_716 = arith.index_cast %add3A_715 : i32 to index
          %get3A_717 = arith.index_cast %add3A_633 : i32 to index
          %get3A_718 = tpu.vector_load %arg18[%get3A_716, %get3A_717] {strides = array<i32>} : memref<128x128xi32, #tpu.memory_space<vmem>>, vector<16xi32>,
          %bitcast3A_719 = vector.bitcast %get3A_718 : vector<16xi32> to vector<32xbf16>
          %unpack3A_720 = tpu.unpack_subelements %bitcast3A_719, 0 {pack_format = #tpu.pack_format<interleaved>} : vector<32xbf16> -> vector<16xf32>
          %unpack3A_721 = tpu.unpack_subelements %bitcast3A_719, 1 {pack_format = #tpu.pack_format<interleaved>} : vector<32xbf16> -> vector<16xf32>
          %mul3A_722 = arith.mulf %gather3A_393, %unpack3A_720 : vector<16xf32>
          %mul3A_723 = arith.mulf %gather3A_393, %unpack3A_721 : vector<16xf32>
          %add3A_724 = arith.constant 9 : i32
          %add3A_725 = arith.addi %mul3A_423, %add3A_724 : i32
          %get3A_726 = arith.index_cast %add3A_725 : i32 to index
          %get3A_727 = arith.index_cast %add3A_633 : i32 to index
          %get3A_728 = tpu.vector_load %arg18[%get3A_726, %get3A_727] {strides = array<i32>} : memref<128x128xi32, #tpu.memory_space<vmem>>, vector<16xi32>,
          %bitcast3A_729 = vector.bitcast %get3A_728 : vector<16xi32> to vector<32xbf16>
          %unpack3A_730 = tpu.unpack_subelements %bitcast3A_729, 0 {pack_format = #tpu.pack_format<interleaved>} : vector<32xbf16> -> vector<16xf32>
          %unpack3A_731 = tpu.unpack_subelements %bitcast3A_729, 1 {pack_format = #tpu.pack_format<interleaved>} : vector<32xbf16> -> vector<16xf32>
          %mul3A_732 = arith.mulf %gather3A_397, %unpack3A_730 : vector<16xf32>
          %mul3A_733 = arith.mulf %gather3A_397, %unpack3A_731 : vector<16xf32>
          %add3A_734 = arith.constant 10 : i32
          %add3A_735 = arith.addi %mul3A_423, %add3A_734 : i32
          %get3A_736 = arith.index_cast %add3A_735 : i32 to index
          %get3A_737 = arith.index_cast %add3A_633 : i32 to index
          %get3A_738 = tpu.vector_load %arg18[%get3A_736, %get3A_737] {strides = array<i32>} : memref<128x128xi32, #tpu.memory_space<vmem>>, vector<16xi32>,
          %bitcast3A_739 = vector.bitcast %get3A_738 : vector<16xi32> to vector<32xbf16>
          %unpack3A_740 = tpu.unpack_subelements %bitcast3A_739, 0 {pack_format = #tpu.pack_format<interleaved>} : vector<32xbf16> -> vector<16xf32>
          %unpack3A_741 = tpu.unpack_subelements %bitcast3A_739, 1 {pack_format = #tpu.pack_format<interleaved>} : vector<32xbf16> -> vector<16xf32>
          %mul3A_742 = arith.mulf %gather3A_401, %unpack3A_740 : vector<16xf32>
          %mul3A_743 = arith.mulf %gather3A_401, %unpack3A_741 : vector<16xf32>
          %add3A_744 = arith.constant 11 : i32
          %add3A_745 = arith.addi %mul3A_423, %add3A_744 : i32
          %get3A_746 = arith.index_cast %add3A_745 : i32 to index
          %get3A_747 = arith.index_cast %add3A_633 : i32 to index
          %get3A_748 = tpu.vector_load %arg18[%get3A_746, %get3A_747] {strides = array<i32>} : memref<128x128xi32, #tpu.memory_space<vmem>>, vector<16xi32>,
          %bitcast3A_749 = vector.bitcast %get3A_748 : vector<16xi32> to vector<32xbf16>
          %unpack3A_750 = tpu.unpack_subelements %bitcast3A_749, 0 {pack_format = #tpu.pack_format<interleaved>} : vector<32xbf16> -> vector<16xf32>
          %unpack3A_751 = tpu.unpack_subelements %bitcast3A_749, 1 {pack_format = #tpu.pack_format<interleaved>} : vector<32xbf16> -> vector<16xf32>
          %mul3A_752 = arith.mulf %gather3A_405, %unpack3A_750 : vector<16xf32>
          %mul3A_753 = arith.mulf %gather3A_405, %unpack3A_751 : vector<16xf32>
          %add3A_754 = arith.constant 12 : i32
          %add3A_755 = arith.addi %mul3A_423, %add3A_754 : i32
          %get3A_756 = arith.index_cast %add3A_755 : i32 to index
          %get3A_757 = arith.index_cast %add3A_633 : i32 to index
          %get3A_758 = tpu.vector_load %arg18[%get3A_756, %get3A_757] {strides = array<i32>} : memref<128x128xi32, #tpu.memory_space<vmem>>, vector<16xi32>,
          %bitcast3A_759 = vector.bitcast %get3A_758 : vector<16xi32> to vector<32xbf16>
          %unpack3A_760 = tpu.unpack_subelements %bitcast3A_759, 0 {pack_format = #tpu.pack_format<interleaved>} : vector<32xbf16> -> vector<16xf32>
          %unpack3A_761 = tpu.unpack_subelements %bitcast3A_759, 1 {pack_format = #tpu.pack_format<interleaved>} : vector<32xbf16> -> vector<16xf32>
          %mul3A_762 = arith.mulf %gather3A_409, %unpack3A_760 : vector<16xf32>
          %mul3A_763 = arith.mulf %gather3A_409, %unpack3A_761 : vector<16xf32>
          %add3A_764 = arith.constant 13 : i32
          %add3A_765 = arith.addi %mul3A_423, %add3A_764 : i32
          %get3A_766 = arith.index_cast %add3A_765 : i32 to index
          %get3A_767 = arith.index_cast %add3A_633 : i32 to index
          %get3A_768 = tpu.vector_load %arg18[%get3A_766, %get3A_767] {strides = array<i32>} : memref<128x128xi32, #tpu.memory_space<vmem>>, vector<16xi32>,
          %bitcast3A_769 = vector.bitcast %get3A_768 : vector<16xi32> to vector<32xbf16>
          %unpack3A_770 = tpu.unpack_subelements %bitcast3A_769, 0 {pack_format = #tpu.pack_format<interleaved>} : vector<32xbf16> -> vector<16xf32>
          %unpack3A_771 = tpu.unpack_subelements %bitcast3A_769, 1 {pack_format = #tpu.pack_format<interleaved>} : vector<32xbf16> -> vector<16xf32>
          %mul3A_772 = arith.mulf %gather3A_413, %unpack3A_770 : vector<16xf32>
          %mul3A_773 = arith.mulf %gather3A_413, %unpack3A_771 : vector<16xf32>
          %add3A_774 = arith.constant 14 : i32
          %add3A_775 = arith.addi %mul3A_423, %add3A_774 : i32
          %get3A_776 = arith.index_cast %add3A_775 : i32 to index
          %get3A_777 = arith.index_cast %add3A_633 : i32 to index
          %get3A_778 = tpu.vector_load %arg18[%get3A_776, %get3A_777] {strides = array<i32>} : memref<128x128xi32, #tpu.memory_space<vmem>>, vector<16xi32>,
          %bitcast3A_779 = vector.bitcast %get3A_778 : vector<16xi32> to vector<32xbf16>
          %unpack3A_780 = tpu.unpack_subelements %bitcast3A_779, 0 {pack_format = #tpu.pack_format<interleaved>} : vector<32xbf16> -> vector<16xf32>
          %unpack3A_781 = tpu.unpack_subelements %bitcast3A_779, 1 {pack_format = #tpu.pack_format<interleaved>} : vector<32xbf16> -> vector<16xf32>
          %mul3A_782 = arith.mulf %gather3A_417, %unpack3A_780 : vector<16xf32>
          %mul3A_783 = arith.mulf %gather3A_417, %unpack3A_781 : vector<16xf32>
          %add3A_784 = arith.constant 15 : i32
          %add3A_785 = arith.addi %mul3A_423, %add3A_784 : i32
          %get3A_786 = arith.index_cast %add3A_785 : i32 to index
          %get3A_787 = arith.index_cast %add3A_633 : i32 to index
          %get3A_788 = tpu.vector_load %arg18[%get3A_786, %get3A_787] {strides = array<i32>} : memref<128x128xi32, #tpu.memory_space<vmem>>, vector<16xi32>,
          %bitcast3A_789 = vector.bitcast %get3A_788 : vector<16xi32> to vector<32xbf16>
          %unpack3A_790 = tpu.unpack_subelements %bitcast3A_789, 0 {pack_format = #tpu.pack_format<interleaved>} : vector<32xbf16> -> vector<16xf32>
          %unpack3A_791 = tpu.unpack_subelements %bitcast3A_789, 1 {pack_format = #tpu.pack_format<interleaved>} : vector<32xbf16> -> vector<16xf32>
          %mul3A_792 = arith.mulf %gather3A_421, %unpack3A_790 : vector<16xf32>
          %mul3A_793 = arith.mulf %gather3A_421, %unpack3A_791 : vector<16xf32>
          %add3A_794 = arith.addf %mul3A_642, %mul3A_652 : vector<16xf32>
          %add3A_795 = arith.addf %mul3A_662, %mul3A_672 : vector<16xf32>
          %add3A_796 = arith.addf %mul3A_682, %mul3A_692 : vector<16xf32>
          %add3A_797 = arith.addf %mul3A_702, %mul3A_712 : vector<16xf32>
          %add3A_798 = arith.addf %mul3A_722, %mul3A_732 : vector<16xf32>
          %add3A_799 = arith.addf %mul3A_742, %mul3A_752 : vector<16xf32>
          %add3A_800 = arith.addf %mul3A_762, %mul3A_772 : vector<16xf32>
          %add3A_801 = arith.addf %mul3A_782, %mul3A_792 : vector<16xf32>
          %add3A_802 = arith.addf %mul3A_643, %mul3A_653 : vector<16xf32>
          %add3A_803 = arith.addf %mul3A_663, %mul3A_673 : vector<16xf32>
          %add3A_804 = arith.addf %mul3A_683, %mul3A_693 : vector<16xf32>
          %add3A_805 = arith.addf %mul3A_703, %mul3A_713 : vector<16xf32>
          %add3A_806 = arith.addf %mul3A_723, %mul3A_733 : vector<16xf32>
          %add3A_807 = arith.addf %mul3A_743, %mul3A_753 : vector<16xf32>
          %add3A_808 = arith.addf %mul3A_763, %mul3A_773 : vector<16xf32>
          %add3A_809 = arith.addf %mul3A_783, %mul3A_793 : vector<16xf32>
          %add3A_810 = arith.addf %add3A_794, %add3A_795 : vector<16xf32>
          %add3A_811 = arith.addf %add3A_796, %add3A_797 : vector<16xf32>
          %add3A_812 = arith.addf %add3A_798, %add3A_799 : vector<16xf32>
          %add3A_813 = arith.addf %add3A_800, %add3A_801 : vector<16xf32>
          %add3A_814 = arith.addf %add3A_802, %add3A_803 : vector<16xf32>
          %add3A_815 = arith.addf %add3A_804, %add3A_805 : vector<16xf32>
          %add3A_816 = arith.addf %add3A_806, %add3A_807 : vector<16xf32>
          %add3A_817 = arith.addf %add3A_808, %add3A_809 : vector<16xf32>
          %add3A_818 = arith.addf %add3A_810, %add3A_811 : vector<16xf32>
          %add3A_819 = arith.addf %add3A_812, %add3A_813 : vector<16xf32>
          %add3A_820 = arith.addf %add3A_814, %add3A_815 : vector<16xf32>
          %add3A_821 = arith.addf %add3A_816, %add3A_817 : vector<16xf32>
          %add3A_822 = arith.addf %add3A_818, %add3A_819 : vector<16xf32>
          %add3A_823 = arith.addf %add3A_820, %add3A_821 : vector<16xf32>
          %swap3A_824 = arith.index_cast %scan3A_327 : i32 to index
          %swap3A_825 = arith.index_cast %add3A_633 : i32 to index
          %swap3A_826 = tpu.vector_load %arg21[%swap3A_824, %swap3A_825] {strides = array<i32>} : memref<8x256xf32, #tpu.memory_space<vmem>>, vector<16xf32>,
          tpu.vector_store %arg21[%swap3A_824, %swap3A_825], %add3A_822 {strides = array<i32>} : memref<8x256xf32, #tpu.memory_space<vmem>>, vector<16xf32>,
          %add3A_827 = arith.constant 128 : i32
          %add3A_828 = arith.addi %add3A_633, %add3A_827 : i32
          %swap3A_829 = arith.index_cast %scan3A_327 : i32 to index
          %swap3A_830 = arith.index_cast %add3A_828 : i32 to index
          %swap3A_831 = tpu.vector_load %arg21[%swap3A_829, %swap3A_830] {strides = array<i32>} : memref<8x256xf32, #tpu.memory_space<vmem>>, vector<16xf32>,
          tpu.vector_store %arg21[%swap3A_829, %swap3A_830], %add3A_823 {strides = array<i32>} : memref<8x256xf32, #tpu.memory_space<vmem>>, vector<16xf32>,
        }
        %scan3A_428 = arith.constant 4 : i32
      }
      %scan3A_319 = arith.constant 8 : i32
      %mul3A_320 = arith.constant 8 : i32
      %mul3A_321 = arith.muli %add3A_297, %mul3A_320 : i32
      %add3A_322 = arith.addi %mul3A_2, %mul3A_321 : i32
      %dma_start3A_323 = arith.constant 0 : i32
      %dma_start3A_324 = tpu.memref_slice %arg6[%add3A_322, %dma_start3A_323] : memref<10240x256xf32, #tpu.memory_space<hbm>> -> memref<8x256xf32, #tpu.memory_space<hbm>>
      %dma_start3A_325 = arith.constant 0 : i32
      %dma_start3A_326 = tpu.memref_slice %arg6[%add3A_322, %dma_start3A_325] : memref<10240x256xf32, #tpu.memory_space<hbm>> -> memref<8x256xf32, #tpu.memory_space<hbm>>
      tpu.enqueue_dma source(%arg21 : memref<8x256xf32, #tpu.memory_space<vmem>>) target(%dma_start3A_326 : memref<8x256xf32, #tpu.memory_space<hbm>>) target_semaphore(%arg27 : memref<!tpu.dma_semaphore, #tpu.memory_space<semaphore_mem>>)
    }
    %scan3A_184 = arith.constant 10 : i32
    %dma_wait3A = arith.constant 0 : i32
    %dma_wait3A_185 = arith.constant 0 : i32
    %dma_wait3A_186 = tpu.memref_slice %arg6[%dma_wait3A, %dma_wait3A_185] : memref<10240x256xf32, #tpu.memory_space<hbm>> -> memref<8x256xf32, #tpu.memory_space<hbm>>
    %dma_wait3A_187 = arith.constant 0 : i32
    %dma_wait3A_188 = arith.constant 0 : i32
    %dma_wait3A_189 = tpu.memref_slice %arg6[%dma_wait3A_187, %dma_wait3A_188] : memref<10240x256xf32, #tpu.memory_space<hbm>> -> memref<8x256xf32, #tpu.memory_space<hbm>>
    tpu.wait_dma2 semaphore(%arg26 : memref<!tpu.dma_semaphore, #tpu.memory_space<semaphore_mem>>) src(%arg20 : memref<8x256xf32, #tpu.memory_space<vmem>>) dst(%dma_wait3A_189 : memref<8x256xf32, #tpu.memory_space<hbm>>)
    %dma_wait3A_190 = arith.constant 0 : i32
    %dma_wait3A_191 = arith.constant 0 : i32
    %dma_wait3A_192 = tpu.memref_slice %arg6[%dma_wait3A_190, %dma_wait3A_191] : memref<10240x256xf32, #tpu.memory_space<hbm>> -> memref<8x256xf32, #tpu.memory_space<hbm>>
    %dma_wait3A_193 = arith.constant 0 : i32
    %dma_wait3A_194 = arith.constant 0 : i32
    %dma_wait3A_195 = tpu.memref_slice %arg6[%dma_wait3A_193, %dma_wait3A_194] : memref<10240x256xf32, #tpu.memory_space<hbm>> -> memref<8x256xf32, #tpu.memory_space<hbm>>
    tpu.wait_dma2 semaphore(%arg27 : memref<!tpu.dma_semaphore, #tpu.memory_space<semaphore_mem>>) src(%arg21 : memref<8x256xf32, #tpu.memory_space<vmem>>) dst(%dma_wait3A_195 : memref<8x256xf32, #tpu.memory_space<hbm>>)
    %mul3A_196 = arith.constant 16 : i32
    %mul3A_197 = arith.muli %mul3A_2, %mul3A_196 : i32
    "tpu.region"() ({
      %run_scoped3A = tpu.sem_alloc : memref<!tpu.dma_semaphore, #tpu.memory_space<semaphore_mem>>
      %dma_start3A_198 = tpu.memref_slice %arg7[%mul3A_197] : memref<163840xf32, #tpu.memory_space<hbm>> -> memref<5120xf32, #tpu.memory_space<hbm>>
      %dma_start3A_199 = tpu.memref_slice %arg7[%mul3A_197] : memref<163840xf32, #tpu.memory_space<hbm>> -> memref<5120xf32, #tpu.memory_space<hbm>>
      tpu.enqueue_dma source(%arg19 : memref<5120xf32, #tpu.memory_space<vmem>>) target(%dma_start3A_199 : memref<5120xf32, #tpu.memory_space<hbm>>) target_semaphore(%run_scoped3A : memref<!tpu.dma_semaphore, #tpu.memory_space<semaphore_mem>>)
      %dma_wait3A_200 = tpu.memref_slice %arg7[%mul3A_197] : memref<163840xf32, #tpu.memory_space<hbm>> -> memref<5120xf32, #tpu.memory_space<hbm>>
      %dma_wait3A_201 = tpu.memref_slice %arg7[%mul3A_197] : memref<163840xf32, #tpu.memory_space<hbm>> -> memref<5120xf32, #tpu.memory_space<hbm>>
      tpu.wait_dma2 semaphore(%run_scoped3A : memref<!tpu.dma_semaphore, #tpu.memory_space<semaphore_mem>>) src(%arg19 : memref<5120xf32, #tpu.memory_space<vmem>>) dst(%dma_wait3A_201 : memref<5120xf32, #tpu.memory_space<hbm>>)
      tpu.yield
    }) : () -> ()
    return
  }
}

module attributes {stable_mosaic.version = 14 : i64} {
  func.func @_a_body(%arg0: i32, %arg1: memref<400x256xf32, #tpu.memory_space<vmem>>, %arg2: memref<256x256xf32, #tpu.memory_space<vmem>>, %arg3: memref<256x256xf32, #tpu.memory_space<vmem>>, %arg4: memref<1x768xf32, #tpu.memory_space<vmem>>, %arg5: memref<1xf32, #tpu.memory_space<smem>>, %arg6: memref<400x16xf32, #tpu.memory_space<vmem>>, %arg7: memref<400x16xf32, #tpu.memory_space<vmem>>, %arg8: memref<2x256xf32, #tpu.memory_space<vmem>>, %arg9: memref<400x256xf32, #tpu.memory_space<vmem>>, %arg10: memref<400x128xi32, #tpu.memory_space<vmem>>, %arg11: memref<400x1xf32, #tpu.memory_space<vmem>>, %arg12: memref<400x16xf32, #tpu.memory_space<vmem>>) attributes {dimension_semantics = [#tpu.dimension_semantics<arbitrary>], iteration_bounds = array<i64: 25>, scalar_prefetch = 0 : i64, scratch_operands = 0 : i64, tpu.core_type = #tpu.core_type<tc>, window_params = [{transform_indices = @transform_0, window_bounds = array<i64: 400, 256>}, {pipeline_mode = #tpu.pipeline_mode<synchronous>, transform_indices = @transform_1, window_bounds = array<i64: 256, 256>}, {pipeline_mode = #tpu.pipeline_mode<synchronous>, transform_indices = @transform_2, window_bounds = array<i64: 256, 256>}, {pipeline_mode = #tpu.pipeline_mode<synchronous>, transform_indices = @transform_3, window_bounds = array<i64: 1, 768>}, {transform_indices = @transform_4, window_bounds = array<i64: 1>}, {transform_indices = @transform_5, window_bounds = array<i64: 400, 16>}, {transform_indices = @transform_6, window_bounds = array<i64: 400, 16>}, {pipeline_mode = #tpu.pipeline_mode<synchronous>, transform_indices = @transform_7, window_bounds = array<i64: 2, 256>}, {transform_indices = @transform_8, window_bounds = array<i64: 400, 256>}, {transform_indices = @transform_9, window_bounds = array<i64: 400, 128>}, {transform_indices = @transform_10, window_bounds = array<i64: 400, 1>}, {transform_indices = @transform_11, window_bounds = array<i64: 400, 16>}]} {
    %get3A = arith.constant 0 : index
    %get3A_0 = arith.constant 0 : index
    %get3A_1 = vector.load %arg1[%get3A, %get3A_0] : memref<400x256xf32, #tpu.memory_space<vmem>>, vector<400x256xf32>
    %get3A_2 = arith.constant 0 : index
    %get3A_3 = arith.constant 0 : index
    %get3A_4 = vector.load %arg2[%get3A_2, %get3A_3] : memref<256x256xf32, #tpu.memory_space<vmem>>, vector<256x256xf32>
    %dot_general3A = arith.constant dense<0.000000e+00> : vector<400x256xf32>
    %dot_general3A_5 = tpu.matmul %get3A_1, %get3A_4, %dot_general3A {dimension_numbers = #tpu.dot_dimension_numbers<[1], [1], [0], [0], [0, 0, 1, 0], [], []>, transpose_lhs_hint = false} : vector<400x256xf32>, vector<256x256xf32>, vector<400x256xf32> -> vector<400x256xf32>
    %get3A_6 = arith.constant 0 : index
    %get3A_7 = arith.constant 0 : index
    %get3A_8 = vector.load %arg3[%get3A_6, %get3A_7] : memref<256x256xf32, #tpu.memory_space<vmem>>, vector<256x256xf32>
    %dot_general3A_9 = arith.constant dense<0.000000e+00> : vector<400x256xf32>
    %dot_general3A_10 = tpu.matmul %get3A_1, %get3A_8, %dot_general3A_9 {dimension_numbers = #tpu.dot_dimension_numbers<[1], [1], [0], [0], [0, 0, 1, 0], [], []>, transpose_lhs_hint = false} : vector<400x256xf32>, vector<256x256xf32>, vector<400x256xf32> -> vector<400x256xf32>
    %swap3A = arith.constant 0 : index
    %swap3A_11 = arith.constant 0 : index
    %swap3A_12 = vector.load %arg9[%swap3A, %swap3A_11] : memref<400x256xf32, #tpu.memory_space<vmem>>, vector<400x256xf32>
    tpu.vector_store %arg9[%swap3A, %swap3A_11], %dot_general3A_5 {strides = array<i32>} : memref<400x256xf32, #tpu.memory_space<vmem>>, vector<400x256xf32>,
    %convert_element_type3A = arith.truncf %dot_general3A_10 : vector<400x256xf32> to vector<400x256xbf16>
    %slice3A = vector.extract_strided_slice %convert_element_type3A {offsets = [0, 0], sizes = [400, 128], strides = [1, 1]} : vector<400x256xbf16> to vector<400x128xbf16>
    %bitcast_convert_type3A = tpu.bitcast %slice3A : vector<400x128xbf16> -> vector<400x128xi16>
    %convert_element_type3A_13 = arith.extui %bitcast_convert_type3A : vector<400x128xi16> to vector<400x128xi32>
    %slice3A_14 = vector.extract_strided_slice %convert_element_type3A {offsets = [0, 128], sizes = [400, 128], strides = [1, 1]} : vector<400x256xbf16> to vector<400x128xbf16>
    %bitcast_convert_type3A_15 = tpu.bitcast %slice3A_14 : vector<400x128xbf16> -> vector<400x128xi16>
    %convert_element_type3A_16 = arith.extui %bitcast_convert_type3A_15 : vector<400x128xi16> to vector<400x128xi32>
    %shift_left3A = arith.constant 16 : i32
    %shift_left3A_17 = vector.broadcast %shift_left3A : i32 to vector<400x128xi32>
    %shift_left3A_18 = arith.shli %convert_element_type3A_16, %shift_left3A_17 : vector<400x128xi32>
    %or3A = arith.ori %convert_element_type3A_13, %shift_left3A_18 : vector<400x128xi32>
    %bitcast_convert_type3A_19 = tpu.bitcast %or3A : vector<400x128xi32> -> vector<400x128xi32>
    %swap3A_20 = arith.constant 0 : index
    %swap3A_21 = arith.constant 0 : index
    %swap3A_22 = vector.load %arg10[%swap3A_20, %swap3A_21] : memref<400x128xi32, #tpu.memory_space<vmem>>, vector<400x128xi32>
    tpu.vector_store %arg10[%swap3A_20, %swap3A_21], %bitcast_convert_type3A_19 {strides = array<i32>} : memref<400x128xi32, #tpu.memory_space<vmem>>, vector<400x128xi32>,
    %get3A_23 = arith.constant 0 : index
    %get3A_24 = arith.constant 0 : index
    %get3A_25 = vector.load %arg4[%get3A_23, %get3A_24] : memref<1x768xf32, #tpu.memory_space<vmem>>, vector<1x768xf32>
    %slice3A_26 = vector.extract_strided_slice %get3A_25 {offsets = [0, 0], sizes = [1, 256], strides = [1, 1]} : vector<1x768xf32> to vector<1x256xf32>
    %slice3A_27 = vector.extract_strided_slice %get3A_25 {offsets = [0, 256], sizes = [1, 256], strides = [1, 1]} : vector<1x768xf32> to vector<1x256xf32>
    %slice3A_28 = vector.extract_strided_slice %get3A_25 {offsets = [0, 512], sizes = [1, 256], strides = [1, 1]} : vector<1x768xf32> to vector<1x256xf32>
    %mul3A = vector.broadcast %slice3A_27 : vector<1x256xf32> to vector<400x256xf32>
    %mul3A_29 = arith.mulf %dot_general3A_10, %mul3A : vector<400x256xf32>
    %reduce_sum3A = arith.constant dense<0.000000e+00> : vector<400xf32>
    %reduce_sum3A_30 = vector.multi_reduction <add>, %mul3A_29, %reduce_sum3A [1] : vector<400x256xf32> to vector<400xf32>
    %broadcast_in_dim3A = vector.shape_cast %reduce_sum3A_30 : vector<400xf32> to vector<400x1xf32>
    %swap3A_31 = arith.constant 0 : index
    %swap3A_32 = arith.constant 0 : index
    %swap3A_33 = vector.load %arg11[%swap3A_31, %swap3A_32] : memref<400x1xf32, #tpu.memory_space<vmem>>, vector<400x1xf32>
    tpu.vector_store %arg11[%swap3A_31, %swap3A_32], %broadcast_in_dim3A {strides = array<i32>} : memref<400x1xf32, #tpu.memory_space<vmem>>, vector<400x1xf32>,
    %mul3A_34 = vector.broadcast %slice3A_26 : vector<1x256xf32> to vector<400x256xf32>
    %mul3A_35 = arith.mulf %dot_general3A_5, %mul3A_34 : vector<400x256xf32>
    %reduce_sum3A_36 = arith.constant dense<0.000000e+00> : vector<400xf32>
    %reduce_sum3A_37 = vector.multi_reduction <add>, %mul3A_35, %reduce_sum3A_36 [1] : vector<400x256xf32> to vector<400xf32>
    %broadcast_in_dim3A_38 = vector.shape_cast %reduce_sum3A_37 : vector<400xf32> to vector<400x1xf32>
    %get3A_39 = arith.constant 0 : index
    %get3A_40 = memref.load %arg5[%get3A_39] : memref<1xf32, #tpu.memory_space<smem>>
    %add3A = vector.broadcast %get3A_40 : f32 to vector<400x1xf32>
    %add3A_41 = arith.addf %broadcast_in_dim3A_38, %add3A : vector<400x1xf32>
    %get3A_42 = arith.constant 0 : index
    %get3A_43 = arith.constant 0 : index
    %get3A_44 = vector.load %arg8[%get3A_42, %get3A_43] : memref<2x256xf32, #tpu.memory_space<vmem>>, vector<2x256xf32>
    %slice3A_45 = vector.extract_strided_slice %get3A_44 {offsets = [0, 0], sizes = [1, 256], strides = [1, 1]} : vector<2x256xf32> to vector<1x256xf32>
    %mul3A_46 = arith.mulf %slice3A_28, %slice3A_45 : vector<1x256xf32>
    %reduce_sum3A_47 = vector.shape_cast %mul3A_46 : vector<1x256xf32> to vector<1x1x256xf32>
    %reduce_sum3A_48 = arith.constant dense<0.000000e+00> : vector<1xf32>
    %reduce_sum3A_49 = vector.multi_reduction <add>, %reduce_sum3A_47, %reduce_sum3A_48 [1, 2] : vector<1x1x256xf32> to vector<1xf32>
    %reduce_sum3A_50 = vector.shape_cast %reduce_sum3A_49 : vector<1xf32> to vector<1x1x1xf32>
    %reduce_sum3A_51 = vector.extract %reduce_sum3A_50[0, 0, 0] : f32 from vector<1x1x1xf32>
    %slice3A_52 = vector.extract_strided_slice %get3A_44 {offsets = [1, 0], sizes = [1, 256], strides = [1, 1]} : vector<2x256xf32> to vector<1x256xf32>
    %mul3A_53 = arith.mulf %slice3A_28, %slice3A_52 : vector<1x256xf32>
    %reduce_sum3A_54 = vector.shape_cast %mul3A_53 : vector<1x256xf32> to vector<1x1x256xf32>
    %reduce_sum3A_55 = arith.constant dense<0.000000e+00> : vector<1xf32>
    %reduce_sum3A_56 = vector.multi_reduction <add>, %reduce_sum3A_54, %reduce_sum3A_55 [1, 2] : vector<1x1x256xf32> to vector<1xf32>
    %reduce_sum3A_57 = vector.shape_cast %reduce_sum3A_56 : vector<1xf32> to vector<1x1x1xf32>
    %reduce_sum3A_58 = vector.extract %reduce_sum3A_57[0, 0, 0] : f32 from vector<1x1x1xf32>
    %get3A_59 = arith.constant 0 : index
    %get3A_60 = arith.constant 0 : index
    %get3A_61 = vector.load %arg6[%get3A_59, %get3A_60] : memref<400x16xf32, #tpu.memory_space<vmem>>, vector<400x16xf32>
    %mul3A_62 = vector.broadcast %reduce_sum3A_51 : f32 to vector<400x16xf32>
    %mul3A_63 = arith.mulf %get3A_61, %mul3A_62 : vector<400x16xf32>
    %add3A_64 = vector.broadcast %add3A_41 : vector<400x1xf32> to vector<400x16xf32>
    %add3A_65 = arith.addf %add3A_64, %mul3A_63 : vector<400x16xf32>
    %get3A_66 = arith.constant 0 : index
    %get3A_67 = arith.constant 0 : index
    %get3A_68 = vector.load %arg7[%get3A_66, %get3A_67] : memref<400x16xf32, #tpu.memory_space<vmem>>, vector<400x16xf32>
    %mul3A_69 = vector.broadcast %reduce_sum3A_58 : f32 to vector<400x16xf32>
    %mul3A_70 = arith.mulf %get3A_68, %mul3A_69 : vector<400x16xf32>
    %add3A_71 = arith.addf %add3A_65, %mul3A_70 : vector<400x16xf32>
    %swap3A_72 = arith.constant 0 : index
    %swap3A_73 = arith.constant 0 : index
    %swap3A_74 = vector.load %arg12[%swap3A_72, %swap3A_73] : memref<400x16xf32, #tpu.memory_space<vmem>>, vector<400x16xf32>
    tpu.vector_store %arg12[%swap3A_72, %swap3A_73], %add3A_71 {strides = array<i32>} : memref<400x16xf32, #tpu.memory_space<vmem>>, vector<400x16xf32>,
    return
  }
  func.func @transform_0(%arg0: i32) -> (i32, i32) {
    %c0_i32 = arith.constant 0 : i32
    %c0_i32_0 = arith.constant 0 : i32
    return %arg0, %c0_i32 : i32, i32
  }
  func.func @transform_1(%arg0: i32) -> (i32, i32) {
    %c0_i32 = arith.constant 0 : i32
    %c0_i32_0 = arith.constant 0 : i32
    %c0_i32_1 = arith.constant 0 : i32
    return %c0_i32, %c0_i32_0 : i32, i32
  }
  func.func @transform_2(%arg0: i32) -> (i32, i32) {
    %c0_i32 = arith.constant 0 : i32
    %c0_i32_0 = arith.constant 0 : i32
    %c0_i32_1 = arith.constant 0 : i32
    return %c0_i32, %c0_i32_0 : i32, i32
  }
  func.func @transform_3(%arg0: i32) -> (i32, i32) {
    %c0_i32 = arith.constant 0 : i32
    %c0_i32_0 = arith.constant 0 : i32
    %c0_i32_1 = arith.constant 0 : i32
    return %c0_i32, %c0_i32_0 : i32, i32
  }
  func.func @transform_4(%arg0: i32) -> i32 {
    %c0_i32 = arith.constant 0 : i32
    %c0_i32_0 = arith.constant 0 : i32
    return %c0_i32 : i32
  }
  func.func @transform_5(%arg0: i32) -> (i32, i32) {
    %c0_i32 = arith.constant 0 : i32
    %c0_i32_0 = arith.constant 0 : i32
    return %arg0, %c0_i32 : i32, i32
  }
  func.func @transform_6(%arg0: i32) -> (i32, i32) {
    %c0_i32 = arith.constant 0 : i32
    %c0_i32_0 = arith.constant 0 : i32
    return %arg0, %c0_i32 : i32, i32
  }
  func.func @transform_7(%arg0: i32) -> (i32, i32) {
    %c0_i32 = arith.constant 0 : i32
    %c0_i32_0 = arith.constant 0 : i32
    %c0_i32_1 = arith.constant 0 : i32
    return %c0_i32, %c0_i32_0 : i32, i32
  }
  func.func @transform_8(%arg0: i32) -> (i32, i32) {
    %c0_i32 = arith.constant 0 : i32
    %c0_i32_0 = arith.constant 0 : i32
    return %arg0, %c0_i32 : i32, i32
  }
  func.func @transform_9(%arg0: i32) -> (i32, i32) {
    %c0_i32 = arith.constant 0 : i32
    %c0_i32_0 = arith.constant 0 : i32
    return %arg0, %c0_i32 : i32, i32
  }
  func.func @transform_10(%arg0: i32) -> (i32, i32) {
    %c0_i32 = arith.constant 0 : i32
    %c0_i32_0 = arith.constant 0 : i32
    return %arg0, %c0_i32 : i32, i32
  }
  func.func @transform_11(%arg0: i32) -> (i32, i32) {
    %c0_i32 = arith.constant 0 : i32
    %c0_i32_0 = arith.constant 0 : i32
    return %arg0, %c0_i32 : i32, i32
  }
}

module attributes {stable_mosaic.version = 14 : i64} {
  func.func @_c_body(%arg0: i32, %arg1: memref<400x256xf32, #tpu.memory_space<vmem>>, %arg2: memref<400x256xf32, #tpu.memory_space<vmem>>, %arg3: memref<400x16xf32, #tpu.memory_space<vmem>>, %arg4: memref<400x16xf32, #tpu.memory_space<vmem>>, %arg5: memref<400x16xf32, #tpu.memory_space<vmem>>, %arg6: memref<2x256xf32, #tpu.memory_space<vmem>>, %arg7: memref<256x256xf32, #tpu.memory_space<vmem>>, %arg8: memref<1x256xf32, #tpu.memory_space<vmem>>, %arg9: memref<1x256xf32, #tpu.memory_space<vmem>>, %arg10: memref<1x256xf32, #tpu.memory_space<vmem>>, %arg11: memref<400x256xf32, #tpu.memory_space<vmem>>) attributes {dimension_semantics = [#tpu.dimension_semantics<arbitrary>], iteration_bounds = array<i64: 25>, scalar_prefetch = 0 : i64, scratch_operands = 0 : i64, tpu.core_type = #tpu.core_type<tc>, window_params = [{transform_indices = @transform_0, window_bounds = array<i64: 400, 256>}, {transform_indices = @transform_1, window_bounds = array<i64: 400, 256>}, {transform_indices = @transform_2, window_bounds = array<i64: 400, 16>}, {transform_indices = @transform_3, window_bounds = array<i64: 400, 16>}, {transform_indices = @transform_4, window_bounds = array<i64: 400, 16>}, {pipeline_mode = #tpu.pipeline_mode<synchronous>, transform_indices = @transform_5, window_bounds = array<i64: 2, 256>}, {pipeline_mode = #tpu.pipeline_mode<synchronous>, transform_indices = @transform_6, window_bounds = array<i64: 256, 256>}, {pipeline_mode = #tpu.pipeline_mode<synchronous>, transform_indices = @transform_7, window_bounds = array<i64: 1, 256>}, {pipeline_mode = #tpu.pipeline_mode<synchronous>, transform_indices = @transform_8, window_bounds = array<i64: 1, 256>}, {pipeline_mode = #tpu.pipeline_mode<synchronous>, transform_indices = @transform_9, window_bounds = array<i64: 1, 256>}, {transform_indices = @transform_10, window_bounds = array<i64: 400, 256>}]} {
    %get3A = arith.constant 0 : index
    %get3A_0 = arith.constant 0 : index
    %get3A_1 = vector.load %arg3[%get3A, %get3A_0] : memref<400x16xf32, #tpu.memory_space<vmem>>, vector<400x16xf32>
    %get3A_2 = arith.constant 0 : index
    %get3A_3 = arith.constant 0 : index
    %get3A_4 = vector.load %arg4[%get3A_2, %get3A_3] : memref<400x16xf32, #tpu.memory_space<vmem>>, vector<400x16xf32>
    %mul3A = arith.mulf %get3A_1, %get3A_4 : vector<400x16xf32>
    %reduce_sum3A = arith.constant dense<0.000000e+00> : vector<400xf32>
    %reduce_sum3A_5 = vector.multi_reduction <add>, %mul3A, %reduce_sum3A [1] : vector<400x16xf32> to vector<400xf32>
    %broadcast_in_dim3A = vector.shape_cast %reduce_sum3A_5 : vector<400xf32> to vector<400x1xf32>
    %get3A_6 = arith.constant 0 : index
    %get3A_7 = arith.constant 0 : index
    %get3A_8 = vector.load %arg5[%get3A_6, %get3A_7] : memref<400x16xf32, #tpu.memory_space<vmem>>, vector<400x16xf32>
    %mul3A_9 = arith.mulf %get3A_1, %get3A_8 : vector<400x16xf32>
    %reduce_sum3A_10 = arith.constant dense<0.000000e+00> : vector<400xf32>
    %reduce_sum3A_11 = vector.multi_reduction <add>, %mul3A_9, %reduce_sum3A_10 [1] : vector<400x16xf32> to vector<400xf32>
    %broadcast_in_dim3A_12 = vector.shape_cast %reduce_sum3A_11 : vector<400xf32> to vector<400x1xf32>
    %get3A_13 = arith.constant 0 : index
    %get3A_14 = arith.constant 0 : index
    %get3A_15 = vector.load %arg6[%get3A_13, %get3A_14] : memref<2x256xf32, #tpu.memory_space<vmem>>, vector<2x256xf32>
    %get3A_16 = arith.constant 0 : index
    %get3A_17 = arith.constant 0 : index
    %get3A_18 = vector.load %arg2[%get3A_16, %get3A_17] : memref<400x256xf32, #tpu.memory_space<vmem>>, vector<400x256xf32>
    %slice3A = vector.extract_strided_slice %get3A_15 {offsets = [0, 0], sizes = [1, 256], strides = [1, 1]} : vector<2x256xf32> to vector<1x256xf32>
    %mul3A_19 = vector.broadcast %broadcast_in_dim3A : vector<400x1xf32> to vector<400x256xf32>
    %mul3A_20 = vector.broadcast %slice3A : vector<1x256xf32> to vector<400x256xf32>
    %mul3A_21 = arith.mulf %mul3A_19, %mul3A_20 : vector<400x256xf32>
    %add3A = arith.addf %get3A_18, %mul3A_21 : vector<400x256xf32>
    %slice3A_22 = vector.extract_strided_slice %get3A_15 {offsets = [1, 0], sizes = [1, 256], strides = [1, 1]} : vector<2x256xf32> to vector<1x256xf32>
    %mul3A_23 = vector.broadcast %broadcast_in_dim3A_12 : vector<400x1xf32> to vector<400x256xf32>
    %mul3A_24 = vector.broadcast %slice3A_22 : vector<1x256xf32> to vector<400x256xf32>
    %mul3A_25 = arith.mulf %mul3A_23, %mul3A_24 : vector<400x256xf32>
    %add3A_26 = arith.addf %add3A, %mul3A_25 : vector<400x256xf32>
    %get3A_27 = arith.constant 0 : index
    %get3A_28 = arith.constant 0 : index
    %get3A_29 = vector.load %arg1[%get3A_27, %get3A_28] : memref<400x256xf32, #tpu.memory_space<vmem>>, vector<400x256xf32>
    %get3A_30 = arith.constant 0 : index
    %get3A_31 = arith.constant 0 : index
    %get3A_32 = vector.load %arg7[%get3A_30, %get3A_31] : memref<256x256xf32, #tpu.memory_space<vmem>>, vector<256x256xf32>
    %dot_general3A = arith.constant dense<0.000000e+00> : vector<400x256xf32>
    %dot_general3A_33 = tpu.matmul %add3A_26, %get3A_32, %dot_general3A {dimension_numbers = #tpu.dot_dimension_numbers<[1], [1], [0], [0], [0, 0, 1, 0], [], []>, transpose_lhs_hint = false} : vector<400x256xf32>, vector<256x256xf32>, vector<400x256xf32> -> vector<400x256xf32>
    %add3A_34 = arith.addf %get3A_29, %dot_general3A_33 : vector<400x256xf32>
    %get3A_35 = arith.constant 0 : index
    %get3A_36 = arith.constant 0 : index
    %get3A_37 = vector.load %arg8[%get3A_35, %get3A_36] : memref<1x256xf32, #tpu.memory_space<vmem>>, vector<1x256xf32>
    %add3A_38 = vector.broadcast %get3A_37 : vector<1x256xf32> to vector<400x256xf32>
    %add3A_39 = arith.addf %add3A_34, %add3A_38 : vector<400x256xf32>
    %max3A = arith.constant 0.000000e+00 : f32
    %max3A_40 = vector.broadcast %max3A : f32 to vector<400x256xf32>
    %max3A_41 = arith.maximumf %add3A_39, %max3A_40 : vector<400x256xf32>
    %reduce_sum3A_42 = arith.constant dense<0.000000e+00> : vector<400xf32>
    %reduce_sum3A_43 = vector.multi_reduction <add>, %max3A_41, %reduce_sum3A_42 [1] : vector<400x256xf32> to vector<400xf32>
    %broadcast_in_dim3A_44 = vector.shape_cast %reduce_sum3A_43 : vector<400xf32> to vector<400x1xf32>
    %div3A = arith.constant 2.560000e+02 : f32
    %div3A_45 = vector.broadcast %div3A : f32 to vector<400x1xf32>
    %div3A_46 = arith.divf %broadcast_in_dim3A_44, %div3A_45 : vector<400x1xf32>
    %sub3A = vector.broadcast %div3A_46 : vector<400x1xf32> to vector<400x256xf32>
    %sub3A_47 = arith.subf %max3A_41, %sub3A : vector<400x256xf32>
    %integer_pow3A = arith.mulf %sub3A_47, %sub3A_47 : vector<400x256xf32>
    %reduce_sum3A_48 = arith.constant dense<0.000000e+00> : vector<400xf32>
    %reduce_sum3A_49 = vector.multi_reduction <add>, %integer_pow3A, %reduce_sum3A_48 [1] : vector<400x256xf32> to vector<400xf32>
    %broadcast_in_dim3A_50 = vector.shape_cast %reduce_sum3A_49 : vector<400xf32> to vector<400x1xf32>
    %div3A_51 = arith.constant 2.560000e+02 : f32
    %div3A_52 = vector.broadcast %div3A_51 : f32 to vector<400x1xf32>
    %div3A_53 = arith.divf %broadcast_in_dim3A_50, %div3A_52 : vector<400x1xf32>
    %get3A_54 = arith.constant 0 : index
    %get3A_55 = arith.constant 0 : index
    %get3A_56 = vector.load %arg9[%get3A_54, %get3A_55] : memref<1x256xf32, #tpu.memory_space<vmem>>, vector<1x256xf32>
    %sub3A_57 = vector.broadcast %div3A_46 : vector<400x1xf32> to vector<400x256xf32>
    %sub3A_58 = arith.subf %max3A_41, %sub3A_57 : vector<400x256xf32>
    %mul3A_59 = vector.broadcast %get3A_56 : vector<1x256xf32> to vector<400x256xf32>
    %mul3A_60 = arith.mulf %mul3A_59, %sub3A_58 : vector<400x256xf32>
    %add3A_61 = arith.constant 9.99999974E-6 : f32
    %add3A_62 = vector.broadcast %add3A_61 : f32 to vector<400x1xf32>
    %add3A_63 = arith.addf %div3A_53, %add3A_62 : vector<400x1xf32>
    %rsqrt3A = math.rsqrt %add3A_63 : vector<400x1xf32>
    %mul3A_64 = vector.broadcast %rsqrt3A : vector<400x1xf32> to vector<400x256xf32>
    %mul3A_65 = arith.mulf %mul3A_60, %mul3A_64 : vector<400x256xf32>
    %get3A_66 = arith.constant 0 : index
    %get3A_67 = arith.constant 0 : index
    %get3A_68 = vector.load %arg10[%get3A_66, %get3A_67] : memref<1x256xf32, #tpu.memory_space<vmem>>, vector<1x256xf32>
    %add3A_69 = vector.broadcast %get3A_68 : vector<1x256xf32> to vector<400x256xf32>
    %add3A_70 = arith.addf %mul3A_65, %add3A_69 : vector<400x256xf32>
    %swap3A = arith.constant 0 : index
    %swap3A_71 = arith.constant 0 : index
    %swap3A_72 = vector.load %arg11[%swap3A, %swap3A_71] : memref<400x256xf32, #tpu.memory_space<vmem>>, vector<400x256xf32>
    tpu.vector_store %arg11[%swap3A, %swap3A_71], %add3A_70 {strides = array<i32>} : memref<400x256xf32, #tpu.memory_space<vmem>>, vector<400x256xf32>,
    return
  }
  func.func @transform_0(%arg0: i32) -> (i32, i32) {
    %c0_i32 = arith.constant 0 : i32
    %c0_i32_0 = arith.constant 0 : i32
    return %arg0, %c0_i32 : i32, i32
  }
  func.func @transform_1(%arg0: i32) -> (i32, i32) {
    %c0_i32 = arith.constant 0 : i32
    %c0_i32_0 = arith.constant 0 : i32
    return %arg0, %c0_i32 : i32, i32
  }
  func.func @transform_2(%arg0: i32) -> (i32, i32) {
    %c0_i32 = arith.constant 0 : i32
    %c0_i32_0 = arith.constant 0 : i32
    return %arg0, %c0_i32 : i32, i32
  }
  func.func @transform_3(%arg0: i32) -> (i32, i32) {
    %c0_i32 = arith.constant 0 : i32
    %c0_i32_0 = arith.constant 0 : i32
    return %arg0, %c0_i32 : i32, i32
  }
  func.func @transform_4(%arg0: i32) -> (i32, i32) {
    %c0_i32 = arith.constant 0 : i32
    %c0_i32_0 = arith.constant 0 : i32
    return %arg0, %c0_i32 : i32, i32
  }
  func.func @transform_5(%arg0: i32) -> (i32, i32) {
    %c0_i32 = arith.constant 0 : i32
    %c0_i32_0 = arith.constant 0 : i32
    %c0_i32_1 = arith.constant 0 : i32
    return %c0_i32, %c0_i32_0 : i32, i32
  }
  func.func @transform_6(%arg0: i32) -> (i32, i32) {
    %c0_i32 = arith.constant 0 : i32
    %c0_i32_0 = arith.constant 0 : i32
    %c0_i32_1 = arith.constant 0 : i32
    return %c0_i32, %c0_i32_0 : i32, i32
  }
  func.func @transform_7(%arg0: i32) -> (i32, i32) {
    %c0_i32 = arith.constant 0 : i32
    %c0_i32_0 = arith.constant 0 : i32
    %c0_i32_1 = arith.constant 0 : i32
    return %c0_i32, %c0_i32_0 : i32, i32
  }
  func.func @transform_8(%arg0: i32) -> (i32, i32) {
    %c0_i32 = arith.constant 0 : i32
    %c0_i32_0 = arith.constant 0 : i32
    %c0_i32_1 = arith.constant 0 : i32
    return %c0_i32, %c0_i32_0 : i32, i32
  }
  func.func @transform_9(%arg0: i32) -> (i32, i32) {
    %c0_i32 = arith.constant 0 : i32
    %c0_i32_0 = arith.constant 0 : i32
    %c0_i32_1 = arith.constant 0 : i32
    return %c0_i32, %c0_i32_0 : i32, i32
  }
  func.func @transform_10(%arg0: i32) -> (i32, i32) {
    %c0_i32 = arith.constant 0 : i32
    %c0_i32_0 = arith.constant 0 : i32
    return %arg0, %c0_i32 : i32, i32
  }
}

</mosaic_0001>

<sc_bundles>
// kernel: kernel.5.cloned.1.call-start
scs
__scs_entry_jumppad:
0x0: {  	(pc) =	sbr.rel $0x88, $3  }
0x1: {  	(tag) =	ssettag $0x0;
	lr =	simm.s32 $0x1  }
0x2: {  	[smem:$0x3F95] =	sst lr;
	_ =	strace $0xD0000000  }
0x3: {  	_ = 	snop  }
0x4: {  	_ = 	snop  }
0x5: {  	_ = 	snop  }
0x6: {  	_ = 	snop  }
0x7: {  	_ = 	snop  }
__scs_overlays_trampoline_lowered:
0x8: {  	[smem:$0x3FA4] =	sst s0  }
0x9: {  	[smem:$0x3FA5] =	sst s1  }
0xa: {  	[smem:$0x3FA6] =	sst s2  }
0xb: {  	[smem:$0x3FA7] =	sst s3  }
0xc: {  	[smem:$0x3FA8] =	sst s4  }
0xd: {  	[smem:$0x3FA9] =	sst s5  }
0xe: {  	[smem:$0x3FAA] =	sst s6  }
0xf: {  	[smem:$0x3FAB] =	sst s7  }
0x10: {  	[smem:$0x3FAC] =	sst s8  }
0x11: {  	[smem:$0x3FAD] =	sst s9;
	s0 =	simm.s32 @!p0 $0x0  }
0x12: {  	s1 =	sld [smem:$0x3F93];
	s0 =	simm.s32 @p0 $0x1  }
0x13: {  	[smem:$0x3FAE] =	sst s0;
	s0 =	simm.s32 @!p1 $0x0  }
0x14: {  	s2 =	sld [smem:$0x3F92];
	s0 =	simm.s32 @p1 $0x1  }
0x15: {  	[smem:$0x3FAF] =	sst s0;
	s0 =	simm.s32 @!p2 $0x0  }
0x16: {  	s3 =	sld [smem:$0x3FDB];
	s0 =	simm.s32 @p2 $0x1  }
0x17: {  	s4 =	simm.s32 $0x1BF5;
	[smem:$0x3FB1] =	sst s0  }
0x18: {  	s0 =	sld [smem:$0x3F94];
	_ =	swait.ge [sflag:s4], $0x0  }
0x19: {  	s7 =	sld [smem:$0x3F95]  }
0x1a: {  	s8 =	sadd.s32 $0xFFFFE003, lr  }
0x1b: {  	s9 =	sadd.s32 $0xFFFFFEF7, lr;
	s5 =	simm.s32 $0xFFFFFFFF;
	p2 =	slt.u32 s8, $0xFFFFF086  }
0x1c: {  	p1 =	slt.u32 s9, $0xF7A;
	s5 =	simm.s32 @!p2 $0x0  }
0x1d: {  	s5 =	simm.s32 @p1 $0x1;
	p0 =	seq.s32 s7, s2  }
0x1e: {  	s7 =	smul.u32 @!p0 $0xF7A, s2;
	p2 =	seq.s32 @!p0 s5, $0x0  }
0x1f: {  	s9 =	smul.u32 $0xF7A, s1;
	s8 =	simm.s32 @!p0 $0x1BF5;
	p2 =	por !p2, p0  }
0x20: {  	[sflag:s8] =	ssyncset.s32 @!p0 $0xFFFFF086;
	s6 =	sadd.s32 @!p0 s3, s7;
	s7 =	simm.s32 @!p0 $0x108  }
0x21: {  	s3 =	sadd.s32 s3, s9;
	s6 =	sadd.s32 @!p0 $0x88, s6;
	s7 =	simm.s32 @p2 $0x1082  }
0x22: {  	[simem:s7], [sflag:s8] =	dma.local @!p0 [hbm:s6], $0xF7A  }
0x23: {  	s9 =	sor.u32 $0xD0000000, s2;
	s6 =	simm.s32 $0x108;
	_ =	swait.ge @!p0 [sflag:s8], $0x0  }
0x24: {  	s3 =	sadd.s32 $0x88, s3;
	s6 =	simm.s32 @!p1 $0x1082;
	[sflag:s4] =	ssyncset.s32 $0xFFFFF086  }
0x25: {  	[simem:s6], [sflag:s4] =	dma.local [hbm:s3], $0xF7A  }
0x26: {  	[smem:$0x3F95] =	sst s1;
	(tag) =	ssettag s2;
	_ =	strace s9  }
0x27: {  	s1 =	sld [smem:$0x3FA5]  }
0x28: {  	s2 =	sld [smem:$0x3FA6]  }
0x29: {  	s4 =	sld [smem:$0x3FA8]  }
0x2a: {  	p0 =	seq.s32 s5, $0x0;
	s5 =	sld [smem:$0x3FA9]  }
0x2b: {  	s6 =	sld [smem:$0x3FAA]  }
0x2c: {  	s7 =	sld [smem:$0x3FAB]  }
0x2d: {  	s3 =	simm.s32 $0x108;
	s8 =	sld [smem:$0x3FAC]  }
0x2e: {  	s3 =	simm.s32 @!p0 $0x1082;
	s9 =	sld [smem:$0x3FAD]  }
0x2f: {  	lr =	sadd.s32 s0, s3;
	s0 =	sld [smem:$0x3FA4]  }
0x30: {  	s3 =	sld [smem:$0x3FA7]  }
0x31: {  	[smem:$0x3FB0] =	sst s10  }
0x32: {  	s10 =	sld [smem:$0x3FAE];
	_ =	sdelay $0x3  }
0x33: {  	p0 =	seq.s32 s10, $0x1;
	s10 =	sld [smem:$0x3FB0];
	_ =	sdelay $0x3  }
0x34: {  	[smem:$0x3FB0] =	sst s10  }
0x35: {  	s10 =	sld [smem:$0x3FAF];
	_ =	sdelay $0x3  }
0x36: {  	p1 =	seq.s32 s10, $0x1;
	s10 =	sld [smem:$0x3FB0];
	_ =	sdelay $0x3  }
0x37: {  	[smem:$0x3FB0] =	sst s10  }
0x38: {  	s10 =	sld [smem:$0x3FB1]  }
0x39: {  	_ = 	snop;
	(pc) =	sbr.ind lr, $3  }
0x3a: {  	_ = 	snop  }
0x3b: {  	_ = 	snop  }
0x3c: {  	p2 =	seq.s32 s10, $0x1;
	s10 =	sld [smem:$0x3FB0]  }
0x3d: {  	_ =	shalt  }
0x3e: {  	_ =	shalt  }
0x3f: {  	_ =	shalt  }
0x40: {  	_ =	shalt  }
0x41: {  	_ =	shalt  }
0x42: {  	_ =	shalt  }
0x43: {  	_ =	shalt  }
0x44: {  	_ =	shalt  }
0x45: {  	_ =	shalt  }
0x46: {  	_ =	shalt  }
0x47: {  	_ =	shalt  }
0x48: {  	_ =	shalt  }
0x49: {  	_ =	shalt  }
0x4a: {  	_ =	shalt  }
0x4b: {  	_ =	shalt  }
0x4c: {  	_ =	shalt  }
0x4d: {  	_ =	shalt  }
0x4e: {  	_ =	shalt  }
0x4f: {  	_ =	shalt  }
0x50: {  	_ =	shalt  }
0x51: {  	_ =	shalt  }
0x52: {  	_ =	shalt  }
0x53: {  	_ =	shalt  }
0x54: {  	_ =	shalt  }
0x55: {  	_ =	shalt  }
0x56: {  	_ =	shalt  }
0x57: {  	_ =	shalt  }
0x58: {  	_ =	shalt  }
0x59: {  	_ =	shalt  }
0x5a: {  	_ =	shalt  }
0x5b: {  	_ =	shalt  }
0x5c: {  	_ =	shalt  }
0x5d: {  	_ =	shalt  }
0x5e: {  	_ =	shalt  }
0x5f: {  	_ =	shalt  }
0x60: {  	_ =	shalt  }
0x61: {  	_ =	shalt  }
0x62: {  	_ =	shalt  }
0x63: {  	_ =	shalt  }
0x64: {  	_ =	shalt  }
0x65: {  	_ =	shalt  }
0x66: {  	_ =	shalt  }
0x67: {  	_ =	shalt  }
0x68: {  	_ =	shalt  }
0x69: {  	_ =	shalt  }
0x6a: {  	_ =	shalt  }
0x6b: {  	_ =	shalt  }
0x6c: {  	_ =	shalt  }
0x6d: {  	_ =	shalt  }
0x6e: {  	_ =	shalt  }
0x6f: {  	_ =	shalt  }
0x70: {  	_ =	shalt  }
0x71: {  	_ =	shalt  }
0x72: {  	_ =	shalt  }
0x73: {  	_ =	shalt  }
0x74: {  	_ =	shalt  }
0x75: {  	_ =	shalt  }
0x76: {  	_ =	shalt  }
0x77: {  	_ =	shalt  }
0x78: {  	_ =	shalt  }
0x79: {  	_ =	shalt  }
0x7a: {  	_ =	shalt  }
0x7b: {  	_ =	shalt  }
0x7c: {  	_ =	shalt  }
0x7d: {  	_ =	shalt  }
0x7e: {  	_ =	shalt  }
0x7f: {  	_ =	shalt  }
0x80: {  	_ =	shalt  }
0x81: {  	_ =	shalt  }
0x82: {  	_ =	shalt  }
0x83: {  	_ =	shalt  }
0x84: {  	_ =	shalt  }
0x85: {  	_ =	shalt  }
0x86: {  	_ =	shalt  }
0x87: {  	_ =	shalt  }
.Lfunc_end0:
.L_simem_size_0:
called_computation_lowered:
.L_overlay_start_0:
0x88: {  	s2 =	sld [smem:$0x3FD9]  }
0x89: {  	s3 =	sld [smem:$0x3FFE];
	_ =	sdelay $0x1  }
0x8a: {  	s1 =	srdreg.scid  }
0x8b: {  	s0 =	sand.u32 $0x1, s1  }
0x8c: {  	s16 =	sshll.u32 s0, $0xA;
	s2 =	sadd.s32 s3, s2  }
0x8d: {  	s2 =	sadd.s32 s2, s16  }
0x8e: {  	[smem:$0x3FBC] =	sst s2  }
0x8f: {  	_ = 	snop  }
0x90: {  	(tm) =	ssettm $0x1  }
0x91: {  	s17 =	sld [smem:$0x3FFB];
	_ =	sdelay $0x3  }
0x92: {  	_ =	strace s17  }
0x93: {  	s2 =	sld [smem:$0x3FFC];
	_ =	sdelay $0x3  }
0x94: {  	_ =	strace s2  }
0x95: {  	s2 =	sld [smem:$0x3FFD];
	_ =	sdelay $0x3  }
0x96: {  	_ =	strace s2  }
0x97: {  	_ =	strace $0x8FFFFFFF  }
0x98: {  	s18 =	sld [smem:$0x3FDB];
	_ =	sdelay $0x1  }
0x99: {  	s19 =	simm.s32 $_scs_section_size  }
0x9a: {  	s4 =	simm.s32 $_size__tile_overlayer_lowered;
	s5 =	simm.s32 $_tile_overlayer_lowered  }
0x9b: {  	s22 =	simm.s32 $0x1BFF;
	s21 =	sshll.u32 s5, $0x1;
	s2 =	sadd.s32 s19, s18  }
0x9c: {  	s6 =	simm.s32 $0x0;
	s20 =	sshll.u32 s4, $0x1;
	s4 =	sadd.s32 s21, s2  }
0x9d: {  	[timem:s6], [sflag:s22] =	dma.local [hbm:s4], s20  }
0x9e: {  	_ =	swait.ge [sflag:s22], s20  }
0x9f: {  	s3 =	ssub.s32 $0x0, s20;
	[sflag:s22] =	ssyncset.done $0x0  }
0xa0: {  	[sflag:s22] =	ssyncadd.s32 s3;
	_ =	sdelay $0x1  }
0xa1: {  	s23 =	simm.s32 $0x1B8B  }
0xa2: {  	_ =	swait.ge [sflag:s23], $0x1  }
0xa3: {  	[sflag:s23] =	ssyncset.done $0x0  }
0xa4: {  	s25 =	simm.s32 $0x1B8E;
	s24 =	sld [smem:$0x3FFE];
	[sflag:s23] =	ssyncadd.s32 $0xFFFFFFFF  }
0xa5: {  	s26 =	simm.s32 $execute0_lowered;
	[smem:$0x3FD2] =	sst s25  }
0xa6: {  	s4 =	sshll.u32 s26, $0x1;
	_ =	strace $0x80000046;
	[dreg:$0x1] =	wrdreg $0xFFFFFFFF  }
0xa7: {  	s28 =	simm.s32 $_size_execute0_lowered;
	s2 =	sadd.s32 s2, s4;
	[dreg:$0x0] =	wrdreg $0x0  }
0xa8: {  	s4 =	sshll.u32 s28, $0x1;
	[dreg:$0x2] =	wrdreg s2  }
0xa9: {  	[dreg:$0x3] =	wrdreg s4  }
0xaa: {  	[dreg:$0x4] =	wrdreg $0xC0  }
0xab: {  	_ =	task [dreg:s6], $0x5FFFF  }
0xac: {  	[dreg:$0x1] =	wrdreg $0xFFFFFFFF  }
0xad: {  	[dreg:$0x0] =	wrdreg $0x60  }
0xae: {  	[dreg:$0x2] =	wrdreg s24  }
0xaf: {  	[dreg:$0x3] =	wrdreg $0x9  }
0xb0: {  	_ =	task.clear_ibuf [dreg:s6], $0x4FFFF;
	_ =	strace $0x90000046  }
0xb1: {  	s29 =	simm.s32 $0x9;
	_ =	strace $0x80000048  }
0xb2: {  	_ =	swait.ge [sflag:s29], $0x1  }
0xb3: {  	[sflag:s29] =	ssyncadd.s32 $0xFFFFFFFF  }
0xb4: {  	_ =	strace $0x90000048  }
0xb5: {  	_ =	sfence  }
0xb6: {  	s30 =	sld [smem:$0x0];
	_ =	sdelay $0x2  }
0xb7: {  	s31 =	sshll.u32 s1, $0xD;
	s1 =	sshrl.u32 s1, $0x2  }
0xb8: {  	s3 =	sand.u32 $0x4000, s31;
	s1 =	sadd.s32 s1, s30  }
0xb9: {  	s0 =	sor.u32 s3, s0;
	s1 =	sshll.u32 s1, $0x11  }
0xba: {  	s0 =	sor.u32 s1, s0  }
0xbb: {  	s0 =	sadd.s32 $0x8F2B, s0  }
0xbc: {  	[sflag:s0] =	ssyncadd.remote.s32 $0x1  }
0xbd: {  	_ =	sfence.sel $0xFFFF  }
0xbe: {  	[dreg:$0x0] =	wrdreg $0xFFFFFFFF;
	(pc) =	sbr.abs _section_cstart, $3  }
0xbf: {  	[dreg:$0x1] =	wrdreg $0xFFFFFFFF  }
0xc0: {  	_ =	task.clear_ibuf [dreg:s6], $0x2FFFF;
	_ =	strace $0x9FFFFFFF  }
0xc1: {  	(tm) =	ssettm $0x7FFFFFFF  }
tec
execute0_lowered:
.L_overlay_start_1:
0x0: {  	(tag) =	ssettag $0x1  }
0x1: {  	s0 =	rddreg [dreg:$0x0]  }
0x2: {  	s2 =	simm.s32 $0x0;
	s1 =	srdreg.scid;
	s3 =	stileid.u32  }
0x3: {  	s14 =	simm.s32 $0x2800;
	s15 =	simm.s32 $0x80;
	s22 =	simm.s32 $0x1  }
0x4: {  	s23 =	simm.s32 $0x5180;
	s28 =	simm.s32 $0x2;
	s29 =	simm.s32 $0x16E00  }
0x5: {  	s30 =	simm.s32 $0x3;
	s31 =	simm.s32 $0x5;
	s13 =	simm.s32 $0x0  }
0x6: {  	[smem:$0x7FF] =	sst s2;
	s1 =	sand.u32 $0x1, s1;
	s3 =	sshll.u32 s3, $0x1  }
0x7: {  	s5 =	sadd.s32 $0x7C800, s0;
	s4 =	sor.u32 s1, s3;
	s1 =	ssub.s32 $0x2, s1  }
0x8: {  	_ =	strace $0x80000047;
	s6 =	smul.u32 $0x280, s4;
	s7 =	sshrl.u32 s1, $0x1  }
0x9: {  	s3 =	sadd.s32 $0x55600, s0;
	[dreg:$0x2] =	wrdreg s5;
	s1 =	ssub.s32 s1, s7  }
0xa: {  	s5 =	sadd.s32 $0x86E00, s0;
	s0 =	sadd.s32 s6, s0;
	s26 =	smax.u32 s1, $0x1  }
0xb: {  	s9 =	smul.u32 $0x28, s4;
	s24 =	sadd.s32 $0x2400, s0;
	[dreg:$0x6] =	wrdreg s26  }
0xc: {  	s7 =	simm.s32 $0x7;
	s25 =	sadd.s32 $0x7CE00, s0;
	[dreg:$0x3] =	wrdreg s24  }
0xd: {  	s6 =	smul.u32 $0x14000, s4;
	s0 =	sadd.s32 $0x81E00, s0;
	[dreg:$0x4] =	wrdreg s25  }
0xe: {  	s1 =	simm.s32 $0x6;
	s26 =	simm.s32 $0x16600;
	[dreg:$0x5] =	wrdreg s0  }
0xf: {  	s24 =	simm.s32 $0x11200;
	s25 =	simm.s32 $0x15200;
	s0 =	simm.s32 $0x4  }
.LBB2_1:
0x10: {  	s4 =	rddreg [dreg:$0x3]  }
0x11: {  	[tilespmem:s2], [sflag:$0x7] =	stream.linear.gather [hbm4b:s4+s2], $0x1400, $0x38;
	[tilespmem:$0x17600] =	vst v63  }
0x12: {  	_ =	swait.ge [sflag:s7], $0x1400  }
0x13: {  	[sflag:s7] =	ssyncset.done $0x0  }
0x14: {  	s8 =	simm.s32 $0x1400;
	s11 =	rddreg [dreg:$0x4];
	[sflag:s7] =	ssyncadd.s32 $0xFFFFEC00  }
0x15: {  	[tilespmem:s8], [sflag:$0x7] =	stream.linear.gather [hbm4b:s11+s2], $0x1400, $0x38;
	[tilespmem:$0x17600] =	vst v63  }
0x16: {  	_ =	swait.ge [sflag:s7], $0x1400  }
0x17: {  	[sflag:s7] =	ssyncset.done $0x0  }
0x18: {  	s12 =	rddreg [dreg:$0x2];
	[sflag:s7] =	ssyncadd.s32 $0xFFFFEC00  }
0x19: {  	[tilespmem:s14], [sflag:$0x7] =	stream.linear.gather [hbm4b:s12+s2], $0x2800, $0x38;
	[tilespmem:$0x17600] =	vst v63  }
0x1a: {  	_ =	swait.ge [sflag:s7], $0x2800  }
0x1b: {  	[sflag:s7] =	ssyncset.done $0x0  }
0x1c: {  	[sflag:s7] =	ssyncadd.s32 $0xFFFFD800  }
0x1d: {  	v0 =	vld [tilespmem:$0x0]  }
0x1e: {  	v1 =	vld [tilespmem:$0x10]  }
0x1f: {  	v2 =	vld [tilespmem:$0x20]  }
0x20: {  	v3 =	vld [tilespmem:$0x30]  }
0x21: {  	v4 =	vld [tilespmem:$0x40]  }
0x22: {  	v5 =	vld [tilespmem:$0x50];
	vm0 =	vgt.s32 v0, $0x0  }
0x23: {  	v6 =	vld [tilespmem:$0x60];
	vm5 =	vgt.s32 v1, $0x0;
	v0 =	vnsel vm0, $0x0, v0  }
0x24: {  	v27 =	vld [tilespmem:$0x70];
	vm6 =	vgt.s32 v2, $0x0;
	v26 =	vnsel vm5, $0x0, v1;
	[tilespmem:$0x5000] =	vst v0  }
0x25: {  	vm7 =	vgt.s32 v3, $0x0;
	v28 =	vnsel vm6, $0x0, v2;
	[tilespmem:$0x5010] =	vst v26  }
0x26: {  	vm8 =	vgt.s32 v4, $0x0;
	v29 =	vnsel vm7, $0x0, v3;
	[tilespmem:$0x5020] =	vst v28  }
0x27: {  	vm9 =	vgt.s32 v5, $0x0;
	v30 =	vnsel vm8, $0x0, v4;
	[tilespmem:$0x5030] =	vst v29  }
0x28: {  	vm10 =	vgt.s32 v6, $0x0;
	v31 =	vnsel vm9, $0x0, v5;
	[tilespmem:$0x5040] =	vst v30  }
0x29: {  	vm11 =	vgt.s32 v27, $0x0;
	v32 =	vnsel vm10, $0x0, v6;
	[tilespmem:$0x5050] =	vst v31  }
0x2a: {  	v33 =	vnsel vm11, $0x0, v27;
	[tilespmem:$0x5060] =	vst v32  }
0x2b: {  	s16 =	simm.s32 $0x5000;
	s17 =	simm.s32 $0x5200;
	[tilespmem:$0x5070] =	vst v33  }
0x2c: {  	[tilespmem:s17], [sflag:$0x1] =	stream.indirect.gather [hbm4b:s3+s15], $0x80, s16, s15, $0xb8;
	[tilespmem:$0x17600] =	vst v63  }
0x2d: {  	v34 =	vld [tilespmem:$0x80]  }
0x2e: {  	v35 =	vld [tilespmem:$0x90]  }
0x2f: {  	v36 =	vld [tilespmem:$0xA0]  }
0x30: {  	v37 =	vld [tilespmem:$0xB0]  }
0x31: {  	v38 =	vld [tilespmem:$0xC0]  }
0x32: {  	v39 =	vld [tilespmem:$0xD0];
	vm12 =	vgt.s32 v34, $0x0  }
0x33: {  	v40 =	vld [tilespmem:$0xE0];
	vm13 =	vgt.s32 v35, $0x0;
	v0 =	vnsel vm12, $0x0, v34  }
0x34: {  	v42 =	vld [tilespmem:$0xF0];
	vm14 =	vgt.s32 v36, $0x0;
	v41 =	vnsel vm13, $0x0, v35;
	[tilespmem:$0x5080] =	vst v0  }
0x35: {  	vm15 =	vgt.s32 v37, $0x0;
	v43 =	vnsel vm14, $0x0, v36;
	[tilespmem:$0x5090] =	vst v41  }
0x36: {  	vm4 =	vgt.s32 v38, $0x0;
	v44 =	vnsel vm15, $0x0, v37;
	[tilespmem:$0x50A0] =	vst v43  }
0x37: {  	vm5 =	vgt.s32 v39, $0x0;
	v45 =	vnsel vm4, $0x0, v38;
	[tilespmem:$0x50B0] =	vst v44  }
0x38: {  	vm6 =	vgt.s32 v40, $0x0;
	v46 =	vnsel vm5, $0x0, v39;
	[tilespmem:$0x50C0] =	vst v45  }
0x39: {  	vm7 =	vgt.s32 v42, $0x0;
	v47 =	vnsel vm6, $0x0, v40;
	[tilespmem:$0x50D0] =	vst v46  }
0x3a: {  	v48 =	vnsel vm7, $0x0, v42;
	[tilespmem:$0x50E0] =	vst v47  }
0x3b: {  	s18 =	simm.s32 $0x5080;
	s19 =	simm.s32 $0x9200;
	[tilespmem:$0x50F0] =	vst v48  }
0x3c: {  	[tilespmem:s19], [sflag:$0x2] =	stream.indirect.gather [hbm4b:s3+s15], $0x80, s18, s15, $0xb8;
	[tilespmem:$0x17600] =	vst v63  }
0x3d: {  	v49 =	vld [tilespmem:$0x100]  }
0x3e: {  	v50 =	vld [tilespmem:$0x110]  }
0x3f: {  	v51 =	vld [tilespmem:$0x120]  }
0x40: {  	v52 =	vld [tilespmem:$0x130]  }
0x41: {  	v53 =	vld [tilespmem:$0x140]  }
0x42: {  	v54 =	vld [tilespmem:$0x150];
	vm8 =	vgt.s32 v49, $0x0  }
0x43: {  	v55 =	vld [tilespmem:$0x160];
	vm9 =	vgt.s32 v50, $0x0;
	v0 =	vnsel vm8, $0x0, v49  }
0x44: {  	v57 =	vld [tilespmem:$0x170];
	vm10 =	vgt.s32 v51, $0x0;
	v56 =	vnsel vm9, $0x0, v50;
	[tilespmem:$0x5100] =	vst v0  }
0x45: {  	vm11 =	vgt.s32 v52, $0x0;
	v58 =	vnsel vm10, $0x0, v51;
	[tilespmem:$0x5110] =	vst v56  }
0x46: {  	vm12 =	vgt.s32 v53, $0x0;
	v59 =	vnsel vm11, $0x0, v52;
	[tilespmem:$0x5120] =	vst v58  }
0x47: {  	vm13 =	vgt.s32 v54, $0x0;
	v60 =	vnsel vm12, $0x0, v53;
	[tilespmem:$0x5130] =	vst v59  }
0x48: {  	vm14 =	vgt.s32 v55, $0x0;
	v61 =	vnsel vm13, $0x0, v54;
	[tilespmem:$0x5140] =	vst v60  }
0x49: {  	vm15 =	vgt.s32 v57, $0x0;
	v62 =	vnsel vm14, $0x0, v55;
	[tilespmem:$0x5150] =	vst v61  }
0x4a: {  	v63 =	vnsel vm15, $0x0, v57;
	[tilespmem:$0x5160] =	vst v62  }
0x4b: {  	s20 =	simm.s32 $0x5100;
	s21 =	simm.s32 $0xD200;
	s16 =	simm.s32 $0x0;
	[tilespmem:$0x5170] =	vst v63  }
0x4c: {  	[tilespmem:s21], [sflag:$0x3] =	stream.indirect.gather [hbm4b:s3+s15], $0x80, s20, s15, $0xb8;
	[tilespmem:$0x17600] =	vst v63  }
.LBB2_2:
0x4d: {  	_ =	swait.ge [sflag:s22], $0x4000;
	s17 =	sshllo.u32 s16, $0x2  }
0x4e: {  	[sflag:s22] =	ssyncset.done $0x0;
	s18 =	sshll.u32 s17, $0x7  }
0x4f: {  	[sflag:s22] =	ssyncadd.s32 $0xFFFFC000;
	s4 =	sand.u32 $0x3FFFFF80, s18  }
0x50: {  	v0 =	vld [tilespmem:s4+$0x0];
	_ =	sdelay $0x4  }
0x51: {  	vm0 =	vgt.s32 v0, $0x0  }
0x52: {  	v0 =	vnsel vm0, $0x0, v0  }
0x53: {  	[tilespmem:$0x5180] =	vst v0  }
0x54: {  	v0 =	vld [tilespmem:s4+$0x10];
	_ =	sdelay $0x4  }
0x55: {  	vm9 =	vgt.s32 v0, $0x0  }
0x56: {  	v0 =	vnsel vm9, $0x0, v0  }
0x57: {  	[tilespmem:$0x5190] =	vst v0  }
0x58: {  	v0 =	vld [tilespmem:s4+$0x20];
	_ =	sdelay $0x4  }
0x59: {  	vm10 =	vgt.s32 v0, $0x0  }
0x5a: {  	v0 =	vnsel vm10, $0x0, v0  }
0x5b: {  	[tilespmem:$0x51A0] =	vst v0  }
0x5c: {  	v0 =	vld [tilespmem:s4+$0x30];
	_ =	sdelay $0x4  }
0x5d: {  	vm11 =	vgt.s32 v0, $0x0  }
0x5e: {  	v0 =	vnsel vm11, $0x0, v0  }
0x5f: {  	[tilespmem:$0x51B0] =	vst v0  }
0x60: {  	v0 =	vld [tilespmem:s4+$0x40];
	_ =	sdelay $0x4  }
0x61: {  	vm12 =	vgt.s32 v0, $0x0  }
0x62: {  	v0 =	vnsel vm12, $0x0, v0  }
0x63: {  	[tilespmem:$0x51C0] =	vst v0  }
0x64: {  	v0 =	vld [tilespmem:s4+$0x50];
	_ =	sdelay $0x4  }
0x65: {  	vm13 =	vgt.s32 v0, $0x0  }
0x66: {  	v0 =	vnsel vm13, $0x0, v0  }
0x67: {  	[tilespmem:$0x51D0] =	vst v0  }
0x68: {  	v0 =	vld [tilespmem:s4+$0x60];
	_ =	sdelay $0x4  }
0x69: {  	vm14 =	vgt.s32 v0, $0x0  }
0x6a: {  	v0 =	vnsel vm14, $0x0, v0  }
0x6b: {  	[tilespmem:$0x51E0] =	vst v0  }
0x6c: {  	v0 =	vld [tilespmem:s4+$0x70];
	_ =	sdelay $0x4  }
0x6d: {  	vm15 =	vgt.s32 v0, $0x0  }
0x6e: {  	p0 =	seq.s32 s16, $0x0;
	v0 =	vnsel vm15, $0x0, v0  }
0x6f: {  	s7 =	simm.s32 @!p0 $0x5;
	[tilespmem:$0x51F0] =	vst v0  }
0x70: {  	[tilespmem:s24], [sflag:$0x4] =	stream.indirect.gather [hbm4b:s3+s15], $0x80, s23, s15, $0xb8;
	[tilespmem:$0x17600] =	vst v63  }
0x71: {  	s20 =	sshll.u32 s16, $0x2;
	_ =	swait.ge @!p0 [sflag:s7], $0x800  }
0x72: {  	s19 =	simm.s32 $0x0;
	s4 =	sshll.u32 s16, $0x9;
	[sflag:s7] =	ssyncset.done @!p0 $0x0  }
0x73: {  	s8 =	simm.s32 $0x16A00;
	v0 =	vmov s4;
	[sflag:s7] =	ssyncadd.s32 @!p0 $0xFFFFF800;
	s7 =	simm.s32 $0x59C0  }
.LBB2_3:
0x74: {  	_ =	sdelay $0x2  }
0x75: {  	s10 =	sshll.u32 s19, $0x4  }
0x76: {  	v1 =	vld.idx.msk [tilespmem:v0+s10+$0x0 ss:$0x1], $0xffff;
	_ =	sdelay $0x4  }
0x77: {  	vm0 =	vgt.s32 v1, $0x0  }
0x78: {  	v2 =	vnsel vm0, $0x0, v1;
	_ =	sdelay $0x3  }
0x79: {  	v3 =	vld.idx.msk [tilespmem:v0+s10+$0x1400 ss:$0x1], $0xffff  }
0x7a: {  	v2 =	vld.idx.msk [tilespmem:v2+s14+$0x0], $0xffff;
	_ =	sdelay $0x4  }
0x7b: {  	v2 =	vadd.f32 v3, v2  }
0x7c: {  	vm15 =	vgt.s32 v1, $0xFFFFFFFF  }
0x7d: {  	v1 =	vnsel vm15, $0xCE6E6B28, v2  }
0x7e: {  	(xrf0) =	vmax.scan.msk.f32 $0xffff, v1;
	_ =	sdelay $0x5  }
0x7f: {  	v2, _, _ =	vpop (xrf0)  }
0x80: {  	v2 =	vbroadcast v2, $0xF;
	_ =	sdelay $0x1  }
0x81: {  	v1 =	vsub.f32 v1, v2;
	_ =	sdelay $0x1  }
0x82: {  	v1 =	vmul.f32 $1.442695020e+00, v1;
	_ =	sdelay $0x1  }
0x83: {  	(erf) = vpow2.f32 v1;
	_ =	sdelay $0x8  }
0x84: {  	v1 =	vpop (erf)  }
0x85: {  	(xrf2) =	vadd.scan.msk.f32 $0xffff, v1;
	_ =	sdelay $0x9  }
0x86: {  	v2, _, _ =	vpop (xrf2)  }
0x87: {  	v2 =	vbroadcast v2, $0xF;
	_ =	sdelay $0x1  }
0x88: {  	(erf) = vrcp.f32 v2;
	_ =	sdelay $0x7  }
0x89: {  	s11 =	sadd.s32 s4, s10  }
0x8a: {  	v12 =	vmov s11;
	v2 =	vpop (erf)  }
0x8b: {  	v3 =	vor.u32 $0x2, v12;
	v1 =	vmul.f32 v2, v1  }
0x8c: {  	v4 =	vor.u32 $0x3, v12  }
0x8d: {  	v5 =	vor.u32 $0x4, v12;
	v1 =	vnsel vm15, $0x0, v1  }
0x8e: {  	v6 =	vor.u32 $0x5, v12;
	[tilespmem:v0+s10+$0x15200 ss:$0x1] =	vst.idx.msk $0xffff, v1  }
0x8f: {  	v7 =	vor.u32 $0x6, v12;
	v1 =	vld.idx.msk [tilespmem:v12+s25+$0x0], $0xffff  }
0x90: {  	v8 =	vor.u32 $0x7, v12;
	v3 =	vld.idx.msk [tilespmem:v3+s25+$0x0], $0xffff  }
0x91: {  	v9 =	vor.u32 $0x8, v12;
	v4 =	vld.idx.msk [tilespmem:v4+s25+$0x0], $0xffff  }
0x92: {  	v13 =	vor.u32 $0xB, v12;
	v5 =	vld.idx.msk [tilespmem:v5+s25+$0x0], $0xffff  }
0x93: {  	v14 =	vor.u32 $0xC, v12;
	v6 =	vld.idx.msk [tilespmem:v6+s25+$0x0], $0xffff  }
0x94: {  	v15 =	vor.u32 $0xD, v12;
	v7 =	vld.idx.msk [tilespmem:v7+s25+$0x0], $0xffff  }
0x95: {  	v16 =	vor.u32 $0xE, v12;
	v8 =	vld.idx.msk [tilespmem:v8+s25+$0x0], $0xffff  }
0x96: {  	v17 =	vor.u32 $0xF, v12;
	v9 =	vld.idx.msk [tilespmem:v9+s25+$0x0], $0xffff  }
0x97: {  	v10 =	vor.u32 $0x9, v12;
	v11 =	vor.u32 $0xA, v12;
	v2 =	vor.u32 $0x1, v12;
	v12 =	vld.idx.msk [tilespmem:v13+s25+$0x0], $0xffff  }
0x98: {  	v13 =	vld.idx.msk [tilespmem:v14+s25+$0x0], $0xffff  }
0x99: {  	v14 =	vld.idx.msk [tilespmem:v15+s25+$0x0], $0xffff  }
0x9a: {  	v15 =	vld.idx.msk [tilespmem:v16+s25+$0x0], $0xffff  }
0x9b: {  	v16 =	vld.idx.msk [tilespmem:v17+s25+$0x0], $0xffff;
	v17 =	vmov s7  }
0x9c: {  	v10 =	vld.idx.msk [tilespmem:v10+s25+$0x0], $0xffff  }
0x9d: {  	v11 =	vld.idx.msk [tilespmem:v11+s25+$0x0], $0xffff  }
0x9e: {  	v18 =	vmov s8;
	s10 =	simm.s32 $0x0;
	v2 =	vld.idx.msk [tilespmem:v2+s25+$0x0], $0xffff  }
.LBB2_4:
0x9f: {  	s11 =	sshra.s32 s10, $0x2  }
0xa0: {  	v19 =	vld.idx.msk [tilespmem:v17+s11+$0xFFFFF840 ss:$0x1], $0xffff  }
0xa1: {  	v20 =	vld.idx.msk [tilespmem:v17+s11+$0xFFFFF8C0 ss:$0x1], $0xffff  }
0xa2: {  	v21 =	vld.idx.msk [tilespmem:v17+s11+$0xFFFFF940 ss:$0x1], $0xffff  }
0xa3: {  	v22 =	vld.idx.msk [tilespmem:v17+s11+$0xFFFFF9C0 ss:$0x1], $0xffff  }
0xa4: {  	v24 =	vld.idx.msk [tilespmem:v17+s11+$0xFFFFFA40 ss:$0x1], $0xffff  }
0xa5: {  	v26 =	vld.idx.msk [tilespmem:v17+s11+$0xFFFFFAC0 ss:$0x1], $0xffff  }
0xa6: {  	v28 =	vld.idx.msk [tilespmem:v17+s11+$0xFFFFFB40 ss:$0x1], $0xffff  }
0xa7: {  	v30 =	vld.idx.msk [tilespmem:v17+s11+$0xFFFFFBC0 ss:$0x1], $0xffff  }
0xa8: {  	v32 =	vld.idx.msk [tilespmem:v17+s11+$0xFFFFFC40 ss:$0x1], $0xffff;
	v23 =	vunpack.i.u.bf16.f32 v19  }
0xa9: {  	v34 =	vld.idx.msk [tilespmem:v17+s11+$0xFFFFFCC0 ss:$0x1], $0xffff;
	v19 =	vunpack.i.l.bf16.f32 v19;
	v25 =	vunpack.i.l.bf16.f32 v20;
	v20 =	vunpack.i.u.bf16.f32 v20  }
0xaa: {  	v27 =	vunpack.i.l.bf16.f32 v21;
	v21 =	vunpack.i.u.bf16.f32 v21;
	v29 =	vunpack.i.u.bf16.f32 v22  }
0xab: {  	v36 =	vld.idx.msk [tilespmem:v17+s11+$0xFFFFFD40 ss:$0x1], $0xffff;
	v22 =	vunpack.i.l.bf16.f32 v22;
	v31 =	vunpack.i.l.bf16.f32 v24;
	v24 =	vunpack.i.u.bf16.f32 v24  }
0xac: {  	v33 =	vunpack.i.l.bf16.f32 v26;
	v26 =	vunpack.i.u.bf16.f32 v26;
	v35 =	vunpack.i.u.bf16.f32 v28  }
0xad: {  	v38 =	vld.idx.msk [tilespmem:v17+s11+$0xFFFFFDC0 ss:$0x1], $0xffff;
	v28 =	vunpack.i.l.bf16.f32 v28;
	v37 =	vunpack.i.l.bf16.f32 v30;
	v30 =	vunpack.i.u.bf16.f32 v30  }
0xae: {  	v39 =	vunpack.i.l.bf16.f32 v32;
	v32 =	vunpack.i.u.bf16.f32 v32;
	v41 =	vunpack.i.u.bf16.f32 v34  }
0xaf: {  	v40 =	vld.idx.msk [tilespmem:v17+s11+$0xFFFFFE40 ss:$0x1], $0xffff;
	v34 =	vunpack.i.l.bf16.f32 v34;
	v19 =	vmul.f32 v19, v1;
	v23 =	vmul.f32 v23, v1  }
0xb0: {  	v43 =	vunpack.i.l.bf16.f32 v36;
	v25 =	vmul.f32 v25, v2;
	v20 =	vmul.f32 v20, v2  }
0xb1: {  	v42 =	vld.idx.msk [tilespmem:v17+s11+$0xFFFFFEC0 ss:$0x1], $0xffff;
	v36 =	vunpack.i.u.bf16.f32 v36;
	v27 =	vmul.f32 v27, v3;
	v21 =	vmul.f32 v21, v3  }
0xb2: {  	v45 =	vunpack.i.l.bf16.f32 v38;
	v22 =	vmul.f32 v22, v4;
	v29 =	vmul.f32 v29, v4  }
0xb3: {  	v44 =	vld.idx.msk [tilespmem:v17+s11+$0xFFFFFF40 ss:$0x1], $0xffff;
	v38 =	vunpack.i.u.bf16.f32 v38;
	v31 =	vmul.f32 v31, v5;
	v24 =	vmul.f32 v24, v5  }
0xb4: {  	v46 =	vld.idx.msk [tilespmem:v17+s11+$0xFFFFFFC0 ss:$0x1], $0xffff;
	v47 =	vunpack.i.u.bf16.f32 v40;
	v33 =	vmul.f32 v33, v6;
	v26 =	vmul.f32 v26, v6  }
0xb5: {  	v40 =	vunpack.i.l.bf16.f32 v40;
	v28 =	vmul.f32 v28, v7;
	v35 =	vmul.f32 v35, v7  }
0xb6: {  	v48 =	vunpack.i.l.bf16.f32 v42;
	v37 =	vmul.f32 v37, v8;
	v30 =	vmul.f32 v30, v8  }
0xb7: {  	v42 =	vunpack.i.u.bf16.f32 v42;
	v39 =	vmul.f32 v39, v9;
	v32 =	vmul.f32 v32, v9  }
0xb8: {  	v49 =	vunpack.i.l.bf16.f32 v44;
	v34 =	vmul.f32 v34, v10;
	v41 =	vmul.f32 v41, v10  }
0xb9: {  	v50 =	vunpack.i.l.bf16.f32 v46;
	v43 =	vmul.f32 v43, v11;
	v36 =	vmul.f32 v36, v11  }
0xba: {  	v57 =	vunpack.i.u.bf16.f32 v44;
	v45 =	vmul.f32 v45, v12;
	v38 =	vmul.f32 v38, v12  }
0xbb: {  	v61 =	vunpack.i.u.bf16.f32 v46;
	v40 =	vmul.f32 v40, v13;
	v48 =	vmul.f32 v48, v14  }
0xbc: {  	v49 =	vmul.f32 v49, v15;
	v19 =	vadd.f32 v25, v19;
	v22 =	vadd.f32 v22, v27  }
0xbd: {  	v55 =	vmul.f32 v50, v16;
	v56 =	vadd.f32 v33, v31;
	v28 =	vadd.f32 v37, v28  }
0xbe: {  	v47 =	vmul.f32 v47, v13;
	v58 =	vadd.f32 v34, v39;
	v59 =	vadd.f32 v45, v43  }
0xbf: {  	v42 =	vmul.f32 v42, v14;
	v60 =	vadd.f32 v48, v40;
	v25 =	vadd.f32 v55, v49  }
0xc0: {  	v62 =	vmul.f32 v61, v16;
	v20 =	vadd.f32 v20, v23;
	v21 =	vadd.f32 v29, v21  }
0xc1: {  	v31 =	vmul.f32 v57, v15;
	v24 =	vadd.f32 v26, v24;
	v63 =	vadd.f32 v30, v35  }
0xc2: {  	v39 =	vadd.f32 v41, v32;
	v40 =	vadd.f32 v38, v36  }
0xc3: {  	v41 =	vadd.f32 v42, v47;
	v23 =	vadd.f32 v62, v31  }
0xc4: {  	v19 =	vadd.f32 v22, v19;
	v42 =	vadd.f32 v28, v56  }
0xc5: {  	v43 =	vadd.f32 v59, v58;
	v25 =	vadd.f32 v25, v60  }
0xc6: {  	v20 =	vadd.f32 v21, v20;
	v44 =	vadd.f32 v63, v24  }
0xc7: {  	v45 =	vadd.f32 v40, v39;
	v23 =	vadd.f32 v23, v41  }
0xc8: {  	v19 =	vadd.f32 v42, v19;
	v46 =	vadd.f32 v25, v43  }
0xc9: {  	v20 =	vadd.f32 v44, v20;
	v47 =	vadd.f32 v23, v45  }
0xca: {  	v19 =	vadd.f32 v46, v19  }
0xcb: {  	v20 =	vadd.f32 v47, v20  }
0xcc: {  	[tilespmem:v18+s11+$0xFFFFFC00 ss:$0x1] =	vst.idx.msk $0xffff, v19  }
0xcd: {  	[tilespmem:v18+s11+$0x0 ss:$0x1] =	vst.idx.msk $0xffff, v20  }
0xce: {  	v19 =	vld.idx.msk [tilespmem:v17+s11+$0xFFFFF880 ss:$0x1], $0xffff  }
0xcf: {  	v20 =	vld.idx.msk [tilespmem:v17+s11+$0xFFFFF900 ss:$0x1], $0xffff  }
0xd0: {  	v48 =	vld.idx.msk [tilespmem:v17+s11+$0xFFFFF980 ss:$0x1], $0xffff  }
0xd1: {  	v49 =	vld.idx.msk [tilespmem:v17+s11+$0xFFFFFA00 ss:$0x1], $0xffff  }
0xd2: {  	v51 =	vld.idx.msk [tilespmem:v17+s11+$0xFFFFFA80 ss:$0x1], $0xffff  }
0xd3: {  	v53 =	vld.idx.msk [tilespmem:v17+s11+$0xFFFFFB00 ss:$0x1], $0xffff  }
0xd4: {  	v55 =	vld.idx.msk [tilespmem:v17+s11+$0xFFFFFB80 ss:$0x1], $0xffff  }
0xd5: {  	v50 =	vunpack.i.u.bf16.f32 v19;
	v19 =	vunpack.i.l.bf16.f32 v19  }
0xd6: {  	v57 =	vld.idx.msk [tilespmem:v17+s11+$0xFFFFFC00 ss:$0x1], $0xffff;
	v52 =	vunpack.i.l.bf16.f32 v20;
	v20 =	vunpack.i.u.bf16.f32 v20;
	v54 =	vunpack.i.l.bf16.f32 v48  }
0xd7: {  	v21 =	vunpack.i.u.bf16.f32 v48;
	v56 =	vunpack.i.u.bf16.f32 v49;
	v22 =	vunpack.i.l.bf16.f32 v49  }
0xd8: {  	v59 =	vld.idx.msk [tilespmem:v17+s11+$0xFFFFFC80 ss:$0x1], $0xffff;
	v58 =	vunpack.i.l.bf16.f32 v51;
	v24 =	vunpack.i.u.bf16.f32 v51;
	v60 =	vunpack.i.l.bf16.f32 v53  }
0xd9: {  	v61 =	vld.idx.msk [tilespmem:v17+s11+$0xFFFFFD00 ss:$0x1], $0xffff;
	v26 =	vunpack.i.u.bf16.f32 v53;
	v62 =	vunpack.i.u.bf16.f32 v55;
	v19 =	vmul.f32 v19, v1  }
0xda: {  	v63 =	vld.idx.msk [tilespmem:v17+s11+$0xFFFFFD80 ss:$0x1], $0xffff;
	v28 =	vunpack.i.l.bf16.f32 v55;
	v23 =	vmul.f32 v50, v1;
	v25 =	vmul.f32 v52, v2  }
0xdb: {  	v48 =	vunpack.i.l.bf16.f32 v57;
	v20 =	vmul.f32 v20, v2;
	v27 =	vmul.f32 v54, v3  }
0xdc: {  	v30 =	vunpack.i.u.bf16.f32 v57;
	v21 =	vmul.f32 v21, v3;
	v22 =	vmul.f32 v22, v4  }
0xdd: {  	v32 =	vunpack.i.u.bf16.f32 v59;
	v29 =	vmul.f32 v56, v4;
	v31 =	vmul.f32 v58, v5  }
0xde: {  	v34 =	vunpack.i.l.bf16.f32 v61;
	v24 =	vmul.f32 v24, v5;
	v33 =	vmul.f32 v60, v6  }
0xdf: {  	v36 =	vunpack.i.u.bf16.f32 v63;
	v26 =	vmul.f32 v26, v6;
	v28 =	vmul.f32 v28, v7  }
0xe0: {  	v49 =	vld.idx.msk [tilespmem:v17+s11+$0xFFFFFE00 ss:$0x1], $0xffff;
	v35 =	vmul.f32 v62, v7;
	v37 =	vmul.f32 v48, v8;
	v50 =	vunpack.i.l.bf16.f32 v59  }
0xe1: {  	v51 =	vld.idx.msk [tilespmem:v17+s11+$0xFFFFFE80 ss:$0x1], $0xffff;
	v30 =	vmul.f32 v30, v8;
	v32 =	vmul.f32 v32, v9;
	v52 =	vunpack.i.u.bf16.f32 v61  }
0xe2: {  	v53 =	vld.idx.msk [tilespmem:v17+s11+$0xFFFFFF00 ss:$0x1], $0xffff;
	v34 =	vmul.f32 v34, v10;
	v54 =	vunpack.i.l.bf16.f32 v63;
	v19 =	vadd.f32 v25, v19  }
0xe3: {  	v55 =	vld.idx.msk [tilespmem:v17+s11+$0xFFFFFF80 ss:$0x1], $0xffff;
	v36 =	vmul.f32 v36, v11;
	v22 =	vadd.f32 v22, v27;
	v63 =	vadd.f32 v33, v31  }
0xe4: {  	v57 =	vld.idx.msk [tilespmem:v17+s11+$0x0 ss:$0x1], $0xffff;
	v39 =	vmul.f32 v50, v9;
	v28 =	vadd.f32 v37, v28;
	v20 =	vadd.f32 v20, v23  }
0xe5: {  	v41 =	vmul.f32 v52, v10;
	v21 =	vadd.f32 v29, v21;
	v24 =	vadd.f32 v26, v24  }
0xe6: {  	v43 =	vmul.f32 v54, v11;
	v54 =	vadd.f32 v30, v35;
	v44 =	vadd.f32 v34, v39  }
0xe7: {  	v56 =	vunpack.i.l.bf16.f32 v49;
	v38 =	vunpack.i.u.bf16.f32 v49;
	v58 =	vunpack.i.u.bf16.f32 v51  }
0xe8: {  	v40 =	vunpack.i.l.bf16.f32 v51;
	v59 =	vunpack.i.l.bf16.f32 v53;
	v42 =	vunpack.i.u.bf16.f32 v53  }
0xe9: {  	v60 =	vunpack.i.l.bf16.f32 v55;
	v61 =	vunpack.i.l.bf16.f32 v57;
	v37 =	vunpack.i.u.bf16.f32 v55  }
0xea: {  	v52 =	vunpack.i.u.bf16.f32 v57;
	v45 =	vmul.f32 v56, v12;
	v38 =	vmul.f32 v38, v12  }
0xeb: {  	v55 =	vadd.f32 v41, v32;
	v40 =	vmul.f32 v40, v13;
	v47 =	vmul.f32 v58, v13  }
0xec: {  	v19 =	vadd.f32 v22, v19;
	v48 =	vmul.f32 v59, v14;
	v42 =	vmul.f32 v42, v14  }
0xed: {  	v20 =	vadd.f32 v21, v20;
	v49 =	vmul.f32 v60, v15;
	v62 =	vmul.f32 v61, v16  }
0xee: {  	v31 =	vmul.f32 v37, v15;
	v58 =	vadd.f32 v28, v63;
	v60 =	vadd.f32 v54, v24  }
0xef: {  	v53 =	vmul.f32 v52, v16;
	v50 =	vadd.f32 v45, v43;
	v51 =	vadd.f32 v48, v40  }
0xf0: {  	v25 =	vadd.f32 v62, v49;
	v56 =	vadd.f32 v38, v36  }
0xf1: {  	v57 =	vadd.f32 v42, v47;
	v23 =	vadd.f32 v53, v31  }
0xf2: {  	v59 =	vadd.f32 v50, v44;
	v25 =	vadd.f32 v25, v51  }
0xf3: {  	v61 =	vadd.f32 v56, v55;
	v23 =	vadd.f32 v23, v57  }
0xf4: {  	p0 =	sne.s32 s10, $0xC0;
	v19 =	vadd.f32 v58, v19;
	v62 =	vadd.f32 v25, v59  }
.Ltmp0:
0xf5: {  	v20 =	vadd.f32 v60, v20;
	v63 =	vadd.f32 v23, v61;
	(pc) =	sbr.rel @p0 .LBB2_4-.Ltmp0, $4  }
0xf6: {  	v19 =	vadd.f32 v62, v19  }
0xf7: {  	v20 =	vadd.f32 v63, v20  }
0xf8: {  	[tilespmem:v18+s11+$0xFFFFFC40 ss:$0x1] =	vst.idx.msk $0xffff, v19  }
0xf9: {  	s10 =	sadd.s32 $0x40, s10;
	[tilespmem:v18+s11+$0x40 ss:$0x1] =	vst.idx.msk $0xffff, v20  }
0xfa: {  	s19 =	sadd.s32 $0x1, s19  }
0xfb: {  	p0 =	sne.s32 s19, $0x8  }
.Ltmp1:
0xfc: {  	_ = 	snop;
	(pc) =	sbr.rel @p0 .LBB2_3-.Ltmp1, $2  }
0xfd: {  	_ =	sdelay $0x2  }
0xfe: {  	s7 =	sadd.s32 $0x800, s7;
	s8 =	sadd.s32 $0x80, s8  }
0xff: {  	s4 =	sshll.u32 s16, $0xD  }
0x100: {  	s4 =	sadd.s32 s6, s4  }
0x101: {  	s4 =	sshrl.u32 s4, $0x3  }
0x102: {  	s4 =	sadd.s32 s5, s4  }
0x103: {  	[hbm4b:s4+s2] =	stream.linear.scatter [tilespmem:s26], [sflag:$0x5], $0x800, $0x38;
	[tilespmem:$0x17600] =	vst v63  }
0x104: {  	p0 =	seq.s32 s16, $0x9;
	_ =	swait.ge [sflag:s28], $0x4000  }
0x105: {  	s4 =	sshll.u32 @!p0 s16, $0x9;
	[sflag:s28] =	ssyncset.done $0x0  }
0x106: {  	s19 =	sand.u32 @!p0 $0x3FFFFE00, s4;
	[sflag:s28] =	ssyncadd.s32 $0xFFFFC000  }
0x107: {  	v0 =	vld @!p0 [tilespmem:s19+$0x200];
	_ =	sdelay $0x4  }
0x108: {  	vm0 =	vgt.s32 @!p0 v0, $0x0  }
0x109: {  	v0 =	vnsel @!p0 vm0, $0x0, v0  }
0x10a: {  	[tilespmem:$0x5000] =	vst @!p0 v0  }
0x10b: {  	v0 =	vld @!p0 [tilespmem:s19+$0x210];
	_ =	sdelay $0x4  }
0x10c: {  	vm0 =	vgt.s32 @!p0 v0, $0x0  }
0x10d: {  	v0 =	vnsel @!p0 vm0, $0x0, v0  }
0x10e: {  	[tilespmem:$0x5010] =	vst @!p0 v0  }
0x10f: {  	v0 =	vld @!p0 [tilespmem:s19+$0x220];
	_ =	sdelay $0x4  }
0x110: {  	vm0 =	vgt.s32 @!p0 v0, $0x0  }
0x111: {  	v0 =	vnsel @!p0 vm0, $0x0, v0  }
0x112: {  	[tilespmem:$0x5020] =	vst @!p0 v0  }
0x113: {  	v0 =	vld @!p0 [tilespmem:s19+$0x230];
	_ =	sdelay $0x4  }
0x114: {  	vm0 =	vgt.s32 @!p0 v0, $0x0  }
0x115: {  	v0 =	vnsel @!p0 vm0, $0x0, v0  }
0x116: {  	[tilespmem:$0x5030] =	vst @!p0 v0  }
0x117: {  	v0 =	vld @!p0 [tilespmem:s19+$0x240];
	_ =	sdelay $0x4  }
0x118: {  	vm0 =	vgt.s32 @!p0 v0, $0x0  }
0x119: {  	v0 =	vnsel @!p0 vm0, $0x0, v0  }
0x11a: {  	[tilespmem:$0x5040] =	vst @!p0 v0  }
0x11b: {  	v0 =	vld @!p0 [tilespmem:s19+$0x250];
	_ =	sdelay $0x4  }
0x11c: {  	vm0 =	vgt.s32 @!p0 v0, $0x0  }
0x11d: {  	v0 =	vnsel @!p0 vm0, $0x0, v0  }
0x11e: {  	[tilespmem:$0x5050] =	vst @!p0 v0  }
0x11f: {  	v0 =	vld @!p0 [tilespmem:s19+$0x260];
	_ =	sdelay $0x4  }
0x120: {  	vm0 =	vgt.s32 @!p0 v0, $0x0  }
0x121: {  	v0 =	vnsel @!p0 vm0, $0x0, v0  }
0x122: {  	[tilespmem:$0x5060] =	vst @!p0 v0  }
0x123: {  	v0 =	vld @!p0 [tilespmem:s19+$0x270];
	_ =	sdelay $0x2  }
0x124: {  	p1 =	seq.s32 @!p0 s16, $0x0  }
0x125: {  	p1 =	por p0, !p1  }
.Ltmp2:
0x126: {  	vm0 =	vgt.s32 @!p0 v0, $0x0;
	(pc) =	sbr.rel @!p1 .LBB2_8-.Ltmp2, $4  }
0x127: {  	s21 =	sor.u32 $0x1, s20;
	v0 =	vnsel @!p0 vm0, $0x0, v0  }
0x128: {  	s7 =	simm.s32 @!p0 $0x5000;
	s8 =	simm.s32 @!p0 $0x5200;
	s4 =	simm.s32 @!p0 $0x80;
	[tilespmem:$0x5070] =	vst @!p0 v0  }
0x129: {  	[tilespmem:s8], [sflag:$0x1] =	stream.indirect.gather @!p0 [hbm4b:s3+s4], $0x80, s7, s4, $0xb8;
	[tilespmem:$0x17600] =	vst v63  }
0x12a: {  	s4 =	sshll.u32 @!p0 s21, $0x7  }
0x12b: {  	_ =	swait.ge [sflag:s1], $0x800  }
0x12c: {  	[sflag:s1] =	ssyncset.done $0x0  }
0x12d: {  	s4 =	simm.s32 @p0 $0x1280;
	[sflag:s1] =	ssyncadd.s32 $0xFFFFF800  }
.LBB2_8:
0x12e: {  	s7 =	simm.s32 $0x0;
	s8 =	simm.s32 $0x99C0;
	s10 =	simm.s32 $0x17200;
	v0 =	vmov s4  }
.LBB2_9:
0x12f: {  	_ =	sdelay $0x2  }
0x130: {  	s11 =	sshll.u32 s7, $0x4  }
0x131: {  	v1 =	vld.idx.msk [tilespmem:v0+s11+$0x0 ss:$0x1], $0xffff;
	_ =	sdelay $0x4  }
0x132: {  	vm0 =	vgt.s32 v1, $0x0  }
0x133: {  	v2 =	vnsel vm0, $0x0, v1;
	_ =	sdelay $0x3  }
0x134: {  	v3 =	vld.idx.msk [tilespmem:v0+s11+$0x1400 ss:$0x1], $0xffff  }
0x135: {  	v2 =	vld.idx.msk [tilespmem:v2+s14+$0x0], $0xffff;
	_ =	sdelay $0x4  }
0x136: {  	v2 =	vadd.f32 v3, v2  }
0x137: {  	vm15 =	vgt.s32 v1, $0xFFFFFFFF  }
0x138: {  	v1 =	vnsel vm15, $0xCE6E6B28, v2  }
0x139: {  	(xrf0) =	vmax.scan.msk.f32 $0xffff, v1;
	_ =	sdelay $0x5  }
0x13a: {  	v2, _, _ =	vpop (xrf0)  }
0x13b: {  	v2 =	vbroadcast v2, $0xF;
	_ =	sdelay $0x1  }
0x13c: {  	v1 =	vsub.f32 v1, v2;
	_ =	sdelay $0x1  }
0x13d: {  	v1 =	vmul.f32 $1.442695020e+00, v1;
	_ =	sdelay $0x1  }
0x13e: {  	(erf) = vpow2.f32 v1;
	_ =	sdelay $0x8  }
0x13f: {  	v1 =	vpop (erf)  }
0x140: {  	(xrf2) =	vadd.scan.msk.f32 $0xffff, v1;
	_ =	sdelay $0x9  }
0x141: {  	v2, _, _ =	vpop (xrf2)  }
0x142: {  	v2 =	vbroadcast v2, $0xF;
	_ =	sdelay $0x1  }
0x143: {  	(erf) = vrcp.f32 v2;
	_ =	sdelay $0x7  }
0x144: {  	s12 =	sadd.s32 s4, s11  }
0x145: {  	v12 =	vmov s12;
	v2 =	vpop (erf)  }
0x146: {  	v3 =	vor.u32 $0x2, v12;
	v1 =	vmul.f32 v2, v1  }
0x147: {  	v4 =	vor.u32 $0x3, v12  }
0x148: {  	v5 =	vor.u32 $0x4, v12;
	v1 =	vnsel vm15, $0x0, v1  }
0x149: {  	v6 =	vor.u32 $0x5, v12;
	[tilespmem:v0+s11+$0x15200 ss:$0x1] =	vst.idx.msk $0xffff, v1  }
0x14a: {  	v7 =	vor.u32 $0x6, v12;
	v1 =	vld.idx.msk [tilespmem:v12+s25+$0x0], $0xffff  }
0x14b: {  	v8 =	vor.u32 $0x7, v12;
	v3 =	vld.idx.msk [tilespmem:v3+s25+$0x0], $0xffff  }
0x14c: {  	v9 =	vor.u32 $0x8, v12;
	v4 =	vld.idx.msk [tilespmem:v4+s25+$0x0], $0xffff  }
0x14d: {  	v13 =	vor.u32 $0xB, v12;
	v5 =	vld.idx.msk [tilespmem:v5+s25+$0x0], $0xffff  }
0x14e: {  	v14 =	vor.u32 $0xC, v12;
	v6 =	vld.idx.msk [tilespmem:v6+s25+$0x0], $0xffff  }
0x14f: {  	v15 =	vor.u32 $0xD, v12;
	v7 =	vld.idx.msk [tilespmem:v7+s25+$0x0], $0xffff  }
0x150: {  	v16 =	vor.u32 $0xE, v12;
	v8 =	vld.idx.msk [tilespmem:v8+s25+$0x0], $0xffff  }
0x151: {  	v17 =	vor.u32 $0xF, v12;
	v9 =	vld.idx.msk [tilespmem:v9+s25+$0x0], $0xffff  }
0x152: {  	v10 =	vor.u32 $0x9, v12;
	v11 =	vor.u32 $0xA, v12;
	v2 =	vor.u32 $0x1, v12;
	v12 =	vld.idx.msk [tilespmem:v13+s25+$0x0], $0xffff  }
0x153: {  	v13 =	vld.idx.msk [tilespmem:v14+s25+$0x0], $0xffff  }
0x154: {  	v14 =	vld.idx.msk [tilespmem:v15+s25+$0x0], $0xffff  }
0x155: {  	v15 =	vld.idx.msk [tilespmem:v16+s25+$0x0], $0xffff  }
0x156: {  	v16 =	vld.idx.msk [tilespmem:v17+s25+$0x0], $0xffff;
	v17 =	vmov s8  }
0x157: {  	v10 =	vld.idx.msk [tilespmem:v10+s25+$0x0], $0xffff  }
0x158: {  	v11 =	vld.idx.msk [tilespmem:v11+s25+$0x0], $0xffff  }
0x159: {  	v18 =	vmov s10;
	s11 =	simm.s32 $0x0;
	v2 =	vld.idx.msk [tilespmem:v2+s25+$0x0], $0xffff  }
.LBB2_10:
0x15a: {  	s12 =	sshra.s32 s11, $0x2  }
0x15b: {  	v19 =	vld.idx.msk [tilespmem:v17+s12+$0xFFFFF840 ss:$0x1], $0xffff  }
0x15c: {  	v20 =	vld.idx.msk [tilespmem:v17+s12+$0xFFFFF8C0 ss:$0x1], $0xffff  }
0x15d: {  	v21 =	vld.idx.msk [tilespmem:v17+s12+$0xFFFFF940 ss:$0x1], $0xffff  }
0x15e: {  	v22 =	vld.idx.msk [tilespmem:v17+s12+$0xFFFFF9C0 ss:$0x1], $0xffff  }
0x15f: {  	v24 =	vld.idx.msk [tilespmem:v17+s12+$0xFFFFFA40 ss:$0x1], $0xffff  }
0x160: {  	v26 =	vld.idx.msk [tilespmem:v17+s12+$0xFFFFFAC0 ss:$0x1], $0xffff  }
0x161: {  	v28 =	vld.idx.msk [tilespmem:v17+s12+$0xFFFFFB40 ss:$0x1], $0xffff  }
0x162: {  	v30 =	vld.idx.msk [tilespmem:v17+s12+$0xFFFFFBC0 ss:$0x1], $0xffff  }
0x163: {  	v32 =	vld.idx.msk [tilespmem:v17+s12+$0xFFFFFC40 ss:$0x1], $0xffff;
	v23 =	vunpack.i.u.bf16.f32 v19  }
0x164: {  	v34 =	vld.idx.msk [tilespmem:v17+s12+$0xFFFFFCC0 ss:$0x1], $0xffff;
	v19 =	vunpack.i.l.bf16.f32 v19;
	v25 =	vunpack.i.l.bf16.f32 v20;
	v20 =	vunpack.i.u.bf16.f32 v20  }
0x165: {  	v27 =	vunpack.i.l.bf16.f32 v21;
	v21 =	vunpack.i.u.bf16.f32 v21;
	v29 =	vunpack.i.u.bf16.f32 v22  }
0x166: {  	v36 =	vld.idx.msk [tilespmem:v17+s12+$0xFFFFFD40 ss:$0x1], $0xffff;
	v22 =	vunpack.i.l.bf16.f32 v22;
	v31 =	vunpack.i.l.bf16.f32 v24;
	v24 =	vunpack.i.u.bf16.f32 v24  }
0x167: {  	v33 =	vunpack.i.l.bf16.f32 v26;
	v26 =	vunpack.i.u.bf16.f32 v26;
	v35 =	vunpack.i.u.bf16.f32 v28  }
0x168: {  	v38 =	vld.idx.msk [tilespmem:v17+s12+$0xFFFFFDC0 ss:$0x1], $0xffff;
	v28 =	vunpack.i.l.bf16.f32 v28;
	v37 =	vunpack.i.l.bf16.f32 v30;
	v30 =	vunpack.i.u.bf16.f32 v30  }
0x169: {  	v39 =	vunpack.i.l.bf16.f32 v32;
	v32 =	vunpack.i.u.bf16.f32 v32;
	v41 =	vunpack.i.u.bf16.f32 v34  }
0x16a: {  	v40 =	vld.idx.msk [tilespmem:v17+s12+$0xFFFFFE40 ss:$0x1], $0xffff;
	v34 =	vunpack.i.l.bf16.f32 v34;
	v19 =	vmul.f32 v19, v1;
	v23 =	vmul.f32 v23, v1  }
0x16b: {  	v43 =	vunpack.i.l.bf16.f32 v36;
	v25 =	vmul.f32 v25, v2;
	v20 =	vmul.f32 v20, v2  }
0x16c: {  	v42 =	vld.idx.msk [tilespmem:v17+s12+$0xFFFFFEC0 ss:$0x1], $0xffff;
	v36 =	vunpack.i.u.bf16.f32 v36;
	v27 =	vmul.f32 v27, v3;
	v21 =	vmul.f32 v21, v3  }
0x16d: {  	v45 =	vunpack.i.l.bf16.f32 v38;
	v22 =	vmul.f32 v22, v4;
	v29 =	vmul.f32 v29, v4  }
0x16e: {  	v44 =	vld.idx.msk [tilespmem:v17+s12+$0xFFFFFF40 ss:$0x1], $0xffff;
	v38 =	vunpack.i.u.bf16.f32 v38;
	v31 =	vmul.f32 v31, v5;
	v24 =	vmul.f32 v24, v5  }
0x16f: {  	v46 =	vld.idx.msk [tilespmem:v17+s12+$0xFFFFFFC0 ss:$0x1], $0xffff;
	v47 =	vunpack.i.u.bf16.f32 v40;
	v33 =	vmul.f32 v33, v6;
	v26 =	vmul.f32 v26, v6  }
0x170: {  	v40 =	vunpack.i.l.bf16.f32 v40;
	v28 =	vmul.f32 v28, v7;
	v35 =	vmul.f32 v35, v7  }
0x171: {  	v48 =	vunpack.i.l.bf16.f32 v42;
	v37 =	vmul.f32 v37, v8;
	v30 =	vmul.f32 v30, v8  }
0x172: {  	v42 =	vunpack.i.u.bf16.f32 v42;
	v39 =	vmul.f32 v39, v9;
	v32 =	vmul.f32 v32, v9  }
0x173: {  	v49 =	vunpack.i.l.bf16.f32 v44;
	v34 =	vmul.f32 v34, v10;
	v41 =	vmul.f32 v41, v10  }
0x174: {  	v50 =	vunpack.i.l.bf16.f32 v46;
	v43 =	vmul.f32 v43, v11;
	v36 =	vmul.f32 v36, v11  }
0x175: {  	v57 =	vunpack.i.u.bf16.f32 v44;
	v45 =	vmul.f32 v45, v12;
	v38 =	vmul.f32 v38, v12  }
0x176: {  	v61 =	vunpack.i.u.bf16.f32 v46;
	v40 =	vmul.f32 v40, v13;
	v48 =	vmul.f32 v48, v14  }
0x177: {  	v49 =	vmul.f32 v49, v15;
	v19 =	vadd.f32 v25, v19;
	v22 =	vadd.f32 v22, v27  }
0x178: {  	v55 =	vmul.f32 v50, v16;
	v56 =	vadd.f32 v33, v31;
	v28 =	vadd.f32 v37, v28  }
0x179: {  	v47 =	vmul.f32 v47, v13;
	v58 =	vadd.f32 v34, v39;
	v59 =	vadd.f32 v45, v43  }
0x17a: {  	v42 =	vmul.f32 v42, v14;
	v60 =	vadd.f32 v48, v40;
	v25 =	vadd.f32 v55, v49  }
0x17b: {  	v62 =	vmul.f32 v61, v16;
	v20 =	vadd.f32 v20, v23;
	v21 =	vadd.f32 v29, v21  }
0x17c: {  	v31 =	vmul.f32 v57, v15;
	v24 =	vadd.f32 v26, v24;
	v63 =	vadd.f32 v30, v35  }
0x17d: {  	v39 =	vadd.f32 v41, v32;
	v40 =	vadd.f32 v38, v36  }
0x17e: {  	v41 =	vadd.f32 v42, v47;
	v23 =	vadd.f32 v62, v31  }
0x17f: {  	v19 =	vadd.f32 v22, v19;
	v42 =	vadd.f32 v28, v56  }
0x180: {  	v43 =	vadd.f32 v59, v58;
	v25 =	vadd.f32 v25, v60  }
0x181: {  	v20 =	vadd.f32 v21, v20;
	v44 =	vadd.f32 v63, v24  }
0x182: {  	v45 =	vadd.f32 v40, v39;
	v23 =	vadd.f32 v23, v41  }
0x183: {  	v19 =	vadd.f32 v42, v19;
	v46 =	vadd.f32 v25, v43  }
0x184: {  	v20 =	vadd.f32 v44, v20;
	v47 =	vadd.f32 v23, v45  }
0x185: {  	v19 =	vadd.f32 v46, v19  }
0x186: {  	v20 =	vadd.f32 v47, v20  }
0x187: {  	[tilespmem:v18+s12+$0xFFFFFC00 ss:$0x1] =	vst.idx.msk $0xffff, v19  }
0x188: {  	[tilespmem:v18+s12+$0x0 ss:$0x1] =	vst.idx.msk $0xffff, v20  }
0x189: {  	v19 =	vld.idx.msk [tilespmem:v17+s12+$0xFFFFF880 ss:$0x1], $0xffff  }
0x18a: {  	v20 =	vld.idx.msk [tilespmem:v17+s12+$0xFFFFF900 ss:$0x1], $0xffff  }
0x18b: {  	v48 =	vld.idx.msk [tilespmem:v17+s12+$0xFFFFF980 ss:$0x1], $0xffff  }
0x18c: {  	v49 =	vld.idx.msk [tilespmem:v17+s12+$0xFFFFFA00 ss:$0x1], $0xffff  }
0x18d: {  	v51 =	vld.idx.msk [tilespmem:v17+s12+$0xFFFFFA80 ss:$0x1], $0xffff  }
0x18e: {  	v53 =	vld.idx.msk [tilespmem:v17+s12+$0xFFFFFB00 ss:$0x1], $0xffff  }
0x18f: {  	v55 =	vld.idx.msk [tilespmem:v17+s12+$0xFFFFFB80 ss:$0x1], $0xffff  }
0x190: {  	v50 =	vunpack.i.u.bf16.f32 v19;
	v19 =	vunpack.i.l.bf16.f32 v19  }
0x191: {  	v57 =	vld.idx.msk [tilespmem:v17+s12+$0xFFFFFC00 ss:$0x1], $0xffff;
	v52 =	vunpack.i.l.bf16.f32 v20;
	v20 =	vunpack.i.u.bf16.f32 v20;
	v54 =	vunpack.i.l.bf16.f32 v48  }
0x192: {  	v21 =	vunpack.i.u.bf16.f32 v48;
	v56 =	vunpack.i.u.bf16.f32 v49;
	v22 =	vunpack.i.l.bf16.f32 v49  }
0x193: {  	v59 =	vld.idx.msk [tilespmem:v17+s12+$0xFFFFFC80 ss:$0x1], $0xffff;
	v58 =	vunpack.i.l.bf16.f32 v51;
	v24 =	vunpack.i.u.bf16.f32 v51;
	v60 =	vunpack.i.l.bf16.f32 v53  }
0x194: {  	v61 =	vld.idx.msk [tilespmem:v17+s12+$0xFFFFFD00 ss:$0x1], $0xffff;
	v26 =	vunpack.i.u.bf16.f32 v53;
	v62 =	vunpack.i.u.bf16.f32 v55;
	v19 =	vmul.f32 v19, v1  }
0x195: {  	v63 =	vld.idx.msk [tilespmem:v17+s12+$0xFFFFFD80 ss:$0x1], $0xffff;
	v28 =	vunpack.i.l.bf16.f32 v55;
	v23 =	vmul.f32 v50, v1;
	v25 =	vmul.f32 v52, v2  }
0x196: {  	v48 =	vunpack.i.l.bf16.f32 v57;
	v20 =	vmul.f32 v20, v2;
	v27 =	vmul.f32 v54, v3  }
0x197: {  	v30 =	vunpack.i.u.bf16.f32 v57;
	v21 =	vmul.f32 v21, v3;
	v22 =	vmul.f32 v22, v4  }
0x198: {  	v32 =	vunpack.i.u.bf16.f32 v59;
	v29 =	vmul.f32 v56, v4;
	v31 =	vmul.f32 v58, v5  }
0x199: {  	v34 =	vunpack.i.l.bf16.f32 v61;
	v24 =	vmul.f32 v24, v5;
	v33 =	vmul.f32 v60, v6  }
0x19a: {  	v36 =	vunpack.i.u.bf16.f32 v63;
	v26 =	vmul.f32 v26, v6;
	v28 =	vmul.f32 v28, v7  }
0x19b: {  	v49 =	vld.idx.msk [tilespmem:v17+s12+$0xFFFFFE00 ss:$0x1], $0xffff;
	v35 =	vmul.f32 v62, v7;
	v37 =	vmul.f32 v48, v8;
	v50 =	vunpack.i.l.bf16.f32 v59  }
0x19c: {  	v51 =	vld.idx.msk [tilespmem:v17+s12+$0xFFFFFE80 ss:$0x1], $0xffff;
	v30 =	vmul.f32 v30, v8;
	v32 =	vmul.f32 v32, v9;
	v52 =	vunpack.i.u.bf16.f32 v61  }
0x19d: {  	v53 =	vld.idx.msk [tilespmem:v17+s12+$0xFFFFFF00 ss:$0x1], $0xffff;
	v34 =	vmul.f32 v34, v10;
	v54 =	vunpack.i.l.bf16.f32 v63;
	v19 =	vadd.f32 v25, v19  }
0x19e: {  	v55 =	vld.idx.msk [tilespmem:v17+s12+$0xFFFFFF80 ss:$0x1], $0xffff;
	v36 =	vmul.f32 v36, v11;
	v22 =	vadd.f32 v22, v27;
	v63 =	vadd.f32 v33, v31  }
0x19f: {  	v57 =	vld.idx.msk [tilespmem:v17+s12+$0x0 ss:$0x1], $0xffff;
	v39 =	vmul.f32 v50, v9;
	v28 =	vadd.f32 v37, v28;
	v20 =	vadd.f32 v20, v23  }
0x1a0: {  	v41 =	vmul.f32 v52, v10;
	v21 =	vadd.f32 v29, v21;
	v24 =	vadd.f32 v26, v24  }
0x1a1: {  	v43 =	vmul.f32 v54, v11;
	v54 =	vadd.f32 v30, v35;
	v44 =	vadd.f32 v34, v39  }
0x1a2: {  	v56 =	vunpack.i.l.bf16.f32 v49;
	v38 =	vunpack.i.u.bf16.f32 v49;
	v58 =	vunpack.i.u.bf16.f32 v51  }
0x1a3: {  	v40 =	vunpack.i.l.bf16.f32 v51;
	v59 =	vunpack.i.l.bf16.f32 v53;
	v42 =	vunpack.i.u.bf16.f32 v53  }
0x1a4: {  	v60 =	vunpack.i.l.bf16.f32 v55;
	v61 =	vunpack.i.l.bf16.f32 v57;
	v37 =	vunpack.i.u.bf16.f32 v55  }
0x1a5: {  	v52 =	vunpack.i.u.bf16.f32 v57;
	v45 =	vmul.f32 v56, v12;
	v38 =	vmul.f32 v38, v12  }
0x1a6: {  	v55 =	vadd.f32 v41, v32;
	v40 =	vmul.f32 v40, v13;
	v47 =	vmul.f32 v58, v13  }
0x1a7: {  	v19 =	vadd.f32 v22, v19;
	v48 =	vmul.f32 v59, v14;
	v42 =	vmul.f32 v42, v14  }
0x1a8: {  	v20 =	vadd.f32 v21, v20;
	v49 =	vmul.f32 v60, v15;
	v62 =	vmul.f32 v61, v16  }
0x1a9: {  	v31 =	vmul.f32 v37, v15;
	v58 =	vadd.f32 v28, v63;
	v60 =	vadd.f32 v54, v24  }
0x1aa: {  	v53 =	vmul.f32 v52, v16;
	v50 =	vadd.f32 v45, v43;
	v51 =	vadd.f32 v48, v40  }
0x1ab: {  	v25 =	vadd.f32 v62, v49;
	v56 =	vadd.f32 v38, v36  }
0x1ac: {  	v57 =	vadd.f32 v42, v47;
	v23 =	vadd.f32 v53, v31  }
0x1ad: {  	v59 =	vadd.f32 v50, v44;
	v25 =	vadd.f32 v25, v51  }
0x1ae: {  	v61 =	vadd.f32 v56, v55;
	v23 =	vadd.f32 v23, v57  }
0x1af: {  	p1 =	sne.s32 s11, $0xC0;
	v19 =	vadd.f32 v58, v19;
	v62 =	vadd.f32 v25, v59  }
.Ltmp3:
0x1b0: {  	v20 =	vadd.f32 v60, v20;
	v63 =	vadd.f32 v23, v61;
	(pc) =	sbr.rel @p1 .LBB2_10-.Ltmp3, $4  }
0x1b1: {  	v19 =	vadd.f32 v62, v19  }
0x1b2: {  	v20 =	vadd.f32 v63, v20  }
0x1b3: {  	[tilespmem:v18+s12+$0xFFFFFC40 ss:$0x1] =	vst.idx.msk $0xffff, v19  }
0x1b4: {  	s11 =	sadd.s32 $0x40, s11;
	[tilespmem:v18+s12+$0x40 ss:$0x1] =	vst.idx.msk $0xffff, v20  }
0x1b5: {  	s7 =	sadd.s32 $0x1, s7  }
0x1b6: {  	p1 =	sne.s32 s7, $0x8  }
.Ltmp4:
0x1b7: {  	_ = 	snop;
	(pc) =	sbr.rel @p1 .LBB2_9-.Ltmp4, $2  }
0x1b8: {  	_ =	sdelay $0x2  }
0x1b9: {  	s8 =	sadd.s32 $0x800, s8;
	s10 =	sadd.s32 $0x80, s10  }
0x1ba: {  	s4 =	sadd.s32 s9, s21  }
0x1bb: {  	s4 =	sshll.u32 s4, $0x8  }
0x1bc: {  	s4 =	sand.u32 $0x1FFFFD00, s4  }
0x1bd: {  	s4 =	sadd.s32 s5, s4  }
0x1be: {  	[hbm4b:s4+s2] =	stream.linear.scatter [tilespmem:s29], [sflag:$0x6], $0x800, $0x38;
	[tilespmem:$0x17600] =	vst v63  }
0x1bf: {  	_ =	swait.ge [sflag:s30], $0x4000  }
0x1c0: {  	[sflag:s30] =	ssyncset.done $0x0  }
0x1c1: {  	[sflag:s30] =	ssyncadd.s32 $0xFFFFC000  }
0x1c2: {  	v0 =	vld @!p0 [tilespmem:s19+$0x280];
	_ =	sdelay $0x4  }
0x1c3: {  	vm0 =	vgt.s32 @!p0 v0, $0x0  }
0x1c4: {  	v0 =	vnsel @!p0 vm0, $0x0, v0  }
0x1c5: {  	[tilespmem:$0x5080] =	vst @!p0 v0  }
0x1c6: {  	v0 =	vld @!p0 [tilespmem:s19+$0x290];
	_ =	sdelay $0x4  }
0x1c7: {  	vm0 =	vgt.s32 @!p0 v0, $0x0  }
0x1c8: {  	v0 =	vnsel @!p0 vm0, $0x0, v0  }
0x1c9: {  	[tilespmem:$0x5090] =	vst @!p0 v0  }
0x1ca: {  	v0 =	vld @!p0 [tilespmem:s19+$0x2A0];
	_ =	sdelay $0x4  }
0x1cb: {  	vm0 =	vgt.s32 @!p0 v0, $0x0  }
0x1cc: {  	v0 =	vnsel @!p0 vm0, $0x0, v0  }
0x1cd: {  	[tilespmem:$0x50A0] =	vst @!p0 v0  }
0x1ce: {  	v0 =	vld @!p0 [tilespmem:s19+$0x2B0];
	_ =	sdelay $0x4  }
0x1cf: {  	vm0 =	vgt.s32 @!p0 v0, $0x0  }
0x1d0: {  	v0 =	vnsel @!p0 vm0, $0x0, v0  }
0x1d1: {  	[tilespmem:$0x50B0] =	vst @!p0 v0  }
0x1d2: {  	v0 =	vld @!p0 [tilespmem:s19+$0x2C0];
	_ =	sdelay $0x4  }
0x1d3: {  	vm0 =	vgt.s32 @!p0 v0, $0x0  }
0x1d4: {  	v0 =	vnsel @!p0 vm0, $0x0, v0  }
0x1d5: {  	[tilespmem:$0x50C0] =	vst @!p0 v0  }
0x1d6: {  	v0 =	vld @!p0 [tilespmem:s19+$0x2D0];
	_ =	sdelay $0x4  }
0x1d7: {  	vm0 =	vgt.s32 @!p0 v0, $0x0  }
0x1d8: {  	v0 =	vnsel @!p0 vm0, $0x0, v0  }
0x1d9: {  	[tilespmem:$0x50D0] =	vst @!p0 v0  }
0x1da: {  	v0 =	vld @!p0 [tilespmem:s19+$0x2E0];
	_ =	sdelay $0x4  }
0x1db: {  	vm0 =	vgt.s32 @!p0 v0, $0x0  }
0x1dc: {  	v0 =	vnsel @!p0 vm0, $0x0, v0  }
0x1dd: {  	[tilespmem:$0x50E0] =	vst @!p0 v0  }
0x1de: {  	v0 =	vld @!p0 [tilespmem:s19+$0x2F0];
	_ =	sdelay $0x4  }
0x1df: {  	vm0 =	vgt.s32 @!p0 v0, $0x0  }
0x1e0: {  	v0 =	vnsel @!p0 vm0, $0x0, v0  }
0x1e1: {  	s7 =	simm.s32 @!p0 $0x5080;
	s8 =	simm.s32 @!p0 $0x9200;
	s4 =	simm.s32 @!p0 $0x80;
	[tilespmem:$0x50F0] =	vst @!p0 v0  }
0x1e2: {  	[tilespmem:s8], [sflag:$0x2] =	stream.indirect.gather @!p0 [hbm4b:s3+s4], $0x80, s7, s4, $0xb8;
	[tilespmem:$0x17600] =	vst v63  }
0x1e3: {  	s4 =	sor.u32 $0x2, s20;
	_ =	swait.ge [sflag:s31], $0x800  }
0x1e4: {  	s10 =	simm.s32 $0x16A00;
	s20 =	sshll.u32 s4, $0x7;
	[sflag:s31] =	ssyncset.done $0x0  }
0x1e5: {  	s7 =	simm.s32 $0x0;
	s8 =	simm.s32 $0xD9C0;
	v0 =	vmov s20;
	[sflag:s31] =	ssyncadd.s32 $0xFFFFF800  }
.LBB2_13:
0x1e6: {  	_ =	sdelay $0x2  }
0x1e7: {  	s11 =	sshll.u32 s7, $0x4  }
0x1e8: {  	v1 =	vld.idx.msk [tilespmem:v0+s11+$0x0 ss:$0x1], $0xffff;
	_ =	sdelay $0x4  }
0x1e9: {  	vm0 =	vgt.s32 v1, $0x0  }
0x1ea: {  	v2 =	vnsel vm0, $0x0, v1;
	_ =	sdelay $0x3  }
0x1eb: {  	v3 =	vld.idx.msk [tilespmem:v0+s11+$0x1400 ss:$0x1], $0xffff  }
0x1ec: {  	v2 =	vld.idx.msk [tilespmem:v2+s14+$0x0], $0xffff;
	_ =	sdelay $0x4  }
0x1ed: {  	v2 =	vadd.f32 v3, v2  }
0x1ee: {  	vm15 =	vgt.s32 v1, $0xFFFFFFFF  }
0x1ef: {  	v1 =	vnsel vm15, $0xCE6E6B28, v2  }
0x1f0: {  	(xrf0) =	vmax.scan.msk.f32 $0xffff, v1;
	_ =	sdelay $0x5  }
0x1f1: {  	v2, _, _ =	vpop (xrf0)  }
0x1f2: {  	v2 =	vbroadcast v2, $0xF;
	_ =	sdelay $0x1  }
0x1f3: {  	v1 =	vsub.f32 v1, v2;
	_ =	sdelay $0x1  }
0x1f4: {  	v1 =	vmul.f32 $1.442695020e+00, v1;
	_ =	sdelay $0x1  }
0x1f5: {  	(erf) = vpow2.f32 v1;
	_ =	sdelay $0x8  }
0x1f6: {  	v1 =	vpop (erf)  }
0x1f7: {  	(xrf2) =	vadd.scan.msk.f32 $0xffff, v1;
	_ =	sdelay $0x9  }
0x1f8: {  	v2, _, _ =	vpop (xrf2)  }
0x1f9: {  	v2 =	vbroadcast v2, $0xF;
	_ =	sdelay $0x1  }
0x1fa: {  	(erf) = vrcp.f32 v2;
	_ =	sdelay $0x7  }
0x1fb: {  	s12 =	sadd.s32 s20, s11  }
0x1fc: {  	v12 =	vmov s12;
	v2 =	vpop (erf)  }
0x1fd: {  	v3 =	vor.u32 $0x2, v12;
	v1 =	vmul.f32 v2, v1  }
0x1fe: {  	v4 =	vor.u32 $0x3, v12  }
0x1ff: {  	v5 =	vor.u32 $0x4, v12;
	v1 =	vnsel vm15, $0x0, v1  }
0x200: {  	v6 =	vor.u32 $0x5, v12;
	[tilespmem:v0+s11+$0x15200 ss:$0x1] =	vst.idx.msk $0xffff, v1  }
0x201: {  	v7 =	vor.u32 $0x6, v12;
	v1 =	vld.idx.msk [tilespmem:v12+s25+$0x0], $0xffff  }
0x202: {  	v8 =	vor.u32 $0x7, v12;
	v3 =	vld.idx.msk [tilespmem:v3+s25+$0x0], $0xffff  }
0x203: {  	v9 =	vor.u32 $0x8, v12;
	v4 =	vld.idx.msk [tilespmem:v4+s25+$0x0], $0xffff  }
0x204: {  	v13 =	vor.u32 $0xB, v12;
	v5 =	vld.idx.msk [tilespmem:v5+s25+$0x0], $0xffff  }
0x205: {  	v14 =	vor.u32 $0xC, v12;
	v6 =	vld.idx.msk [tilespmem:v6+s25+$0x0], $0xffff  }
0x206: {  	v15 =	vor.u32 $0xD, v12;
	v7 =	vld.idx.msk [tilespmem:v7+s25+$0x0], $0xffff  }
0x207: {  	v16 =	vor.u32 $0xE, v12;
	v8 =	vld.idx.msk [tilespmem:v8+s25+$0x0], $0xffff  }
0x208: {  	v17 =	vor.u32 $0xF, v12;
	v9 =	vld.idx.msk [tilespmem:v9+s25+$0x0], $0xffff  }
0x209: {  	v10 =	vor.u32 $0x9, v12;
	v11 =	vor.u32 $0xA, v12;
	v2 =	vor.u32 $0x1, v12;
	v12 =	vld.idx.msk [tilespmem:v13+s25+$0x0], $0xffff  }
0x20a: {  	v13 =	vld.idx.msk [tilespmem:v14+s25+$0x0], $0xffff  }
0x20b: {  	v14 =	vld.idx.msk [tilespmem:v15+s25+$0x0], $0xffff  }
0x20c: {  	v15 =	vld.idx.msk [tilespmem:v16+s25+$0x0], $0xffff  }
0x20d: {  	v16 =	vld.idx.msk [tilespmem:v17+s25+$0x0], $0xffff;
	v17 =	vmov s8  }
0x20e: {  	v10 =	vld.idx.msk [tilespmem:v10+s25+$0x0], $0xffff  }
0x20f: {  	v11 =	vld.idx.msk [tilespmem:v11+s25+$0x0], $0xffff  }
0x210: {  	v18 =	vmov s10;
	s11 =	simm.s32 $0x0;
	v2 =	vld.idx.msk [tilespmem:v2+s25+$0x0], $0xffff  }
.LBB2_14:
0x211: {  	s12 =	sshra.s32 s11, $0x2  }
0x212: {  	v19 =	vld.idx.msk [tilespmem:v17+s12+$0xFFFFF840 ss:$0x1], $0xffff  }
0x213: {  	v20 =	vld.idx.msk [tilespmem:v17+s12+$0xFFFFF8C0 ss:$0x1], $0xffff  }
0x214: {  	v21 =	vld.idx.msk [tilespmem:v17+s12+$0xFFFFF940 ss:$0x1], $0xffff  }
0x215: {  	v22 =	vld.idx.msk [tilespmem:v17+s12+$0xFFFFF9C0 ss:$0x1], $0xffff  }
0x216: {  	v24 =	vld.idx.msk [tilespmem:v17+s12+$0xFFFFFA40 ss:$0x1], $0xffff  }
0x217: {  	v26 =	vld.idx.msk [tilespmem:v17+s12+$0xFFFFFAC0 ss:$0x1], $0xffff  }
0x218: {  	v28 =	vld.idx.msk [tilespmem:v17+s12+$0xFFFFFB40 ss:$0x1], $0xffff  }
0x219: {  	v30 =	vld.idx.msk [tilespmem:v17+s12+$0xFFFFFBC0 ss:$0x1], $0xffff  }
0x21a: {  	v32 =	vld.idx.msk [tilespmem:v17+s12+$0xFFFFFC40 ss:$0x1], $0xffff;
	v23 =	vunpack.i.u.bf16.f32 v19  }
0x21b: {  	v34 =	vld.idx.msk [tilespmem:v17+s12+$0xFFFFFCC0 ss:$0x1], $0xffff;
	v19 =	vunpack.i.l.bf16.f32 v19;
	v25 =	vunpack.i.l.bf16.f32 v20;
	v20 =	vunpack.i.u.bf16.f32 v20  }
0x21c: {  	v27 =	vunpack.i.l.bf16.f32 v21;
	v21 =	vunpack.i.u.bf16.f32 v21;
	v29 =	vunpack.i.u.bf16.f32 v22  }
0x21d: {  	v36 =	vld.idx.msk [tilespmem:v17+s12+$0xFFFFFD40 ss:$0x1], $0xffff;
	v22 =	vunpack.i.l.bf16.f32 v22;
	v31 =	vunpack.i.l.bf16.f32 v24;
	v24 =	vunpack.i.u.bf16.f32 v24  }
0x21e: {  	v33 =	vunpack.i.l.bf16.f32 v26;
	v26 =	vunpack.i.u.bf16.f32 v26;
	v35 =	vunpack.i.u.bf16.f32 v28  }
0x21f: {  	v38 =	vld.idx.msk [tilespmem:v17+s12+$0xFFFFFDC0 ss:$0x1], $0xffff;
	v28 =	vunpack.i.l.bf16.f32 v28;
	v37 =	vunpack.i.l.bf16.f32 v30;
	v30 =	vunpack.i.u.bf16.f32 v30  }
0x220: {  	v39 =	vunpack.i.l.bf16.f32 v32;
	v32 =	vunpack.i.u.bf16.f32 v32;
	v41 =	vunpack.i.u.bf16.f32 v34  }
0x221: {  	v40 =	vld.idx.msk [tilespmem:v17+s12+$0xFFFFFE40 ss:$0x1], $0xffff;
	v34 =	vunpack.i.l.bf16.f32 v34;
	v19 =	vmul.f32 v19, v1;
	v23 =	vmul.f32 v23, v1  }
0x222: {  	v43 =	vunpack.i.l.bf16.f32 v36;
	v25 =	vmul.f32 v25, v2;
	v20 =	vmul.f32 v20, v2  }
0x223: {  	v42 =	vld.idx.msk [tilespmem:v17+s12+$0xFFFFFEC0 ss:$0x1], $0xffff;
	v36 =	vunpack.i.u.bf16.f32 v36;
	v27 =	vmul.f32 v27, v3;
	v21 =	vmul.f32 v21, v3  }
0x224: {  	v45 =	vunpack.i.l.bf16.f32 v38;
	v22 =	vmul.f32 v22, v4;
	v29 =	vmul.f32 v29, v4  }
0x225: {  	v44 =	vld.idx.msk [tilespmem:v17+s12+$0xFFFFFF40 ss:$0x1], $0xffff;
	v38 =	vunpack.i.u.bf16.f32 v38;
	v31 =	vmul.f32 v31, v5;
	v24 =	vmul.f32 v24, v5  }
0x226: {  	v46 =	vld.idx.msk [tilespmem:v17+s12+$0xFFFFFFC0 ss:$0x1], $0xffff;
	v47 =	vunpack.i.u.bf16.f32 v40;
	v33 =	vmul.f32 v33, v6;
	v26 =	vmul.f32 v26, v6  }
0x227: {  	v40 =	vunpack.i.l.bf16.f32 v40;
	v28 =	vmul.f32 v28, v7;
	v35 =	vmul.f32 v35, v7  }
0x228: {  	v48 =	vunpack.i.l.bf16.f32 v42;
	v37 =	vmul.f32 v37, v8;
	v30 =	vmul.f32 v30, v8  }
0x229: {  	v42 =	vunpack.i.u.bf16.f32 v42;
	v39 =	vmul.f32 v39, v9;
	v32 =	vmul.f32 v32, v9  }
0x22a: {  	v49 =	vunpack.i.l.bf16.f32 v44;
	v34 =	vmul.f32 v34, v10;
	v41 =	vmul.f32 v41, v10  }
0x22b: {  	v50 =	vunpack.i.l.bf16.f32 v46;
	v43 =	vmul.f32 v43, v11;
	v36 =	vmul.f32 v36, v11  }
0x22c: {  	v57 =	vunpack.i.u.bf16.f32 v44;
	v45 =	vmul.f32 v45, v12;
	v38 =	vmul.f32 v38, v12  }
0x22d: {  	v61 =	vunpack.i.u.bf16.f32 v46;
	v40 =	vmul.f32 v40, v13;
	v48 =	vmul.f32 v48, v14  }
0x22e: {  	v49 =	vmul.f32 v49, v15;
	v19 =	vadd.f32 v25, v19;
	v22 =	vadd.f32 v22, v27  }
0x22f: {  	v55 =	vmul.f32 v50, v16;
	v56 =	vadd.f32 v33, v31;
	v28 =	vadd.f32 v37, v28  }
0x230: {  	v47 =	vmul.f32 v47, v13;
	v58 =	vadd.f32 v34, v39;
	v59 =	vadd.f32 v45, v43  }
0x231: {  	v42 =	vmul.f32 v42, v14;
	v60 =	vadd.f32 v48, v40;
	v25 =	vadd.f32 v55, v49  }
0x232: {  	v62 =	vmul.f32 v61, v16;
	v20 =	vadd.f32 v20, v23;
	v21 =	vadd.f32 v29, v21  }
0x233: {  	v31 =	vmul.f32 v57, v15;
	v24 =	vadd.f32 v26, v24;
	v63 =	vadd.f32 v30, v35  }
0x234: {  	v39 =	vadd.f32 v41, v32;
	v40 =	vadd.f32 v38, v36  }
0x235: {  	v41 =	vadd.f32 v42, v47;
	v23 =	vadd.f32 v62, v31  }
0x236: {  	v19 =	vadd.f32 v22, v19;
	v42 =	vadd.f32 v28, v56  }
0x237: {  	v43 =	vadd.f32 v59, v58;
	v25 =	vadd.f32 v25, v60  }
0x238: {  	v20 =	vadd.f32 v21, v20;
	v44 =	vadd.f32 v63, v24  }
0x239: {  	v45 =	vadd.f32 v40, v39;
	v23 =	vadd.f32 v23, v41  }
0x23a: {  	v19 =	vadd.f32 v42, v19;
	v46 =	vadd.f32 v25, v43  }
0x23b: {  	v20 =	vadd.f32 v44, v20;
	v47 =	vadd.f32 v23, v45  }
0x23c: {  	v19 =	vadd.f32 v46, v19  }
0x23d: {  	v20 =	vadd.f32 v47, v20  }
0x23e: {  	[tilespmem:v18+s12+$0xFFFFFC00 ss:$0x1] =	vst.idx.msk $0xffff, v19  }
0x23f: {  	[tilespmem:v18+s12+$0x0 ss:$0x1] =	vst.idx.msk $0xffff, v20  }
0x240: {  	v19 =	vld.idx.msk [tilespmem:v17+s12+$0xFFFFF880 ss:$0x1], $0xffff  }
0x241: {  	v20 =	vld.idx.msk [tilespmem:v17+s12+$0xFFFFF900 ss:$0x1], $0xffff  }
0x242: {  	v48 =	vld.idx.msk [tilespmem:v17+s12+$0xFFFFF980 ss:$0x1], $0xffff  }
0x243: {  	v49 =	vld.idx.msk [tilespmem:v17+s12+$0xFFFFFA00 ss:$0x1], $0xffff  }
0x244: {  	v51 =	vld.idx.msk [tilespmem:v17+s12+$0xFFFFFA80 ss:$0x1], $0xffff  }
0x245: {  	v53 =	vld.idx.msk [tilespmem:v17+s12+$0xFFFFFB00 ss:$0x1], $0xffff  }
0x246: {  	v55 =	vld.idx.msk [tilespmem:v17+s12+$0xFFFFFB80 ss:$0x1], $0xffff  }
0x247: {  	v50 =	vunpack.i.u.bf16.f32 v19;
	v19 =	vunpack.i.l.bf16.f32 v19  }
0x248: {  	v57 =	vld.idx.msk [tilespmem:v17+s12+$0xFFFFFC00 ss:$0x1], $0xffff;
	v52 =	vunpack.i.l.bf16.f32 v20;
	v20 =	vunpack.i.u.bf16.f32 v20;
	v54 =	vunpack.i.l.bf16.f32 v48  }
0x249: {  	v21 =	vunpack.i.u.bf16.f32 v48;
	v56 =	vunpack.i.u.bf16.f32 v49;
	v22 =	vunpack.i.l.bf16.f32 v49  }
0x24a: {  	v59 =	vld.idx.msk [tilespmem:v17+s12+$0xFFFFFC80 ss:$0x1], $0xffff;
	v58 =	vunpack.i.l.bf16.f32 v51;
	v24 =	vunpack.i.u.bf16.f32 v51;
	v60 =	vunpack.i.l.bf16.f32 v53  }
0x24b: {  	v61 =	vld.idx.msk [tilespmem:v17+s12+$0xFFFFFD00 ss:$0x1], $0xffff;
	v26 =	vunpack.i.u.bf16.f32 v53;
	v62 =	vunpack.i.u.bf16.f32 v55;
	v19 =	vmul.f32 v19, v1  }
0x24c: {  	v63 =	vld.idx.msk [tilespmem:v17+s12+$0xFFFFFD80 ss:$0x1], $0xffff;
	v28 =	vunpack.i.l.bf16.f32 v55;
	v23 =	vmul.f32 v50, v1;
	v25 =	vmul.f32 v52, v2  }
0x24d: {  	v48 =	vunpack.i.l.bf16.f32 v57;
	v20 =	vmul.f32 v20, v2;
	v27 =	vmul.f32 v54, v3  }
0x24e: {  	v30 =	vunpack.i.u.bf16.f32 v57;
	v21 =	vmul.f32 v21, v3;
	v22 =	vmul.f32 v22, v4  }
0x24f: {  	v32 =	vunpack.i.u.bf16.f32 v59;
	v29 =	vmul.f32 v56, v4;
	v31 =	vmul.f32 v58, v5  }
0x250: {  	v34 =	vunpack.i.l.bf16.f32 v61;
	v24 =	vmul.f32 v24, v5;
	v33 =	vmul.f32 v60, v6  }
0x251: {  	v36 =	vunpack.i.u.bf16.f32 v63;
	v26 =	vmul.f32 v26, v6;
	v28 =	vmul.f32 v28, v7  }
0x252: {  	v49 =	vld.idx.msk [tilespmem:v17+s12+$0xFFFFFE00 ss:$0x1], $0xffff;
	v35 =	vmul.f32 v62, v7;
	v37 =	vmul.f32 v48, v8;
	v50 =	vunpack.i.l.bf16.f32 v59  }
0x253: {  	v51 =	vld.idx.msk [tilespmem:v17+s12+$0xFFFFFE80 ss:$0x1], $0xffff;
	v30 =	vmul.f32 v30, v8;
	v32 =	vmul.f32 v32, v9;
	v52 =	vunpack.i.u.bf16.f32 v61  }
0x254: {  	v53 =	vld.idx.msk [tilespmem:v17+s12+$0xFFFFFF00 ss:$0x1], $0xffff;
	v34 =	vmul.f32 v34, v10;
	v54 =	vunpack.i.l.bf16.f32 v63;
	v19 =	vadd.f32 v25, v19  }
0x255: {  	v55 =	vld.idx.msk [tilespmem:v17+s12+$0xFFFFFF80 ss:$0x1], $0xffff;
	v36 =	vmul.f32 v36, v11;
	v22 =	vadd.f32 v22, v27;
	v63 =	vadd.f32 v33, v31  }
0x256: {  	v57 =	vld.idx.msk [tilespmem:v17+s12+$0x0 ss:$0x1], $0xffff;
	v39 =	vmul.f32 v50, v9;
	v28 =	vadd.f32 v37, v28;
	v20 =	vadd.f32 v20, v23  }
0x257: {  	v41 =	vmul.f32 v52, v10;
	v21 =	vadd.f32 v29, v21;
	v24 =	vadd.f32 v26, v24  }
0x258: {  	v43 =	vmul.f32 v54, v11;
	v54 =	vadd.f32 v30, v35;
	v44 =	vadd.f32 v34, v39  }
0x259: {  	v56 =	vunpack.i.l.bf16.f32 v49;
	v38 =	vunpack.i.u.bf16.f32 v49;
	v58 =	vunpack.i.u.bf16.f32 v51  }
0x25a: {  	v40 =	vunpack.i.l.bf16.f32 v51;
	v59 =	vunpack.i.l.bf16.f32 v53;
	v42 =	vunpack.i.u.bf16.f32 v53  }
0x25b: {  	v60 =	vunpack.i.l.bf16.f32 v55;
	v61 =	vunpack.i.l.bf16.f32 v57;
	v37 =	vunpack.i.u.bf16.f32 v55  }
0x25c: {  	v52 =	vunpack.i.u.bf16.f32 v57;
	v45 =	vmul.f32 v56, v12;
	v38 =	vmul.f32 v38, v12  }
0x25d: {  	v55 =	vadd.f32 v41, v32;
	v40 =	vmul.f32 v40, v13;
	v47 =	vmul.f32 v58, v13  }
0x25e: {  	v19 =	vadd.f32 v22, v19;
	v48 =	vmul.f32 v59, v14;
	v42 =	vmul.f32 v42, v14  }
0x25f: {  	v20 =	vadd.f32 v21, v20;
	v49 =	vmul.f32 v60, v15;
	v62 =	vmul.f32 v61, v16  }
0x260: {  	v31 =	vmul.f32 v37, v15;
	v58 =	vadd.f32 v28, v63;
	v60 =	vadd.f32 v54, v24  }
0x261: {  	v53 =	vmul.f32 v52, v16;
	v50 =	vadd.f32 v45, v43;
	v51 =	vadd.f32 v48, v40  }
0x262: {  	v25 =	vadd.f32 v62, v49;
	v56 =	vadd.f32 v38, v36  }
0x263: {  	v57 =	vadd.f32 v42, v47;
	v23 =	vadd.f32 v53, v31  }
0x264: {  	v59 =	vadd.f32 v50, v44;
	v25 =	vadd.f32 v25, v51  }
0x265: {  	v61 =	vadd.f32 v56, v55;
	v23 =	vadd.f32 v23, v57  }
0x266: {  	p1 =	sne.s32 s11, $0xC0;
	v19 =	vadd.f32 v58, v19;
	v62 =	vadd.f32 v25, v59  }
.Ltmp5:
0x267: {  	v20 =	vadd.f32 v60, v20;
	v63 =	vadd.f32 v23, v61;
	(pc) =	sbr.rel @p1 .LBB2_14-.Ltmp5, $4  }
0x268: {  	v19 =	vadd.f32 v62, v19  }
0x269: {  	v20 =	vadd.f32 v63, v20  }
0x26a: {  	[tilespmem:v18+s12+$0xFFFFFC40 ss:$0x1] =	vst.idx.msk $0xffff, v19  }
0x26b: {  	s11 =	sadd.s32 $0x40, s11;
	[tilespmem:v18+s12+$0x40 ss:$0x1] =	vst.idx.msk $0xffff, v20  }
0x26c: {  	s7 =	sadd.s32 $0x1, s7  }
0x26d: {  	p1 =	sne.s32 s7, $0x8  }
.Ltmp6:
0x26e: {  	_ = 	snop;
	(pc) =	sbr.rel @p1 .LBB2_13-.Ltmp6, $2  }
0x26f: {  	_ =	sdelay $0x2  }
0x270: {  	s8 =	sadd.s32 $0x800, s8;
	s10 =	sadd.s32 $0x80, s10  }
0x271: {  	s4 =	sadd.s32 s9, s4  }
0x272: {  	s4 =	sshll.u32 s4, $0x8  }
0x273: {  	s4 =	sand.u32 $0x1FFFFE00, s4  }
0x274: {  	s4 =	sadd.s32 s5, s4  }
0x275: {  	[hbm4b:s4+s2] =	stream.linear.scatter [tilespmem:s26], [sflag:$0x5], $0x800, $0x38;
	[tilespmem:$0x17600] =	vst v63  }
0x276: {  	_ =	swait.ge [sflag:s0], $0x4000  }
0x277: {  	[sflag:s0] =	ssyncset.done $0x0  }
0x278: {  	[sflag:s0] =	ssyncadd.s32 $0xFFFFC000  }
0x279: {  	v0 =	vld @!p0 [tilespmem:s19+$0x300];
	_ =	sdelay $0x4  }
0x27a: {  	vm0 =	vgt.s32 @!p0 v0, $0x0  }
0x27b: {  	v0 =	vnsel @!p0 vm0, $0x0, v0  }
0x27c: {  	[tilespmem:$0x5100] =	vst @!p0 v0  }
0x27d: {  	v0 =	vld @!p0 [tilespmem:s19+$0x310];
	_ =	sdelay $0x4  }
0x27e: {  	vm0 =	vgt.s32 @!p0 v0, $0x0  }
0x27f: {  	v0 =	vnsel @!p0 vm0, $0x0, v0  }
0x280: {  	[tilespmem:$0x5110] =	vst @!p0 v0  }
0x281: {  	v0 =	vld @!p0 [tilespmem:s19+$0x320];
	_ =	sdelay $0x4  }
0x282: {  	vm0 =	vgt.s32 @!p0 v0, $0x0  }
0x283: {  	v0 =	vnsel @!p0 vm0, $0x0, v0  }
0x284: {  	[tilespmem:$0x5120] =	vst @!p0 v0  }
0x285: {  	v0 =	vld @!p0 [tilespmem:s19+$0x330];
	_ =	sdelay $0x4  }
0x286: {  	vm0 =	vgt.s32 @!p0 v0, $0x0  }
0x287: {  	v0 =	vnsel @!p0 vm0, $0x0, v0  }
0x288: {  	[tilespmem:$0x5130] =	vst @!p0 v0  }
0x289: {  	v0 =	vld @!p0 [tilespmem:s19+$0x340];
	_ =	sdelay $0x4  }
0x28a: {  	vm0 =	vgt.s32 @!p0 v0, $0x0  }
0x28b: {  	v0 =	vnsel @!p0 vm0, $0x0, v0  }
0x28c: {  	[tilespmem:$0x5140] =	vst @!p0 v0  }
0x28d: {  	v0 =	vld @!p0 [tilespmem:s19+$0x350];
	_ =	sdelay $0x4  }
0x28e: {  	vm0 =	vgt.s32 @!p0 v0, $0x0  }
0x28f: {  	v0 =	vnsel @!p0 vm0, $0x0, v0  }
0x290: {  	[tilespmem:$0x5150] =	vst @!p0 v0  }
0x291: {  	v0 =	vld @!p0 [tilespmem:s19+$0x360];
	_ =	sdelay $0x4  }
0x292: {  	vm0 =	vgt.s32 @!p0 v0, $0x0  }
0x293: {  	v0 =	vnsel @!p0 vm0, $0x0, v0  }
0x294: {  	[tilespmem:$0x5160] =	vst @!p0 v0  }
0x295: {  	v0 =	vld @!p0 [tilespmem:s19+$0x370];
	_ =	sdelay $0x4  }
0x296: {  	vm0 =	vgt.s32 @!p0 v0, $0x0  }
0x297: {  	v0 =	vnsel @!p0 vm0, $0x0, v0  }
0x298: {  	s7 =	simm.s32 @!p0 $0x5100;
	s8 =	simm.s32 @!p0 $0xD200;
	s4 =	simm.s32 @!p0 $0x80;
	[tilespmem:$0x5170] =	vst @!p0 v0  }
0x299: {  	[tilespmem:s8], [sflag:$0x3] =	stream.indirect.gather @!p0 [hbm4b:s3+s4], $0x80, s7, s4, $0xb8;
	[tilespmem:$0x17600] =	vst v63  }
0x29a: {  	_ =	swait.ge [sflag:s1], $0x800  }
0x29b: {  	s4 =	simm.s32 $0x0;
	[sflag:s1] =	ssyncset.done $0x0  }
0x29c: {  	v0 =	vmov s18;
	s7 =	simm.s32 $0x119C0;
	s8 =	simm.s32 $0x17200;
	[sflag:s1] =	ssyncadd.s32 $0xFFFFF800  }
.LBB2_17:
0x29d: {  	_ =	sdelay $0x2  }
0x29e: {  	s10 =	sshll.u32 s4, $0x4  }
0x29f: {  	v1 =	vld.idx.msk [tilespmem:v0+s10+$0x0 ss:$0x1], $0xffff;
	_ =	sdelay $0x4  }
0x2a0: {  	vm0 =	vgt.s32 v1, $0x0  }
0x2a1: {  	v2 =	vnsel vm0, $0x0, v1;
	_ =	sdelay $0x3  }
0x2a2: {  	v3 =	vld.idx.msk [tilespmem:v0+s10+$0x1400 ss:$0x1], $0xffff  }
0x2a3: {  	v2 =	vld.idx.msk [tilespmem:v2+s14+$0x0], $0xffff;
	_ =	sdelay $0x4  }
0x2a4: {  	v2 =	vadd.f32 v3, v2  }
0x2a5: {  	vm15 =	vgt.s32 v1, $0xFFFFFFFF  }
0x2a6: {  	v1 =	vnsel vm15, $0xCE6E6B28, v2  }
0x2a7: {  	(xrf0) =	vmax.scan.msk.f32 $0xffff, v1;
	_ =	sdelay $0x5  }
0x2a8: {  	v2, _, _ =	vpop (xrf0)  }
0x2a9: {  	v2 =	vbroadcast v2, $0xF;
	_ =	sdelay $0x1  }
0x2aa: {  	v1 =	vsub.f32 v1, v2;
	_ =	sdelay $0x1  }
0x2ab: {  	v1 =	vmul.f32 $1.442695020e+00, v1;
	_ =	sdelay $0x1  }
0x2ac: {  	(erf) = vpow2.f32 v1;
	_ =	sdelay $0x8  }
0x2ad: {  	v1 =	vpop (erf)  }
0x2ae: {  	(xrf2) =	vadd.scan.msk.f32 $0xffff, v1;
	_ =	sdelay $0x9  }
0x2af: {  	v2, _, _ =	vpop (xrf2)  }
0x2b0: {  	v2 =	vbroadcast v2, $0xF;
	_ =	sdelay $0x1  }
0x2b1: {  	(erf) = vrcp.f32 v2;
	_ =	sdelay $0x7  }
0x2b2: {  	s11 =	sadd.s32 s18, s10  }
0x2b3: {  	v12 =	vmov s11;
	v2 =	vpop (erf)  }
0x2b4: {  	v3 =	vor.u32 $0x2, v12;
	v1 =	vmul.f32 v2, v1  }
0x2b5: {  	v4 =	vor.u32 $0x3, v12  }
0x2b6: {  	v5 =	vor.u32 $0x4, v12;
	v1 =	vnsel vm15, $0x0, v1  }
0x2b7: {  	v6 =	vor.u32 $0x5, v12;
	[tilespmem:v0+s10+$0x15200 ss:$0x1] =	vst.idx.msk $0xffff, v1  }
0x2b8: {  	v7 =	vor.u32 $0x6, v12;
	v1 =	vld.idx.msk [tilespmem:v12+s25+$0x0], $0xffff  }
0x2b9: {  	v8 =	vor.u32 $0x7, v12;
	v3 =	vld.idx.msk [tilespmem:v3+s25+$0x0], $0xffff  }
0x2ba: {  	v9 =	vor.u32 $0x8, v12;
	v4 =	vld.idx.msk [tilespmem:v4+s25+$0x0], $0xffff  }
0x2bb: {  	v13 =	vor.u32 $0xB, v12;
	v5 =	vld.idx.msk [tilespmem:v5+s25+$0x0], $0xffff  }
0x2bc: {  	v14 =	vor.u32 $0xC, v12;
	v6 =	vld.idx.msk [tilespmem:v6+s25+$0x0], $0xffff  }
0x2bd: {  	v15 =	vor.u32 $0xD, v12;
	v7 =	vld.idx.msk [tilespmem:v7+s25+$0x0], $0xffff  }
0x2be: {  	v16 =	vor.u32 $0xE, v12;
	v8 =	vld.idx.msk [tilespmem:v8+s25+$0x0], $0xffff  }
0x2bf: {  	v17 =	vor.u32 $0xF, v12;
	v9 =	vld.idx.msk [tilespmem:v9+s25+$0x0], $0xffff  }
0x2c0: {  	v10 =	vor.u32 $0x9, v12;
	v11 =	vor.u32 $0xA, v12;
	v2 =	vor.u32 $0x1, v12;
	v12 =	vld.idx.msk [tilespmem:v13+s25+$0x0], $0xffff  }
0x2c1: {  	v13 =	vld.idx.msk [tilespmem:v14+s25+$0x0], $0xffff  }
0x2c2: {  	v14 =	vld.idx.msk [tilespmem:v15+s25+$0x0], $0xffff  }
0x2c3: {  	v15 =	vld.idx.msk [tilespmem:v16+s25+$0x0], $0xffff  }
0x2c4: {  	v16 =	vld.idx.msk [tilespmem:v17+s25+$0x0], $0xffff;
	v17 =	vmov s7  }
0x2c5: {  	v10 =	vld.idx.msk [tilespmem:v10+s25+$0x0], $0xffff  }
0x2c6: {  	v11 =	vld.idx.msk [tilespmem:v11+s25+$0x0], $0xffff  }
0x2c7: {  	v18 =	vmov s8;
	s10 =	simm.s32 $0x0;
	v2 =	vld.idx.msk [tilespmem:v2+s25+$0x0], $0xffff  }
.LBB2_18:
0x2c8: {  	s11 =	sshra.s32 s10, $0x2  }
0x2c9: {  	v19 =	vld.idx.msk [tilespmem:v17+s11+$0xFFFFF840 ss:$0x1], $0xffff  }
0x2ca: {  	v20 =	vld.idx.msk [tilespmem:v17+s11+$0xFFFFF8C0 ss:$0x1], $0xffff  }
0x2cb: {  	v21 =	vld.idx.msk [tilespmem:v17+s11+$0xFFFFF940 ss:$0x1], $0xffff  }
0x2cc: {  	v22 =	vld.idx.msk [tilespmem:v17+s11+$0xFFFFF9C0 ss:$0x1], $0xffff  }
0x2cd: {  	v24 =	vld.idx.msk [tilespmem:v17+s11+$0xFFFFFA40 ss:$0x1], $0xffff  }
0x2ce: {  	v26 =	vld.idx.msk [tilespmem:v17+s11+$0xFFFFFAC0 ss:$0x1], $0xffff  }
0x2cf: {  	v28 =	vld.idx.msk [tilespmem:v17+s11+$0xFFFFFB40 ss:$0x1], $0xffff  }
0x2d0: {  	v30 =	vld.idx.msk [tilespmem:v17+s11+$0xFFFFFBC0 ss:$0x1], $0xffff  }
0x2d1: {  	v32 =	vld.idx.msk [tilespmem:v17+s11+$0xFFFFFC40 ss:$0x1], $0xffff;
	v23 =	vunpack.i.u.bf16.f32 v19  }
0x2d2: {  	v34 =	vld.idx.msk [tilespmem:v17+s11+$0xFFFFFCC0 ss:$0x1], $0xffff;
	v19 =	vunpack.i.l.bf16.f32 v19;
	v25 =	vunpack.i.l.bf16.f32 v20;
	v20 =	vunpack.i.u.bf16.f32 v20  }
0x2d3: {  	v27 =	vunpack.i.l.bf16.f32 v21;
	v21 =	vunpack.i.u.bf16.f32 v21;
	v29 =	vunpack.i.u.bf16.f32 v22  }
0x2d4: {  	v36 =	vld.idx.msk [tilespmem:v17+s11+$0xFFFFFD40 ss:$0x1], $0xffff;
	v22 =	vunpack.i.l.bf16.f32 v22;
	v31 =	vunpack.i.l.bf16.f32 v24;
	v24 =	vunpack.i.u.bf16.f32 v24  }
0x2d5: {  	v33 =	vunpack.i.l.bf16.f32 v26;
	v26 =	vunpack.i.u.bf16.f32 v26;
	v35 =	vunpack.i.u.bf16.f32 v28  }
0x2d6: {  	v38 =	vld.idx.msk [tilespmem:v17+s11+$0xFFFFFDC0 ss:$0x1], $0xffff;
	v28 =	vunpack.i.l.bf16.f32 v28;
	v37 =	vunpack.i.l.bf16.f32 v30;
	v30 =	vunpack.i.u.bf16.f32 v30  }
0x2d7: {  	v39 =	vunpack.i.l.bf16.f32 v32;
	v32 =	vunpack.i.u.bf16.f32 v32;
	v41 =	vunpack.i.u.bf16.f32 v34  }
0x2d8: {  	v40 =	vld.idx.msk [tilespmem:v17+s11+$0xFFFFFE40 ss:$0x1], $0xffff;
	v34 =	vunpack.i.l.bf16.f32 v34;
	v19 =	vmul.f32 v19, v1;
	v23 =	vmul.f32 v23, v1  }
0x2d9: {  	v43 =	vunpack.i.l.bf16.f32 v36;
	v25 =	vmul.f32 v25, v2;
	v20 =	vmul.f32 v20, v2  }
0x2da: {  	v42 =	vld.idx.msk [tilespmem:v17+s11+$0xFFFFFEC0 ss:$0x1], $0xffff;
	v36 =	vunpack.i.u.bf16.f32 v36;
	v27 =	vmul.f32 v27, v3;
	v21 =	vmul.f32 v21, v3  }
0x2db: {  	v45 =	vunpack.i.l.bf16.f32 v38;
	v22 =	vmul.f32 v22, v4;
	v29 =	vmul.f32 v29, v4  }
0x2dc: {  	v44 =	vld.idx.msk [tilespmem:v17+s11+$0xFFFFFF40 ss:$0x1], $0xffff;
	v38 =	vunpack.i.u.bf16.f32 v38;
	v31 =	vmul.f32 v31, v5;
	v24 =	vmul.f32 v24, v5  }
0x2dd: {  	v46 =	vld.idx.msk [tilespmem:v17+s11+$0xFFFFFFC0 ss:$0x1], $0xffff;
	v47 =	vunpack.i.u.bf16.f32 v40;
	v33 =	vmul.f32 v33, v6;
	v26 =	vmul.f32 v26, v6  }
0x2de: {  	v40 =	vunpack.i.l.bf16.f32 v40;
	v28 =	vmul.f32 v28, v7;
	v35 =	vmul.f32 v35, v7  }
0x2df: {  	v48 =	vunpack.i.l.bf16.f32 v42;
	v37 =	vmul.f32 v37, v8;
	v30 =	vmul.f32 v30, v8  }
0x2e0: {  	v42 =	vunpack.i.u.bf16.f32 v42;
	v39 =	vmul.f32 v39, v9;
	v32 =	vmul.f32 v32, v9  }
0x2e1: {  	v49 =	vunpack.i.l.bf16.f32 v44;
	v34 =	vmul.f32 v34, v10;
	v41 =	vmul.f32 v41, v10  }
0x2e2: {  	v50 =	vunpack.i.l.bf16.f32 v46;
	v43 =	vmul.f32 v43, v11;
	v36 =	vmul.f32 v36, v11  }
0x2e3: {  	v57 =	vunpack.i.u.bf16.f32 v44;
	v45 =	vmul.f32 v45, v12;
	v38 =	vmul.f32 v38, v12  }
0x2e4: {  	v61 =	vunpack.i.u.bf16.f32 v46;
	v40 =	vmul.f32 v40, v13;
	v48 =	vmul.f32 v48, v14  }
0x2e5: {  	v49 =	vmul.f32 v49, v15;
	v19 =	vadd.f32 v25, v19;
	v22 =	vadd.f32 v22, v27  }
0x2e6: {  	v55 =	vmul.f32 v50, v16;
	v56 =	vadd.f32 v33, v31;
	v28 =	vadd.f32 v37, v28  }
0x2e7: {  	v47 =	vmul.f32 v47, v13;
	v58 =	vadd.f32 v34, v39;
	v59 =	vadd.f32 v45, v43  }
0x2e8: {  	v42 =	vmul.f32 v42, v14;
	v60 =	vadd.f32 v48, v40;
	v25 =	vadd.f32 v55, v49  }
0x2e9: {  	v62 =	vmul.f32 v61, v16;
	v20 =	vadd.f32 v20, v23;
	v21 =	vadd.f32 v29, v21  }
0x2ea: {  	v31 =	vmul.f32 v57, v15;
	v24 =	vadd.f32 v26, v24;
	v63 =	vadd.f32 v30, v35  }
0x2eb: {  	v39 =	vadd.f32 v41, v32;
	v40 =	vadd.f32 v38, v36  }
0x2ec: {  	v41 =	vadd.f32 v42, v47;
	v23 =	vadd.f32 v62, v31  }
0x2ed: {  	v19 =	vadd.f32 v22, v19;
	v42 =	vadd.f32 v28, v56  }
0x2ee: {  	v43 =	vadd.f32 v59, v58;
	v25 =	vadd.f32 v25, v60  }
0x2ef: {  	v20 =	vadd.f32 v21, v20;
	v44 =	vadd.f32 v63, v24  }
0x2f0: {  	v45 =	vadd.f32 v40, v39;
	v23 =	vadd.f32 v23, v41  }
0x2f1: {  	v19 =	vadd.f32 v42, v19;
	v46 =	vadd.f32 v25, v43  }
0x2f2: {  	v20 =	vadd.f32 v44, v20;
	v47 =	vadd.f32 v23, v45  }
0x2f3: {  	v19 =	vadd.f32 v46, v19  }
0x2f4: {  	v20 =	vadd.f32 v47, v20  }
0x2f5: {  	[tilespmem:v18+s11+$0xFFFFFC00 ss:$0x1] =	vst.idx.msk $0xffff, v19  }
0x2f6: {  	[tilespmem:v18+s11+$0x0 ss:$0x1] =	vst.idx.msk $0xffff, v20  }
0x2f7: {  	v19 =	vld.idx.msk [tilespmem:v17+s11+$0xFFFFF880 ss:$0x1], $0xffff  }
0x2f8: {  	v20 =	vld.idx.msk [tilespmem:v17+s11+$0xFFFFF900 ss:$0x1], $0xffff  }
0x2f9: {  	v48 =	vld.idx.msk [tilespmem:v17+s11+$0xFFFFF980 ss:$0x1], $0xffff  }
0x2fa: {  	v49 =	vld.idx.msk [tilespmem:v17+s11+$0xFFFFFA00 ss:$0x1], $0xffff  }
0x2fb: {  	v51 =	vld.idx.msk [tilespmem:v17+s11+$0xFFFFFA80 ss:$0x1], $0xffff  }
0x2fc: {  	v53 =	vld.idx.msk [tilespmem:v17+s11+$0xFFFFFB00 ss:$0x1], $0xffff  }
0x2fd: {  	v55 =	vld.idx.msk [tilespmem:v17+s11+$0xFFFFFB80 ss:$0x1], $0xffff  }
0x2fe: {  	v50 =	vunpack.i.u.bf16.f32 v19;
	v19 =	vunpack.i.l.bf16.f32 v19  }
0x2ff: {  	v57 =	vld.idx.msk [tilespmem:v17+s11+$0xFFFFFC00 ss:$0x1], $0xffff;
	v52 =	vunpack.i.l.bf16.f32 v20;
	v20 =	vunpack.i.u.bf16.f32 v20;
	v54 =	vunpack.i.l.bf16.f32 v48  }
0x300: {  	v21 =	vunpack.i.u.bf16.f32 v48;
	v56 =	vunpack.i.u.bf16.f32 v49;
	v22 =	vunpack.i.l.bf16.f32 v49  }
0x301: {  	v59 =	vld.idx.msk [tilespmem:v17+s11+$0xFFFFFC80 ss:$0x1], $0xffff;
	v58 =	vunpack.i.l.bf16.f32 v51;
	v24 =	vunpack.i.u.bf16.f32 v51;
	v60 =	vunpack.i.l.bf16.f32 v53  }
0x302: {  	v61 =	vld.idx.msk [tilespmem:v17+s11+$0xFFFFFD00 ss:$0x1], $0xffff;
	v26 =	vunpack.i.u.bf16.f32 v53;
	v62 =	vunpack.i.u.bf16.f32 v55;
	v19 =	vmul.f32 v19, v1  }
0x303: {  	v63 =	vld.idx.msk [tilespmem:v17+s11+$0xFFFFFD80 ss:$0x1], $0xffff;
	v28 =	vunpack.i.l.bf16.f32 v55;
	v23 =	vmul.f32 v50, v1;
	v25 =	vmul.f32 v52, v2  }
0x304: {  	v48 =	vunpack.i.l.bf16.f32 v57;
	v20 =	vmul.f32 v20, v2;
	v27 =	vmul.f32 v54, v3  }
0x305: {  	v30 =	vunpack.i.u.bf16.f32 v57;
	v21 =	vmul.f32 v21, v3;
	v22 =	vmul.f32 v22, v4  }
0x306: {  	v32 =	vunpack.i.u.bf16.f32 v59;
	v29 =	vmul.f32 v56, v4;
	v31 =	vmul.f32 v58, v5  }
0x307: {  	v34 =	vunpack.i.l.bf16.f32 v61;
	v24 =	vmul.f32 v24, v5;
	v33 =	vmul.f32 v60, v6  }
0x308: {  	v36 =	vunpack.i.u.bf16.f32 v63;
	v26 =	vmul.f32 v26, v6;
	v28 =	vmul.f32 v28, v7  }
0x309: {  	v49 =	vld.idx.msk [tilespmem:v17+s11+$0xFFFFFE00 ss:$0x1], $0xffff;
	v35 =	vmul.f32 v62, v7;
	v37 =	vmul.f32 v48, v8;
	v50 =	vunpack.i.l.bf16.f32 v59  }
0x30a: {  	v51 =	vld.idx.msk [tilespmem:v17+s11+$0xFFFFFE80 ss:$0x1], $0xffff;
	v30 =	vmul.f32 v30, v8;
	v32 =	vmul.f32 v32, v9;
	v52 =	vunpack.i.u.bf16.f32 v61  }
0x30b: {  	v53 =	vld.idx.msk [tilespmem:v17+s11+$0xFFFFFF00 ss:$0x1], $0xffff;
	v34 =	vmul.f32 v34, v10;
	v54 =	vunpack.i.l.bf16.f32 v63;
	v19 =	vadd.f32 v25, v19  }
0x30c: {  	v55 =	vld.idx.msk [tilespmem:v17+s11+$0xFFFFFF80 ss:$0x1], $0xffff;
	v36 =	vmul.f32 v36, v11;
	v22 =	vadd.f32 v22, v27;
	v63 =	vadd.f32 v33, v31  }
0x30d: {  	v57 =	vld.idx.msk [tilespmem:v17+s11+$0x0 ss:$0x1], $0xffff;
	v39 =	vmul.f32 v50, v9;
	v28 =	vadd.f32 v37, v28;
	v20 =	vadd.f32 v20, v23  }
0x30e: {  	v41 =	vmul.f32 v52, v10;
	v21 =	vadd.f32 v29, v21;
	v24 =	vadd.f32 v26, v24  }
0x30f: {  	v43 =	vmul.f32 v54, v11;
	v54 =	vadd.f32 v30, v35;
	v44 =	vadd.f32 v34, v39  }
0x310: {  	v56 =	vunpack.i.l.bf16.f32 v49;
	v38 =	vunpack.i.u.bf16.f32 v49;
	v58 =	vunpack.i.u.bf16.f32 v51  }
0x311: {  	v40 =	vunpack.i.l.bf16.f32 v51;
	v59 =	vunpack.i.l.bf16.f32 v53;
	v42 =	vunpack.i.u.bf16.f32 v53  }
0x312: {  	v60 =	vunpack.i.l.bf16.f32 v55;
	v61 =	vunpack.i.l.bf16.f32 v57;
	v37 =	vunpack.i.u.bf16.f32 v55  }
0x313: {  	v52 =	vunpack.i.u.bf16.f32 v57;
	v45 =	vmul.f32 v56, v12;
	v38 =	vmul.f32 v38, v12  }
0x314: {  	v55 =	vadd.f32 v41, v32;
	v40 =	vmul.f32 v40, v13;
	v47 =	vmul.f32 v58, v13  }
0x315: {  	v19 =	vadd.f32 v22, v19;
	v48 =	vmul.f32 v59, v14;
	v42 =	vmul.f32 v42, v14  }
0x316: {  	v20 =	vadd.f32 v21, v20;
	v49 =	vmul.f32 v60, v15;
	v62 =	vmul.f32 v61, v16  }
0x317: {  	v31 =	vmul.f32 v37, v15;
	v58 =	vadd.f32 v28, v63;
	v60 =	vadd.f32 v54, v24  }
0x318: {  	v53 =	vmul.f32 v52, v16;
	v50 =	vadd.f32 v45, v43;
	v51 =	vadd.f32 v48, v40  }
0x319: {  	v25 =	vadd.f32 v62, v49;
	v56 =	vadd.f32 v38, v36  }
0x31a: {  	v57 =	vadd.f32 v42, v47;
	v23 =	vadd.f32 v53, v31  }
0x31b: {  	v59 =	vadd.f32 v50, v44;
	v25 =	vadd.f32 v25, v51  }
0x31c: {  	v61 =	vadd.f32 v56, v55;
	v23 =	vadd.f32 v23, v57  }
0x31d: {  	p0 =	sne.s32 s10, $0xC0;
	v19 =	vadd.f32 v58, v19;
	v62 =	vadd.f32 v25, v59  }
.Ltmp7:
0x31e: {  	v20 =	vadd.f32 v60, v20;
	v63 =	vadd.f32 v23, v61;
	(pc) =	sbr.rel @p0 .LBB2_18-.Ltmp7, $4  }
0x31f: {  	v19 =	vadd.f32 v62, v19  }
0x320: {  	v20 =	vadd.f32 v63, v20  }
0x321: {  	[tilespmem:v18+s11+$0xFFFFFC40 ss:$0x1] =	vst.idx.msk $0xffff, v19  }
0x322: {  	s10 =	sadd.s32 $0x40, s10;
	[tilespmem:v18+s11+$0x40 ss:$0x1] =	vst.idx.msk $0xffff, v20  }
0x323: {  	s4 =	sadd.s32 $0x1, s4  }
0x324: {  	p0 =	sne.s32 s4, $0x8  }
.Ltmp8:
0x325: {  	_ = 	snop;
	(pc) =	sbr.rel @p0 .LBB2_17-.Ltmp8, $2  }
0x326: {  	_ =	sdelay $0x2  }
0x327: {  	s7 =	sadd.s32 $0x800, s7;
	s8 =	sadd.s32 $0x80, s8  }
0x328: {  	s16 =	sadd.s32 $0x1, s16  }
0x329: {  	p0 =	sne.s32 s16, $0xA  }
.Ltmp9:
0x32a: {  	s4 =	sadd.s32 s9, s17;
	(pc) =	sbr.rel @p0 .LBB2_2-.Ltmp9, $4  }
0x32b: {  	s4 =	sshll.u32 s4, $0x8  }
0x32c: {  	s4 =	sand.u32 $0x1FFFFF00, s4  }
0x32d: {  	s4 =	sadd.s32 s5, s4  }
0x32e: {  	[hbm4b:s4+s2] =	stream.linear.scatter [tilespmem:s29], [sflag:$0x6], $0x800, $0x38;
	[tilespmem:$0x17600] =	vst v63  }
0x32f: {  	_ =	swait.ge [sflag:s31], $0x800  }
0x330: {  	[sflag:s31] =	ssyncset.done $0x0  }
0x331: {  	[sflag:s31] =	ssyncadd.s32 $0xFFFFF800  }
0x332: {  	_ =	swait.ge [sflag:s1], $0x800  }
0x333: {  	[sflag:s1] =	ssyncset.done $0x0  }
0x334: {  	s7 =	simm.s32 $0x7;
	s4 =	rddreg [dreg:$0x5];
	[sflag:s1] =	ssyncadd.s32 $0xFFFFF800  }
0x335: {  	[hbm4b:s4+s2] =	stream.linear.scatter [tilespmem:s25], [sflag:$0x7], $0x1400, $0x38;
	[tilespmem:$0x17600] =	vst v63  }
0x336: {  	_ =	swait.ge [sflag:s7], $0x1400  }
0x337: {  	s13 =	sadd.s32 $0x1, s13;
	s21 =	rddreg [dreg:$0x6]  }
0x338: {  	p0 =	sne.s32 s13, s21  }
.Ltmp10:
0x339: {  	_ = 	snop;
	(pc) =	sbr.rel @p0 .LBB2_1-.Ltmp10, $3  }
0x33a: {  	_ =	sdelay $0x1  }
0x33b: {  	[sflag:s7] =	ssyncset.done $0x0  }
0x33c: {  	[sflag:s7] =	ssyncadd.s32 $0xFFFFEC00  }
0x33d: {  	_ =	sfence.sel $0x180000  }
0x33e: {  	[bflag:$0x0] =	sbarrier.arrive $0xFFFF  }
0x33f: {  	_ =	strace $0x90000047  }
0x340: {  	s0 =	stileid.u32;
	[bflag:$0x2] =	sbarrier.arrive $0xFFFF  }
0x341: {  	p0 =	sne.s32 s0, $0x0;
	s0 =	rddreg [dreg:$0x1]  }
0x342: {  	s0 =	sadd.s32 @!p0 $0x100000, s0  }
0x343: {  	[sflag:s0] =	ssyncadd.tile.s32 @!p0 $0x1;
	_ =	shalt  }
.Lfunc_end2:
_tile_overlayer_lowered:
.L_overlay_start_2:
0x344: {  	(tag) =	ssettag $0x2  }
0x345: {  	s0 =	rddreg [dreg:$0x0];
	s2 =	stileid.u32  }
0x346: {  	s1 =	rddreg [dreg:$0x1];
	p0 =	sne.s32 s2, $0x0  }
0x347: {  	s3 =	rddreg [dreg:$0x2];
	[bflag:$0x3] =	sbarrier.arrive $0xFFFF;
	s2 =	simm.s32 @!p0 $0x1C07  }
0x348: {  	[timem:s3], [sflag:s2] =	dma.local @!p0 [hbm:s0], s1  }
0x349: {  	s0 =	simm.s32 @!p0 $0x7  }
0x34a: {  	_ =	swait.ge @!p0 [sflag:s0], s1  }
0x34b: {  	s1 =	ssub.s32 @!p0 $0x0, s1;
	[sflag:s0] =	ssyncset.done @!p0 $0x0  }
0x34c: {  	[sflag:s0] =	ssyncadd.s32 @!p0 s1  }
0x34d: {  	[bflag:$0x3] =	sbarrier.arrive $0xFFFF  }
0x34e: {  	_ =	shalt  }

</sc_bundles>
